<compile_context>
chip_gen: v7x
topology: tpu7x:2x2x1
jax: 0.10.2.dev20260603
libtpu: 0.0.44.dev20260713+nightly
codegen_flags: <defaults>
</compile_context>

<pallas_src>
import functools

import jax
import jax.numpy as jnp
from jax import lax
from jax.experimental import pallas as pl
from jax.experimental.pallas import tpu as pltpu
from jax.experimental.pallas import tpu_sc as plsc

B, S, T = 16, 512, 50
BOS_ID, EOS_ID = 48, 49

UNROLL = 8
N_CHUNKS = 10
WARM = 32
CHUNK = 80
BASES = [0] + [48 * j for j in range(1, N_CHUNKS)]
WARM_BLOCKS = WARM // UNROLL
N_BLOCKS = CHUNK // UNROLL
R_STEP = UNROLL - 3

NC, NS, L = 2, 16, 16
HALF = S // 2


def _logz_body(f_ref, trans_ref, out_ref, g_ref):
    trans = trans_ref[...]
    E = jnp.exp(trans)
    E_bf = E.astype(jnp.bfloat16)
    g_ref[...] = jnp.exp(f_ref[...])

    iota_bt = lax.broadcasted_iota(jnp.int32, (B, T), 1)
    v_bos = (iota_bt == BOS_ID).astype(jnp.bfloat16)
    v_ones = jnp.ones((B, T), jnp.bfloat16)
    vbs0 = [v_bos] + [v_ones] * (N_CHUNKS - 1)
    inv_rs0 = [jnp.ones((B, 1), jnp.float32)] * N_CHUNKS
    cs0 = [jnp.zeros((B, 1), jnp.float32)] * N_CHUNKS

    def make_block(exact_r, accumulate):
        def block(k, carry):
            vbs, inv_rs, cs = carry
            off = pl.multiple_of(k * UNROLL, UNROLL)
            gks = [g_ref[:, pl.ds(BASES[j] + off, UNROLL), :]
                   for j in range(N_CHUNKS)]
            rs = [None] * N_CHUNKS
            for t in range(UNROLL):
                for j in range(N_CHUNKS):
                    w = jnp.dot(vbs[j], E_bf,
                                preferred_element_type=jnp.float32)
                    u = gks[j][:, t, :] * w
                    if t == 0:
                        u = u * inv_rs[j]
                    if t == (UNROLL - 1 if exact_r else R_STEP):
                        rs[j] = jnp.max(u, axis=1, keepdims=True)
                    vbs[j] = u.astype(jnp.bfloat16)
            logrs = [jnp.log(rs[j]) for j in range(N_CHUNKS)]
            new_cs = [cs[0] + logrs[0]] + [
                (cs[j] + logrs[j]) if accumulate else cs[j]
                for j in range(1, N_CHUNKS)]
            return vbs, [1.0 / rs[j] for j in range(N_CHUNKS)], new_cs
        return block

    carry = (vbs0, inv_rs0, cs0)
    carry = lax.fori_loop(0, WARM_BLOCKS - 1, make_block(False, False), carry)
    carry = make_block(True, False)(WARM_BLOCKS - 1, carry)
    vbs, inv_rs, cs = lax.fori_loop(WARM_BLOCKS, N_BLOCKS,
                                    make_block(False, True), carry)

    c_total = cs[0]
    for j in range(1, N_CHUNKS):
        c_total = c_total + cs[j]
    for j in range(N_CHUNKS - 1):
        vmax = jnp.max(vbs[j].astype(jnp.float32) * inv_rs[j],
                       axis=1, keepdims=True)
        c_total = c_total + jnp.log(vmax)
    v_last = vbs[-1].astype(jnp.float32) * inv_rs[-1]
    z = jnp.dot(v_last, E[:, EOS_ID:EOS_ID + 1],
                preferred_element_type=jnp.float32)
    out_ref[0, 0] = jnp.sum(c_total + jnp.log(z))


def _gold_sc(f_hbm, y_hbm, t_hbm, out_hbm, feat_v, y_v, trans_v, acc_v, sem):
    cid = lax.axis_index("c")
    sid = lax.axis_index("s")
    wid = sid * NC + cid
    b = wid // 2
    h = wid % 2
    pltpu.sync_copy(f_hbm.at[b, pl.ds(h * HALF, HALF)], feat_v)
    pltpu.sync_copy(y_hbm.at[b], y_v)
    pltpu.sync_copy(t_hbm, trans_v)

    lanes = lax.iota(jnp.int32, L)
    acc = jnp.zeros((L,), jnp.float32)
    for k in range(HALF // L):
        loc = lanes + (k * L)
        pos = loc + h * HALF
        yv = plsc.load_gather(y_v, [pos])
        yp = plsc.load_gather(y_v, [jnp.maximum(pos - 1, 0)])
        yp = jnp.where(pos == 0, BOS_ID, yp)
        gf = plsc.load_gather(feat_v, [loc, yv])
        gt = plsc.load_gather(trans_v, [yp, yv])
        acc = acc + gf + gt
    y_end = plsc.load_gather(y_v, [jnp.full((L,), S - 1, jnp.int32)])
    ge = plsc.load_gather(trans_v, [y_end, jnp.full((L,), EOS_ID, jnp.int32)])
    take = jnp.logical_and(lanes == 0, jnp.full((L,), h == 1, jnp.bool_))
    acc = acc + jnp.where(take, ge, 0.0)

    acc_v[...] = acc
    pltpu.sync_copy(acc_v, out_hbm.at[wid])


_gold_kernel = functools.partial(
    pl.kernel,
    mesh=plsc.VectorSubcoreMesh(core_axis_name="c", subcore_axis_name="s"),
    out_type=jax.ShapeDtypeStruct((NC * NS, L), jnp.float32),
    compiler_params=pltpu.CompilerParams(needs_layout_passes=False),
    scratch_types=[
        pltpu.VMEM((HALF, T), jnp.float32),
        pltpu.VMEM((S,), jnp.int32),
        pltpu.VMEM((T, T), jnp.float32),
        pltpu.VMEM((L,), jnp.float32),
        pltpu.SemaphoreType.DMA,
    ],
)(_gold_sc)


def kernel(features, mask, y, transitions):
    del mask
    f32 = features.astype(jnp.float32)
    t32 = transitions.astype(jnp.float32)
    y32 = y.astype(jnp.int32)

    gold_parts = _gold_kernel(f32, y32, t32)

    logz = pl.pallas_call(
        _logz_body,
        out_shape=jax.ShapeDtypeStruct((1, 1), jnp.float32),
        out_specs=pl.BlockSpec(memory_space=pltpu.SMEM),
        scratch_shapes=[pltpu.VMEM((B, S, T), jnp.float32)],
    )(f32, t32)

    return logz[0, 0] - jnp.sum(gold_parts)

# --- scband reference (transcript-rebuilt; emitter-appended) ---
"""Pipeline reference for scband-crf-12317966205246 (READ-ONLY COPY).

The authoritative reference and input builder live on the scoring server;
editing this copy changes nothing except your own understanding.
"""

import jax, jax.numpy as jnp
import numpy as np

B, S, T = 16, 512, 50
BOS_ID, EOS_ID = 48, 49


def _log_sum_exp(t, axis=1):
    m = jnp.max(t, axis=axis, keepdims=True)
    return jnp.squeeze(m, axis=axis) + jnp.log(jnp.sum(jnp.exp(t - m), axis=axis))


def setup_inputs(seed: int = 0) -> dict:
    key = jax.random.key(seed)
    k1, k2, k3 = jax.random.split(key, 3)
    features = jax.random.normal(k1, (B, S, T), dtype=jnp.float32)
    mask = jnp.ones((B, S), dtype=bool)
    y = jax.random.randint(k2, (B, S), 0, 48)  # gold tags exclude <BOS>/<EOS>
    transitions = jax.random.normal(k3, (T, T), dtype=jnp.float32) * 0.1  # learned CRF transition matrix
    return {"features": features, "mask": mask, "y": y, "transitions": transitions}


def reference(features, mask, y, transitions):
    # NLL_loss of the CRF: logZ(x) - F(x, y)
    Bv, Sv, Tv = features.shape
    # scores[s, b, i, j] = features[b, s, j] + transitions[i, j]
    scores = jnp.transpose(features, (1, 0, 2))[:, :, None, :] + transitions[None, None, :, :]

    # ---- gold score F(x, y) ----
    y_prev = jnp.concatenate([jnp.full((Bv, 1), BOS_ID, dtype=y.dtype), y[:, :-1]], axis=1)
    y_encoded = y_prev * Tv + y  # (B, S) bigram encoding
    flat = scores.reshape(Sv, Bv, Tv * Tv)
    tgt = jnp.take_along_axis(flat, jnp.transpose(y_encoded)[:, :, None], axis=2)[:, :, 0]  # (S, B)
    maskT = jnp.transpose(mask)  # (S, B)
    tgt_energy = jnp.sum(tgt * maskT.astype(features.dtype))
    lengths = jnp.sum(mask.astype(jnp.int32), axis=1)  # (B,)
    end_ids = jnp.take_along_axis(y, (lengths - 1)[:, None], axis=1)[:, 0]  # last gold tag
    end_energy = jnp.sum(transitions[end_ids, EOS_ID])
    gold_score = tgt_energy + end_energy

    # ---- partition function logZ(x) via forward algorithm ----
    partition0 = scores[0][:, BOS_ID, :]  # (B, T): <BOS> -> tag at t=0

    def step(part, inp):
        sc, m = inp  # sc: (B, T, T), m: (B,)
        tmp = sc + part[:, :, None]
        new = _log_sum_exp(tmp, axis=1)  # (B, T)
        part = jnp.where(m[:, None], new, part)  # masked_scatter_ equivalent
        return part, None

    partition, _ = jax.lax.scan(step, partition0, (scores[1:], maskT[1:]))
    tmp = transitions[None, :, :] + partition[:, :, None]
    final = _log_sum_exp(tmp, axis=1)[:, EOS_ID]
    logZ = jnp.sum(final)
    return logZ - gold_score

if __name__ == "__main__":
    import jax
    _d = setup_inputs()
    print(jax.jit(kernel)(*tuple(_d.values())))

</pallas_src>

<mosaic_0001>
#map = affine_map<(d0, d1) -> (0, 0, 0)>
#map1 = affine_map<(d0, d1) -> (0, 0)>
module attributes {stable_mosaic.version = 14 : i64} {
  func.func @_gold_sc(%arg0: i32, %arg1: i32, %arg2: memref<16x512x50xf32, #tpu.memory_space<hbm>>, %arg3: memref<16x512xi32, #tpu.memory_space<hbm>>, %arg4: memref<50x50xf32, #tpu.memory_space<hbm>>, %arg5: memref<32x16xf32, #tpu.memory_space<hbm>>, %arg6: memref<256x50xf32, #tpu.memory_space<vmem>>, %arg7: memref<512xi32, #tpu.memory_space<vmem>>, %arg8: memref<50x50xf32, #tpu.memory_space<vmem>>, %arg9: memref<16xf32, #tpu.memory_space<vmem>>, %arg10: memref<!tpu.dma_semaphore, #tpu.memory_space<semaphore_mem>>) attributes {dimension_semantics = [#tpu.dimension_semantics<core_parallel>, #tpu.dimension_semantics<subcore_parallel>], iteration_bounds = array<i64: 2, 16>, scalar_prefetch = 0 : i64, scratch_operands = 5 : i64, tpu.core_type = #tpu.core_type<sc_vector_subcore>, window_params = [{transform_indices = #map}, {transform_indices = #map1}, {transform_indices = #map1}, {transform_indices = #map1}]} {
    %mul3A = arith.constant 2 : i32
    %mul3A_0 = arith.muli %arg1, %mul3A : i32
    %add3A = arith.addi %mul3A_0, %arg0 : i32
    %jit3A = arith.constant 2 : i32
    %div3A = arith.divsi %add3A, %jit3A : i32
    %sign3A = arith.constant 0 : i32
    %sign3A_1 = arith.cmpi sgt, %add3A, %sign3A : i32
    %sign3A_2 = arith.extui %sign3A_1 : i1 to i32
    %sign3A_3 = arith.constant 0 : i32
    %sign3A_4 = arith.cmpi slt, %add3A, %sign3A_3 : i32
    %sign3A_5 = arith.extui %sign3A_4 : i1 to i32
    %sign3A_6 = arith.subi %sign3A_2, %sign3A_5 : i32
    %sign3A_7 = arith.constant 0 : i32
    %sign3A_8 = arith.cmpi sgt, %jit3A, %sign3A_7 : i32
    %sign3A_9 = arith.extui %sign3A_8 : i1 to i32
    %sign3A_10 = arith.constant 0 : i32
    %sign3A_11 = arith.cmpi slt, %jit3A, %sign3A_10 : i32
    %sign3A_12 = arith.extui %sign3A_11 : i1 to i32
    %sign3A_13 = arith.subi %sign3A_9, %sign3A_12 : i32
    %ne3A = arith.cmpi ne, %sign3A_6, %sign3A_13 : i32
    %rem3A = arith.remsi %add3A, %jit3A : i32
    %ne3A_14 = arith.constant 0 : i32
    %ne3A_15 = arith.cmpi ne, %rem3A, %ne3A_14 : i32
    %and3A = arith.andi %ne3A, %ne3A_15 : i1
    %sub3A = arith.constant 1 : i32
    %sub3A_16 = arith.subi %div3A, %sub3A : i32
    %select_n3A = arith.select %and3A, %sub3A_16, %div3A : i32
    %jit3A_17 = arith.constant 2 : i32
    %eq3A = arith.constant 0 : i32
    %eq3A_18 = arith.cmpi eq, %jit3A_17, %eq3A : i32
    %jit3A_19 = arith.constant 1 : i32
    %select_n3A_20 = arith.select %eq3A_18, %jit3A_19, %jit3A_17 : i32
    %rem3A_21 = arith.remsi %add3A, %select_n3A_20 : i32
    %ne3A_22 = arith.constant 0 : i32
    %ne3A_23 = arith.cmpi ne, %rem3A_21, %ne3A_22 : i32
    %lt3A = arith.constant 0 : i32
    %lt3A_24 = arith.cmpi slt, %rem3A_21, %lt3A : i32
    %lt3A_25 = arith.constant 0 : i32
    %lt3A_26 = arith.cmpi slt, %select_n3A_20, %lt3A_25 : i32
    %ne3A_27 = arith.xori %lt3A_24, %lt3A_26 : i1
    %and3A_28 = arith.andi %ne3A_27, %ne3A_23 : i1
    %add3A_29 = arith.addi %rem3A_21, %select_n3A_20 : i32
    %select_n3A_30 = arith.select %and3A_28, %add3A_29, %rem3A_21 : i32
    %mul3A_31 = arith.constant 256 : i32
    %mul3A_32 = arith.muli %select_n3A_30, %mul3A_31 : i32
    "tpu.region"() ({
      %run_scoped3A = tpu.sem_alloc : memref<!tpu.dma_semaphore, #tpu.memory_space<semaphore_mem>>
      %dma_start3A = arith.constant 0 : i32
      %dma_start3A_450 = tpu.memref_slice %arg2[%select_n3A, %mul3A_32, %dma_start3A] : memref<16x512x50xf32, #tpu.memory_space<hbm>> -> memref<1x256x50xf32, #tpu.memory_space<hbm>>
      %dma_start3A_451 = tpu.memref_squeeze %dma_start3A_450 : memref<1x256x50xf32, #tpu.memory_space<hbm>> -> memref<256x50xf32, #tpu.memory_space<hbm>>
      %dma_start3A_452 = arith.constant 0 : i32
      %dma_start3A_453 = tpu.memref_slice %arg2[%select_n3A, %mul3A_32, %dma_start3A_452] : memref<16x512x50xf32, #tpu.memory_space<hbm>> -> memref<1x256x50xf32, #tpu.memory_space<hbm>>
      %dma_start3A_454 = tpu.memref_squeeze %dma_start3A_453 : memref<1x256x50xf32, #tpu.memory_space<hbm>> -> memref<256x50xf32, #tpu.memory_space<hbm>>
      tpu.enqueue_dma source(%dma_start3A_454 : memref<256x50xf32, #tpu.memory_space<hbm>>) target(%arg6 : memref<256x50xf32, #tpu.memory_space<vmem>>) target_semaphore(%run_scoped3A : memref<!tpu.dma_semaphore, #tpu.memory_space<semaphore_mem>>)
      %dma_wait3A = arith.constant 0 : i32
      %dma_wait3A_455 = tpu.memref_slice %arg2[%select_n3A, %mul3A_32, %dma_wait3A] : memref<16x512x50xf32, #tpu.memory_space<hbm>> -> memref<1x256x50xf32, #tpu.memory_space<hbm>>
      %dma_wait3A_456 = tpu.memref_squeeze %dma_wait3A_455 : memref<1x256x50xf32, #tpu.memory_space<hbm>> -> memref<256x50xf32, #tpu.memory_space<hbm>>
      %dma_wait3A_457 = arith.constant 0 : i32
      %dma_wait3A_458 = tpu.memref_slice %arg2[%select_n3A, %mul3A_32, %dma_wait3A_457] : memref<16x512x50xf32, #tpu.memory_space<hbm>> -> memref<1x256x50xf32, #tpu.memory_space<hbm>>
      %dma_wait3A_459 = tpu.memref_squeeze %dma_wait3A_458 : memref<1x256x50xf32, #tpu.memory_space<hbm>> -> memref<256x50xf32, #tpu.memory_space<hbm>>
      tpu.wait_dma2 semaphore(%run_scoped3A : memref<!tpu.dma_semaphore, #tpu.memory_space<semaphore_mem>>) src(%dma_wait3A_459 : memref<256x50xf32, #tpu.memory_space<hbm>>) dst(%arg6 : memref<256x50xf32, #tpu.memory_space<vmem>>)
      tpu.yield
    }) : () -> ()
    "tpu.region"() ({
      %run_scoped3A = tpu.sem_alloc : memref<!tpu.dma_semaphore, #tpu.memory_space<semaphore_mem>>
      %dma_start3A = arith.constant 0 : i32
      %dma_start3A_450 = tpu.memref_slice %arg3[%select_n3A, %dma_start3A] : memref<16x512xi32, #tpu.memory_space<hbm>> -> memref<1x512xi32, #tpu.memory_space<hbm>>
      %dma_start3A_451 = tpu.memref_squeeze %dma_start3A_450 : memref<1x512xi32, #tpu.memory_space<hbm>> -> memref<512xi32, #tpu.memory_space<hbm>>
      %dma_start3A_452 = arith.constant 0 : i32
      %dma_start3A_453 = tpu.memref_slice %arg3[%select_n3A, %dma_start3A_452] : memref<16x512xi32, #tpu.memory_space<hbm>> -> memref<1x512xi32, #tpu.memory_space<hbm>>
      %dma_start3A_454 = tpu.memref_squeeze %dma_start3A_453 : memref<1x512xi32, #tpu.memory_space<hbm>> -> memref<512xi32, #tpu.memory_space<hbm>>
      tpu.enqueue_dma source(%dma_start3A_454 : memref<512xi32, #tpu.memory_space<hbm>>) target(%arg7 : memref<512xi32, #tpu.memory_space<vmem>>) target_semaphore(%run_scoped3A : memref<!tpu.dma_semaphore, #tpu.memory_space<semaphore_mem>>)
      %dma_wait3A = arith.constant 0 : i32
      %dma_wait3A_455 = tpu.memref_slice %arg3[%select_n3A, %dma_wait3A] : memref<16x512xi32, #tpu.memory_space<hbm>> -> memref<1x512xi32, #tpu.memory_space<hbm>>
      %dma_wait3A_456 = tpu.memref_squeeze %dma_wait3A_455 : memref<1x512xi32, #tpu.memory_space<hbm>> -> memref<512xi32, #tpu.memory_space<hbm>>
      %dma_wait3A_457 = arith.constant 0 : i32
      %dma_wait3A_458 = tpu.memref_slice %arg3[%select_n3A, %dma_wait3A_457] : memref<16x512xi32, #tpu.memory_space<hbm>> -> memref<1x512xi32, #tpu.memory_space<hbm>>
      %dma_wait3A_459 = tpu.memref_squeeze %dma_wait3A_458 : memref<1x512xi32, #tpu.memory_space<hbm>> -> memref<512xi32, #tpu.memory_space<hbm>>
      tpu.wait_dma2 semaphore(%run_scoped3A : memref<!tpu.dma_semaphore, #tpu.memory_space<semaphore_mem>>) src(%dma_wait3A_459 : memref<512xi32, #tpu.memory_space<hbm>>) dst(%arg7 : memref<512xi32, #tpu.memory_space<vmem>>)
      tpu.yield
    }) : () -> ()
    "tpu.region"() ({
      %run_scoped3A = tpu.sem_alloc : memref<!tpu.dma_semaphore, #tpu.memory_space<semaphore_mem>>
      tpu.enqueue_dma source(%arg4 : memref<50x50xf32, #tpu.memory_space<hbm>>) target(%arg8 : memref<50x50xf32, #tpu.memory_space<vmem>>) target_semaphore(%run_scoped3A : memref<!tpu.dma_semaphore, #tpu.memory_space<semaphore_mem>>)
      tpu.wait_dma2 semaphore(%run_scoped3A : memref<!tpu.dma_semaphore, #tpu.memory_space<semaphore_mem>>) src(%arg4 : memref<50x50xf32, #tpu.memory_space<hbm>>) dst(%arg8 : memref<50x50xf32, #tpu.memory_space<vmem>>)
      tpu.yield
    }) : () -> ()
    %iota3A = tpu.iota {dimensions = array<i32: 0>} : vector<16xi32>
    %broadcast_in_dim3A = arith.constant 0.000000e+00 : f32
    %broadcast_in_dim3A_33 = vector.broadcast %broadcast_in_dim3A : f32 to vector<16xf32>
    %add3A_34 = arith.constant 0 : i32
    %add3A_35 = vector.broadcast %add3A_34 : i32 to vector<16xi32>
    %add3A_36 = arith.addi %iota3A, %add3A_35 : vector<16xi32>
    %mul3A_37 = arith.constant 256 : i32
    %mul3A_38 = arith.muli %select_n3A_30, %mul3A_37 : i32
    %add3A_39 = vector.broadcast %mul3A_38 : i32 to vector<16xi32>
    %add3A_40 = arith.addi %add3A_36, %add3A_39 : vector<16xi32>
    %gather3A = tpu.vector_load_idx %arg7[%add3A_40] : memref<512xi32, #tpu.memory_space<vmem>>[vector<16xi32>], vector<16xi32>,
    %sub3A_41 = arith.constant 1 : i32
    %sub3A_42 = vector.broadcast %sub3A_41 : i32 to vector<16xi32>
    %sub3A_43 = arith.subi %add3A_40, %sub3A_42 : vector<16xi32>
    %max3A = arith.constant 0 : i32
    %max3A_44 = vector.broadcast %max3A : i32 to vector<16xi32>
    %max3A_45 = arith.maxsi %sub3A_43, %max3A_44 : vector<16xi32>
    %gather3A_46 = tpu.vector_load_idx %arg7[%max3A_45] : memref<512xi32, #tpu.memory_space<vmem>>[vector<16xi32>], vector<16xi32>,
    %eq3A_47 = arith.constant 0 : i32
    %eq3A_48 = vector.broadcast %eq3A_47 : i32 to vector<16xi32>
    %eq3A_49 = arith.cmpi eq, %add3A_40, %eq3A_48 : vector<16xi32>
    %jit3A_50 = arith.constant 48 : i32
    %broadcast_in_dim3A_51 = vector.broadcast %jit3A_50 : i32 to vector<16xi32>
    %select_n3A_52 = arith.select %eq3A_49, %broadcast_in_dim3A_51, %gather3A_46 : vector<16xi1>, vector<16xi32>
    %gather3A_53 = tpu.vector_load_idx %arg6[%add3A_36, %gather3A] : memref<256x50xf32, #tpu.memory_space<vmem>>[vector<16xi32>, vector<16xi32>], vector<16xf32>,
    %gather3A_54 = tpu.vector_load_idx %arg8[%select_n3A_52, %gather3A] : memref<50x50xf32, #tpu.memory_space<vmem>>[vector<16xi32>, vector<16xi32>], vector<16xf32>,
    %add3A_55 = arith.addf %broadcast_in_dim3A_33, %gather3A_53 : vector<16xf32>
    %add3A_56 = arith.addf %add3A_55, %gather3A_54 : vector<16xf32>
    %add3A_57 = arith.constant 16 : i32
    %add3A_58 = vector.broadcast %add3A_57 : i32 to vector<16xi32>
    %add3A_59 = arith.addi %iota3A, %add3A_58 : vector<16xi32>
    %mul3A_60 = arith.constant 256 : i32
    %mul3A_61 = arith.muli %select_n3A_30, %mul3A_60 : i32
    %add3A_62 = vector.broadcast %mul3A_61 : i32 to vector<16xi32>
    %add3A_63 = arith.addi %add3A_59, %add3A_62 : vector<16xi32>
    %gather3A_64 = tpu.vector_load_idx %arg7[%add3A_63] : memref<512xi32, #tpu.memory_space<vmem>>[vector<16xi32>], vector<16xi32>,
    %sub3A_65 = arith.constant 1 : i32
    %sub3A_66 = vector.broadcast %sub3A_65 : i32 to vector<16xi32>
    %sub3A_67 = arith.subi %add3A_63, %sub3A_66 : vector<16xi32>
    %max3A_68 = arith.constant 0 : i32
    %max3A_69 = vector.broadcast %max3A_68 : i32 to vector<16xi32>
    %max3A_70 = arith.maxsi %sub3A_67, %max3A_69 : vector<16xi32>
    %gather3A_71 = tpu.vector_load_idx %arg7[%max3A_70] : memref<512xi32, #tpu.memory_space<vmem>>[vector<16xi32>], vector<16xi32>,
    %eq3A_72 = arith.constant 0 : i32
    %eq3A_73 = vector.broadcast %eq3A_72 : i32 to vector<16xi32>
    %eq3A_74 = arith.cmpi eq, %add3A_63, %eq3A_73 : vector<16xi32>
    %jit3A_75 = arith.constant 48 : i32
    %broadcast_in_dim3A_76 = vector.broadcast %jit3A_75 : i32 to vector<16xi32>
    %select_n3A_77 = arith.select %eq3A_74, %broadcast_in_dim3A_76, %gather3A_71 : vector<16xi1>, vector<16xi32>
    %gather3A_78 = tpu.vector_load_idx %arg6[%add3A_59, %gather3A_64] : memref<256x50xf32, #tpu.memory_space<vmem>>[vector<16xi32>, vector<16xi32>], vector<16xf32>,
    %gather3A_79 = tpu.vector_load_idx %arg8[%select_n3A_77, %gather3A_64] : memref<50x50xf32, #tpu.memory_space<vmem>>[vector<16xi32>, vector<16xi32>], vector<16xf32>,
    %add3A_80 = arith.addf %add3A_56, %gather3A_78 : vector<16xf32>
    %add3A_81 = arith.addf %add3A_80, %gather3A_79 : vector<16xf32>
    %add3A_82 = arith.constant 32 : i32
    %add3A_83 = vector.broadcast %add3A_82 : i32 to vector<16xi32>
    %add3A_84 = arith.addi %iota3A, %add3A_83 : vector<16xi32>
    %mul3A_85 = arith.constant 256 : i32
    %mul3A_86 = arith.muli %select_n3A_30, %mul3A_85 : i32
    %add3A_87 = vector.broadcast %mul3A_86 : i32 to vector<16xi32>
    %add3A_88 = arith.addi %add3A_84, %add3A_87 : vector<16xi32>
    %gather3A_89 = tpu.vector_load_idx %arg7[%add3A_88] : memref<512xi32, #tpu.memory_space<vmem>>[vector<16xi32>], vector<16xi32>,
    %sub3A_90 = arith.constant 1 : i32
    %sub3A_91 = vector.broadcast %sub3A_90 : i32 to vector<16xi32>
    %sub3A_92 = arith.subi %add3A_88, %sub3A_91 : vector<16xi32>
    %max3A_93 = arith.constant 0 : i32
    %max3A_94 = vector.broadcast %max3A_93 : i32 to vector<16xi32>
    %max3A_95 = arith.maxsi %sub3A_92, %max3A_94 : vector<16xi32>
    %gather3A_96 = tpu.vector_load_idx %arg7[%max3A_95] : memref<512xi32, #tpu.memory_space<vmem>>[vector<16xi32>], vector<16xi32>,
    %eq3A_97 = arith.constant 0 : i32
    %eq3A_98 = vector.broadcast %eq3A_97 : i32 to vector<16xi32>
    %eq3A_99 = arith.cmpi eq, %add3A_88, %eq3A_98 : vector<16xi32>
    %jit3A_100 = arith.constant 48 : i32
    %broadcast_in_dim3A_101 = vector.broadcast %jit3A_100 : i32 to vector<16xi32>
    %select_n3A_102 = arith.select %eq3A_99, %broadcast_in_dim3A_101, %gather3A_96 : vector<16xi1>, vector<16xi32>
    %gather3A_103 = tpu.vector_load_idx %arg6[%add3A_84, %gather3A_89] : memref<256x50xf32, #tpu.memory_space<vmem>>[vector<16xi32>, vector<16xi32>], vector<16xf32>,
    %gather3A_104 = tpu.vector_load_idx %arg8[%select_n3A_102, %gather3A_89] : memref<50x50xf32, #tpu.memory_space<vmem>>[vector<16xi32>, vector<16xi32>], vector<16xf32>,
    %add3A_105 = arith.addf %add3A_81, %gather3A_103 : vector<16xf32>
    %add3A_106 = arith.addf %add3A_105, %gather3A_104 : vector<16xf32>
    %add3A_107 = arith.constant 48 : i32
    %add3A_108 = vector.broadcast %add3A_107 : i32 to vector<16xi32>
    %add3A_109 = arith.addi %iota3A, %add3A_108 : vector<16xi32>
    %mul3A_110 = arith.constant 256 : i32
    %mul3A_111 = arith.muli %select_n3A_30, %mul3A_110 : i32
    %add3A_112 = vector.broadcast %mul3A_111 : i32 to vector<16xi32>
    %add3A_113 = arith.addi %add3A_109, %add3A_112 : vector<16xi32>
    %gather3A_114 = tpu.vector_load_idx %arg7[%add3A_113] : memref<512xi32, #tpu.memory_space<vmem>>[vector<16xi32>], vector<16xi32>,
    %sub3A_115 = arith.constant 1 : i32
    %sub3A_116 = vector.broadcast %sub3A_115 : i32 to vector<16xi32>
    %sub3A_117 = arith.subi %add3A_113, %sub3A_116 : vector<16xi32>
    %max3A_118 = arith.constant 0 : i32
    %max3A_119 = vector.broadcast %max3A_118 : i32 to vector<16xi32>
    %max3A_120 = arith.maxsi %sub3A_117, %max3A_119 : vector<16xi32>
    %gather3A_121 = tpu.vector_load_idx %arg7[%max3A_120] : memref<512xi32, #tpu.memory_space<vmem>>[vector<16xi32>], vector<16xi32>,
    %eq3A_122 = arith.constant 0 : i32
    %eq3A_123 = vector.broadcast %eq3A_122 : i32 to vector<16xi32>
    %eq3A_124 = arith.cmpi eq, %add3A_113, %eq3A_123 : vector<16xi32>
    %jit3A_125 = arith.constant 48 : i32
    %broadcast_in_dim3A_126 = vector.broadcast %jit3A_125 : i32 to vector<16xi32>
    %select_n3A_127 = arith.select %eq3A_124, %broadcast_in_dim3A_126, %gather3A_121 : vector<16xi1>, vector<16xi32>
    %gather3A_128 = tpu.vector_load_idx %arg6[%add3A_109, %gather3A_114] : memref<256x50xf32, #tpu.memory_space<vmem>>[vector<16xi32>, vector<16xi32>], vector<16xf32>,
    %gather3A_129 = tpu.vector_load_idx %arg8[%select_n3A_127, %gather3A_114] : memref<50x50xf32, #tpu.memory_space<vmem>>[vector<16xi32>, vector<16xi32>], vector<16xf32>,
    %add3A_130 = arith.addf %add3A_106, %gather3A_128 : vector<16xf32>
    %add3A_131 = arith.addf %add3A_130, %gather3A_129 : vector<16xf32>
    %add3A_132 = arith.constant 64 : i32
    %add3A_133 = vector.broadcast %add3A_132 : i32 to vector<16xi32>
    %add3A_134 = arith.addi %iota3A, %add3A_133 : vector<16xi32>
    %mul3A_135 = arith.constant 256 : i32
    %mul3A_136 = arith.muli %select_n3A_30, %mul3A_135 : i32
    %add3A_137 = vector.broadcast %mul3A_136 : i32 to vector<16xi32>
    %add3A_138 = arith.addi %add3A_134, %add3A_137 : vector<16xi32>
    %gather3A_139 = tpu.vector_load_idx %arg7[%add3A_138] : memref<512xi32, #tpu.memory_space<vmem>>[vector<16xi32>], vector<16xi32>,
    %sub3A_140 = arith.constant 1 : i32
    %sub3A_141 = vector.broadcast %sub3A_140 : i32 to vector<16xi32>
    %sub3A_142 = arith.subi %add3A_138, %sub3A_141 : vector<16xi32>
    %max3A_143 = arith.constant 0 : i32
    %max3A_144 = vector.broadcast %max3A_143 : i32 to vector<16xi32>
    %max3A_145 = arith.maxsi %sub3A_142, %max3A_144 : vector<16xi32>
    %gather3A_146 = tpu.vector_load_idx %arg7[%max3A_145] : memref<512xi32, #tpu.memory_space<vmem>>[vector<16xi32>], vector<16xi32>,
    %eq3A_147 = arith.constant 0 : i32
    %eq3A_148 = vector.broadcast %eq3A_147 : i32 to vector<16xi32>
    %eq3A_149 = arith.cmpi eq, %add3A_138, %eq3A_148 : vector<16xi32>
    %jit3A_150 = arith.constant 48 : i32
    %broadcast_in_dim3A_151 = vector.broadcast %jit3A_150 : i32 to vector<16xi32>
    %select_n3A_152 = arith.select %eq3A_149, %broadcast_in_dim3A_151, %gather3A_146 : vector<16xi1>, vector<16xi32>
    %gather3A_153 = tpu.vector_load_idx %arg6[%add3A_134, %gather3A_139] : memref<256x50xf32, #tpu.memory_space<vmem>>[vector<16xi32>, vector<16xi32>], vector<16xf32>,
    %gather3A_154 = tpu.vector_load_idx %arg8[%select_n3A_152, %gather3A_139] : memref<50x50xf32, #tpu.memory_space<vmem>>[vector<16xi32>, vector<16xi32>], vector<16xf32>,
    %add3A_155 = arith.addf %add3A_131, %gather3A_153 : vector<16xf32>
    %add3A_156 = arith.addf %add3A_155, %gather3A_154 : vector<16xf32>
    %add3A_157 = arith.constant 80 : i32
    %add3A_158 = vector.broadcast %add3A_157 : i32 to vector<16xi32>
    %add3A_159 = arith.addi %iota3A, %add3A_158 : vector<16xi32>
    %mul3A_160 = arith.constant 256 : i32
    %mul3A_161 = arith.muli %select_n3A_30, %mul3A_160 : i32
    %add3A_162 = vector.broadcast %mul3A_161 : i32 to vector<16xi32>
    %add3A_163 = arith.addi %add3A_159, %add3A_162 : vector<16xi32>
    %gather3A_164 = tpu.vector_load_idx %arg7[%add3A_163] : memref<512xi32, #tpu.memory_space<vmem>>[vector<16xi32>], vector<16xi32>,
    %sub3A_165 = arith.constant 1 : i32
    %sub3A_166 = vector.broadcast %sub3A_165 : i32 to vector<16xi32>
    %sub3A_167 = arith.subi %add3A_163, %sub3A_166 : vector<16xi32>
    %max3A_168 = arith.constant 0 : i32
    %max3A_169 = vector.broadcast %max3A_168 : i32 to vector<16xi32>
    %max3A_170 = arith.maxsi %sub3A_167, %max3A_169 : vector<16xi32>
    %gather3A_171 = tpu.vector_load_idx %arg7[%max3A_170] : memref<512xi32, #tpu.memory_space<vmem>>[vector<16xi32>], vector<16xi32>,
    %eq3A_172 = arith.constant 0 : i32
    %eq3A_173 = vector.broadcast %eq3A_172 : i32 to vector<16xi32>
    %eq3A_174 = arith.cmpi eq, %add3A_163, %eq3A_173 : vector<16xi32>
    %jit3A_175 = arith.constant 48 : i32
    %broadcast_in_dim3A_176 = vector.broadcast %jit3A_175 : i32 to vector<16xi32>
    %select_n3A_177 = arith.select %eq3A_174, %broadcast_in_dim3A_176, %gather3A_171 : vector<16xi1>, vector<16xi32>
    %gather3A_178 = tpu.vector_load_idx %arg6[%add3A_159, %gather3A_164] : memref<256x50xf32, #tpu.memory_space<vmem>>[vector<16xi32>, vector<16xi32>], vector<16xf32>,
    %gather3A_179 = tpu.vector_load_idx %arg8[%select_n3A_177, %gather3A_164] : memref<50x50xf32, #tpu.memory_space<vmem>>[vector<16xi32>, vector<16xi32>], vector<16xf32>,
    %add3A_180 = arith.addf %add3A_156, %gather3A_178 : vector<16xf32>
    %add3A_181 = arith.addf %add3A_180, %gather3A_179 : vector<16xf32>
    %add3A_182 = arith.constant 96 : i32
    %add3A_183 = vector.broadcast %add3A_182 : i32 to vector<16xi32>
    %add3A_184 = arith.addi %iota3A, %add3A_183 : vector<16xi32>
    %mul3A_185 = arith.constant 256 : i32
    %mul3A_186 = arith.muli %select_n3A_30, %mul3A_185 : i32
    %add3A_187 = vector.broadcast %mul3A_186 : i32 to vector<16xi32>
    %add3A_188 = arith.addi %add3A_184, %add3A_187 : vector<16xi32>
    %gather3A_189 = tpu.vector_load_idx %arg7[%add3A_188] : memref<512xi32, #tpu.memory_space<vmem>>[vector<16xi32>], vector<16xi32>,
    %sub3A_190 = arith.constant 1 : i32
    %sub3A_191 = vector.broadcast %sub3A_190 : i32 to vector<16xi32>
    %sub3A_192 = arith.subi %add3A_188, %sub3A_191 : vector<16xi32>
    %max3A_193 = arith.constant 0 : i32
    %max3A_194 = vector.broadcast %max3A_193 : i32 to vector<16xi32>
    %max3A_195 = arith.maxsi %sub3A_192, %max3A_194 : vector<16xi32>
    %gather3A_196 = tpu.vector_load_idx %arg7[%max3A_195] : memref<512xi32, #tpu.memory_space<vmem>>[vector<16xi32>], vector<16xi32>,
    %eq3A_197 = arith.constant 0 : i32
    %eq3A_198 = vector.broadcast %eq3A_197 : i32 to vector<16xi32>
    %eq3A_199 = arith.cmpi eq, %add3A_188, %eq3A_198 : vector<16xi32>
    %jit3A_200 = arith.constant 48 : i32
    %broadcast_in_dim3A_201 = vector.broadcast %jit3A_200 : i32 to vector<16xi32>
    %select_n3A_202 = arith.select %eq3A_199, %broadcast_in_dim3A_201, %gather3A_196 : vector<16xi1>, vector<16xi32>
    %gather3A_203 = tpu.vector_load_idx %arg6[%add3A_184, %gather3A_189] : memref<256x50xf32, #tpu.memory_space<vmem>>[vector<16xi32>, vector<16xi32>], vector<16xf32>,
    %gather3A_204 = tpu.vector_load_idx %arg8[%select_n3A_202, %gather3A_189] : memref<50x50xf32, #tpu.memory_space<vmem>>[vector<16xi32>, vector<16xi32>], vector<16xf32>,
    %add3A_205 = arith.addf %add3A_181, %gather3A_203 : vector<16xf32>
    %add3A_206 = arith.addf %add3A_205, %gather3A_204 : vector<16xf32>
    %add3A_207 = arith.constant 112 : i32
    %add3A_208 = vector.broadcast %add3A_207 : i32 to vector<16xi32>
    %add3A_209 = arith.addi %iota3A, %add3A_208 : vector<16xi32>
    %mul3A_210 = arith.constant 256 : i32
    %mul3A_211 = arith.muli %select_n3A_30, %mul3A_210 : i32
    %add3A_212 = vector.broadcast %mul3A_211 : i32 to vector<16xi32>
    %add3A_213 = arith.addi %add3A_209, %add3A_212 : vector<16xi32>
    %gather3A_214 = tpu.vector_load_idx %arg7[%add3A_213] : memref<512xi32, #tpu.memory_space<vmem>>[vector<16xi32>], vector<16xi32>,
    %sub3A_215 = arith.constant 1 : i32
    %sub3A_216 = vector.broadcast %sub3A_215 : i32 to vector<16xi32>
    %sub3A_217 = arith.subi %add3A_213, %sub3A_216 : vector<16xi32>
    %max3A_218 = arith.constant 0 : i32
    %max3A_219 = vector.broadcast %max3A_218 : i32 to vector<16xi32>
    %max3A_220 = arith.maxsi %sub3A_217, %max3A_219 : vector<16xi32>
    %gather3A_221 = tpu.vector_load_idx %arg7[%max3A_220] : memref<512xi32, #tpu.memory_space<vmem>>[vector<16xi32>], vector<16xi32>,
    %eq3A_222 = arith.constant 0 : i32
    %eq3A_223 = vector.broadcast %eq3A_222 : i32 to vector<16xi32>
    %eq3A_224 = arith.cmpi eq, %add3A_213, %eq3A_223 : vector<16xi32>
    %jit3A_225 = arith.constant 48 : i32
    %broadcast_in_dim3A_226 = vector.broadcast %jit3A_225 : i32 to vector<16xi32>
    %select_n3A_227 = arith.select %eq3A_224, %broadcast_in_dim3A_226, %gather3A_221 : vector<16xi1>, vector<16xi32>
    %gather3A_228 = tpu.vector_load_idx %arg6[%add3A_209, %gather3A_214] : memref<256x50xf32, #tpu.memory_space<vmem>>[vector<16xi32>, vector<16xi32>], vector<16xf32>,
    %gather3A_229 = tpu.vector_load_idx %arg8[%select_n3A_227, %gather3A_214] : memref<50x50xf32, #tpu.memory_space<vmem>>[vector<16xi32>, vector<16xi32>], vector<16xf32>,
    %add3A_230 = arith.addf %add3A_206, %gather3A_228 : vector<16xf32>
    %add3A_231 = arith.addf %add3A_230, %gather3A_229 : vector<16xf32>
    %add3A_232 = arith.constant 128 : i32
    %add3A_233 = vector.broadcast %add3A_232 : i32 to vector<16xi32>
    %add3A_234 = arith.addi %iota3A, %add3A_233 : vector<16xi32>
    %mul3A_235 = arith.constant 256 : i32
    %mul3A_236 = arith.muli %select_n3A_30, %mul3A_235 : i32
    %add3A_237 = vector.broadcast %mul3A_236 : i32 to vector<16xi32>
    %add3A_238 = arith.addi %add3A_234, %add3A_237 : vector<16xi32>
    %gather3A_239 = tpu.vector_load_idx %arg7[%add3A_238] : memref<512xi32, #tpu.memory_space<vmem>>[vector<16xi32>], vector<16xi32>,
    %sub3A_240 = arith.constant 1 : i32
    %sub3A_241 = vector.broadcast %sub3A_240 : i32 to vector<16xi32>
    %sub3A_242 = arith.subi %add3A_238, %sub3A_241 : vector<16xi32>
    %max3A_243 = arith.constant 0 : i32
    %max3A_244 = vector.broadcast %max3A_243 : i32 to vector<16xi32>
    %max3A_245 = arith.maxsi %sub3A_242, %max3A_244 : vector<16xi32>
    %gather3A_246 = tpu.vector_load_idx %arg7[%max3A_245] : memref<512xi32, #tpu.memory_space<vmem>>[vector<16xi32>], vector<16xi32>,
    %eq3A_247 = arith.constant 0 : i32
    %eq3A_248 = vector.broadcast %eq3A_247 : i32 to vector<16xi32>
    %eq3A_249 = arith.cmpi eq, %add3A_238, %eq3A_248 : vector<16xi32>
    %jit3A_250 = arith.constant 48 : i32
    %broadcast_in_dim3A_251 = vector.broadcast %jit3A_250 : i32 to vector<16xi32>
    %select_n3A_252 = arith.select %eq3A_249, %broadcast_in_dim3A_251, %gather3A_246 : vector<16xi1>, vector<16xi32>
    %gather3A_253 = tpu.vector_load_idx %arg6[%add3A_234, %gather3A_239] : memref<256x50xf32, #tpu.memory_space<vmem>>[vector<16xi32>, vector<16xi32>], vector<16xf32>,
    %gather3A_254 = tpu.vector_load_idx %arg8[%select_n3A_252, %gather3A_239] : memref<50x50xf32, #tpu.memory_space<vmem>>[vector<16xi32>, vector<16xi32>], vector<16xf32>,
    %add3A_255 = arith.addf %add3A_231, %gather3A_253 : vector<16xf32>
    %add3A_256 = arith.addf %add3A_255, %gather3A_254 : vector<16xf32>
    %add3A_257 = arith.constant 144 : i32
    %add3A_258 = vector.broadcast %add3A_257 : i32 to vector<16xi32>
    %add3A_259 = arith.addi %iota3A, %add3A_258 : vector<16xi32>
    %mul3A_260 = arith.constant 256 : i32
    %mul3A_261 = arith.muli %select_n3A_30, %mul3A_260 : i32
    %add3A_262 = vector.broadcast %mul3A_261 : i32 to vector<16xi32>
    %add3A_263 = arith.addi %add3A_259, %add3A_262 : vector<16xi32>
    %gather3A_264 = tpu.vector_load_idx %arg7[%add3A_263] : memref<512xi32, #tpu.memory_space<vmem>>[vector<16xi32>], vector<16xi32>,
    %sub3A_265 = arith.constant 1 : i32
    %sub3A_266 = vector.broadcast %sub3A_265 : i32 to vector<16xi32>
    %sub3A_267 = arith.subi %add3A_263, %sub3A_266 : vector<16xi32>
    %max3A_268 = arith.constant 0 : i32
    %max3A_269 = vector.broadcast %max3A_268 : i32 to vector<16xi32>
    %max3A_270 = arith.maxsi %sub3A_267, %max3A_269 : vector<16xi32>
    %gather3A_271 = tpu.vector_load_idx %arg7[%max3A_270] : memref<512xi32, #tpu.memory_space<vmem>>[vector<16xi32>], vector<16xi32>,
    %eq3A_272 = arith.constant 0 : i32
    %eq3A_273 = vector.broadcast %eq3A_272 : i32 to vector<16xi32>
    %eq3A_274 = arith.cmpi eq, %add3A_263, %eq3A_273 : vector<16xi32>
    %jit3A_275 = arith.constant 48 : i32
    %broadcast_in_dim3A_276 = vector.broadcast %jit3A_275 : i32 to vector<16xi32>
    %select_n3A_277 = arith.select %eq3A_274, %broadcast_in_dim3A_276, %gather3A_271 : vector<16xi1>, vector<16xi32>
    %gather3A_278 = tpu.vector_load_idx %arg6[%add3A_259, %gather3A_264] : memref<256x50xf32, #tpu.memory_space<vmem>>[vector<16xi32>, vector<16xi32>], vector<16xf32>,
    %gather3A_279 = tpu.vector_load_idx %arg8[%select_n3A_277, %gather3A_264] : memref<50x50xf32, #tpu.memory_space<vmem>>[vector<16xi32>, vector<16xi32>], vector<16xf32>,
    %add3A_280 = arith.addf %add3A_256, %gather3A_278 : vector<16xf32>
    %add3A_281 = arith.addf %add3A_280, %gather3A_279 : vector<16xf32>
    %add3A_282 = arith.constant 160 : i32
    %add3A_283 = vector.broadcast %add3A_282 : i32 to vector<16xi32>
    %add3A_284 = arith.addi %iota3A, %add3A_283 : vector<16xi32>
    %mul3A_285 = arith.constant 256 : i32
    %mul3A_286 = arith.muli %select_n3A_30, %mul3A_285 : i32
    %add3A_287 = vector.broadcast %mul3A_286 : i32 to vector<16xi32>
    %add3A_288 = arith.addi %add3A_284, %add3A_287 : vector<16xi32>
    %gather3A_289 = tpu.vector_load_idx %arg7[%add3A_288] : memref<512xi32, #tpu.memory_space<vmem>>[vector<16xi32>], vector<16xi32>,
    %sub3A_290 = arith.constant 1 : i32
    %sub3A_291 = vector.broadcast %sub3A_290 : i32 to vector<16xi32>
    %sub3A_292 = arith.subi %add3A_288, %sub3A_291 : vector<16xi32>
    %max3A_293 = arith.constant 0 : i32
    %max3A_294 = vector.broadcast %max3A_293 : i32 to vector<16xi32>
    %max3A_295 = arith.maxsi %sub3A_292, %max3A_294 : vector<16xi32>
    %gather3A_296 = tpu.vector_load_idx %arg7[%max3A_295] : memref<512xi32, #tpu.memory_space<vmem>>[vector<16xi32>], vector<16xi32>,
    %eq3A_297 = arith.constant 0 : i32
    %eq3A_298 = vector.broadcast %eq3A_297 : i32 to vector<16xi32>
    %eq3A_299 = arith.cmpi eq, %add3A_288, %eq3A_298 : vector<16xi32>
    %jit3A_300 = arith.constant 48 : i32
    %broadcast_in_dim3A_301 = vector.broadcast %jit3A_300 : i32 to vector<16xi32>
    %select_n3A_302 = arith.select %eq3A_299, %broadcast_in_dim3A_301, %gather3A_296 : vector<16xi1>, vector<16xi32>
    %gather3A_303 = tpu.vector_load_idx %arg6[%add3A_284, %gather3A_289] : memref<256x50xf32, #tpu.memory_space<vmem>>[vector<16xi32>, vector<16xi32>], vector<16xf32>,
    %gather3A_304 = tpu.vector_load_idx %arg8[%select_n3A_302, %gather3A_289] : memref<50x50xf32, #tpu.memory_space<vmem>>[vector<16xi32>, vector<16xi32>], vector<16xf32>,
    %add3A_305 = arith.addf %add3A_281, %gather3A_303 : vector<16xf32>
    %add3A_306 = arith.addf %add3A_305, %gather3A_304 : vector<16xf32>
    %add3A_307 = arith.constant 176 : i32
    %add3A_308 = vector.broadcast %add3A_307 : i32 to vector<16xi32>
    %add3A_309 = arith.addi %iota3A, %add3A_308 : vector<16xi32>
    %mul3A_310 = arith.constant 256 : i32
    %mul3A_311 = arith.muli %select_n3A_30, %mul3A_310 : i32
    %add3A_312 = vector.broadcast %mul3A_311 : i32 to vector<16xi32>
    %add3A_313 = arith.addi %add3A_309, %add3A_312 : vector<16xi32>
    %gather3A_314 = tpu.vector_load_idx %arg7[%add3A_313] : memref<512xi32, #tpu.memory_space<vmem>>[vector<16xi32>], vector<16xi32>,
    %sub3A_315 = arith.constant 1 : i32
    %sub3A_316 = vector.broadcast %sub3A_315 : i32 to vector<16xi32>
    %sub3A_317 = arith.subi %add3A_313, %sub3A_316 : vector<16xi32>
    %max3A_318 = arith.constant 0 : i32
    %max3A_319 = vector.broadcast %max3A_318 : i32 to vector<16xi32>
    %max3A_320 = arith.maxsi %sub3A_317, %max3A_319 : vector<16xi32>
    %gather3A_321 = tpu.vector_load_idx %arg7[%max3A_320] : memref<512xi32, #tpu.memory_space<vmem>>[vector<16xi32>], vector<16xi32>,
    %eq3A_322 = arith.constant 0 : i32
    %eq3A_323 = vector.broadcast %eq3A_322 : i32 to vector<16xi32>
    %eq3A_324 = arith.cmpi eq, %add3A_313, %eq3A_323 : vector<16xi32>
    %jit3A_325 = arith.constant 48 : i32
    %broadcast_in_dim3A_326 = vector.broadcast %jit3A_325 : i32 to vector<16xi32>
    %select_n3A_327 = arith.select %eq3A_324, %broadcast_in_dim3A_326, %gather3A_321 : vector<16xi1>, vector<16xi32>
    %gather3A_328 = tpu.vector_load_idx %arg6[%add3A_309, %gather3A_314] : memref<256x50xf32, #tpu.memory_space<vmem>>[vector<16xi32>, vector<16xi32>], vector<16xf32>,
    %gather3A_329 = tpu.vector_load_idx %arg8[%select_n3A_327, %gather3A_314] : memref<50x50xf32, #tpu.memory_space<vmem>>[vector<16xi32>, vector<16xi32>], vector<16xf32>,
    %add3A_330 = arith.addf %add3A_306, %gather3A_328 : vector<16xf32>
    %add3A_331 = arith.addf %add3A_330, %gather3A_329 : vector<16xf32>
    %add3A_332 = arith.constant 192 : i32
    %add3A_333 = vector.broadcast %add3A_332 : i32 to vector<16xi32>
    %add3A_334 = arith.addi %iota3A, %add3A_333 : vector<16xi32>
    %mul3A_335 = arith.constant 256 : i32
    %mul3A_336 = arith.muli %select_n3A_30, %mul3A_335 : i32
    %add3A_337 = vector.broadcast %mul3A_336 : i32 to vector<16xi32>
    %add3A_338 = arith.addi %add3A_334, %add3A_337 : vector<16xi32>
    %gather3A_339 = tpu.vector_load_idx %arg7[%add3A_338] : memref<512xi32, #tpu.memory_space<vmem>>[vector<16xi32>], vector<16xi32>,
    %sub3A_340 = arith.constant 1 : i32
    %sub3A_341 = vector.broadcast %sub3A_340 : i32 to vector<16xi32>
    %sub3A_342 = arith.subi %add3A_338, %sub3A_341 : vector<16xi32>
    %max3A_343 = arith.constant 0 : i32
    %max3A_344 = vector.broadcast %max3A_343 : i32 to vector<16xi32>
    %max3A_345 = arith.maxsi %sub3A_342, %max3A_344 : vector<16xi32>
    %gather3A_346 = tpu.vector_load_idx %arg7[%max3A_345] : memref<512xi32, #tpu.memory_space<vmem>>[vector<16xi32>], vector<16xi32>,
    %eq3A_347 = arith.constant 0 : i32
    %eq3A_348 = vector.broadcast %eq3A_347 : i32 to vector<16xi32>
    %eq3A_349 = arith.cmpi eq, %add3A_338, %eq3A_348 : vector<16xi32>
    %jit3A_350 = arith.constant 48 : i32
    %broadcast_in_dim3A_351 = vector.broadcast %jit3A_350 : i32 to vector<16xi32>
    %select_n3A_352 = arith.select %eq3A_349, %broadcast_in_dim3A_351, %gather3A_346 : vector<16xi1>, vector<16xi32>
    %gather3A_353 = tpu.vector_load_idx %arg6[%add3A_334, %gather3A_339] : memref<256x50xf32, #tpu.memory_space<vmem>>[vector<16xi32>, vector<16xi32>], vector<16xf32>,
    %gather3A_354 = tpu.vector_load_idx %arg8[%select_n3A_352, %gather3A_339] : memref<50x50xf32, #tpu.memory_space<vmem>>[vector<16xi32>, vector<16xi32>], vector<16xf32>,
    %add3A_355 = arith.addf %add3A_331, %gather3A_353 : vector<16xf32>
    %add3A_356 = arith.addf %add3A_355, %gather3A_354 : vector<16xf32>
    %add3A_357 = arith.constant 208 : i32
    %add3A_358 = vector.broadcast %add3A_357 : i32 to vector<16xi32>
    %add3A_359 = arith.addi %iota3A, %add3A_358 : vector<16xi32>
    %mul3A_360 = arith.constant 256 : i32
    %mul3A_361 = arith.muli %select_n3A_30, %mul3A_360 : i32
    %add3A_362 = vector.broadcast %mul3A_361 : i32 to vector<16xi32>
    %add3A_363 = arith.addi %add3A_359, %add3A_362 : vector<16xi32>
    %gather3A_364 = tpu.vector_load_idx %arg7[%add3A_363] : memref<512xi32, #tpu.memory_space<vmem>>[vector<16xi32>], vector<16xi32>,
    %sub3A_365 = arith.constant 1 : i32
    %sub3A_366 = vector.broadcast %sub3A_365 : i32 to vector<16xi32>
    %sub3A_367 = arith.subi %add3A_363, %sub3A_366 : vector<16xi32>
    %max3A_368 = arith.constant 0 : i32
    %max3A_369 = vector.broadcast %max3A_368 : i32 to vector<16xi32>
    %max3A_370 = arith.maxsi %sub3A_367, %max3A_369 : vector<16xi32>
    %gather3A_371 = tpu.vector_load_idx %arg7[%max3A_370] : memref<512xi32, #tpu.memory_space<vmem>>[vector<16xi32>], vector<16xi32>,
    %eq3A_372 = arith.constant 0 : i32
    %eq3A_373 = vector.broadcast %eq3A_372 : i32 to vector<16xi32>
    %eq3A_374 = arith.cmpi eq, %add3A_363, %eq3A_373 : vector<16xi32>
    %jit3A_375 = arith.constant 48 : i32
    %broadcast_in_dim3A_376 = vector.broadcast %jit3A_375 : i32 to vector<16xi32>
    %select_n3A_377 = arith.select %eq3A_374, %broadcast_in_dim3A_376, %gather3A_371 : vector<16xi1>, vector<16xi32>
    %gather3A_378 = tpu.vector_load_idx %arg6[%add3A_359, %gather3A_364] : memref<256x50xf32, #tpu.memory_space<vmem>>[vector<16xi32>, vector<16xi32>], vector<16xf32>,
    %gather3A_379 = tpu.vector_load_idx %arg8[%select_n3A_377, %gather3A_364] : memref<50x50xf32, #tpu.memory_space<vmem>>[vector<16xi32>, vector<16xi32>], vector<16xf32>,
    %add3A_380 = arith.addf %add3A_356, %gather3A_378 : vector<16xf32>
    %add3A_381 = arith.addf %add3A_380, %gather3A_379 : vector<16xf32>
    %add3A_382 = arith.constant 224 : i32
    %add3A_383 = vector.broadcast %add3A_382 : i32 to vector<16xi32>
    %add3A_384 = arith.addi %iota3A, %add3A_383 : vector<16xi32>
    %mul3A_385 = arith.constant 256 : i32
    %mul3A_386 = arith.muli %select_n3A_30, %mul3A_385 : i32
    %add3A_387 = vector.broadcast %mul3A_386 : i32 to vector<16xi32>
    %add3A_388 = arith.addi %add3A_384, %add3A_387 : vector<16xi32>
    %gather3A_389 = tpu.vector_load_idx %arg7[%add3A_388] : memref<512xi32, #tpu.memory_space<vmem>>[vector<16xi32>], vector<16xi32>,
    %sub3A_390 = arith.constant 1 : i32
    %sub3A_391 = vector.broadcast %sub3A_390 : i32 to vector<16xi32>
    %sub3A_392 = arith.subi %add3A_388, %sub3A_391 : vector<16xi32>
    %max3A_393 = arith.constant 0 : i32
    %max3A_394 = vector.broadcast %max3A_393 : i32 to vector<16xi32>
    %max3A_395 = arith.maxsi %sub3A_392, %max3A_394 : vector<16xi32>
    %gather3A_396 = tpu.vector_load_idx %arg7[%max3A_395] : memref<512xi32, #tpu.memory_space<vmem>>[vector<16xi32>], vector<16xi32>,
    %eq3A_397 = arith.constant 0 : i32
    %eq3A_398 = vector.broadcast %eq3A_397 : i32 to vector<16xi32>
    %eq3A_399 = arith.cmpi eq, %add3A_388, %eq3A_398 : vector<16xi32>
    %jit3A_400 = arith.constant 48 : i32
    %broadcast_in_dim3A_401 = vector.broadcast %jit3A_400 : i32 to vector<16xi32>
    %select_n3A_402 = arith.select %eq3A_399, %broadcast_in_dim3A_401, %gather3A_396 : vector<16xi1>, vector<16xi32>
    %gather3A_403 = tpu.vector_load_idx %arg6[%add3A_384, %gather3A_389] : memref<256x50xf32, #tpu.memory_space<vmem>>[vector<16xi32>, vector<16xi32>], vector<16xf32>,
    %gather3A_404 = tpu.vector_load_idx %arg8[%select_n3A_402, %gather3A_389] : memref<50x50xf32, #tpu.memory_space<vmem>>[vector<16xi32>, vector<16xi32>], vector<16xf32>,
    %add3A_405 = arith.addf %add3A_381, %gather3A_403 : vector<16xf32>
    %add3A_406 = arith.addf %add3A_405, %gather3A_404 : vector<16xf32>
    %add3A_407 = arith.constant 240 : i32
    %add3A_408 = vector.broadcast %add3A_407 : i32 to vector<16xi32>
    %add3A_409 = arith.addi %iota3A, %add3A_408 : vector<16xi32>
    %mul3A_410 = arith.constant 256 : i32
    %mul3A_411 = arith.muli %select_n3A_30, %mul3A_410 : i32
    %add3A_412 = vector.broadcast %mul3A_411 : i32 to vector<16xi32>
    %add3A_413 = arith.addi %add3A_409, %add3A_412 : vector<16xi32>
    %gather3A_414 = tpu.vector_load_idx %arg7[%add3A_413] : memref<512xi32, #tpu.memory_space<vmem>>[vector<16xi32>], vector<16xi32>,
    %sub3A_415 = arith.constant 1 : i32
    %sub3A_416 = vector.broadcast %sub3A_415 : i32 to vector<16xi32>
    %sub3A_417 = arith.subi %add3A_413, %sub3A_416 : vector<16xi32>
    %max3A_418 = arith.constant 0 : i32
    %max3A_419 = vector.broadcast %max3A_418 : i32 to vector<16xi32>
    %max3A_420 = arith.maxsi %sub3A_417, %max3A_419 : vector<16xi32>
    %gather3A_421 = tpu.vector_load_idx %arg7[%max3A_420] : memref<512xi32, #tpu.memory_space<vmem>>[vector<16xi32>], vector<16xi32>,
    %eq3A_422 = arith.constant 0 : i32
    %eq3A_423 = vector.broadcast %eq3A_422 : i32 to vector<16xi32>
    %eq3A_424 = arith.cmpi eq, %add3A_413, %eq3A_423 : vector<16xi32>
    %jit3A_425 = arith.constant 48 : i32
    %broadcast_in_dim3A_426 = vector.broadcast %jit3A_425 : i32 to vector<16xi32>
    %select_n3A_427 = arith.select %eq3A_424, %broadcast_in_dim3A_426, %gather3A_421 : vector<16xi1>, vector<16xi32>
    %gather3A_428 = tpu.vector_load_idx %arg6[%add3A_409, %gather3A_414] : memref<256x50xf32, #tpu.memory_space<vmem>>[vector<16xi32>, vector<16xi32>], vector<16xf32>,
    %gather3A_429 = tpu.vector_load_idx %arg8[%select_n3A_427, %gather3A_414] : memref<50x50xf32, #tpu.memory_space<vmem>>[vector<16xi32>, vector<16xi32>], vector<16xf32>,
    %add3A_430 = arith.addf %add3A_406, %gather3A_428 : vector<16xf32>
    %add3A_431 = arith.addf %add3A_430, %gather3A_429 : vector<16xf32>
    %broadcast_in_dim3A_432 = arith.constant 511 : i32
    %broadcast_in_dim3A_433 = vector.broadcast %broadcast_in_dim3A_432 : i32 to vector<16xi32>
    %gather3A_434 = tpu.vector_load_idx %arg7[%broadcast_in_dim3A_433] : memref<512xi32, #tpu.memory_space<vmem>>[vector<16xi32>], vector<16xi32>,
    %broadcast_in_dim3A_435 = arith.constant 49 : i32
    %broadcast_in_dim3A_436 = vector.broadcast %broadcast_in_dim3A_435 : i32 to vector<16xi32>
    %gather3A_437 = tpu.vector_load_idx %arg8[%gather3A_434, %broadcast_in_dim3A_436] : memref<50x50xf32, #tpu.memory_space<vmem>>[vector<16xi32>, vector<16xi32>], vector<16xf32>,
    %eq3A_438 = arith.constant 0 : i32
    %eq3A_439 = vector.broadcast %eq3A_438 : i32 to vector<16xi32>
    %eq3A_440 = arith.cmpi eq, %iota3A, %eq3A_439 : vector<16xi32>
    %eq3A_441 = arith.constant 1 : i32
    %eq3A_442 = arith.cmpi eq, %select_n3A_30, %eq3A_441 : i32
    %broadcast_in_dim3A_443 = vector.broadcast %eq3A_442 : i1 to vector<16xi1>
    %and3A_444 = arith.andi %eq3A_440, %broadcast_in_dim3A_443 : vector<16xi1>
    %jit3A_445 = arith.constant 0.000000e+00 : f32
    %broadcast_in_dim3A_446 = vector.broadcast %jit3A_445 : f32 to vector<16xf32>
    %select_n3A_447 = arith.select %and3A_444, %gather3A_437, %broadcast_in_dim3A_446 : vector<16xi1>, vector<16xf32>
    %add3A_448 = arith.addf %add3A_431, %select_n3A_447 : vector<16xf32>
    %swap3A = arith.constant 0 : index
    %swap3A_449 = tpu.vector_load %arg9[%swap3A] {strides = array<i32>} : memref<16xf32, #tpu.memory_space<vmem>>, vector<16xf32>,
    tpu.vector_store %arg9[%swap3A], %add3A_448 {strides = array<i32>} : memref<16xf32, #tpu.memory_space<vmem>>, vector<16xf32>,
    "tpu.region"() ({
      %run_scoped3A = tpu.sem_alloc : memref<!tpu.dma_semaphore, #tpu.memory_space<semaphore_mem>>
      %dma_start3A = arith.constant 0 : i32
      %dma_start3A_450 = tpu.memref_slice %arg5[%add3A, %dma_start3A] : memref<32x16xf32, #tpu.memory_space<hbm>> -> memref<1x16xf32, #tpu.memory_space<hbm>>
      %dma_start3A_451 = tpu.memref_squeeze %dma_start3A_450 : memref<1x16xf32, #tpu.memory_space<hbm>> -> memref<16xf32, #tpu.memory_space<hbm>>
      %dma_start3A_452 = arith.constant 0 : i32
      %dma_start3A_453 = tpu.memref_slice %arg5[%add3A, %dma_start3A_452] : memref<32x16xf32, #tpu.memory_space<hbm>> -> memref<1x16xf32, #tpu.memory_space<hbm>>
      %dma_start3A_454 = tpu.memref_squeeze %dma_start3A_453 : memref<1x16xf32, #tpu.memory_space<hbm>> -> memref<16xf32, #tpu.memory_space<hbm>>
      tpu.enqueue_dma source(%arg9 : memref<16xf32, #tpu.memory_space<vmem>>) target(%dma_start3A_454 : memref<16xf32, #tpu.memory_space<hbm>>) target_semaphore(%run_scoped3A : memref<!tpu.dma_semaphore, #tpu.memory_space<semaphore_mem>>)
      %dma_wait3A = arith.constant 0 : i32
      %dma_wait3A_455 = tpu.memref_slice %arg5[%add3A, %dma_wait3A] : memref<32x16xf32, #tpu.memory_space<hbm>> -> memref<1x16xf32, #tpu.memory_space<hbm>>
      %dma_wait3A_456 = tpu.memref_squeeze %dma_wait3A_455 : memref<1x16xf32, #tpu.memory_space<hbm>> -> memref<16xf32, #tpu.memory_space<hbm>>
      %dma_wait3A_457 = arith.constant 0 : i32
      %dma_wait3A_458 = tpu.memref_slice %arg5[%add3A, %dma_wait3A_457] : memref<32x16xf32, #tpu.memory_space<hbm>> -> memref<1x16xf32, #tpu.memory_space<hbm>>
      %dma_wait3A_459 = tpu.memref_squeeze %dma_wait3A_458 : memref<1x16xf32, #tpu.memory_space<hbm>> -> memref<16xf32, #tpu.memory_space<hbm>>
      tpu.wait_dma2 semaphore(%run_scoped3A : memref<!tpu.dma_semaphore, #tpu.memory_space<semaphore_mem>>) src(%arg9 : memref<16xf32, #tpu.memory_space<vmem>>) dst(%dma_wait3A_459 : memref<16xf32, #tpu.memory_space<hbm>>)
      tpu.yield
    }) : () -> ()
    return
  }
}

module attributes {stable_mosaic.version = 14 : i64} {
  func.func @_logz_body(%arg0: memref<16x512x50xf32, #tpu.memory_space<vmem>>, %arg1: memref<50x50xf32, #tpu.memory_space<vmem>>, %arg2: memref<1x1xf32, #tpu.memory_space<smem>>, %arg3: memref<16x512x50xf32, #tpu.memory_space<vmem>>) attributes {dimension_semantics = [], scalar_prefetch = 0 : i64, scratch_operands = 1 : i64, tpu.core_type = #tpu.core_type<tc>} {
    %get3A = arith.constant 0 : index
    %get3A_0 = arith.constant 0 : index
    %get3A_1 = vector.load %arg1[%get3A, %get3A_0] : memref<50x50xf32, #tpu.memory_space<vmem>>, vector<50x50xf32>
    %exp3A = math.exp %get3A_1 : vector<50x50xf32>
    %convert_element_type3A = arith.truncf %exp3A : vector<50x50xf32> to vector<50x50xbf16>
    %get3A_2 = arith.constant 0 : index
    %get3A_3 = arith.constant 0 : index
    %get3A_4 = arith.constant 0 : index
    %get3A_5 = vector.load %arg0[%get3A_2, %get3A_3, %get3A_4] : memref<16x512x50xf32, #tpu.memory_space<vmem>>, vector<16x512x50xf32>
    %exp3A_6 = math.exp %get3A_5 : vector<16x512x50xf32>
    %swap3A = arith.constant 0 : index
    %swap3A_7 = arith.constant 0 : index
    %swap3A_8 = arith.constant 0 : index
    %swap3A_9 = vector.load %arg3[%swap3A, %swap3A_7, %swap3A_8] : memref<16x512x50xf32, #tpu.memory_space<vmem>>, vector<16x512x50xf32>
    tpu.vector_store %arg3[%swap3A, %swap3A_7, %swap3A_8], %exp3A_6 {strides = array<i32>} : memref<16x512x50xf32, #tpu.memory_space<vmem>>, vector<16x512x50xf32>,
    %iota3A = tpu.iota {dimensions = array<i32: 1>} : vector<16x50xi32>
    %eq3A = arith.constant 48 : i32
    %eq3A_10 = vector.broadcast %eq3A : i32 to vector<16x50xi32>
    %eq3A_11 = arith.cmpi eq, %iota3A, %eq3A_10 : vector<16x50xi32>
    %convert_element_type3A_12 = arith.extui %eq3A_11 : vector<16x50xi1> to vector<16x50xi32>
    %convert_element_type3A_13 = arith.sitofp %convert_element_type3A_12 : vector<16x50xi32> to vector<16x50xf32>
    %convert_element_type3A_14 = arith.truncf %convert_element_type3A_13 : vector<16x50xf32> to vector<16x50xbf16>
    %broadcast_in_dim3A = arith.constant 1.000000e+00 : bf16
    %broadcast_in_dim3A_15 = vector.broadcast %broadcast_in_dim3A : bf16 to vector<16x50xbf16>
    %broadcast_in_dim3A_16 = arith.constant 1.000000e+00 : f32
    %broadcast_in_dim3A_17 = vector.broadcast %broadcast_in_dim3A_16 : f32 to vector<16x1xf32>
    %broadcast_in_dim3A_18 = arith.constant 0.000000e+00 : f32
    %broadcast_in_dim3A_19 = vector.broadcast %broadcast_in_dim3A_18 : f32 to vector<16x1xf32>
    %scan3A = arith.constant 0 : i32
    %scan3A_20 = arith.constant 3 : i32
    %scan3A_21 = arith.addi %scan3A, %scan3A_20 : i32
    %scan3A_22 = arith.constant 1 : i32
    %scan3A_23:21 = scf.for %scan3A_742 = %scan3A to %scan3A_21 step %scan3A_22 iter_args(%scan3A_743 = %convert_element_type3A_14, %scan3A_744 = %broadcast_in_dim3A_15, %scan3A_745 = %broadcast_in_dim3A_15, %scan3A_746 = %broadcast_in_dim3A_15, %scan3A_747 = %broadcast_in_dim3A_15, %scan3A_748 = %broadcast_in_dim3A_15, %scan3A_749 = %broadcast_in_dim3A_15, %scan3A_750 = %broadcast_in_dim3A_15, %scan3A_751 = %broadcast_in_dim3A_15, %scan3A_752 = %broadcast_in_dim3A_15, %scan3A_753 = %broadcast_in_dim3A_17, %scan3A_754 = %broadcast_in_dim3A_17, %scan3A_755 = %broadcast_in_dim3A_17, %scan3A_756 = %broadcast_in_dim3A_17, %scan3A_757 = %broadcast_in_dim3A_17, %scan3A_758 = %broadcast_in_dim3A_17, %scan3A_759 = %broadcast_in_dim3A_17, %scan3A_760 = %broadcast_in_dim3A_17, %scan3A_761 = %broadcast_in_dim3A_17, %scan3A_762 = %broadcast_in_dim3A_17, %scan3A_763 = %broadcast_in_dim3A_19) -> (vector<16x50xbf16>, vector<16x50xbf16>, vector<16x50xbf16>, vector<16x50xbf16>, vector<16x50xbf16>, vector<16x50xbf16>, vector<16x50xbf16>, vector<16x50xbf16>, vector<16x50xbf16>, vector<16x50xbf16>, vector<16x1xf32>, vector<16x1xf32>, vector<16x1xf32>, vector<16x1xf32>, vector<16x1xf32>, vector<16x1xf32>, vector<16x1xf32>, vector<16x1xf32>, vector<16x1xf32>, vector<16x1xf32>, vector<16x1xf32>)  : i32 {
      %mul3A_764 = arith.constant 8 : i32
      %mul3A_765 = arith.muli %scan3A_742, %mul3A_764 : i32
      %multiple_of3A_766 = tpu.assume_multiple %mul3A_765, 8 : i32
      %add3A_767 = arith.constant 0 : i32
      %add3A_768 = arith.addi %add3A_767, %multiple_of3A_766 : i32
      %get3A_769 = arith.constant 0 : index
      %get3A_770 = arith.index_cast %add3A_768 : i32 to index
      %get3A_771 = arith.constant 0 : index
      %get3A_772 = vector.load %arg3[%get3A_769, %get3A_770, %get3A_771] : memref<16x512x50xf32, #tpu.memory_space<vmem>>, vector<16x8x50xf32>
      %add3A_773 = arith.constant 48 : i32
      %add3A_774 = arith.addi %add3A_773, %multiple_of3A_766 : i32
      %get3A_775 = arith.constant 0 : index
      %get3A_776 = arith.index_cast %add3A_774 : i32 to index
      %get3A_777 = arith.constant 0 : index
      %get3A_778 = vector.load %arg3[%get3A_775, %get3A_776, %get3A_777] : memref<16x512x50xf32, #tpu.memory_space<vmem>>, vector<16x8x50xf32>
      %add3A_779 = arith.constant 96 : i32
      %add3A_780 = arith.addi %add3A_779, %multiple_of3A_766 : i32
      %get3A_781 = arith.constant 0 : index
      %get3A_782 = arith.index_cast %add3A_780 : i32 to index
      %get3A_783 = arith.constant 0 : index
      %get3A_784 = vector.load %arg3[%get3A_781, %get3A_782, %get3A_783] : memref<16x512x50xf32, #tpu.memory_space<vmem>>, vector<16x8x50xf32>
      %add3A_785 = arith.constant 144 : i32
      %add3A_786 = arith.addi %add3A_785, %multiple_of3A_766 : i32
      %get3A_787 = arith.constant 0 : index
      %get3A_788 = arith.index_cast %add3A_786 : i32 to index
      %get3A_789 = arith.constant 0 : index
      %get3A_790 = vector.load %arg3[%get3A_787, %get3A_788, %get3A_789] : memref<16x512x50xf32, #tpu.memory_space<vmem>>, vector<16x8x50xf32>
      %add3A_791 = arith.constant 192 : i32
      %add3A_792 = arith.addi %add3A_791, %multiple_of3A_766 : i32
      %get3A_793 = arith.constant 0 : index
      %get3A_794 = arith.index_cast %add3A_792 : i32 to index
      %get3A_795 = arith.constant 0 : index
      %get3A_796 = vector.load %arg3[%get3A_793, %get3A_794, %get3A_795] : memref<16x512x50xf32, #tpu.memory_space<vmem>>, vector<16x8x50xf32>
      %add3A_797 = arith.constant 240 : i32
      %add3A_798 = arith.addi %add3A_797, %multiple_of3A_766 : i32
      %get3A_799 = arith.constant 0 : index
      %get3A_800 = arith.index_cast %add3A_798 : i32 to index
      %get3A_801 = arith.constant 0 : index
      %get3A_802 = vector.load %arg3[%get3A_799, %get3A_800, %get3A_801] : memref<16x512x50xf32, #tpu.memory_space<vmem>>, vector<16x8x50xf32>
      %add3A_803 = arith.constant 288 : i32
      %add3A_804 = arith.addi %add3A_803, %multiple_of3A_766 : i32
      %get3A_805 = arith.constant 0 : index
      %get3A_806 = arith.index_cast %add3A_804 : i32 to index
      %get3A_807 = arith.constant 0 : index
      %get3A_808 = vector.load %arg3[%get3A_805, %get3A_806, %get3A_807] : memref<16x512x50xf32, #tpu.memory_space<vmem>>, vector<16x8x50xf32>
      %add3A_809 = arith.constant 336 : i32
      %add3A_810 = arith.addi %add3A_809, %multiple_of3A_766 : i32
      %get3A_811 = arith.constant 0 : index
      %get3A_812 = arith.index_cast %add3A_810 : i32 to index
      %get3A_813 = arith.constant 0 : index
      %get3A_814 = vector.load %arg3[%get3A_811, %get3A_812, %get3A_813] : memref<16x512x50xf32, #tpu.memory_space<vmem>>, vector<16x8x50xf32>
      %add3A_815 = arith.constant 384 : i32
      %add3A_816 = arith.addi %add3A_815, %multiple_of3A_766 : i32
      %get3A_817 = arith.constant 0 : index
      %get3A_818 = arith.index_cast %add3A_816 : i32 to index
      %get3A_819 = arith.constant 0 : index
      %get3A_820 = vector.load %arg3[%get3A_817, %get3A_818, %get3A_819] : memref<16x512x50xf32, #tpu.memory_space<vmem>>, vector<16x8x50xf32>
      %add3A_821 = arith.constant 432 : i32
      %add3A_822 = arith.addi %add3A_821, %multiple_of3A_766 : i32
      %get3A_823 = arith.constant 0 : index
      %get3A_824 = arith.index_cast %add3A_822 : i32 to index
      %get3A_825 = arith.constant 0 : index
      %get3A_826 = vector.load %arg3[%get3A_823, %get3A_824, %get3A_825] : memref<16x512x50xf32, #tpu.memory_space<vmem>>, vector<16x8x50xf32>
      %dot_general3A_827 = arith.constant dense<0.000000e+00> : vector<16x50xf32>
      %dot_general3A_828 = tpu.matmul %scan3A_743, %convert_element_type3A, %dot_general3A_827 {dimension_numbers = #tpu.dot_dimension_numbers<[1], [0], [0], [1], [0, 0, 1, 1], [], []>, transpose_lhs_hint = false} : vector<16x50xbf16>, vector<50x50xbf16>, vector<16x50xf32> -> vector<16x50xf32>
      %slice3A_829 = vector.extract_strided_slice %get3A_772 {offsets = [0, 0, 0], sizes = [16, 1, 50], strides = [1, 1, 1]} : vector<16x8x50xf32> to vector<16x1x50xf32>
      %squeeze3A_830 = vector.shape_cast %slice3A_829 : vector<16x1x50xf32> to vector<16x50xf32>
      %mul3A_831 = arith.mulf %squeeze3A_830, %dot_general3A_828 : vector<16x50xf32>
      %mul3A_832 = vector.broadcast %scan3A_753 : vector<16x1xf32> to vector<16x50xf32>
      %mul3A_833 = arith.mulf %mul3A_831, %mul3A_832 : vector<16x50xf32>
      %convert_element_type3A_834 = arith.truncf %mul3A_833 : vector<16x50xf32> to vector<16x50xbf16>
      %dot_general3A_835 = arith.constant dense<0.000000e+00> : vector<16x50xf32>
      %dot_general3A_836 = tpu.matmul %scan3A_744, %convert_element_type3A, %dot_general3A_835 {dimension_numbers = #tpu.dot_dimension_numbers<[1], [0], [0], [1], [0, 0, 1, 1], [], []>, transpose_lhs_hint = false} : vector<16x50xbf16>, vector<50x50xbf16>, vector<16x50xf32> -> vector<16x50xf32>
      %slice3A_837 = vector.extract_strided_slice %get3A_778 {offsets = [0, 0, 0], sizes = [16, 1, 50], strides = [1, 1, 1]} : vector<16x8x50xf32> to vector<16x1x50xf32>
      %squeeze3A_838 = vector.shape_cast %slice3A_837 : vector<16x1x50xf32> to vector<16x50xf32>
      %mul3A_839 = arith.mulf %squeeze3A_838, %dot_general3A_836 : vector<16x50xf32>
      %mul3A_840 = vector.broadcast %scan3A_754 : vector<16x1xf32> to vector<16x50xf32>
      %mul3A_841 = arith.mulf %mul3A_839, %mul3A_840 : vector<16x50xf32>
      %convert_element_type3A_842 = arith.truncf %mul3A_841 : vector<16x50xf32> to vector<16x50xbf16>
      %dot_general3A_843 = arith.constant dense<0.000000e+00> : vector<16x50xf32>
      %dot_general3A_844 = tpu.matmul %scan3A_745, %convert_element_type3A, %dot_general3A_843 {dimension_numbers = #tpu.dot_dimension_numbers<[1], [0], [0], [1], [0, 0, 1, 1], [], []>, transpose_lhs_hint = false} : vector<16x50xbf16>, vector<50x50xbf16>, vector<16x50xf32> -> vector<16x50xf32>
      %slice3A_845 = vector.extract_strided_slice %get3A_784 {offsets = [0, 0, 0], sizes = [16, 1, 50], strides = [1, 1, 1]} : vector<16x8x50xf32> to vector<16x1x50xf32>
      %squeeze3A_846 = vector.shape_cast %slice3A_845 : vector<16x1x50xf32> to vector<16x50xf32>
      %mul3A_847 = arith.mulf %squeeze3A_846, %dot_general3A_844 : vector<16x50xf32>
      %mul3A_848 = vector.broadcast %scan3A_755 : vector<16x1xf32> to vector<16x50xf32>
      %mul3A_849 = arith.mulf %mul3A_847, %mul3A_848 : vector<16x50xf32>
      %convert_element_type3A_850 = arith.truncf %mul3A_849 : vector<16x50xf32> to vector<16x50xbf16>
      %dot_general3A_851 = arith.constant dense<0.000000e+00> : vector<16x50xf32>
      %dot_general3A_852 = tpu.matmul %scan3A_746, %convert_element_type3A, %dot_general3A_851 {dimension_numbers = #tpu.dot_dimension_numbers<[1], [0], [0], [1], [0, 0, 1, 1], [], []>, transpose_lhs_hint = false} : vector<16x50xbf16>, vector<50x50xbf16>, vector<16x50xf32> -> vector<16x50xf32>
      %slice3A_853 = vector.extract_strided_slice %get3A_790 {offsets = [0, 0, 0], sizes = [16, 1, 50], strides = [1, 1, 1]} : vector<16x8x50xf32> to vector<16x1x50xf32>
      %squeeze3A_854 = vector.shape_cast %slice3A_853 : vector<16x1x50xf32> to vector<16x50xf32>
      %mul3A_855 = arith.mulf %squeeze3A_854, %dot_general3A_852 : vector<16x50xf32>
      %mul3A_856 = vector.broadcast %scan3A_756 : vector<16x1xf32> to vector<16x50xf32>
      %mul3A_857 = arith.mulf %mul3A_855, %mul3A_856 : vector<16x50xf32>
      %convert_element_type3A_858 = arith.truncf %mul3A_857 : vector<16x50xf32> to vector<16x50xbf16>
      %dot_general3A_859 = arith.constant dense<0.000000e+00> : vector<16x50xf32>
      %dot_general3A_860 = tpu.matmul %scan3A_747, %convert_element_type3A, %dot_general3A_859 {dimension_numbers = #tpu.dot_dimension_numbers<[1], [0], [0], [1], [0, 0, 1, 1], [], []>, transpose_lhs_hint = false} : vector<16x50xbf16>, vector<50x50xbf16>, vector<16x50xf32> -> vector<16x50xf32>
      %slice3A_861 = vector.extract_strided_slice %get3A_796 {offsets = [0, 0, 0], sizes = [16, 1, 50], strides = [1, 1, 1]} : vector<16x8x50xf32> to vector<16x1x50xf32>
      %squeeze3A_862 = vector.shape_cast %slice3A_861 : vector<16x1x50xf32> to vector<16x50xf32>
      %mul3A_863 = arith.mulf %squeeze3A_862, %dot_general3A_860 : vector<16x50xf32>
      %mul3A_864 = vector.broadcast %scan3A_757 : vector<16x1xf32> to vector<16x50xf32>
      %mul3A_865 = arith.mulf %mul3A_863, %mul3A_864 : vector<16x50xf32>
      %convert_element_type3A_866 = arith.truncf %mul3A_865 : vector<16x50xf32> to vector<16x50xbf16>
      %dot_general3A_867 = arith.constant dense<0.000000e+00> : vector<16x50xf32>
      %dot_general3A_868 = tpu.matmul %scan3A_748, %convert_element_type3A, %dot_general3A_867 {dimension_numbers = #tpu.dot_dimension_numbers<[1], [0], [0], [1], [0, 0, 1, 1], [], []>, transpose_lhs_hint = false} : vector<16x50xbf16>, vector<50x50xbf16>, vector<16x50xf32> -> vector<16x50xf32>
      %slice3A_869 = vector.extract_strided_slice %get3A_802 {offsets = [0, 0, 0], sizes = [16, 1, 50], strides = [1, 1, 1]} : vector<16x8x50xf32> to vector<16x1x50xf32>
      %squeeze3A_870 = vector.shape_cast %slice3A_869 : vector<16x1x50xf32> to vector<16x50xf32>
      %mul3A_871 = arith.mulf %squeeze3A_870, %dot_general3A_868 : vector<16x50xf32>
      %mul3A_872 = vector.broadcast %scan3A_758 : vector<16x1xf32> to vector<16x50xf32>
      %mul3A_873 = arith.mulf %mul3A_871, %mul3A_872 : vector<16x50xf32>
      %convert_element_type3A_874 = arith.truncf %mul3A_873 : vector<16x50xf32> to vector<16x50xbf16>
      %dot_general3A_875 = arith.constant dense<0.000000e+00> : vector<16x50xf32>
      %dot_general3A_876 = tpu.matmul %scan3A_749, %convert_element_type3A, %dot_general3A_875 {dimension_numbers = #tpu.dot_dimension_numbers<[1], [0], [0], [1], [0, 0, 1, 1], [], []>, transpose_lhs_hint = false} : vector<16x50xbf16>, vector<50x50xbf16>, vector<16x50xf32> -> vector<16x50xf32>
      %slice3A_877 = vector.extract_strided_slice %get3A_808 {offsets = [0, 0, 0], sizes = [16, 1, 50], strides = [1, 1, 1]} : vector<16x8x50xf32> to vector<16x1x50xf32>
      %squeeze3A_878 = vector.shape_cast %slice3A_877 : vector<16x1x50xf32> to vector<16x50xf32>
      %mul3A_879 = arith.mulf %squeeze3A_878, %dot_general3A_876 : vector<16x50xf32>
      %mul3A_880 = vector.broadcast %scan3A_759 : vector<16x1xf32> to vector<16x50xf32>
      %mul3A_881 = arith.mulf %mul3A_879, %mul3A_880 : vector<16x50xf32>
      %convert_element_type3A_882 = arith.truncf %mul3A_881 : vector<16x50xf32> to vector<16x50xbf16>
      %dot_general3A_883 = arith.constant dense<0.000000e+00> : vector<16x50xf32>
      %dot_general3A_884 = tpu.matmul %scan3A_750, %convert_element_type3A, %dot_general3A_883 {dimension_numbers = #tpu.dot_dimension_numbers<[1], [0], [0], [1], [0, 0, 1, 1], [], []>, transpose_lhs_hint = false} : vector<16x50xbf16>, vector<50x50xbf16>, vector<16x50xf32> -> vector<16x50xf32>
      %slice3A_885 = vector.extract_strided_slice %get3A_814 {offsets = [0, 0, 0], sizes = [16, 1, 50], strides = [1, 1, 1]} : vector<16x8x50xf32> to vector<16x1x50xf32>
      %squeeze3A_886 = vector.shape_cast %slice3A_885 : vector<16x1x50xf32> to vector<16x50xf32>
      %mul3A_887 = arith.mulf %squeeze3A_886, %dot_general3A_884 : vector<16x50xf32>
      %mul3A_888 = vector.broadcast %scan3A_760 : vector<16x1xf32> to vector<16x50xf32>
      %mul3A_889 = arith.mulf %mul3A_887, %mul3A_888 : vector<16x50xf32>
      %convert_element_type3A_890 = arith.truncf %mul3A_889 : vector<16x50xf32> to vector<16x50xbf16>
      %dot_general3A_891 = arith.constant dense<0.000000e+00> : vector<16x50xf32>
      %dot_general3A_892 = tpu.matmul %scan3A_751, %convert_element_type3A, %dot_general3A_891 {dimension_numbers = #tpu.dot_dimension_numbers<[1], [0], [0], [1], [0, 0, 1, 1], [], []>, transpose_lhs_hint = false} : vector<16x50xbf16>, vector<50x50xbf16>, vector<16x50xf32> -> vector<16x50xf32>
      %slice3A_893 = vector.extract_strided_slice %get3A_820 {offsets = [0, 0, 0], sizes = [16, 1, 50], strides = [1, 1, 1]} : vector<16x8x50xf32> to vector<16x1x50xf32>
      %squeeze3A_894 = vector.shape_cast %slice3A_893 : vector<16x1x50xf32> to vector<16x50xf32>
      %mul3A_895 = arith.mulf %squeeze3A_894, %dot_general3A_892 : vector<16x50xf32>
      %mul3A_896 = vector.broadcast %scan3A_761 : vector<16x1xf32> to vector<16x50xf32>
      %mul3A_897 = arith.mulf %mul3A_895, %mul3A_896 : vector<16x50xf32>
      %convert_element_type3A_898 = arith.truncf %mul3A_897 : vector<16x50xf32> to vector<16x50xbf16>
      %dot_general3A_899 = arith.constant dense<0.000000e+00> : vector<16x50xf32>
      %dot_general3A_900 = tpu.matmul %scan3A_752, %convert_element_type3A, %dot_general3A_899 {dimension_numbers = #tpu.dot_dimension_numbers<[1], [0], [0], [1], [0, 0, 1, 1], [], []>, transpose_lhs_hint = false} : vector<16x50xbf16>, vector<50x50xbf16>, vector<16x50xf32> -> vector<16x50xf32>
      %slice3A_901 = vector.extract_strided_slice %get3A_826 {offsets = [0, 0, 0], sizes = [16, 1, 50], strides = [1, 1, 1]} : vector<16x8x50xf32> to vector<16x1x50xf32>
      %squeeze3A_902 = vector.shape_cast %slice3A_901 : vector<16x1x50xf32> to vector<16x50xf32>
      %mul3A_903 = arith.mulf %squeeze3A_902, %dot_general3A_900 : vector<16x50xf32>
      %mul3A_904 = vector.broadcast %scan3A_762 : vector<16x1xf32> to vector<16x50xf32>
      %mul3A_905 = arith.mulf %mul3A_903, %mul3A_904 : vector<16x50xf32>
      %convert_element_type3A_906 = arith.truncf %mul3A_905 : vector<16x50xf32> to vector<16x50xbf16>
      %dot_general3A_907 = arith.constant dense<0.000000e+00> : vector<16x50xf32>
      %dot_general3A_908 = tpu.matmul %convert_element_type3A_834, %convert_element_type3A, %dot_general3A_907 {dimension_numbers = #tpu.dot_dimension_numbers<[1], [0], [0], [1], [0, 0, 1, 1], [], []>, transpose_lhs_hint = false} : vector<16x50xbf16>, vector<50x50xbf16>, vector<16x50xf32> -> vector<16x50xf32>
      %slice3A_909 = vector.extract_strided_slice %get3A_772 {offsets = [0, 1, 0], sizes = [16, 1, 50], strides = [1, 1, 1]} : vector<16x8x50xf32> to vector<16x1x50xf32>
      %squeeze3A_910 = vector.shape_cast %slice3A_909 : vector<16x1x50xf32> to vector<16x50xf32>
      %mul3A_911 = arith.mulf %squeeze3A_910, %dot_general3A_908 : vector<16x50xf32>
      %convert_element_type3A_912 = arith.truncf %mul3A_911 : vector<16x50xf32> to vector<16x50xbf16>
      %dot_general3A_913 = arith.constant dense<0.000000e+00> : vector<16x50xf32>
      %dot_general3A_914 = tpu.matmul %convert_element_type3A_842, %convert_element_type3A, %dot_general3A_913 {dimension_numbers = #tpu.dot_dimension_numbers<[1], [0], [0], [1], [0, 0, 1, 1], [], []>, transpose_lhs_hint = false} : vector<16x50xbf16>, vector<50x50xbf16>, vector<16x50xf32> -> vector<16x50xf32>
      %slice3A_915 = vector.extract_strided_slice %get3A_778 {offsets = [0, 1, 0], sizes = [16, 1, 50], strides = [1, 1, 1]} : vector<16x8x50xf32> to vector<16x1x50xf32>
      %squeeze3A_916 = vector.shape_cast %slice3A_915 : vector<16x1x50xf32> to vector<16x50xf32>
      %mul3A_917 = arith.mulf %squeeze3A_916, %dot_general3A_914 : vector<16x50xf32>
      %convert_element_type3A_918 = arith.truncf %mul3A_917 : vector<16x50xf32> to vector<16x50xbf16>
      %dot_general3A_919 = arith.constant dense<0.000000e+00> : vector<16x50xf32>
      %dot_general3A_920 = tpu.matmul %convert_element_type3A_850, %convert_element_type3A, %dot_general3A_919 {dimension_numbers = #tpu.dot_dimension_numbers<[1], [0], [0], [1], [0, 0, 1, 1], [], []>, transpose_lhs_hint = false} : vector<16x50xbf16>, vector<50x50xbf16>, vector<16x50xf32> -> vector<16x50xf32>
      %slice3A_921 = vector.extract_strided_slice %get3A_784 {offsets = [0, 1, 0], sizes = [16, 1, 50], strides = [1, 1, 1]} : vector<16x8x50xf32> to vector<16x1x50xf32>
      %squeeze3A_922 = vector.shape_cast %slice3A_921 : vector<16x1x50xf32> to vector<16x50xf32>
      %mul3A_923 = arith.mulf %squeeze3A_922, %dot_general3A_920 : vector<16x50xf32>
      %convert_element_type3A_924 = arith.truncf %mul3A_923 : vector<16x50xf32> to vector<16x50xbf16>
      %dot_general3A_925 = arith.constant dense<0.000000e+00> : vector<16x50xf32>
      %dot_general3A_926 = tpu.matmul %convert_element_type3A_858, %convert_element_type3A, %dot_general3A_925 {dimension_numbers = #tpu.dot_dimension_numbers<[1], [0], [0], [1], [0, 0, 1, 1], [], []>, transpose_lhs_hint = false} : vector<16x50xbf16>, vector<50x50xbf16>, vector<16x50xf32> -> vector<16x50xf32>
      %slice3A_927 = vector.extract_strided_slice %get3A_790 {offsets = [0, 1, 0], sizes = [16, 1, 50], strides = [1, 1, 1]} : vector<16x8x50xf32> to vector<16x1x50xf32>
      %squeeze3A_928 = vector.shape_cast %slice3A_927 : vector<16x1x50xf32> to vector<16x50xf32>
      %mul3A_929 = arith.mulf %squeeze3A_928, %dot_general3A_926 : vector<16x50xf32>
      %convert_element_type3A_930 = arith.truncf %mul3A_929 : vector<16x50xf32> to vector<16x50xbf16>
      %dot_general3A_931 = arith.constant dense<0.000000e+00> : vector<16x50xf32>
      %dot_general3A_932 = tpu.matmul %convert_element_type3A_866, %convert_element_type3A, %dot_general3A_931 {dimension_numbers = #tpu.dot_dimension_numbers<[1], [0], [0], [1], [0, 0, 1, 1], [], []>, transpose_lhs_hint = false} : vector<16x50xbf16>, vector<50x50xbf16>, vector<16x50xf32> -> vector<16x50xf32>
      %slice3A_933 = vector.extract_strided_slice %get3A_796 {offsets = [0, 1, 0], sizes = [16, 1, 50], strides = [1, 1, 1]} : vector<16x8x50xf32> to vector<16x1x50xf32>
      %squeeze3A_934 = vector.shape_cast %slice3A_933 : vector<16x1x50xf32> to vector<16x50xf32>
      %mul3A_935 = arith.mulf %squeeze3A_934, %dot_general3A_932 : vector<16x50xf32>
      %convert_element_type3A_936 = arith.truncf %mul3A_935 : vector<16x50xf32> to vector<16x50xbf16>
      %dot_general3A_937 = arith.constant dense<0.000000e+00> : vector<16x50xf32>
      %dot_general3A_938 = tpu.matmul %convert_element_type3A_874, %convert_element_type3A, %dot_general3A_937 {dimension_numbers = #tpu.dot_dimension_numbers<[1], [0], [0], [1], [0, 0, 1, 1], [], []>, transpose_lhs_hint = false} : vector<16x50xbf16>, vector<50x50xbf16>, vector<16x50xf32> -> vector<16x50xf32>
      %slice3A_939 = vector.extract_strided_slice %get3A_802 {offsets = [0, 1, 0], sizes = [16, 1, 50], strides = [1, 1, 1]} : vector<16x8x50xf32> to vector<16x1x50xf32>
      %squeeze3A_940 = vector.shape_cast %slice3A_939 : vector<16x1x50xf32> to vector<16x50xf32>
      %mul3A_941 = arith.mulf %squeeze3A_940, %dot_general3A_938 : vector<16x50xf32>
      %convert_element_type3A_942 = arith.truncf %mul3A_941 : vector<16x50xf32> to vector<16x50xbf16>
      %dot_general3A_943 = arith.constant dense<0.000000e+00> : vector<16x50xf32>
      %dot_general3A_944 = tpu.matmul %convert_element_type3A_882, %convert_element_type3A, %dot_general3A_943 {dimension_numbers = #tpu.dot_dimension_numbers<[1], [0], [0], [1], [0, 0, 1, 1], [], []>, transpose_lhs_hint = false} : vector<16x50xbf16>, vector<50x50xbf16>, vector<16x50xf32> -> vector<16x50xf32>
      %slice3A_945 = vector.extract_strided_slice %get3A_808 {offsets = [0, 1, 0], sizes = [16, 1, 50], strides = [1, 1, 1]} : vector<16x8x50xf32> to vector<16x1x50xf32>
      %squeeze3A_946 = vector.shape_cast %slice3A_945 : vector<16x1x50xf32> to vector<16x50xf32>
      %mul3A_947 = arith.mulf %squeeze3A_946, %dot_general3A_944 : vector<16x50xf32>
      %convert_element_type3A_948 = arith.truncf %mul3A_947 : vector<16x50xf32> to vector<16x50xbf16>
      %dot_general3A_949 = arith.constant dense<0.000000e+00> : vector<16x50xf32>
      %dot_general3A_950 = tpu.matmul %convert_element_type3A_890, %convert_element_type3A, %dot_general3A_949 {dimension_numbers = #tpu.dot_dimension_numbers<[1], [0], [0], [1], [0, 0, 1, 1], [], []>, transpose_lhs_hint = false} : vector<16x50xbf16>, vector<50x50xbf16>, vector<16x50xf32> -> vector<16x50xf32>
      %slice3A_951 = vector.extract_strided_slice %get3A_814 {offsets = [0, 1, 0], sizes = [16, 1, 50], strides = [1, 1, 1]} : vector<16x8x50xf32> to vector<16x1x50xf32>
      %squeeze3A_952 = vector.shape_cast %slice3A_951 : vector<16x1x50xf32> to vector<16x50xf32>
      %mul3A_953 = arith.mulf %squeeze3A_952, %dot_general3A_950 : vector<16x50xf32>
      %convert_element_type3A_954 = arith.truncf %mul3A_953 : vector<16x50xf32> to vector<16x50xbf16>
      %dot_general3A_955 = arith.constant dense<0.000000e+00> : vector<16x50xf32>
      %dot_general3A_956 = tpu.matmul %convert_element_type3A_898, %convert_element_type3A, %dot_general3A_955 {dimension_numbers = #tpu.dot_dimension_numbers<[1], [0], [0], [1], [0, 0, 1, 1], [], []>, transpose_lhs_hint = false} : vector<16x50xbf16>, vector<50x50xbf16>, vector<16x50xf32> -> vector<16x50xf32>
      %slice3A_957 = vector.extract_strided_slice %get3A_820 {offsets = [0, 1, 0], sizes = [16, 1, 50], strides = [1, 1, 1]} : vector<16x8x50xf32> to vector<16x1x50xf32>
      %squeeze3A_958 = vector.shape_cast %slice3A_957 : vector<16x1x50xf32> to vector<16x50xf32>
      %mul3A_959 = arith.mulf %squeeze3A_958, %dot_general3A_956 : vector<16x50xf32>
      %convert_element_type3A_960 = arith.truncf %mul3A_959 : vector<16x50xf32> to vector<16x50xbf16>
      %dot_general3A_961 = arith.constant dense<0.000000e+00> : vector<16x50xf32>
      %dot_general3A_962 = tpu.matmul %convert_element_type3A_906, %convert_element_type3A, %dot_general3A_961 {dimension_numbers = #tpu.dot_dimension_numbers<[1], [0], [0], [1], [0, 0, 1, 1], [], []>, transpose_lhs_hint = false} : vector<16x50xbf16>, vector<50x50xbf16>, vector<16x50xf32> -> vector<16x50xf32>
      %slice3A_963 = vector.extract_strided_slice %get3A_826 {offsets = [0, 1, 0], sizes = [16, 1, 50], strides = [1, 1, 1]} : vector<16x8x50xf32> to vector<16x1x50xf32>
      %squeeze3A_964 = vector.shape_cast %slice3A_963 : vector<16x1x50xf32> to vector<16x50xf32>
      %mul3A_965 = arith.mulf %squeeze3A_964, %dot_general3A_962 : vector<16x50xf32>
      %convert_element_type3A_966 = arith.truncf %mul3A_965 : vector<16x50xf32> to vector<16x50xbf16>
      %dot_general3A_967 = arith.constant dense<0.000000e+00> : vector<16x50xf32>
      %dot_general3A_968 = tpu.matmul %convert_element_type3A_912, %convert_element_type3A, %dot_general3A_967 {dimension_numbers = #tpu.dot_dimension_numbers<[1], [0], [0], [1], [0, 0, 1, 1], [], []>, transpose_lhs_hint = false} : vector<16x50xbf16>, vector<50x50xbf16>, vector<16x50xf32> -> vector<16x50xf32>
      %slice3A_969 = vector.extract_strided_slice %get3A_772 {offsets = [0, 2, 0], sizes = [16, 1, 50], strides = [1, 1, 1]} : vector<16x8x50xf32> to vector<16x1x50xf32>
      %squeeze3A_970 = vector.shape_cast %slice3A_969 : vector<16x1x50xf32> to vector<16x50xf32>
      %mul3A_971 = arith.mulf %squeeze3A_970, %dot_general3A_968 : vector<16x50xf32>
      %convert_element_type3A_972 = arith.truncf %mul3A_971 : vector<16x50xf32> to vector<16x50xbf16>
      %dot_general3A_973 = arith.constant dense<0.000000e+00> : vector<16x50xf32>
      %dot_general3A_974 = tpu.matmul %convert_element_type3A_918, %convert_element_type3A, %dot_general3A_973 {dimension_numbers = #tpu.dot_dimension_numbers<[1], [0], [0], [1], [0, 0, 1, 1], [], []>, transpose_lhs_hint = false} : vector<16x50xbf16>, vector<50x50xbf16>, vector<16x50xf32> -> vector<16x50xf32>
      %slice3A_975 = vector.extract_strided_slice %get3A_778 {offsets = [0, 2, 0], sizes = [16, 1, 50], strides = [1, 1, 1]} : vector<16x8x50xf32> to vector<16x1x50xf32>
      %squeeze3A_976 = vector.shape_cast %slice3A_975 : vector<16x1x50xf32> to vector<16x50xf32>
      %mul3A_977 = arith.mulf %squeeze3A_976, %dot_general3A_974 : vector<16x50xf32>
      %convert_element_type3A_978 = arith.truncf %mul3A_977 : vector<16x50xf32> to vector<16x50xbf16>
      %dot_general3A_979 = arith.constant dense<0.000000e+00> : vector<16x50xf32>
      %dot_general3A_980 = tpu.matmul %convert_element_type3A_924, %convert_element_type3A, %dot_general3A_979 {dimension_numbers = #tpu.dot_dimension_numbers<[1], [0], [0], [1], [0, 0, 1, 1], [], []>, transpose_lhs_hint = false} : vector<16x50xbf16>, vector<50x50xbf16>, vector<16x50xf32> -> vector<16x50xf32>
      %slice3A_981 = vector.extract_strided_slice %get3A_784 {offsets = [0, 2, 0], sizes = [16, 1, 50], strides = [1, 1, 1]} : vector<16x8x50xf32> to vector<16x1x50xf32>
      %squeeze3A_982 = vector.shape_cast %slice3A_981 : vector<16x1x50xf32> to vector<16x50xf32>
      %mul3A_983 = arith.mulf %squeeze3A_982, %dot_general3A_980 : vector<16x50xf32>
      %convert_element_type3A_984 = arith.truncf %mul3A_983 : vector<16x50xf32> to vector<16x50xbf16>
      %dot_general3A_985 = arith.constant dense<0.000000e+00> : vector<16x50xf32>
      %dot_general3A_986 = tpu.matmul %convert_element_type3A_930, %convert_element_type3A, %dot_general3A_985 {dimension_numbers = #tpu.dot_dimension_numbers<[1], [0], [0], [1], [0, 0, 1, 1], [], []>, transpose_lhs_hint = false} : vector<16x50xbf16>, vector<50x50xbf16>, vector<16x50xf32> -> vector<16x50xf32>
      %slice3A_987 = vector.extract_strided_slice %get3A_790 {offsets = [0, 2, 0], sizes = [16, 1, 50], strides = [1, 1, 1]} : vector<16x8x50xf32> to vector<16x1x50xf32>
      %squeeze3A_988 = vector.shape_cast %slice3A_987 : vector<16x1x50xf32> to vector<16x50xf32>
      %mul3A_989 = arith.mulf %squeeze3A_988, %dot_general3A_986 : vector<16x50xf32>
      %convert_element_type3A_990 = arith.truncf %mul3A_989 : vector<16x50xf32> to vector<16x50xbf16>
      %dot_general3A_991 = arith.constant dense<0.000000e+00> : vector<16x50xf32>
      %dot_general3A_992 = tpu.matmul %convert_element_type3A_936, %convert_element_type3A, %dot_general3A_991 {dimension_numbers = #tpu.dot_dimension_numbers<[1], [0], [0], [1], [0, 0, 1, 1], [], []>, transpose_lhs_hint = false} : vector<16x50xbf16>, vector<50x50xbf16>, vector<16x50xf32> -> vector<16x50xf32>
      %slice3A_993 = vector.extract_strided_slice %get3A_796 {offsets = [0, 2, 0], sizes = [16, 1, 50], strides = [1, 1, 1]} : vector<16x8x50xf32> to vector<16x1x50xf32>
      %squeeze3A_994 = vector.shape_cast %slice3A_993 : vector<16x1x50xf32> to vector<16x50xf32>
      %mul3A_995 = arith.mulf %squeeze3A_994, %dot_general3A_992 : vector<16x50xf32>
      %convert_element_type3A_996 = arith.truncf %mul3A_995 : vector<16x50xf32> to vector<16x50xbf16>
      %dot_general3A_997 = arith.constant dense<0.000000e+00> : vector<16x50xf32>
      %dot_general3A_998 = tpu.matmul %convert_element_type3A_942, %convert_element_type3A, %dot_general3A_997 {dimension_numbers = #tpu.dot_dimension_numbers<[1], [0], [0], [1], [0, 0, 1, 1], [], []>, transpose_lhs_hint = false} : vector<16x50xbf16>, vector<50x50xbf16>, vector<16x50xf32> -> vector<16x50xf32>
      %slice3A_999 = vector.extract_strided_slice %get3A_802 {offsets = [0, 2, 0], sizes = [16, 1, 50], strides = [1, 1, 1]} : vector<16x8x50xf32> to vector<16x1x50xf32>
      %squeeze3A_1000 = vector.shape_cast %slice3A_999 : vector<16x1x50xf32> to vector<16x50xf32>
      %mul3A_1001 = arith.mulf %squeeze3A_1000, %dot_general3A_998 : vector<16x50xf32>
      %convert_element_type3A_1002 = arith.truncf %mul3A_1001 : vector<16x50xf32> to vector<16x50xbf16>
      %dot_general3A_1003 = arith.constant dense<0.000000e+00> : vector<16x50xf32>
      %dot_general3A_1004 = tpu.matmul %convert_element_type3A_948, %convert_element_type3A, %dot_general3A_1003 {dimension_numbers = #tpu.dot_dimension_numbers<[1], [0], [0], [1], [0, 0, 1, 1], [], []>, transpose_lhs_hint = false} : vector<16x50xbf16>, vector<50x50xbf16>, vector<16x50xf32> -> vector<16x50xf32>
      %slice3A_1005 = vector.extract_strided_slice %get3A_808 {offsets = [0, 2, 0], sizes = [16, 1, 50], strides = [1, 1, 1]} : vector<16x8x50xf32> to vector<16x1x50xf32>
      %squeeze3A_1006 = vector.shape_cast %slice3A_1005 : vector<16x1x50xf32> to vector<16x50xf32>
      %mul3A_1007 = arith.mulf %squeeze3A_1006, %dot_general3A_1004 : vector<16x50xf32>
      %convert_element_type3A_1008 = arith.truncf %mul3A_1007 : vector<16x50xf32> to vector<16x50xbf16>
      %dot_general3A_1009 = arith.constant dense<0.000000e+00> : vector<16x50xf32>
      %dot_general3A_1010 = tpu.matmul %convert_element_type3A_954, %convert_element_type3A, %dot_general3A_1009 {dimension_numbers = #tpu.dot_dimension_numbers<[1], [0], [0], [1], [0, 0, 1, 1], [], []>, transpose_lhs_hint = false} : vector<16x50xbf16>, vector<50x50xbf16>, vector<16x50xf32> -> vector<16x50xf32>
      %slice3A_1011 = vector.extract_strided_slice %get3A_814 {offsets = [0, 2, 0], sizes = [16, 1, 50], strides = [1, 1, 1]} : vector<16x8x50xf32> to vector<16x1x50xf32>
      %squeeze3A_1012 = vector.shape_cast %slice3A_1011 : vector<16x1x50xf32> to vector<16x50xf32>
      %mul3A_1013 = arith.mulf %squeeze3A_1012, %dot_general3A_1010 : vector<16x50xf32>
      %convert_element_type3A_1014 = arith.truncf %mul3A_1013 : vector<16x50xf32> to vector<16x50xbf16>
      %dot_general3A_1015 = arith.constant dense<0.000000e+00> : vector<16x50xf32>
      %dot_general3A_1016 = tpu.matmul %convert_element_type3A_960, %convert_element_type3A, %dot_general3A_1015 {dimension_numbers = #tpu.dot_dimension_numbers<[1], [0], [0], [1], [0, 0, 1, 1], [], []>, transpose_lhs_hint = false} : vector<16x50xbf16>, vector<50x50xbf16>, vector<16x50xf32> -> vector<16x50xf32>
      %slice3A_1017 = vector.extract_strided_slice %get3A_820 {offsets = [0, 2, 0], sizes = [16, 1, 50], strides = [1, 1, 1]} : vector<16x8x50xf32> to vector<16x1x50xf32>
      %squeeze3A_1018 = vector.shape_cast %slice3A_1017 : vector<16x1x50xf32> to vector<16x50xf32>
      %mul3A_1019 = arith.mulf %squeeze3A_1018, %dot_general3A_1016 : vector<16x50xf32>
      %convert_element_type3A_1020 = arith.truncf %mul3A_1019 : vector<16x50xf32> to vector<16x50xbf16>
      %dot_general3A_1021 = arith.constant dense<0.000000e+00> : vector<16x50xf32>
      %dot_general3A_1022 = tpu.matmul %convert_element_type3A_966, %convert_element_type3A, %dot_general3A_1021 {dimension_numbers = #tpu.dot_dimension_numbers<[1], [0], [0], [1], [0, 0, 1, 1], [], []>, transpose_lhs_hint = false} : vector<16x50xbf16>, vector<50x50xbf16>, vector<16x50xf32> -> vector<16x50xf32>
      %slice3A_1023 = vector.extract_strided_slice %get3A_826 {offsets = [0, 2, 0], sizes = [16, 1, 50], strides = [1, 1, 1]} : vector<16x8x50xf32> to vector<16x1x50xf32>
      %squeeze3A_1024 = vector.shape_cast %slice3A_1023 : vector<16x1x50xf32> to vector<16x50xf32>
      %mul3A_1025 = arith.mulf %squeeze3A_1024, %dot_general3A_1022 : vector<16x50xf32>
      %convert_element_type3A_1026 = arith.truncf %mul3A_1025 : vector<16x50xf32> to vector<16x50xbf16>
      %dot_general3A_1027 = arith.constant dense<0.000000e+00> : vector<16x50xf32>
      %dot_general3A_1028 = tpu.matmul %convert_element_type3A_972, %convert_element_type3A, %dot_general3A_1027 {dimension_numbers = #tpu.dot_dimension_numbers<[1], [0], [0], [1], [0, 0, 1, 1], [], []>, transpose_lhs_hint = false} : vector<16x50xbf16>, vector<50x50xbf16>, vector<16x50xf32> -> vector<16x50xf32>
      %slice3A_1029 = vector.extract_strided_slice %get3A_772 {offsets = [0, 3, 0], sizes = [16, 1, 50], strides = [1, 1, 1]} : vector<16x8x50xf32> to vector<16x1x50xf32>
      %squeeze3A_1030 = vector.shape_cast %slice3A_1029 : vector<16x1x50xf32> to vector<16x50xf32>
      %mul3A_1031 = arith.mulf %squeeze3A_1030, %dot_general3A_1028 : vector<16x50xf32>
      %convert_element_type3A_1032 = arith.truncf %mul3A_1031 : vector<16x50xf32> to vector<16x50xbf16>
      %dot_general3A_1033 = arith.constant dense<0.000000e+00> : vector<16x50xf32>
      %dot_general3A_1034 = tpu.matmul %convert_element_type3A_978, %convert_element_type3A, %dot_general3A_1033 {dimension_numbers = #tpu.dot_dimension_numbers<[1], [0], [0], [1], [0, 0, 1, 1], [], []>, transpose_lhs_hint = false} : vector<16x50xbf16>, vector<50x50xbf16>, vector<16x50xf32> -> vector<16x50xf32>
      %slice3A_1035 = vector.extract_strided_slice %get3A_778 {offsets = [0, 3, 0], sizes = [16, 1, 50], strides = [1, 1, 1]} : vector<16x8x50xf32> to vector<16x1x50xf32>
      %squeeze3A_1036 = vector.shape_cast %slice3A_1035 : vector<16x1x50xf32> to vector<16x50xf32>
      %mul3A_1037 = arith.mulf %squeeze3A_1036, %dot_general3A_1034 : vector<16x50xf32>
      %convert_element_type3A_1038 = arith.truncf %mul3A_1037 : vector<16x50xf32> to vector<16x50xbf16>
      %dot_general3A_1039 = arith.constant dense<0.000000e+00> : vector<16x50xf32>
      %dot_general3A_1040 = tpu.matmul %convert_element_type3A_984, %convert_element_type3A, %dot_general3A_1039 {dimension_numbers = #tpu.dot_dimension_numbers<[1], [0], [0], [1], [0, 0, 1, 1], [], []>, transpose_lhs_hint = false} : vector<16x50xbf16>, vector<50x50xbf16>, vector<16x50xf32> -> vector<16x50xf32>
      %slice3A_1041 = vector.extract_strided_slice %get3A_784 {offsets = [0, 3, 0], sizes = [16, 1, 50], strides = [1, 1, 1]} : vector<16x8x50xf32> to vector<16x1x50xf32>
      %squeeze3A_1042 = vector.shape_cast %slice3A_1041 : vector<16x1x50xf32> to vector<16x50xf32>
      %mul3A_1043 = arith.mulf %squeeze3A_1042, %dot_general3A_1040 : vector<16x50xf32>
      %convert_element_type3A_1044 = arith.truncf %mul3A_1043 : vector<16x50xf32> to vector<16x50xbf16>
      %dot_general3A_1045 = arith.constant dense<0.000000e+00> : vector<16x50xf32>
      %dot_general3A_1046 = tpu.matmul %convert_element_type3A_990, %convert_element_type3A, %dot_general3A_1045 {dimension_numbers = #tpu.dot_dimension_numbers<[1], [0], [0], [1], [0, 0, 1, 1], [], []>, transpose_lhs_hint = false} : vector<16x50xbf16>, vector<50x50xbf16>, vector<16x50xf32> -> vector<16x50xf32>
      %slice3A_1047 = vector.extract_strided_slice %get3A_790 {offsets = [0, 3, 0], sizes = [16, 1, 50], strides = [1, 1, 1]} : vector<16x8x50xf32> to vector<16x1x50xf32>
      %squeeze3A_1048 = vector.shape_cast %slice3A_1047 : vector<16x1x50xf32> to vector<16x50xf32>
      %mul3A_1049 = arith.mulf %squeeze3A_1048, %dot_general3A_1046 : vector<16x50xf32>
      %convert_element_type3A_1050 = arith.truncf %mul3A_1049 : vector<16x50xf32> to vector<16x50xbf16>
      %dot_general3A_1051 = arith.constant dense<0.000000e+00> : vector<16x50xf32>
      %dot_general3A_1052 = tpu.matmul %convert_element_type3A_996, %convert_element_type3A, %dot_general3A_1051 {dimension_numbers = #tpu.dot_dimension_numbers<[1], [0], [0], [1], [0, 0, 1, 1], [], []>, transpose_lhs_hint = false} : vector<16x50xbf16>, vector<50x50xbf16>, vector<16x50xf32> -> vector<16x50xf32>
      %slice3A_1053 = vector.extract_strided_slice %get3A_796 {offsets = [0, 3, 0], sizes = [16, 1, 50], strides = [1, 1, 1]} : vector<16x8x50xf32> to vector<16x1x50xf32>
      %squeeze3A_1054 = vector.shape_cast %slice3A_1053 : vector<16x1x50xf32> to vector<16x50xf32>
      %mul3A_1055 = arith.mulf %squeeze3A_1054, %dot_general3A_1052 : vector<16x50xf32>
      %convert_element_type3A_1056 = arith.truncf %mul3A_1055 : vector<16x50xf32> to vector<16x50xbf16>
      %dot_general3A_1057 = arith.constant dense<0.000000e+00> : vector<16x50xf32>
      %dot_general3A_1058 = tpu.matmul %convert_element_type3A_1002, %convert_element_type3A, %dot_general3A_1057 {dimension_numbers = #tpu.dot_dimension_numbers<[1], [0], [0], [1], [0, 0, 1, 1], [], []>, transpose_lhs_hint = false} : vector<16x50xbf16>, vector<50x50xbf16>, vector<16x50xf32> -> vector<16x50xf32>
      %slice3A_1059 = vector.extract_strided_slice %get3A_802 {offsets = [0, 3, 0], sizes = [16, 1, 50], strides = [1, 1, 1]} : vector<16x8x50xf32> to vector<16x1x50xf32>
      %squeeze3A_1060 = vector.shape_cast %slice3A_1059 : vector<16x1x50xf32> to vector<16x50xf32>
      %mul3A_1061 = arith.mulf %squeeze3A_1060, %dot_general3A_1058 : vector<16x50xf32>
      %convert_element_type3A_1062 = arith.truncf %mul3A_1061 : vector<16x50xf32> to vector<16x50xbf16>
      %dot_general3A_1063 = arith.constant dense<0.000000e+00> : vector<16x50xf32>
      %dot_general3A_1064 = tpu.matmul %convert_element_type3A_1008, %convert_element_type3A, %dot_general3A_1063 {dimension_numbers = #tpu.dot_dimension_numbers<[1], [0], [0], [1], [0, 0, 1, 1], [], []>, transpose_lhs_hint = false} : vector<16x50xbf16>, vector<50x50xbf16>, vector<16x50xf32> -> vector<16x50xf32>
      %slice3A_1065 = vector.extract_strided_slice %get3A_808 {offsets = [0, 3, 0], sizes = [16, 1, 50], strides = [1, 1, 1]} : vector<16x8x50xf32> to vector<16x1x50xf32>
      %squeeze3A_1066 = vector.shape_cast %slice3A_1065 : vector<16x1x50xf32> to vector<16x50xf32>
      %mul3A_1067 = arith.mulf %squeeze3A_1066, %dot_general3A_1064 : vector<16x50xf32>
      %convert_element_type3A_1068 = arith.truncf %mul3A_1067 : vector<16x50xf32> to vector<16x50xbf16>
      %dot_general3A_1069 = arith.constant dense<0.000000e+00> : vector<16x50xf32>
      %dot_general3A_1070 = tpu.matmul %convert_element_type3A_1014, %convert_element_type3A, %dot_general3A_1069 {dimension_numbers = #tpu.dot_dimension_numbers<[1], [0], [0], [1], [0, 0, 1, 1], [], []>, transpose_lhs_hint = false} : vector<16x50xbf16>, vector<50x50xbf16>, vector<16x50xf32> -> vector<16x50xf32>
      %slice3A_1071 = vector.extract_strided_slice %get3A_814 {offsets = [0, 3, 0], sizes = [16, 1, 50], strides = [1, 1, 1]} : vector<16x8x50xf32> to vector<16x1x50xf32>
      %squeeze3A_1072 = vector.shape_cast %slice3A_1071 : vector<16x1x50xf32> to vector<16x50xf32>
      %mul3A_1073 = arith.mulf %squeeze3A_1072, %dot_general3A_1070 : vector<16x50xf32>
      %convert_element_type3A_1074 = arith.truncf %mul3A_1073 : vector<16x50xf32> to vector<16x50xbf16>
      %dot_general3A_1075 = arith.constant dense<0.000000e+00> : vector<16x50xf32>
      %dot_general3A_1076 = tpu.matmul %convert_element_type3A_1020, %convert_element_type3A, %dot_general3A_1075 {dimension_numbers = #tpu.dot_dimension_numbers<[1], [0], [0], [1], [0, 0, 1, 1], [], []>, transpose_lhs_hint = false} : vector<16x50xbf16>, vector<50x50xbf16>, vector<16x50xf32> -> vector<16x50xf32>
      %slice3A_1077 = vector.extract_strided_slice %get3A_820 {offsets = [0, 3, 0], sizes = [16, 1, 50], strides = [1, 1, 1]} : vector<16x8x50xf32> to vector<16x1x50xf32>
      %squeeze3A_1078 = vector.shape_cast %slice3A_1077 : vector<16x1x50xf32> to vector<16x50xf32>
      %mul3A_1079 = arith.mulf %squeeze3A_1078, %dot_general3A_1076 : vector<16x50xf32>
      %convert_element_type3A_1080 = arith.truncf %mul3A_1079 : vector<16x50xf32> to vector<16x50xbf16>
      %dot_general3A_1081 = arith.constant dense<0.000000e+00> : vector<16x50xf32>
      %dot_general3A_1082 = tpu.matmul %convert_element_type3A_1026, %convert_element_type3A, %dot_general3A_1081 {dimension_numbers = #tpu.dot_dimension_numbers<[1], [0], [0], [1], [0, 0, 1, 1], [], []>, transpose_lhs_hint = false} : vector<16x50xbf16>, vector<50x50xbf16>, vector<16x50xf32> -> vector<16x50xf32>
      %slice3A_1083 = vector.extract_strided_slice %get3A_826 {offsets = [0, 3, 0], sizes = [16, 1, 50], strides = [1, 1, 1]} : vector<16x8x50xf32> to vector<16x1x50xf32>
      %squeeze3A_1084 = vector.shape_cast %slice3A_1083 : vector<16x1x50xf32> to vector<16x50xf32>
      %mul3A_1085 = arith.mulf %squeeze3A_1084, %dot_general3A_1082 : vector<16x50xf32>
      %convert_element_type3A_1086 = arith.truncf %mul3A_1085 : vector<16x50xf32> to vector<16x50xbf16>
      %dot_general3A_1087 = arith.constant dense<0.000000e+00> : vector<16x50xf32>
      %dot_general3A_1088 = tpu.matmul %convert_element_type3A_1032, %convert_element_type3A, %dot_general3A_1087 {dimension_numbers = #tpu.dot_dimension_numbers<[1], [0], [0], [1], [0, 0, 1, 1], [], []>, transpose_lhs_hint = false} : vector<16x50xbf16>, vector<50x50xbf16>, vector<16x50xf32> -> vector<16x50xf32>
      %slice3A_1089 = vector.extract_strided_slice %get3A_772 {offsets = [0, 4, 0], sizes = [16, 1, 50], strides = [1, 1, 1]} : vector<16x8x50xf32> to vector<16x1x50xf32>
      %squeeze3A_1090 = vector.shape_cast %slice3A_1089 : vector<16x1x50xf32> to vector<16x50xf32>
      %mul3A_1091 = arith.mulf %squeeze3A_1090, %dot_general3A_1088 : vector<16x50xf32>
      %convert_element_type3A_1092 = arith.truncf %mul3A_1091 : vector<16x50xf32> to vector<16x50xbf16>
      %dot_general3A_1093 = arith.constant dense<0.000000e+00> : vector<16x50xf32>
      %dot_general3A_1094 = tpu.matmul %convert_element_type3A_1038, %convert_element_type3A, %dot_general3A_1093 {dimension_numbers = #tpu.dot_dimension_numbers<[1], [0], [0], [1], [0, 0, 1, 1], [], []>, transpose_lhs_hint = false} : vector<16x50xbf16>, vector<50x50xbf16>, vector<16x50xf32> -> vector<16x50xf32>
      %slice3A_1095 = vector.extract_strided_slice %get3A_778 {offsets = [0, 4, 0], sizes = [16, 1, 50], strides = [1, 1, 1]} : vector<16x8x50xf32> to vector<16x1x50xf32>
      %squeeze3A_1096 = vector.shape_cast %slice3A_1095 : vector<16x1x50xf32> to vector<16x50xf32>
      %mul3A_1097 = arith.mulf %squeeze3A_1096, %dot_general3A_1094 : vector<16x50xf32>
      %convert_element_type3A_1098 = arith.truncf %mul3A_1097 : vector<16x50xf32> to vector<16x50xbf16>
      %dot_general3A_1099 = arith.constant dense<0.000000e+00> : vector<16x50xf32>
      %dot_general3A_1100 = tpu.matmul %convert_element_type3A_1044, %convert_element_type3A, %dot_general3A_1099 {dimension_numbers = #tpu.dot_dimension_numbers<[1], [0], [0], [1], [0, 0, 1, 1], [], []>, transpose_lhs_hint = false} : vector<16x50xbf16>, vector<50x50xbf16>, vector<16x50xf32> -> vector<16x50xf32>
      %slice3A_1101 = vector.extract_strided_slice %get3A_784 {offsets = [0, 4, 0], sizes = [16, 1, 50], strides = [1, 1, 1]} : vector<16x8x50xf32> to vector<16x1x50xf32>
      %squeeze3A_1102 = vector.shape_cast %slice3A_1101 : vector<16x1x50xf32> to vector<16x50xf32>
      %mul3A_1103 = arith.mulf %squeeze3A_1102, %dot_general3A_1100 : vector<16x50xf32>
      %convert_element_type3A_1104 = arith.truncf %mul3A_1103 : vector<16x50xf32> to vector<16x50xbf16>
      %dot_general3A_1105 = arith.constant dense<0.000000e+00> : vector<16x50xf32>
      %dot_general3A_1106 = tpu.matmul %convert_element_type3A_1050, %convert_element_type3A, %dot_general3A_1105 {dimension_numbers = #tpu.dot_dimension_numbers<[1], [0], [0], [1], [0, 0, 1, 1], [], []>, transpose_lhs_hint = false} : vector<16x50xbf16>, vector<50x50xbf16>, vector<16x50xf32> -> vector<16x50xf32>
      %slice3A_1107 = vector.extract_strided_slice %get3A_790 {offsets = [0, 4, 0], sizes = [16, 1, 50], strides = [1, 1, 1]} : vector<16x8x50xf32> to vector<16x1x50xf32>
      %squeeze3A_1108 = vector.shape_cast %slice3A_1107 : vector<16x1x50xf32> to vector<16x50xf32>
      %mul3A_1109 = arith.mulf %squeeze3A_1108, %dot_general3A_1106 : vector<16x50xf32>
      %convert_element_type3A_1110 = arith.truncf %mul3A_1109 : vector<16x50xf32> to vector<16x50xbf16>
      %dot_general3A_1111 = arith.constant dense<0.000000e+00> : vector<16x50xf32>
      %dot_general3A_1112 = tpu.matmul %convert_element_type3A_1056, %convert_element_type3A, %dot_general3A_1111 {dimension_numbers = #tpu.dot_dimension_numbers<[1], [0], [0], [1], [0, 0, 1, 1], [], []>, transpose_lhs_hint = false} : vector<16x50xbf16>, vector<50x50xbf16>, vector<16x50xf32> -> vector<16x50xf32>
      %slice3A_1113 = vector.extract_strided_slice %get3A_796 {offsets = [0, 4, 0], sizes = [16, 1, 50], strides = [1, 1, 1]} : vector<16x8x50xf32> to vector<16x1x50xf32>
      %squeeze3A_1114 = vector.shape_cast %slice3A_1113 : vector<16x1x50xf32> to vector<16x50xf32>
      %mul3A_1115 = arith.mulf %squeeze3A_1114, %dot_general3A_1112 : vector<16x50xf32>
      %convert_element_type3A_1116 = arith.truncf %mul3A_1115 : vector<16x50xf32> to vector<16x50xbf16>
      %dot_general3A_1117 = arith.constant dense<0.000000e+00> : vector<16x50xf32>
      %dot_general3A_1118 = tpu.matmul %convert_element_type3A_1062, %convert_element_type3A, %dot_general3A_1117 {dimension_numbers = #tpu.dot_dimension_numbers<[1], [0], [0], [1], [0, 0, 1, 1], [], []>, transpose_lhs_hint = false} : vector<16x50xbf16>, vector<50x50xbf16>, vector<16x50xf32> -> vector<16x50xf32>
      %slice3A_1119 = vector.extract_strided_slice %get3A_802 {offsets = [0, 4, 0], sizes = [16, 1, 50], strides = [1, 1, 1]} : vector<16x8x50xf32> to vector<16x1x50xf32>
      %squeeze3A_1120 = vector.shape_cast %slice3A_1119 : vector<16x1x50xf32> to vector<16x50xf32>
      %mul3A_1121 = arith.mulf %squeeze3A_1120, %dot_general3A_1118 : vector<16x50xf32>
      %convert_element_type3A_1122 = arith.truncf %mul3A_1121 : vector<16x50xf32> to vector<16x50xbf16>
      %dot_general3A_1123 = arith.constant dense<0.000000e+00> : vector<16x50xf32>
      %dot_general3A_1124 = tpu.matmul %convert_element_type3A_1068, %convert_element_type3A, %dot_general3A_1123 {dimension_numbers = #tpu.dot_dimension_numbers<[1], [0], [0], [1], [0, 0, 1, 1], [], []>, transpose_lhs_hint = false} : vector<16x50xbf16>, vector<50x50xbf16>, vector<16x50xf32> -> vector<16x50xf32>
      %slice3A_1125 = vector.extract_strided_slice %get3A_808 {offsets = [0, 4, 0], sizes = [16, 1, 50], strides = [1, 1, 1]} : vector<16x8x50xf32> to vector<16x1x50xf32>
      %squeeze3A_1126 = vector.shape_cast %slice3A_1125 : vector<16x1x50xf32> to vector<16x50xf32>
      %mul3A_1127 = arith.mulf %squeeze3A_1126, %dot_general3A_1124 : vector<16x50xf32>
      %convert_element_type3A_1128 = arith.truncf %mul3A_1127 : vector<16x50xf32> to vector<16x50xbf16>
      %dot_general3A_1129 = arith.constant dense<0.000000e+00> : vector<16x50xf32>
      %dot_general3A_1130 = tpu.matmul %convert_element_type3A_1074, %convert_element_type3A, %dot_general3A_1129 {dimension_numbers = #tpu.dot_dimension_numbers<[1], [0], [0], [1], [0, 0, 1, 1], [], []>, transpose_lhs_hint = false} : vector<16x50xbf16>, vector<50x50xbf16>, vector<16x50xf32> -> vector<16x50xf32>
      %slice3A_1131 = vector.extract_strided_slice %get3A_814 {offsets = [0, 4, 0], sizes = [16, 1, 50], strides = [1, 1, 1]} : vector<16x8x50xf32> to vector<16x1x50xf32>
      %squeeze3A_1132 = vector.shape_cast %slice3A_1131 : vector<16x1x50xf32> to vector<16x50xf32>
      %mul3A_1133 = arith.mulf %squeeze3A_1132, %dot_general3A_1130 : vector<16x50xf32>
      %convert_element_type3A_1134 = arith.truncf %mul3A_1133 : vector<16x50xf32> to vector<16x50xbf16>
      %dot_general3A_1135 = arith.constant dense<0.000000e+00> : vector<16x50xf32>
      %dot_general3A_1136 = tpu.matmul %convert_element_type3A_1080, %convert_element_type3A, %dot_general3A_1135 {dimension_numbers = #tpu.dot_dimension_numbers<[1], [0], [0], [1], [0, 0, 1, 1], [], []>, transpose_lhs_hint = false} : vector<16x50xbf16>, vector<50x50xbf16>, vector<16x50xf32> -> vector<16x50xf32>
      %slice3A_1137 = vector.extract_strided_slice %get3A_820 {offsets = [0, 4, 0], sizes = [16, 1, 50], strides = [1, 1, 1]} : vector<16x8x50xf32> to vector<16x1x50xf32>
      %squeeze3A_1138 = vector.shape_cast %slice3A_1137 : vector<16x1x50xf32> to vector<16x50xf32>
      %mul3A_1139 = arith.mulf %squeeze3A_1138, %dot_general3A_1136 : vector<16x50xf32>
      %convert_element_type3A_1140 = arith.truncf %mul3A_1139 : vector<16x50xf32> to vector<16x50xbf16>
      %dot_general3A_1141 = arith.constant dense<0.000000e+00> : vector<16x50xf32>
      %dot_general3A_1142 = tpu.matmul %convert_element_type3A_1086, %convert_element_type3A, %dot_general3A_1141 {dimension_numbers = #tpu.dot_dimension_numbers<[1], [0], [0], [1], [0, 0, 1, 1], [], []>, transpose_lhs_hint = false} : vector<16x50xbf16>, vector<50x50xbf16>, vector<16x50xf32> -> vector<16x50xf32>
      %slice3A_1143 = vector.extract_strided_slice %get3A_826 {offsets = [0, 4, 0], sizes = [16, 1, 50], strides = [1, 1, 1]} : vector<16x8x50xf32> to vector<16x1x50xf32>
      %squeeze3A_1144 = vector.shape_cast %slice3A_1143 : vector<16x1x50xf32> to vector<16x50xf32>
      %mul3A_1145 = arith.mulf %squeeze3A_1144, %dot_general3A_1142 : vector<16x50xf32>
      %convert_element_type3A_1146 = arith.truncf %mul3A_1145 : vector<16x50xf32> to vector<16x50xbf16>
      %dot_general3A_1147 = arith.constant dense<0.000000e+00> : vector<16x50xf32>
      %dot_general3A_1148 = tpu.matmul %convert_element_type3A_1092, %convert_element_type3A, %dot_general3A_1147 {dimension_numbers = #tpu.dot_dimension_numbers<[1], [0], [0], [1], [0, 0, 1, 1], [], []>, transpose_lhs_hint = false} : vector<16x50xbf16>, vector<50x50xbf16>, vector<16x50xf32> -> vector<16x50xf32>
      %slice3A_1149 = vector.extract_strided_slice %get3A_772 {offsets = [0, 5, 0], sizes = [16, 1, 50], strides = [1, 1, 1]} : vector<16x8x50xf32> to vector<16x1x50xf32>
      %squeeze3A_1150 = vector.shape_cast %slice3A_1149 : vector<16x1x50xf32> to vector<16x50xf32>
      %mul3A_1151 = arith.mulf %squeeze3A_1150, %dot_general3A_1148 : vector<16x50xf32>
      %reduce_max3A_1152 = arith.constant dense<0xFF800000> : vector<16xf32>
      %reduce_max3A_1153 = vector.multi_reduction <maximumf>, %mul3A_1151, %reduce_max3A_1152 [1] : vector<16x50xf32> to vector<16xf32>
      %broadcast_in_dim3A_1154 = vector.shape_cast %reduce_max3A_1153 : vector<16xf32> to vector<16x1xf32>
      %convert_element_type3A_1155 = arith.truncf %mul3A_1151 : vector<16x50xf32> to vector<16x50xbf16>
      %dot_general3A_1156 = arith.constant dense<0.000000e+00> : vector<16x50xf32>
      %dot_general3A_1157 = tpu.matmul %convert_element_type3A_1098, %convert_element_type3A, %dot_general3A_1156 {dimension_numbers = #tpu.dot_dimension_numbers<[1], [0], [0], [1], [0, 0, 1, 1], [], []>, transpose_lhs_hint = false} : vector<16x50xbf16>, vector<50x50xbf16>, vector<16x50xf32> -> vector<16x50xf32>
      %slice3A_1158 = vector.extract_strided_slice %get3A_778 {offsets = [0, 5, 0], sizes = [16, 1, 50], strides = [1, 1, 1]} : vector<16x8x50xf32> to vector<16x1x50xf32>
      %squeeze3A_1159 = vector.shape_cast %slice3A_1158 : vector<16x1x50xf32> to vector<16x50xf32>
      %mul3A_1160 = arith.mulf %squeeze3A_1159, %dot_general3A_1157 : vector<16x50xf32>
      %reduce_max3A_1161 = arith.constant dense<0xFF800000> : vector<16xf32>
      %reduce_max3A_1162 = vector.multi_reduction <maximumf>, %mul3A_1160, %reduce_max3A_1161 [1] : vector<16x50xf32> to vector<16xf32>
      %broadcast_in_dim3A_1163 = vector.shape_cast %reduce_max3A_1162 : vector<16xf32> to vector<16x1xf32>
      %convert_element_type3A_1164 = arith.truncf %mul3A_1160 : vector<16x50xf32> to vector<16x50xbf16>
      %dot_general3A_1165 = arith.constant dense<0.000000e+00> : vector<16x50xf32>
      %dot_general3A_1166 = tpu.matmul %convert_element_type3A_1104, %convert_element_type3A, %dot_general3A_1165 {dimension_numbers = #tpu.dot_dimension_numbers<[1], [0], [0], [1], [0, 0, 1, 1], [], []>, transpose_lhs_hint = false} : vector<16x50xbf16>, vector<50x50xbf16>, vector<16x50xf32> -> vector<16x50xf32>
      %slice3A_1167 = vector.extract_strided_slice %get3A_784 {offsets = [0, 5, 0], sizes = [16, 1, 50], strides = [1, 1, 1]} : vector<16x8x50xf32> to vector<16x1x50xf32>
      %squeeze3A_1168 = vector.shape_cast %slice3A_1167 : vector<16x1x50xf32> to vector<16x50xf32>
      %mul3A_1169 = arith.mulf %squeeze3A_1168, %dot_general3A_1166 : vector<16x50xf32>
      %reduce_max3A_1170 = arith.constant dense<0xFF800000> : vector<16xf32>
      %reduce_max3A_1171 = vector.multi_reduction <maximumf>, %mul3A_1169, %reduce_max3A_1170 [1] : vector<16x50xf32> to vector<16xf32>
      %broadcast_in_dim3A_1172 = vector.shape_cast %reduce_max3A_1171 : vector<16xf32> to vector<16x1xf32>
      %convert_element_type3A_1173 = arith.truncf %mul3A_1169 : vector<16x50xf32> to vector<16x50xbf16>
      %dot_general3A_1174 = arith.constant dense<0.000000e+00> : vector<16x50xf32>
      %dot_general3A_1175 = tpu.matmul %convert_element_type3A_1110, %convert_element_type3A, %dot_general3A_1174 {dimension_numbers = #tpu.dot_dimension_numbers<[1], [0], [0], [1], [0, 0, 1, 1], [], []>, transpose_lhs_hint = false} : vector<16x50xbf16>, vector<50x50xbf16>, vector<16x50xf32> -> vector<16x50xf32>
      %slice3A_1176 = vector.extract_strided_slice %get3A_790 {offsets = [0, 5, 0], sizes = [16, 1, 50], strides = [1, 1, 1]} : vector<16x8x50xf32> to vector<16x1x50xf32>
      %squeeze3A_1177 = vector.shape_cast %slice3A_1176 : vector<16x1x50xf32> to vector<16x50xf32>
      %mul3A_1178 = arith.mulf %squeeze3A_1177, %dot_general3A_1175 : vector<16x50xf32>
      %reduce_max3A_1179 = arith.constant dense<0xFF800000> : vector<16xf32>
      %reduce_max3A_1180 = vector.multi_reduction <maximumf>, %mul3A_1178, %reduce_max3A_1179 [1] : vector<16x50xf32> to vector<16xf32>
      %broadcast_in_dim3A_1181 = vector.shape_cast %reduce_max3A_1180 : vector<16xf32> to vector<16x1xf32>
      %convert_element_type3A_1182 = arith.truncf %mul3A_1178 : vector<16x50xf32> to vector<16x50xbf16>
      %dot_general3A_1183 = arith.constant dense<0.000000e+00> : vector<16x50xf32>
      %dot_general3A_1184 = tpu.matmul %convert_element_type3A_1116, %convert_element_type3A, %dot_general3A_1183 {dimension_numbers = #tpu.dot_dimension_numbers<[1], [0], [0], [1], [0, 0, 1, 1], [], []>, transpose_lhs_hint = false} : vector<16x50xbf16>, vector<50x50xbf16>, vector<16x50xf32> -> vector<16x50xf32>
      %slice3A_1185 = vector.extract_strided_slice %get3A_796 {offsets = [0, 5, 0], sizes = [16, 1, 50], strides = [1, 1, 1]} : vector<16x8x50xf32> to vector<16x1x50xf32>
      %squeeze3A_1186 = vector.shape_cast %slice3A_1185 : vector<16x1x50xf32> to vector<16x50xf32>
      %mul3A_1187 = arith.mulf %squeeze3A_1186, %dot_general3A_1184 : vector<16x50xf32>
      %reduce_max3A_1188 = arith.constant dense<0xFF800000> : vector<16xf32>
      %reduce_max3A_1189 = vector.multi_reduction <maximumf>, %mul3A_1187, %reduce_max3A_1188 [1] : vector<16x50xf32> to vector<16xf32>
      %broadcast_in_dim3A_1190 = vector.shape_cast %reduce_max3A_1189 : vector<16xf32> to vector<16x1xf32>
      %convert_element_type3A_1191 = arith.truncf %mul3A_1187 : vector<16x50xf32> to vector<16x50xbf16>
      %dot_general3A_1192 = arith.constant dense<0.000000e+00> : vector<16x50xf32>
      %dot_general3A_1193 = tpu.matmul %convert_element_type3A_1122, %convert_element_type3A, %dot_general3A_1192 {dimension_numbers = #tpu.dot_dimension_numbers<[1], [0], [0], [1], [0, 0, 1, 1], [], []>, transpose_lhs_hint = false} : vector<16x50xbf16>, vector<50x50xbf16>, vector<16x50xf32> -> vector<16x50xf32>
      %slice3A_1194 = vector.extract_strided_slice %get3A_802 {offsets = [0, 5, 0], sizes = [16, 1, 50], strides = [1, 1, 1]} : vector<16x8x50xf32> to vector<16x1x50xf32>
      %squeeze3A_1195 = vector.shape_cast %slice3A_1194 : vector<16x1x50xf32> to vector<16x50xf32>
      %mul3A_1196 = arith.mulf %squeeze3A_1195, %dot_general3A_1193 : vector<16x50xf32>
      %reduce_max3A_1197 = arith.constant dense<0xFF800000> : vector<16xf32>
      %reduce_max3A_1198 = vector.multi_reduction <maximumf>, %mul3A_1196, %reduce_max3A_1197 [1] : vector<16x50xf32> to vector<16xf32>
      %broadcast_in_dim3A_1199 = vector.shape_cast %reduce_max3A_1198 : vector<16xf32> to vector<16x1xf32>
      %convert_element_type3A_1200 = arith.truncf %mul3A_1196 : vector<16x50xf32> to vector<16x50xbf16>
      %dot_general3A_1201 = arith.constant dense<0.000000e+00> : vector<16x50xf32>
      %dot_general3A_1202 = tpu.matmul %convert_element_type3A_1128, %convert_element_type3A, %dot_general3A_1201 {dimension_numbers = #tpu.dot_dimension_numbers<[1], [0], [0], [1], [0, 0, 1, 1], [], []>, transpose_lhs_hint = false} : vector<16x50xbf16>, vector<50x50xbf16>, vector<16x50xf32> -> vector<16x50xf32>
      %slice3A_1203 = vector.extract_strided_slice %get3A_808 {offsets = [0, 5, 0], sizes = [16, 1, 50], strides = [1, 1, 1]} : vector<16x8x50xf32> to vector<16x1x50xf32>
      %squeeze3A_1204 = vector.shape_cast %slice3A_1203 : vector<16x1x50xf32> to vector<16x50xf32>
      %mul3A_1205 = arith.mulf %squeeze3A_1204, %dot_general3A_1202 : vector<16x50xf32>
      %reduce_max3A_1206 = arith.constant dense<0xFF800000> : vector<16xf32>
      %reduce_max3A_1207 = vector.multi_reduction <maximumf>, %mul3A_1205, %reduce_max3A_1206 [1] : vector<16x50xf32> to vector<16xf32>
      %broadcast_in_dim3A_1208 = vector.shape_cast %reduce_max3A_1207 : vector<16xf32> to vector<16x1xf32>
      %convert_element_type3A_1209 = arith.truncf %mul3A_1205 : vector<16x50xf32> to vector<16x50xbf16>
      %dot_general3A_1210 = arith.constant dense<0.000000e+00> : vector<16x50xf32>
      %dot_general3A_1211 = tpu.matmul %convert_element_type3A_1134, %convert_element_type3A, %dot_general3A_1210 {dimension_numbers = #tpu.dot_dimension_numbers<[1], [0], [0], [1], [0, 0, 1, 1], [], []>, transpose_lhs_hint = false} : vector<16x50xbf16>, vector<50x50xbf16>, vector<16x50xf32> -> vector<16x50xf32>
      %slice3A_1212 = vector.extract_strided_slice %get3A_814 {offsets = [0, 5, 0], sizes = [16, 1, 50], strides = [1, 1, 1]} : vector<16x8x50xf32> to vector<16x1x50xf32>
      %squeeze3A_1213 = vector.shape_cast %slice3A_1212 : vector<16x1x50xf32> to vector<16x50xf32>
      %mul3A_1214 = arith.mulf %squeeze3A_1213, %dot_general3A_1211 : vector<16x50xf32>
      %reduce_max3A_1215 = arith.constant dense<0xFF800000> : vector<16xf32>
      %reduce_max3A_1216 = vector.multi_reduction <maximumf>, %mul3A_1214, %reduce_max3A_1215 [1] : vector<16x50xf32> to vector<16xf32>
      %broadcast_in_dim3A_1217 = vector.shape_cast %reduce_max3A_1216 : vector<16xf32> to vector<16x1xf32>
      %convert_element_type3A_1218 = arith.truncf %mul3A_1214 : vector<16x50xf32> to vector<16x50xbf16>
      %dot_general3A_1219 = arith.constant dense<0.000000e+00> : vector<16x50xf32>
      %dot_general3A_1220 = tpu.matmul %convert_element_type3A_1140, %convert_element_type3A, %dot_general3A_1219 {dimension_numbers = #tpu.dot_dimension_numbers<[1], [0], [0], [1], [0, 0, 1, 1], [], []>, transpose_lhs_hint = false} : vector<16x50xbf16>, vector<50x50xbf16>, vector<16x50xf32> -> vector<16x50xf32>
      %slice3A_1221 = vector.extract_strided_slice %get3A_820 {offsets = [0, 5, 0], sizes = [16, 1, 50], strides = [1, 1, 1]} : vector<16x8x50xf32> to vector<16x1x50xf32>
      %squeeze3A_1222 = vector.shape_cast %slice3A_1221 : vector<16x1x50xf32> to vector<16x50xf32>
      %mul3A_1223 = arith.mulf %squeeze3A_1222, %dot_general3A_1220 : vector<16x50xf32>
      %reduce_max3A_1224 = arith.constant dense<0xFF800000> : vector<16xf32>
      %reduce_max3A_1225 = vector.multi_reduction <maximumf>, %mul3A_1223, %reduce_max3A_1224 [1] : vector<16x50xf32> to vector<16xf32>
      %broadcast_in_dim3A_1226 = vector.shape_cast %reduce_max3A_1225 : vector<16xf32> to vector<16x1xf32>
      %convert_element_type3A_1227 = arith.truncf %mul3A_1223 : vector<16x50xf32> to vector<16x50xbf16>
      %dot_general3A_1228 = arith.constant dense<0.000000e+00> : vector<16x50xf32>
      %dot_general3A_1229 = tpu.matmul %convert_element_type3A_1146, %convert_element_type3A, %dot_general3A_1228 {dimension_numbers = #tpu.dot_dimension_numbers<[1], [0], [0], [1], [0, 0, 1, 1], [], []>, transpose_lhs_hint = false} : vector<16x50xbf16>, vector<50x50xbf16>, vector<16x50xf32> -> vector<16x50xf32>
      %slice3A_1230 = vector.extract_strided_slice %get3A_826 {offsets = [0, 5, 0], sizes = [16, 1, 50], strides = [1, 1, 1]} : vector<16x8x50xf32> to vector<16x1x50xf32>
      %squeeze3A_1231 = vector.shape_cast %slice3A_1230 : vector<16x1x50xf32> to vector<16x50xf32>
      %mul3A_1232 = arith.mulf %squeeze3A_1231, %dot_general3A_1229 : vector<16x50xf32>
      %reduce_max3A_1233 = arith.constant dense<0xFF800000> : vector<16xf32>
      %reduce_max3A_1234 = vector.multi_reduction <maximumf>, %mul3A_1232, %reduce_max3A_1233 [1] : vector<16x50xf32> to vector<16xf32>
      %broadcast_in_dim3A_1235 = vector.shape_cast %reduce_max3A_1234 : vector<16xf32> to vector<16x1xf32>
      %convert_element_type3A_1236 = arith.truncf %mul3A_1232 : vector<16x50xf32> to vector<16x50xbf16>
      %dot_general3A_1237 = arith.constant dense<0.000000e+00> : vector<16x50xf32>
      %dot_general3A_1238 = tpu.matmul %convert_element_type3A_1155, %convert_element_type3A, %dot_general3A_1237 {dimension_numbers = #tpu.dot_dimension_numbers<[1], [0], [0], [1], [0, 0, 1, 1], [], []>, transpose_lhs_hint = false} : vector<16x50xbf16>, vector<50x50xbf16>, vector<16x50xf32> -> vector<16x50xf32>
      %slice3A_1239 = vector.extract_strided_slice %get3A_772 {offsets = [0, 6, 0], sizes = [16, 1, 50], strides = [1, 1, 1]} : vector<16x8x50xf32> to vector<16x1x50xf32>
      %squeeze3A_1240 = vector.shape_cast %slice3A_1239 : vector<16x1x50xf32> to vector<16x50xf32>
      %mul3A_1241 = arith.mulf %squeeze3A_1240, %dot_general3A_1238 : vector<16x50xf32>
      %convert_element_type3A_1242 = arith.truncf %mul3A_1241 : vector<16x50xf32> to vector<16x50xbf16>
      %dot_general3A_1243 = arith.constant dense<0.000000e+00> : vector<16x50xf32>
      %dot_general3A_1244 = tpu.matmul %convert_element_type3A_1164, %convert_element_type3A, %dot_general3A_1243 {dimension_numbers = #tpu.dot_dimension_numbers<[1], [0], [0], [1], [0, 0, 1, 1], [], []>, transpose_lhs_hint = false} : vector<16x50xbf16>, vector<50x50xbf16>, vector<16x50xf32> -> vector<16x50xf32>
      %slice3A_1245 = vector.extract_strided_slice %get3A_778 {offsets = [0, 6, 0], sizes = [16, 1, 50], strides = [1, 1, 1]} : vector<16x8x50xf32> to vector<16x1x50xf32>
      %squeeze3A_1246 = vector.shape_cast %slice3A_1245 : vector<16x1x50xf32> to vector<16x50xf32>
      %mul3A_1247 = arith.mulf %squeeze3A_1246, %dot_general3A_1244 : vector<16x50xf32>
      %convert_element_type3A_1248 = arith.truncf %mul3A_1247 : vector<16x50xf32> to vector<16x50xbf16>
      %dot_general3A_1249 = arith.constant dense<0.000000e+00> : vector<16x50xf32>
      %dot_general3A_1250 = tpu.matmul %convert_element_type3A_1173, %convert_element_type3A, %dot_general3A_1249 {dimension_numbers = #tpu.dot_dimension_numbers<[1], [0], [0], [1], [0, 0, 1, 1], [], []>, transpose_lhs_hint = false} : vector<16x50xbf16>, vector<50x50xbf16>, vector<16x50xf32> -> vector<16x50xf32>
      %slice3A_1251 = vector.extract_strided_slice %get3A_784 {offsets = [0, 6, 0], sizes = [16, 1, 50], strides = [1, 1, 1]} : vector<16x8x50xf32> to vector<16x1x50xf32>
      %squeeze3A_1252 = vector.shape_cast %slice3A_1251 : vector<16x1x50xf32> to vector<16x50xf32>
      %mul3A_1253 = arith.mulf %squeeze3A_1252, %dot_general3A_1250 : vector<16x50xf32>
      %convert_element_type3A_1254 = arith.truncf %mul3A_1253 : vector<16x50xf32> to vector<16x50xbf16>
      %dot_general3A_1255 = arith.constant dense<0.000000e+00> : vector<16x50xf32>
      %dot_general3A_1256 = tpu.matmul %convert_element_type3A_1182, %convert_element_type3A, %dot_general3A_1255 {dimension_numbers = #tpu.dot_dimension_numbers<[1], [0], [0], [1], [0, 0, 1, 1], [], []>, transpose_lhs_hint = false} : vector<16x50xbf16>, vector<50x50xbf16>, vector<16x50xf32> -> vector<16x50xf32>
      %slice3A_1257 = vector.extract_strided_slice %get3A_790 {offsets = [0, 6, 0], sizes = [16, 1, 50], strides = [1, 1, 1]} : vector<16x8x50xf32> to vector<16x1x50xf32>
      %squeeze3A_1258 = vector.shape_cast %slice3A_1257 : vector<16x1x50xf32> to vector<16x50xf32>
      %mul3A_1259 = arith.mulf %squeeze3A_1258, %dot_general3A_1256 : vector<16x50xf32>
      %convert_element_type3A_1260 = arith.truncf %mul3A_1259 : vector<16x50xf32> to vector<16x50xbf16>
      %dot_general3A_1261 = arith.constant dense<0.000000e+00> : vector<16x50xf32>
      %dot_general3A_1262 = tpu.matmul %convert_element_type3A_1191, %convert_element_type3A, %dot_general3A_1261 {dimension_numbers = #tpu.dot_dimension_numbers<[1], [0], [0], [1], [0, 0, 1, 1], [], []>, transpose_lhs_hint = false} : vector<16x50xbf16>, vector<50x50xbf16>, vector<16x50xf32> -> vector<16x50xf32>
      %slice3A_1263 = vector.extract_strided_slice %get3A_796 {offsets = [0, 6, 0], sizes = [16, 1, 50], strides = [1, 1, 1]} : vector<16x8x50xf32> to vector<16x1x50xf32>
      %squeeze3A_1264 = vector.shape_cast %slice3A_1263 : vector<16x1x50xf32> to vector<16x50xf32>
      %mul3A_1265 = arith.mulf %squeeze3A_1264, %dot_general3A_1262 : vector<16x50xf32>
      %convert_element_type3A_1266 = arith.truncf %mul3A_1265 : vector<16x50xf32> to vector<16x50xbf16>
      %dot_general3A_1267 = arith.constant dense<0.000000e+00> : vector<16x50xf32>
      %dot_general3A_1268 = tpu.matmul %convert_element_type3A_1200, %convert_element_type3A, %dot_general3A_1267 {dimension_numbers = #tpu.dot_dimension_numbers<[1], [0], [0], [1], [0, 0, 1, 1], [], []>, transpose_lhs_hint = false} : vector<16x50xbf16>, vector<50x50xbf16>, vector<16x50xf32> -> vector<16x50xf32>
      %slice3A_1269 = vector.extract_strided_slice %get3A_802 {offsets = [0, 6, 0], sizes = [16, 1, 50], strides = [1, 1, 1]} : vector<16x8x50xf32> to vector<16x1x50xf32>
      %squeeze3A_1270 = vector.shape_cast %slice3A_1269 : vector<16x1x50xf32> to vector<16x50xf32>
      %mul3A_1271 = arith.mulf %squeeze3A_1270, %dot_general3A_1268 : vector<16x50xf32>
      %convert_element_type3A_1272 = arith.truncf %mul3A_1271 : vector<16x50xf32> to vector<16x50xbf16>
      %dot_general3A_1273 = arith.constant dense<0.000000e+00> : vector<16x50xf32>
      %dot_general3A_1274 = tpu.matmul %convert_element_type3A_1209, %convert_element_type3A, %dot_general3A_1273 {dimension_numbers = #tpu.dot_dimension_numbers<[1], [0], [0], [1], [0, 0, 1, 1], [], []>, transpose_lhs_hint = false} : vector<16x50xbf16>, vector<50x50xbf16>, vector<16x50xf32> -> vector<16x50xf32>
      %slice3A_1275 = vector.extract_strided_slice %get3A_808 {offsets = [0, 6, 0], sizes = [16, 1, 50], strides = [1, 1, 1]} : vector<16x8x50xf32> to vector<16x1x50xf32>
      %squeeze3A_1276 = vector.shape_cast %slice3A_1275 : vector<16x1x50xf32> to vector<16x50xf32>
      %mul3A_1277 = arith.mulf %squeeze3A_1276, %dot_general3A_1274 : vector<16x50xf32>
      %convert_element_type3A_1278 = arith.truncf %mul3A_1277 : vector<16x50xf32> to vector<16x50xbf16>
      %dot_general3A_1279 = arith.constant dense<0.000000e+00> : vector<16x50xf32>
      %dot_general3A_1280 = tpu.matmul %convert_element_type3A_1218, %convert_element_type3A, %dot_general3A_1279 {dimension_numbers = #tpu.dot_dimension_numbers<[1], [0], [0], [1], [0, 0, 1, 1], [], []>, transpose_lhs_hint = false} : vector<16x50xbf16>, vector<50x50xbf16>, vector<16x50xf32> -> vector<16x50xf32>
      %slice3A_1281 = vector.extract_strided_slice %get3A_814 {offsets = [0, 6, 0], sizes = [16, 1, 50], strides = [1, 1, 1]} : vector<16x8x50xf32> to vector<16x1x50xf32>
      %squeeze3A_1282 = vector.shape_cast %slice3A_1281 : vector<16x1x50xf32> to vector<16x50xf32>
      %mul3A_1283 = arith.mulf %squeeze3A_1282, %dot_general3A_1280 : vector<16x50xf32>
      %convert_element_type3A_1284 = arith.truncf %mul3A_1283 : vector<16x50xf32> to vector<16x50xbf16>
      %dot_general3A_1285 = arith.constant dense<0.000000e+00> : vector<16x50xf32>
      %dot_general3A_1286 = tpu.matmul %convert_element_type3A_1227, %convert_element_type3A, %dot_general3A_1285 {dimension_numbers = #tpu.dot_dimension_numbers<[1], [0], [0], [1], [0, 0, 1, 1], [], []>, transpose_lhs_hint = false} : vector<16x50xbf16>, vector<50x50xbf16>, vector<16x50xf32> -> vector<16x50xf32>
      %slice3A_1287 = vector.extract_strided_slice %get3A_820 {offsets = [0, 6, 0], sizes = [16, 1, 50], strides = [1, 1, 1]} : vector<16x8x50xf32> to vector<16x1x50xf32>
      %squeeze3A_1288 = vector.shape_cast %slice3A_1287 : vector<16x1x50xf32> to vector<16x50xf32>
      %mul3A_1289 = arith.mulf %squeeze3A_1288, %dot_general3A_1286 : vector<16x50xf32>
      %convert_element_type3A_1290 = arith.truncf %mul3A_1289 : vector<16x50xf32> to vector<16x50xbf16>
      %dot_general3A_1291 = arith.constant dense<0.000000e+00> : vector<16x50xf32>
      %dot_general3A_1292 = tpu.matmul %convert_element_type3A_1236, %convert_element_type3A, %dot_general3A_1291 {dimension_numbers = #tpu.dot_dimension_numbers<[1], [0], [0], [1], [0, 0, 1, 1], [], []>, transpose_lhs_hint = false} : vector<16x50xbf16>, vector<50x50xbf16>, vector<16x50xf32> -> vector<16x50xf32>
      %slice3A_1293 = vector.extract_strided_slice %get3A_826 {offsets = [0, 6, 0], sizes = [16, 1, 50], strides = [1, 1, 1]} : vector<16x8x50xf32> to vector<16x1x50xf32>
      %squeeze3A_1294 = vector.shape_cast %slice3A_1293 : vector<16x1x50xf32> to vector<16x50xf32>
      %mul3A_1295 = arith.mulf %squeeze3A_1294, %dot_general3A_1292 : vector<16x50xf32>
      %convert_element_type3A_1296 = arith.truncf %mul3A_1295 : vector<16x50xf32> to vector<16x50xbf16>
      %dot_general3A_1297 = arith.constant dense<0.000000e+00> : vector<16x50xf32>
      %dot_general3A_1298 = tpu.matmul %convert_element_type3A_1242, %convert_element_type3A, %dot_general3A_1297 {dimension_numbers = #tpu.dot_dimension_numbers<[1], [0], [0], [1], [0, 0, 1, 1], [], []>, transpose_lhs_hint = false} : vector<16x50xbf16>, vector<50x50xbf16>, vector<16x50xf32> -> vector<16x50xf32>
      %slice3A_1299 = vector.extract_strided_slice %get3A_772 {offsets = [0, 7, 0], sizes = [16, 1, 50], strides = [1, 1, 1]} : vector<16x8x50xf32> to vector<16x1x50xf32>
      %squeeze3A_1300 = vector.shape_cast %slice3A_1299 : vector<16x1x50xf32> to vector<16x50xf32>
      %mul3A_1301 = arith.mulf %squeeze3A_1300, %dot_general3A_1298 : vector<16x50xf32>
      %convert_element_type3A_1302 = arith.truncf %mul3A_1301 : vector<16x50xf32> to vector<16x50xbf16>
      %dot_general3A_1303 = arith.constant dense<0.000000e+00> : vector<16x50xf32>
      %dot_general3A_1304 = tpu.matmul %convert_element_type3A_1248, %convert_element_type3A, %dot_general3A_1303 {dimension_numbers = #tpu.dot_dimension_numbers<[1], [0], [0], [1], [0, 0, 1, 1], [], []>, transpose_lhs_hint = false} : vector<16x50xbf16>, vector<50x50xbf16>, vector<16x50xf32> -> vector<16x50xf32>
      %slice3A_1305 = vector.extract_strided_slice %get3A_778 {offsets = [0, 7, 0], sizes = [16, 1, 50], strides = [1, 1, 1]} : vector<16x8x50xf32> to vector<16x1x50xf32>
      %squeeze3A_1306 = vector.shape_cast %slice3A_1305 : vector<16x1x50xf32> to vector<16x50xf32>
      %mul3A_1307 = arith.mulf %squeeze3A_1306, %dot_general3A_1304 : vector<16x50xf32>
      %convert_element_type3A_1308 = arith.truncf %mul3A_1307 : vector<16x50xf32> to vector<16x50xbf16>
      %dot_general3A_1309 = arith.constant dense<0.000000e+00> : vector<16x50xf32>
      %dot_general3A_1310 = tpu.matmul %convert_element_type3A_1254, %convert_element_type3A, %dot_general3A_1309 {dimension_numbers = #tpu.dot_dimension_numbers<[1], [0], [0], [1], [0, 0, 1, 1], [], []>, transpose_lhs_hint = false} : vector<16x50xbf16>, vector<50x50xbf16>, vector<16x50xf32> -> vector<16x50xf32>
      %slice3A_1311 = vector.extract_strided_slice %get3A_784 {offsets = [0, 7, 0], sizes = [16, 1, 50], strides = [1, 1, 1]} : vector<16x8x50xf32> to vector<16x1x50xf32>
      %squeeze3A_1312 = vector.shape_cast %slice3A_1311 : vector<16x1x50xf32> to vector<16x50xf32>
      %mul3A_1313 = arith.mulf %squeeze3A_1312, %dot_general3A_1310 : vector<16x50xf32>
      %convert_element_type3A_1314 = arith.truncf %mul3A_1313 : vector<16x50xf32> to vector<16x50xbf16>
      %dot_general3A_1315 = arith.constant dense<0.000000e+00> : vector<16x50xf32>
      %dot_general3A_1316 = tpu.matmul %convert_element_type3A_1260, %convert_element_type3A, %dot_general3A_1315 {dimension_numbers = #tpu.dot_dimension_numbers<[1], [0], [0], [1], [0, 0, 1, 1], [], []>, transpose_lhs_hint = false} : vector<16x50xbf16>, vector<50x50xbf16>, vector<16x50xf32> -> vector<16x50xf32>
      %slice3A_1317 = vector.extract_strided_slice %get3A_790 {offsets = [0, 7, 0], sizes = [16, 1, 50], strides = [1, 1, 1]} : vector<16x8x50xf32> to vector<16x1x50xf32>
      %squeeze3A_1318 = vector.shape_cast %slice3A_1317 : vector<16x1x50xf32> to vector<16x50xf32>
      %mul3A_1319 = arith.mulf %squeeze3A_1318, %dot_general3A_1316 : vector<16x50xf32>
      %convert_element_type3A_1320 = arith.truncf %mul3A_1319 : vector<16x50xf32> to vector<16x50xbf16>
      %dot_general3A_1321 = arith.constant dense<0.000000e+00> : vector<16x50xf32>
      %dot_general3A_1322 = tpu.matmul %convert_element_type3A_1266, %convert_element_type3A, %dot_general3A_1321 {dimension_numbers = #tpu.dot_dimension_numbers<[1], [0], [0], [1], [0, 0, 1, 1], [], []>, transpose_lhs_hint = false} : vector<16x50xbf16>, vector<50x50xbf16>, vector<16x50xf32> -> vector<16x50xf32>
      %slice3A_1323 = vector.extract_strided_slice %get3A_796 {offsets = [0, 7, 0], sizes = [16, 1, 50], strides = [1, 1, 1]} : vector<16x8x50xf32> to vector<16x1x50xf32>
      %squeeze3A_1324 = vector.shape_cast %slice3A_1323 : vector<16x1x50xf32> to vector<16x50xf32>
      %mul3A_1325 = arith.mulf %squeeze3A_1324, %dot_general3A_1322 : vector<16x50xf32>
      %convert_element_type3A_1326 = arith.truncf %mul3A_1325 : vector<16x50xf32> to vector<16x50xbf16>
      %dot_general3A_1327 = arith.constant dense<0.000000e+00> : vector<16x50xf32>
      %dot_general3A_1328 = tpu.matmul %convert_element_type3A_1272, %convert_element_type3A, %dot_general3A_1327 {dimension_numbers = #tpu.dot_dimension_numbers<[1], [0], [0], [1], [0, 0, 1, 1], [], []>, transpose_lhs_hint = false} : vector<16x50xbf16>, vector<50x50xbf16>, vector<16x50xf32> -> vector<16x50xf32>
      %slice3A_1329 = vector.extract_strided_slice %get3A_802 {offsets = [0, 7, 0], sizes = [16, 1, 50], strides = [1, 1, 1]} : vector<16x8x50xf32> to vector<16x1x50xf32>
      %squeeze3A_1330 = vector.shape_cast %slice3A_1329 : vector<16x1x50xf32> to vector<16x50xf32>
      %mul3A_1331 = arith.mulf %squeeze3A_1330, %dot_general3A_1328 : vector<16x50xf32>
      %convert_element_type3A_1332 = arith.truncf %mul3A_1331 : vector<16x50xf32> to vector<16x50xbf16>
      %dot_general3A_1333 = arith.constant dense<0.000000e+00> : vector<16x50xf32>
      %dot_general3A_1334 = tpu.matmul %convert_element_type3A_1278, %convert_element_type3A, %dot_general3A_1333 {dimension_numbers = #tpu.dot_dimension_numbers<[1], [0], [0], [1], [0, 0, 1, 1], [], []>, transpose_lhs_hint = false} : vector<16x50xbf16>, vector<50x50xbf16>, vector<16x50xf32> -> vector<16x50xf32>
      %slice3A_1335 = vector.extract_strided_slice %get3A_808 {offsets = [0, 7, 0], sizes = [16, 1, 50], strides = [1, 1, 1]} : vector<16x8x50xf32> to vector<16x1x50xf32>
      %squeeze3A_1336 = vector.shape_cast %slice3A_1335 : vector<16x1x50xf32> to vector<16x50xf32>
      %mul3A_1337 = arith.mulf %squeeze3A_1336, %dot_general3A_1334 : vector<16x50xf32>
      %convert_element_type3A_1338 = arith.truncf %mul3A_1337 : vector<16x50xf32> to vector<16x50xbf16>
      %dot_general3A_1339 = arith.constant dense<0.000000e+00> : vector<16x50xf32>
      %dot_general3A_1340 = tpu.matmul %convert_element_type3A_1284, %convert_element_type3A, %dot_general3A_1339 {dimension_numbers = #tpu.dot_dimension_numbers<[1], [0], [0], [1], [0, 0, 1, 1], [], []>, transpose_lhs_hint = false} : vector<16x50xbf16>, vector<50x50xbf16>, vector<16x50xf32> -> vector<16x50xf32>
      %slice3A_1341 = vector.extract_strided_slice %get3A_814 {offsets = [0, 7, 0], sizes = [16, 1, 50], strides = [1, 1, 1]} : vector<16x8x50xf32> to vector<16x1x50xf32>
      %squeeze3A_1342 = vector.shape_cast %slice3A_1341 : vector<16x1x50xf32> to vector<16x50xf32>
      %mul3A_1343 = arith.mulf %squeeze3A_1342, %dot_general3A_1340 : vector<16x50xf32>
      %convert_element_type3A_1344 = arith.truncf %mul3A_1343 : vector<16x50xf32> to vector<16x50xbf16>
      %dot_general3A_1345 = arith.constant dense<0.000000e+00> : vector<16x50xf32>
      %dot_general3A_1346 = tpu.matmul %convert_element_type3A_1290, %convert_element_type3A, %dot_general3A_1345 {dimension_numbers = #tpu.dot_dimension_numbers<[1], [0], [0], [1], [0, 0, 1, 1], [], []>, transpose_lhs_hint = false} : vector<16x50xbf16>, vector<50x50xbf16>, vector<16x50xf32> -> vector<16x50xf32>
      %slice3A_1347 = vector.extract_strided_slice %get3A_820 {offsets = [0, 7, 0], sizes = [16, 1, 50], strides = [1, 1, 1]} : vector<16x8x50xf32> to vector<16x1x50xf32>
      %squeeze3A_1348 = vector.shape_cast %slice3A_1347 : vector<16x1x50xf32> to vector<16x50xf32>
      %mul3A_1349 = arith.mulf %squeeze3A_1348, %dot_general3A_1346 : vector<16x50xf32>
      %convert_element_type3A_1350 = arith.truncf %mul3A_1349 : vector<16x50xf32> to vector<16x50xbf16>
      %dot_general3A_1351 = arith.constant dense<0.000000e+00> : vector<16x50xf32>
      %dot_general3A_1352 = tpu.matmul %convert_element_type3A_1296, %convert_element_type3A, %dot_general3A_1351 {dimension_numbers = #tpu.dot_dimension_numbers<[1], [0], [0], [1], [0, 0, 1, 1], [], []>, transpose_lhs_hint = false} : vector<16x50xbf16>, vector<50x50xbf16>, vector<16x50xf32> -> vector<16x50xf32>
      %slice3A_1353 = vector.extract_strided_slice %get3A_826 {offsets = [0, 7, 0], sizes = [16, 1, 50], strides = [1, 1, 1]} : vector<16x8x50xf32> to vector<16x1x50xf32>
      %squeeze3A_1354 = vector.shape_cast %slice3A_1353 : vector<16x1x50xf32> to vector<16x50xf32>
      %mul3A_1355 = arith.mulf %squeeze3A_1354, %dot_general3A_1352 : vector<16x50xf32>
      %convert_element_type3A_1356 = arith.truncf %mul3A_1355 : vector<16x50xf32> to vector<16x50xbf16>
      %log3A_1357 = math.log %broadcast_in_dim3A_1154 : vector<16x1xf32>
      %add3A_1358 = arith.addf %scan3A_763, %log3A_1357 : vector<16x1xf32>
      %div3A_1359 = arith.constant 1.000000e+00 : f32
      %div3A_1360 = vector.broadcast %div3A_1359 : f32 to vector<16x1xf32>
      %div3A_1361 = arith.divf %div3A_1360, %broadcast_in_dim3A_1154 : vector<16x1xf32>
      %div3A_1362 = arith.constant 1.000000e+00 : f32
      %div3A_1363 = vector.broadcast %div3A_1362 : f32 to vector<16x1xf32>
      %div3A_1364 = arith.divf %div3A_1363, %broadcast_in_dim3A_1163 : vector<16x1xf32>
      %div3A_1365 = arith.constant 1.000000e+00 : f32
      %div3A_1366 = vector.broadcast %div3A_1365 : f32 to vector<16x1xf32>
      %div3A_1367 = arith.divf %div3A_1366, %broadcast_in_dim3A_1172 : vector<16x1xf32>
      %div3A_1368 = arith.constant 1.000000e+00 : f32
      %div3A_1369 = vector.broadcast %div3A_1368 : f32 to vector<16x1xf32>
      %div3A_1370 = arith.divf %div3A_1369, %broadcast_in_dim3A_1181 : vector<16x1xf32>
      %div3A_1371 = arith.constant 1.000000e+00 : f32
      %div3A_1372 = vector.broadcast %div3A_1371 : f32 to vector<16x1xf32>
      %div3A_1373 = arith.divf %div3A_1372, %broadcast_in_dim3A_1190 : vector<16x1xf32>
      %div3A_1374 = arith.constant 1.000000e+00 : f32
      %div3A_1375 = vector.broadcast %div3A_1374 : f32 to vector<16x1xf32>
      %div3A_1376 = arith.divf %div3A_1375, %broadcast_in_dim3A_1199 : vector<16x1xf32>
      %div3A_1377 = arith.constant 1.000000e+00 : f32
      %div3A_1378 = vector.broadcast %div3A_1377 : f32 to vector<16x1xf32>
      %div3A_1379 = arith.divf %div3A_1378, %broadcast_in_dim3A_1208 : vector<16x1xf32>
      %div3A_1380 = arith.constant 1.000000e+00 : f32
      %div3A_1381 = vector.broadcast %div3A_1380 : f32 to vector<16x1xf32>
      %div3A_1382 = arith.divf %div3A_1381, %broadcast_in_dim3A_1217 : vector<16x1xf32>
      %div3A_1383 = arith.constant 1.000000e+00 : f32
      %div3A_1384 = vector.broadcast %div3A_1383 : f32 to vector<16x1xf32>
      %div3A_1385 = arith.divf %div3A_1384, %broadcast_in_dim3A_1226 : vector<16x1xf32>
      %div3A_1386 = arith.constant 1.000000e+00 : f32
      %div3A_1387 = vector.broadcast %div3A_1386 : f32 to vector<16x1xf32>
      %div3A_1388 = arith.divf %div3A_1387, %broadcast_in_dim3A_1235 : vector<16x1xf32>
      scf.yield %convert_element_type3A_1302, %convert_element_type3A_1308, %convert_element_type3A_1314, %convert_element_type3A_1320, %convert_element_type3A_1326, %convert_element_type3A_1332, %convert_element_type3A_1338, %convert_element_type3A_1344, %convert_element_type3A_1350, %convert_element_type3A_1356, %div3A_1361, %div3A_1364, %div3A_1367, %div3A_1370, %div3A_1373, %div3A_1376, %div3A_1379, %div3A_1382, %div3A_1385, %div3A_1388, %add3A_1358 : vector<16x50xbf16>, vector<16x50xbf16>, vector<16x50xbf16>, vector<16x50xbf16>, vector<16x50xbf16>, vector<16x50xbf16>, vector<16x50xbf16>, vector<16x50xbf16>, vector<16x50xbf16>, vector<16x50xbf16>, vector<16x1xf32>, vector<16x1xf32>, vector<16x1xf32>, vector<16x1xf32>, vector<16x1xf32>, vector<16x1xf32>, vector<16x1xf32>, vector<16x1xf32>, vector<16x1xf32>, vector<16x1xf32>, vector<16x1xf32>
    }
    %scan3A_24 = arith.constant 3 : i32
    %multiple_of3A = arith.constant 24 : i32
    %multiple_of3A_25 = tpu.assume_multiple %multiple_of3A, 8 : i32
    %add3A = arith.constant 0 : i32
    %add3A_26 = arith.addi %add3A, %multiple_of3A_25 : i32
    %get3A_27 = arith.constant 0 : index
    %get3A_28 = arith.index_cast %add3A_26 : i32 to index
    %get3A_29 = arith.constant 0 : index
    %get3A_30 = vector.load %arg3[%get3A_27, %get3A_28, %get3A_29] : memref<16x512x50xf32, #tpu.memory_space<vmem>>, vector<16x8x50xf32>
    %add3A_31 = arith.constant 48 : i32
    %add3A_32 = arith.addi %add3A_31, %multiple_of3A_25 : i32
    %get3A_33 = arith.constant 0 : index
    %get3A_34 = arith.index_cast %add3A_32 : i32 to index
    %get3A_35 = arith.constant 0 : index
    %get3A_36 = vector.load %arg3[%get3A_33, %get3A_34, %get3A_35] : memref<16x512x50xf32, #tpu.memory_space<vmem>>, vector<16x8x50xf32>
    %add3A_37 = arith.constant 96 : i32
    %add3A_38 = arith.addi %add3A_37, %multiple_of3A_25 : i32
    %get3A_39 = arith.constant 0 : index
    %get3A_40 = arith.index_cast %add3A_38 : i32 to index
    %get3A_41 = arith.constant 0 : index
    %get3A_42 = vector.load %arg3[%get3A_39, %get3A_40, %get3A_41] : memref<16x512x50xf32, #tpu.memory_space<vmem>>, vector<16x8x50xf32>
    %add3A_43 = arith.constant 144 : i32
    %add3A_44 = arith.addi %add3A_43, %multiple_of3A_25 : i32
    %get3A_45 = arith.constant 0 : index
    %get3A_46 = arith.index_cast %add3A_44 : i32 to index
    %get3A_47 = arith.constant 0 : index
    %get3A_48 = vector.load %arg3[%get3A_45, %get3A_46, %get3A_47] : memref<16x512x50xf32, #tpu.memory_space<vmem>>, vector<16x8x50xf32>
    %add3A_49 = arith.constant 192 : i32
    %add3A_50 = arith.addi %add3A_49, %multiple_of3A_25 : i32
    %get3A_51 = arith.constant 0 : index
    %get3A_52 = arith.index_cast %add3A_50 : i32 to index
    %get3A_53 = arith.constant 0 : index
    %get3A_54 = vector.load %arg3[%get3A_51, %get3A_52, %get3A_53] : memref<16x512x50xf32, #tpu.memory_space<vmem>>, vector<16x8x50xf32>
    %add3A_55 = arith.constant 240 : i32
    %add3A_56 = arith.addi %add3A_55, %multiple_of3A_25 : i32
    %get3A_57 = arith.constant 0 : index
    %get3A_58 = arith.index_cast %add3A_56 : i32 to index
    %get3A_59 = arith.constant 0 : index
    %get3A_60 = vector.load %arg3[%get3A_57, %get3A_58, %get3A_59] : memref<16x512x50xf32, #tpu.memory_space<vmem>>, vector<16x8x50xf32>
    %add3A_61 = arith.constant 288 : i32
    %add3A_62 = arith.addi %add3A_61, %multiple_of3A_25 : i32
    %get3A_63 = arith.constant 0 : index
    %get3A_64 = arith.index_cast %add3A_62 : i32 to index
    %get3A_65 = arith.constant 0 : index
    %get3A_66 = vector.load %arg3[%get3A_63, %get3A_64, %get3A_65] : memref<16x512x50xf32, #tpu.memory_space<vmem>>, vector<16x8x50xf32>
    %add3A_67 = arith.constant 336 : i32
    %add3A_68 = arith.addi %add3A_67, %multiple_of3A_25 : i32
    %get3A_69 = arith.constant 0 : index
    %get3A_70 = arith.index_cast %add3A_68 : i32 to index
    %get3A_71 = arith.constant 0 : index
    %get3A_72 = vector.load %arg3[%get3A_69, %get3A_70, %get3A_71] : memref<16x512x50xf32, #tpu.memory_space<vmem>>, vector<16x8x50xf32>
    %add3A_73 = arith.constant 384 : i32
    %add3A_74 = arith.addi %add3A_73, %multiple_of3A_25 : i32
    %get3A_75 = arith.constant 0 : index
    %get3A_76 = arith.index_cast %add3A_74 : i32 to index
    %get3A_77 = arith.constant 0 : index
    %get3A_78 = vector.load %arg3[%get3A_75, %get3A_76, %get3A_77] : memref<16x512x50xf32, #tpu.memory_space<vmem>>, vector<16x8x50xf32>
    %add3A_79 = arith.constant 432 : i32
    %add3A_80 = arith.addi %add3A_79, %multiple_of3A_25 : i32
    %get3A_81 = arith.constant 0 : index
    %get3A_82 = arith.index_cast %add3A_80 : i32 to index
    %get3A_83 = arith.constant 0 : index
    %get3A_84 = vector.load %arg3[%get3A_81, %get3A_82, %get3A_83] : memref<16x512x50xf32, #tpu.memory_space<vmem>>, vector<16x8x50xf32>
    %dot_general3A = arith.constant dense<0.000000e+00> : vector<16x50xf32>
    %dot_general3A_85 = tpu.matmul %scan3A_23#0, %convert_element_type3A, %dot_general3A {dimension_numbers = #tpu.dot_dimension_numbers<[1], [0], [0], [1], [0, 0, 1, 1], [], []>, transpose_lhs_hint = false} : vector<16x50xbf16>, vector<50x50xbf16>, vector<16x50xf32> -> vector<16x50xf32>
    %slice3A = vector.extract_strided_slice %get3A_30 {offsets = [0, 0, 0], sizes = [16, 1, 50], strides = [1, 1, 1]} : vector<16x8x50xf32> to vector<16x1x50xf32>
    %squeeze3A = vector.shape_cast %slice3A : vector<16x1x50xf32> to vector<16x50xf32>
    %mul3A = arith.mulf %squeeze3A, %dot_general3A_85 : vector<16x50xf32>
    %mul3A_86 = vector.broadcast %scan3A_23#10 : vector<16x1xf32> to vector<16x50xf32>
    %mul3A_87 = arith.mulf %mul3A, %mul3A_86 : vector<16x50xf32>
    %convert_element_type3A_88 = arith.truncf %mul3A_87 : vector<16x50xf32> to vector<16x50xbf16>
    %dot_general3A_89 = arith.constant dense<0.000000e+00> : vector<16x50xf32>
    %dot_general3A_90 = tpu.matmul %scan3A_23#1, %convert_element_type3A, %dot_general3A_89 {dimension_numbers = #tpu.dot_dimension_numbers<[1], [0], [0], [1], [0, 0, 1, 1], [], []>, transpose_lhs_hint = false} : vector<16x50xbf16>, vector<50x50xbf16>, vector<16x50xf32> -> vector<16x50xf32>
    %slice3A_91 = vector.extract_strided_slice %get3A_36 {offsets = [0, 0, 0], sizes = [16, 1, 50], strides = [1, 1, 1]} : vector<16x8x50xf32> to vector<16x1x50xf32>
    %squeeze3A_92 = vector.shape_cast %slice3A_91 : vector<16x1x50xf32> to vector<16x50xf32>
    %mul3A_93 = arith.mulf %squeeze3A_92, %dot_general3A_90 : vector<16x50xf32>
    %mul3A_94 = vector.broadcast %scan3A_23#11 : vector<16x1xf32> to vector<16x50xf32>
    %mul3A_95 = arith.mulf %mul3A_93, %mul3A_94 : vector<16x50xf32>
    %convert_element_type3A_96 = arith.truncf %mul3A_95 : vector<16x50xf32> to vector<16x50xbf16>
    %dot_general3A_97 = arith.constant dense<0.000000e+00> : vector<16x50xf32>
    %dot_general3A_98 = tpu.matmul %scan3A_23#2, %convert_element_type3A, %dot_general3A_97 {dimension_numbers = #tpu.dot_dimension_numbers<[1], [0], [0], [1], [0, 0, 1, 1], [], []>, transpose_lhs_hint = false} : vector<16x50xbf16>, vector<50x50xbf16>, vector<16x50xf32> -> vector<16x50xf32>
    %slice3A_99 = vector.extract_strided_slice %get3A_42 {offsets = [0, 0, 0], sizes = [16, 1, 50], strides = [1, 1, 1]} : vector<16x8x50xf32> to vector<16x1x50xf32>
    %squeeze3A_100 = vector.shape_cast %slice3A_99 : vector<16x1x50xf32> to vector<16x50xf32>
    %mul3A_101 = arith.mulf %squeeze3A_100, %dot_general3A_98 : vector<16x50xf32>
    %mul3A_102 = vector.broadcast %scan3A_23#12 : vector<16x1xf32> to vector<16x50xf32>
    %mul3A_103 = arith.mulf %mul3A_101, %mul3A_102 : vector<16x50xf32>
    %convert_element_type3A_104 = arith.truncf %mul3A_103 : vector<16x50xf32> to vector<16x50xbf16>
    %dot_general3A_105 = arith.constant dense<0.000000e+00> : vector<16x50xf32>
    %dot_general3A_106 = tpu.matmul %scan3A_23#3, %convert_element_type3A, %dot_general3A_105 {dimension_numbers = #tpu.dot_dimension_numbers<[1], [0], [0], [1], [0, 0, 1, 1], [], []>, transpose_lhs_hint = false} : vector<16x50xbf16>, vector<50x50xbf16>, vector<16x50xf32> -> vector<16x50xf32>
    %slice3A_107 = vector.extract_strided_slice %get3A_48 {offsets = [0, 0, 0], sizes = [16, 1, 50], strides = [1, 1, 1]} : vector<16x8x50xf32> to vector<16x1x50xf32>
    %squeeze3A_108 = vector.shape_cast %slice3A_107 : vector<16x1x50xf32> to vector<16x50xf32>
    %mul3A_109 = arith.mulf %squeeze3A_108, %dot_general3A_106 : vector<16x50xf32>
    %mul3A_110 = vector.broadcast %scan3A_23#13 : vector<16x1xf32> to vector<16x50xf32>
    %mul3A_111 = arith.mulf %mul3A_109, %mul3A_110 : vector<16x50xf32>
    %convert_element_type3A_112 = arith.truncf %mul3A_111 : vector<16x50xf32> to vector<16x50xbf16>
    %dot_general3A_113 = arith.constant dense<0.000000e+00> : vector<16x50xf32>
    %dot_general3A_114 = tpu.matmul %scan3A_23#4, %convert_element_type3A, %dot_general3A_113 {dimension_numbers = #tpu.dot_dimension_numbers<[1], [0], [0], [1], [0, 0, 1, 1], [], []>, transpose_lhs_hint = false} : vector<16x50xbf16>, vector<50x50xbf16>, vector<16x50xf32> -> vector<16x50xf32>
    %slice3A_115 = vector.extract_strided_slice %get3A_54 {offsets = [0, 0, 0], sizes = [16, 1, 50], strides = [1, 1, 1]} : vector<16x8x50xf32> to vector<16x1x50xf32>
    %squeeze3A_116 = vector.shape_cast %slice3A_115 : vector<16x1x50xf32> to vector<16x50xf32>
    %mul3A_117 = arith.mulf %squeeze3A_116, %dot_general3A_114 : vector<16x50xf32>
    %mul3A_118 = vector.broadcast %scan3A_23#14 : vector<16x1xf32> to vector<16x50xf32>
    %mul3A_119 = arith.mulf %mul3A_117, %mul3A_118 : vector<16x50xf32>
    %convert_element_type3A_120 = arith.truncf %mul3A_119 : vector<16x50xf32> to vector<16x50xbf16>
    %dot_general3A_121 = arith.constant dense<0.000000e+00> : vector<16x50xf32>
    %dot_general3A_122 = tpu.matmul %scan3A_23#5, %convert_element_type3A, %dot_general3A_121 {dimension_numbers = #tpu.dot_dimension_numbers<[1], [0], [0], [1], [0, 0, 1, 1], [], []>, transpose_lhs_hint = false} : vector<16x50xbf16>, vector<50x50xbf16>, vector<16x50xf32> -> vector<16x50xf32>
    %slice3A_123 = vector.extract_strided_slice %get3A_60 {offsets = [0, 0, 0], sizes = [16, 1, 50], strides = [1, 1, 1]} : vector<16x8x50xf32> to vector<16x1x50xf32>
    %squeeze3A_124 = vector.shape_cast %slice3A_123 : vector<16x1x50xf32> to vector<16x50xf32>
    %mul3A_125 = arith.mulf %squeeze3A_124, %dot_general3A_122 : vector<16x50xf32>
    %mul3A_126 = vector.broadcast %scan3A_23#15 : vector<16x1xf32> to vector<16x50xf32>
    %mul3A_127 = arith.mulf %mul3A_125, %mul3A_126 : vector<16x50xf32>
    %convert_element_type3A_128 = arith.truncf %mul3A_127 : vector<16x50xf32> to vector<16x50xbf16>
    %dot_general3A_129 = arith.constant dense<0.000000e+00> : vector<16x50xf32>
    %dot_general3A_130 = tpu.matmul %scan3A_23#6, %convert_element_type3A, %dot_general3A_129 {dimension_numbers = #tpu.dot_dimension_numbers<[1], [0], [0], [1], [0, 0, 1, 1], [], []>, transpose_lhs_hint = false} : vector<16x50xbf16>, vector<50x50xbf16>, vector<16x50xf32> -> vector<16x50xf32>
    %slice3A_131 = vector.extract_strided_slice %get3A_66 {offsets = [0, 0, 0], sizes = [16, 1, 50], strides = [1, 1, 1]} : vector<16x8x50xf32> to vector<16x1x50xf32>
    %squeeze3A_132 = vector.shape_cast %slice3A_131 : vector<16x1x50xf32> to vector<16x50xf32>
    %mul3A_133 = arith.mulf %squeeze3A_132, %dot_general3A_130 : vector<16x50xf32>
    %mul3A_134 = vector.broadcast %scan3A_23#16 : vector<16x1xf32> to vector<16x50xf32>
    %mul3A_135 = arith.mulf %mul3A_133, %mul3A_134 : vector<16x50xf32>
    %convert_element_type3A_136 = arith.truncf %mul3A_135 : vector<16x50xf32> to vector<16x50xbf16>
    %dot_general3A_137 = arith.constant dense<0.000000e+00> : vector<16x50xf32>
    %dot_general3A_138 = tpu.matmul %scan3A_23#7, %convert_element_type3A, %dot_general3A_137 {dimension_numbers = #tpu.dot_dimension_numbers<[1], [0], [0], [1], [0, 0, 1, 1], [], []>, transpose_lhs_hint = false} : vector<16x50xbf16>, vector<50x50xbf16>, vector<16x50xf32> -> vector<16x50xf32>
    %slice3A_139 = vector.extract_strided_slice %get3A_72 {offsets = [0, 0, 0], sizes = [16, 1, 50], strides = [1, 1, 1]} : vector<16x8x50xf32> to vector<16x1x50xf32>
    %squeeze3A_140 = vector.shape_cast %slice3A_139 : vector<16x1x50xf32> to vector<16x50xf32>
    %mul3A_141 = arith.mulf %squeeze3A_140, %dot_general3A_138 : vector<16x50xf32>
    %mul3A_142 = vector.broadcast %scan3A_23#17 : vector<16x1xf32> to vector<16x50xf32>
    %mul3A_143 = arith.mulf %mul3A_141, %mul3A_142 : vector<16x50xf32>
    %convert_element_type3A_144 = arith.truncf %mul3A_143 : vector<16x50xf32> to vector<16x50xbf16>
    %dot_general3A_145 = arith.constant dense<0.000000e+00> : vector<16x50xf32>
    %dot_general3A_146 = tpu.matmul %scan3A_23#8, %convert_element_type3A, %dot_general3A_145 {dimension_numbers = #tpu.dot_dimension_numbers<[1], [0], [0], [1], [0, 0, 1, 1], [], []>, transpose_lhs_hint = false} : vector<16x50xbf16>, vector<50x50xbf16>, vector<16x50xf32> -> vector<16x50xf32>
    %slice3A_147 = vector.extract_strided_slice %get3A_78 {offsets = [0, 0, 0], sizes = [16, 1, 50], strides = [1, 1, 1]} : vector<16x8x50xf32> to vector<16x1x50xf32>
    %squeeze3A_148 = vector.shape_cast %slice3A_147 : vector<16x1x50xf32> to vector<16x50xf32>
    %mul3A_149 = arith.mulf %squeeze3A_148, %dot_general3A_146 : vector<16x50xf32>
    %mul3A_150 = vector.broadcast %scan3A_23#18 : vector<16x1xf32> to vector<16x50xf32>
    %mul3A_151 = arith.mulf %mul3A_149, %mul3A_150 : vector<16x50xf32>
    %convert_element_type3A_152 = arith.truncf %mul3A_151 : vector<16x50xf32> to vector<16x50xbf16>
    %dot_general3A_153 = arith.constant dense<0.000000e+00> : vector<16x50xf32>
    %dot_general3A_154 = tpu.matmul %scan3A_23#9, %convert_element_type3A, %dot_general3A_153 {dimension_numbers = #tpu.dot_dimension_numbers<[1], [0], [0], [1], [0, 0, 1, 1], [], []>, transpose_lhs_hint = false} : vector<16x50xbf16>, vector<50x50xbf16>, vector<16x50xf32> -> vector<16x50xf32>
    %slice3A_155 = vector.extract_strided_slice %get3A_84 {offsets = [0, 0, 0], sizes = [16, 1, 50], strides = [1, 1, 1]} : vector<16x8x50xf32> to vector<16x1x50xf32>
    %squeeze3A_156 = vector.shape_cast %slice3A_155 : vector<16x1x50xf32> to vector<16x50xf32>
    %mul3A_157 = arith.mulf %squeeze3A_156, %dot_general3A_154 : vector<16x50xf32>
    %mul3A_158 = vector.broadcast %scan3A_23#19 : vector<16x1xf32> to vector<16x50xf32>
    %mul3A_159 = arith.mulf %mul3A_157, %mul3A_158 : vector<16x50xf32>
    %convert_element_type3A_160 = arith.truncf %mul3A_159 : vector<16x50xf32> to vector<16x50xbf16>
    %dot_general3A_161 = arith.constant dense<0.000000e+00> : vector<16x50xf32>
    %dot_general3A_162 = tpu.matmul %convert_element_type3A_88, %convert_element_type3A, %dot_general3A_161 {dimension_numbers = #tpu.dot_dimension_numbers<[1], [0], [0], [1], [0, 0, 1, 1], [], []>, transpose_lhs_hint = false} : vector<16x50xbf16>, vector<50x50xbf16>, vector<16x50xf32> -> vector<16x50xf32>
    %slice3A_163 = vector.extract_strided_slice %get3A_30 {offsets = [0, 1, 0], sizes = [16, 1, 50], strides = [1, 1, 1]} : vector<16x8x50xf32> to vector<16x1x50xf32>
    %squeeze3A_164 = vector.shape_cast %slice3A_163 : vector<16x1x50xf32> to vector<16x50xf32>
    %mul3A_165 = arith.mulf %squeeze3A_164, %dot_general3A_162 : vector<16x50xf32>
    %convert_element_type3A_166 = arith.truncf %mul3A_165 : vector<16x50xf32> to vector<16x50xbf16>
    %dot_general3A_167 = arith.constant dense<0.000000e+00> : vector<16x50xf32>
    %dot_general3A_168 = tpu.matmul %convert_element_type3A_96, %convert_element_type3A, %dot_general3A_167 {dimension_numbers = #tpu.dot_dimension_numbers<[1], [0], [0], [1], [0, 0, 1, 1], [], []>, transpose_lhs_hint = false} : vector<16x50xbf16>, vector<50x50xbf16>, vector<16x50xf32> -> vector<16x50xf32>
    %slice3A_169 = vector.extract_strided_slice %get3A_36 {offsets = [0, 1, 0], sizes = [16, 1, 50], strides = [1, 1, 1]} : vector<16x8x50xf32> to vector<16x1x50xf32>
    %squeeze3A_170 = vector.shape_cast %slice3A_169 : vector<16x1x50xf32> to vector<16x50xf32>
    %mul3A_171 = arith.mulf %squeeze3A_170, %dot_general3A_168 : vector<16x50xf32>
    %convert_element_type3A_172 = arith.truncf %mul3A_171 : vector<16x50xf32> to vector<16x50xbf16>
    %dot_general3A_173 = arith.constant dense<0.000000e+00> : vector<16x50xf32>
    %dot_general3A_174 = tpu.matmul %convert_element_type3A_104, %convert_element_type3A, %dot_general3A_173 {dimension_numbers = #tpu.dot_dimension_numbers<[1], [0], [0], [1], [0, 0, 1, 1], [], []>, transpose_lhs_hint = false} : vector<16x50xbf16>, vector<50x50xbf16>, vector<16x50xf32> -> vector<16x50xf32>
    %slice3A_175 = vector.extract_strided_slice %get3A_42 {offsets = [0, 1, 0], sizes = [16, 1, 50], strides = [1, 1, 1]} : vector<16x8x50xf32> to vector<16x1x50xf32>
    %squeeze3A_176 = vector.shape_cast %slice3A_175 : vector<16x1x50xf32> to vector<16x50xf32>
    %mul3A_177 = arith.mulf %squeeze3A_176, %dot_general3A_174 : vector<16x50xf32>
    %convert_element_type3A_178 = arith.truncf %mul3A_177 : vector<16x50xf32> to vector<16x50xbf16>
    %dot_general3A_179 = arith.constant dense<0.000000e+00> : vector<16x50xf32>
    %dot_general3A_180 = tpu.matmul %convert_element_type3A_112, %convert_element_type3A, %dot_general3A_179 {dimension_numbers = #tpu.dot_dimension_numbers<[1], [0], [0], [1], [0, 0, 1, 1], [], []>, transpose_lhs_hint = false} : vector<16x50xbf16>, vector<50x50xbf16>, vector<16x50xf32> -> vector<16x50xf32>
    %slice3A_181 = vector.extract_strided_slice %get3A_48 {offsets = [0, 1, 0], sizes = [16, 1, 50], strides = [1, 1, 1]} : vector<16x8x50xf32> to vector<16x1x50xf32>
    %squeeze3A_182 = vector.shape_cast %slice3A_181 : vector<16x1x50xf32> to vector<16x50xf32>
    %mul3A_183 = arith.mulf %squeeze3A_182, %dot_general3A_180 : vector<16x50xf32>
    %convert_element_type3A_184 = arith.truncf %mul3A_183 : vector<16x50xf32> to vector<16x50xbf16>
    %dot_general3A_185 = arith.constant dense<0.000000e+00> : vector<16x50xf32>
    %dot_general3A_186 = tpu.matmul %convert_element_type3A_120, %convert_element_type3A, %dot_general3A_185 {dimension_numbers = #tpu.dot_dimension_numbers<[1], [0], [0], [1], [0, 0, 1, 1], [], []>, transpose_lhs_hint = false} : vector<16x50xbf16>, vector<50x50xbf16>, vector<16x50xf32> -> vector<16x50xf32>
    %slice3A_187 = vector.extract_strided_slice %get3A_54 {offsets = [0, 1, 0], sizes = [16, 1, 50], strides = [1, 1, 1]} : vector<16x8x50xf32> to vector<16x1x50xf32>
    %squeeze3A_188 = vector.shape_cast %slice3A_187 : vector<16x1x50xf32> to vector<16x50xf32>
    %mul3A_189 = arith.mulf %squeeze3A_188, %dot_general3A_186 : vector<16x50xf32>
    %convert_element_type3A_190 = arith.truncf %mul3A_189 : vector<16x50xf32> to vector<16x50xbf16>
    %dot_general3A_191 = arith.constant dense<0.000000e+00> : vector<16x50xf32>
    %dot_general3A_192 = tpu.matmul %convert_element_type3A_128, %convert_element_type3A, %dot_general3A_191 {dimension_numbers = #tpu.dot_dimension_numbers<[1], [0], [0], [1], [0, 0, 1, 1], [], []>, transpose_lhs_hint = false} : vector<16x50xbf16>, vector<50x50xbf16>, vector<16x50xf32> -> vector<16x50xf32>
    %slice3A_193 = vector.extract_strided_slice %get3A_60 {offsets = [0, 1, 0], sizes = [16, 1, 50], strides = [1, 1, 1]} : vector<16x8x50xf32> to vector<16x1x50xf32>
    %squeeze3A_194 = vector.shape_cast %slice3A_193 : vector<16x1x50xf32> to vector<16x50xf32>
    %mul3A_195 = arith.mulf %squeeze3A_194, %dot_general3A_192 : vector<16x50xf32>
    %convert_element_type3A_196 = arith.truncf %mul3A_195 : vector<16x50xf32> to vector<16x50xbf16>
    %dot_general3A_197 = arith.constant dense<0.000000e+00> : vector<16x50xf32>
    %dot_general3A_198 = tpu.matmul %convert_element_type3A_136, %convert_element_type3A, %dot_general3A_197 {dimension_numbers = #tpu.dot_dimension_numbers<[1], [0], [0], [1], [0, 0, 1, 1], [], []>, transpose_lhs_hint = false} : vector<16x50xbf16>, vector<50x50xbf16>, vector<16x50xf32> -> vector<16x50xf32>
    %slice3A_199 = vector.extract_strided_slice %get3A_66 {offsets = [0, 1, 0], sizes = [16, 1, 50], strides = [1, 1, 1]} : vector<16x8x50xf32> to vector<16x1x50xf32>
    %squeeze3A_200 = vector.shape_cast %slice3A_199 : vector<16x1x50xf32> to vector<16x50xf32>
    %mul3A_201 = arith.mulf %squeeze3A_200, %dot_general3A_198 : vector<16x50xf32>
    %convert_element_type3A_202 = arith.truncf %mul3A_201 : vector<16x50xf32> to vector<16x50xbf16>
    %dot_general3A_203 = arith.constant dense<0.000000e+00> : vector<16x50xf32>
    %dot_general3A_204 = tpu.matmul %convert_element_type3A_144, %convert_element_type3A, %dot_general3A_203 {dimension_numbers = #tpu.dot_dimension_numbers<[1], [0], [0], [1], [0, 0, 1, 1], [], []>, transpose_lhs_hint = false} : vector<16x50xbf16>, vector<50x50xbf16>, vector<16x50xf32> -> vector<16x50xf32>
    %slice3A_205 = vector.extract_strided_slice %get3A_72 {offsets = [0, 1, 0], sizes = [16, 1, 50], strides = [1, 1, 1]} : vector<16x8x50xf32> to vector<16x1x50xf32>
    %squeeze3A_206 = vector.shape_cast %slice3A_205 : vector<16x1x50xf32> to vector<16x50xf32>
    %mul3A_207 = arith.mulf %squeeze3A_206, %dot_general3A_204 : vector<16x50xf32>
    %convert_element_type3A_208 = arith.truncf %mul3A_207 : vector<16x50xf32> to vector<16x50xbf16>
    %dot_general3A_209 = arith.constant dense<0.000000e+00> : vector<16x50xf32>
    %dot_general3A_210 = tpu.matmul %convert_element_type3A_152, %convert_element_type3A, %dot_general3A_209 {dimension_numbers = #tpu.dot_dimension_numbers<[1], [0], [0], [1], [0, 0, 1, 1], [], []>, transpose_lhs_hint = false} : vector<16x50xbf16>, vector<50x50xbf16>, vector<16x50xf32> -> vector<16x50xf32>
    %slice3A_211 = vector.extract_strided_slice %get3A_78 {offsets = [0, 1, 0], sizes = [16, 1, 50], strides = [1, 1, 1]} : vector<16x8x50xf32> to vector<16x1x50xf32>
    %squeeze3A_212 = vector.shape_cast %slice3A_211 : vector<16x1x50xf32> to vector<16x50xf32>
    %mul3A_213 = arith.mulf %squeeze3A_212, %dot_general3A_210 : vector<16x50xf32>
    %convert_element_type3A_214 = arith.truncf %mul3A_213 : vector<16x50xf32> to vector<16x50xbf16>
    %dot_general3A_215 = arith.constant dense<0.000000e+00> : vector<16x50xf32>
    %dot_general3A_216 = tpu.matmul %convert_element_type3A_160, %convert_element_type3A, %dot_general3A_215 {dimension_numbers = #tpu.dot_dimension_numbers<[1], [0], [0], [1], [0, 0, 1, 1], [], []>, transpose_lhs_hint = false} : vector<16x50xbf16>, vector<50x50xbf16>, vector<16x50xf32> -> vector<16x50xf32>
    %slice3A_217 = vector.extract_strided_slice %get3A_84 {offsets = [0, 1, 0], sizes = [16, 1, 50], strides = [1, 1, 1]} : vector<16x8x50xf32> to vector<16x1x50xf32>
    %squeeze3A_218 = vector.shape_cast %slice3A_217 : vector<16x1x50xf32> to vector<16x50xf32>
    %mul3A_219 = arith.mulf %squeeze3A_218, %dot_general3A_216 : vector<16x50xf32>
    %convert_element_type3A_220 = arith.truncf %mul3A_219 : vector<16x50xf32> to vector<16x50xbf16>
    %dot_general3A_221 = arith.constant dense<0.000000e+00> : vector<16x50xf32>
    %dot_general3A_222 = tpu.matmul %convert_element_type3A_166, %convert_element_type3A, %dot_general3A_221 {dimension_numbers = #tpu.dot_dimension_numbers<[1], [0], [0], [1], [0, 0, 1, 1], [], []>, transpose_lhs_hint = false} : vector<16x50xbf16>, vector<50x50xbf16>, vector<16x50xf32> -> vector<16x50xf32>
    %slice3A_223 = vector.extract_strided_slice %get3A_30 {offsets = [0, 2, 0], sizes = [16, 1, 50], strides = [1, 1, 1]} : vector<16x8x50xf32> to vector<16x1x50xf32>
    %squeeze3A_224 = vector.shape_cast %slice3A_223 : vector<16x1x50xf32> to vector<16x50xf32>
    %mul3A_225 = arith.mulf %squeeze3A_224, %dot_general3A_222 : vector<16x50xf32>
    %convert_element_type3A_226 = arith.truncf %mul3A_225 : vector<16x50xf32> to vector<16x50xbf16>
    %dot_general3A_227 = arith.constant dense<0.000000e+00> : vector<16x50xf32>
    %dot_general3A_228 = tpu.matmul %convert_element_type3A_172, %convert_element_type3A, %dot_general3A_227 {dimension_numbers = #tpu.dot_dimension_numbers<[1], [0], [0], [1], [0, 0, 1, 1], [], []>, transpose_lhs_hint = false} : vector<16x50xbf16>, vector<50x50xbf16>, vector<16x50xf32> -> vector<16x50xf32>
    %slice3A_229 = vector.extract_strided_slice %get3A_36 {offsets = [0, 2, 0], sizes = [16, 1, 50], strides = [1, 1, 1]} : vector<16x8x50xf32> to vector<16x1x50xf32>
    %squeeze3A_230 = vector.shape_cast %slice3A_229 : vector<16x1x50xf32> to vector<16x50xf32>
    %mul3A_231 = arith.mulf %squeeze3A_230, %dot_general3A_228 : vector<16x50xf32>
    %convert_element_type3A_232 = arith.truncf %mul3A_231 : vector<16x50xf32> to vector<16x50xbf16>
    %dot_general3A_233 = arith.constant dense<0.000000e+00> : vector<16x50xf32>
    %dot_general3A_234 = tpu.matmul %convert_element_type3A_178, %convert_element_type3A, %dot_general3A_233 {dimension_numbers = #tpu.dot_dimension_numbers<[1], [0], [0], [1], [0, 0, 1, 1], [], []>, transpose_lhs_hint = false} : vector<16x50xbf16>, vector<50x50xbf16>, vector<16x50xf32> -> vector<16x50xf32>
    %slice3A_235 = vector.extract_strided_slice %get3A_42 {offsets = [0, 2, 0], sizes = [16, 1, 50], strides = [1, 1, 1]} : vector<16x8x50xf32> to vector<16x1x50xf32>
    %squeeze3A_236 = vector.shape_cast %slice3A_235 : vector<16x1x50xf32> to vector<16x50xf32>
    %mul3A_237 = arith.mulf %squeeze3A_236, %dot_general3A_234 : vector<16x50xf32>
    %convert_element_type3A_238 = arith.truncf %mul3A_237 : vector<16x50xf32> to vector<16x50xbf16>
    %dot_general3A_239 = arith.constant dense<0.000000e+00> : vector<16x50xf32>
    %dot_general3A_240 = tpu.matmul %convert_element_type3A_184, %convert_element_type3A, %dot_general3A_239 {dimension_numbers = #tpu.dot_dimension_numbers<[1], [0], [0], [1], [0, 0, 1, 1], [], []>, transpose_lhs_hint = false} : vector<16x50xbf16>, vector<50x50xbf16>, vector<16x50xf32> -> vector<16x50xf32>
    %slice3A_241 = vector.extract_strided_slice %get3A_48 {offsets = [0, 2, 0], sizes = [16, 1, 50], strides = [1, 1, 1]} : vector<16x8x50xf32> to vector<16x1x50xf32>
    %squeeze3A_242 = vector.shape_cast %slice3A_241 : vector<16x1x50xf32> to vector<16x50xf32>
    %mul3A_243 = arith.mulf %squeeze3A_242, %dot_general3A_240 : vector<16x50xf32>
    %convert_element_type3A_244 = arith.truncf %mul3A_243 : vector<16x50xf32> to vector<16x50xbf16>
    %dot_general3A_245 = arith.constant dense<0.000000e+00> : vector<16x50xf32>
    %dot_general3A_246 = tpu.matmul %convert_element_type3A_190, %convert_element_type3A, %dot_general3A_245 {dimension_numbers = #tpu.dot_dimension_numbers<[1], [0], [0], [1], [0, 0, 1, 1], [], []>, transpose_lhs_hint = false} : vector<16x50xbf16>, vector<50x50xbf16>, vector<16x50xf32> -> vector<16x50xf32>
    %slice3A_247 = vector.extract_strided_slice %get3A_54 {offsets = [0, 2, 0], sizes = [16, 1, 50], strides = [1, 1, 1]} : vector<16x8x50xf32> to vector<16x1x50xf32>
    %squeeze3A_248 = vector.shape_cast %slice3A_247 : vector<16x1x50xf32> to vector<16x50xf32>
    %mul3A_249 = arith.mulf %squeeze3A_248, %dot_general3A_246 : vector<16x50xf32>
    %convert_element_type3A_250 = arith.truncf %mul3A_249 : vector<16x50xf32> to vector<16x50xbf16>
    %dot_general3A_251 = arith.constant dense<0.000000e+00> : vector<16x50xf32>
    %dot_general3A_252 = tpu.matmul %convert_element_type3A_196, %convert_element_type3A, %dot_general3A_251 {dimension_numbers = #tpu.dot_dimension_numbers<[1], [0], [0], [1], [0, 0, 1, 1], [], []>, transpose_lhs_hint = false} : vector<16x50xbf16>, vector<50x50xbf16>, vector<16x50xf32> -> vector<16x50xf32>
    %slice3A_253 = vector.extract_strided_slice %get3A_60 {offsets = [0, 2, 0], sizes = [16, 1, 50], strides = [1, 1, 1]} : vector<16x8x50xf32> to vector<16x1x50xf32>
    %squeeze3A_254 = vector.shape_cast %slice3A_253 : vector<16x1x50xf32> to vector<16x50xf32>
    %mul3A_255 = arith.mulf %squeeze3A_254, %dot_general3A_252 : vector<16x50xf32>
    %convert_element_type3A_256 = arith.truncf %mul3A_255 : vector<16x50xf32> to vector<16x50xbf16>
    %dot_general3A_257 = arith.constant dense<0.000000e+00> : vector<16x50xf32>
    %dot_general3A_258 = tpu.matmul %convert_element_type3A_202, %convert_element_type3A, %dot_general3A_257 {dimension_numbers = #tpu.dot_dimension_numbers<[1], [0], [0], [1], [0, 0, 1, 1], [], []>, transpose_lhs_hint = false} : vector<16x50xbf16>, vector<50x50xbf16>, vector<16x50xf32> -> vector<16x50xf32>
    %slice3A_259 = vector.extract_strided_slice %get3A_66 {offsets = [0, 2, 0], sizes = [16, 1, 50], strides = [1, 1, 1]} : vector<16x8x50xf32> to vector<16x1x50xf32>
    %squeeze3A_260 = vector.shape_cast %slice3A_259 : vector<16x1x50xf32> to vector<16x50xf32>
    %mul3A_261 = arith.mulf %squeeze3A_260, %dot_general3A_258 : vector<16x50xf32>
    %convert_element_type3A_262 = arith.truncf %mul3A_261 : vector<16x50xf32> to vector<16x50xbf16>
    %dot_general3A_263 = arith.constant dense<0.000000e+00> : vector<16x50xf32>
    %dot_general3A_264 = tpu.matmul %convert_element_type3A_208, %convert_element_type3A, %dot_general3A_263 {dimension_numbers = #tpu.dot_dimension_numbers<[1], [0], [0], [1], [0, 0, 1, 1], [], []>, transpose_lhs_hint = false} : vector<16x50xbf16>, vector<50x50xbf16>, vector<16x50xf32> -> vector<16x50xf32>
    %slice3A_265 = vector.extract_strided_slice %get3A_72 {offsets = [0, 2, 0], sizes = [16, 1, 50], strides = [1, 1, 1]} : vector<16x8x50xf32> to vector<16x1x50xf32>
    %squeeze3A_266 = vector.shape_cast %slice3A_265 : vector<16x1x50xf32> to vector<16x50xf32>
    %mul3A_267 = arith.mulf %squeeze3A_266, %dot_general3A_264 : vector<16x50xf32>
    %convert_element_type3A_268 = arith.truncf %mul3A_267 : vector<16x50xf32> to vector<16x50xbf16>
    %dot_general3A_269 = arith.constant dense<0.000000e+00> : vector<16x50xf32>
    %dot_general3A_270 = tpu.matmul %convert_element_type3A_214, %convert_element_type3A, %dot_general3A_269 {dimension_numbers = #tpu.dot_dimension_numbers<[1], [0], [0], [1], [0, 0, 1, 1], [], []>, transpose_lhs_hint = false} : vector<16x50xbf16>, vector<50x50xbf16>, vector<16x50xf32> -> vector<16x50xf32>
    %slice3A_271 = vector.extract_strided_slice %get3A_78 {offsets = [0, 2, 0], sizes = [16, 1, 50], strides = [1, 1, 1]} : vector<16x8x50xf32> to vector<16x1x50xf32>
    %squeeze3A_272 = vector.shape_cast %slice3A_271 : vector<16x1x50xf32> to vector<16x50xf32>
    %mul3A_273 = arith.mulf %squeeze3A_272, %dot_general3A_270 : vector<16x50xf32>
    %convert_element_type3A_274 = arith.truncf %mul3A_273 : vector<16x50xf32> to vector<16x50xbf16>
    %dot_general3A_275 = arith.constant dense<0.000000e+00> : vector<16x50xf32>
    %dot_general3A_276 = tpu.matmul %convert_element_type3A_220, %convert_element_type3A, %dot_general3A_275 {dimension_numbers = #tpu.dot_dimension_numbers<[1], [0], [0], [1], [0, 0, 1, 1], [], []>, transpose_lhs_hint = false} : vector<16x50xbf16>, vector<50x50xbf16>, vector<16x50xf32> -> vector<16x50xf32>
    %slice3A_277 = vector.extract_strided_slice %get3A_84 {offsets = [0, 2, 0], sizes = [16, 1, 50], strides = [1, 1, 1]} : vector<16x8x50xf32> to vector<16x1x50xf32>
    %squeeze3A_278 = vector.shape_cast %slice3A_277 : vector<16x1x50xf32> to vector<16x50xf32>
    %mul3A_279 = arith.mulf %squeeze3A_278, %dot_general3A_276 : vector<16x50xf32>
    %convert_element_type3A_280 = arith.truncf %mul3A_279 : vector<16x50xf32> to vector<16x50xbf16>
    %dot_general3A_281 = arith.constant dense<0.000000e+00> : vector<16x50xf32>
    %dot_general3A_282 = tpu.matmul %convert_element_type3A_226, %convert_element_type3A, %dot_general3A_281 {dimension_numbers = #tpu.dot_dimension_numbers<[1], [0], [0], [1], [0, 0, 1, 1], [], []>, transpose_lhs_hint = false} : vector<16x50xbf16>, vector<50x50xbf16>, vector<16x50xf32> -> vector<16x50xf32>
    %slice3A_283 = vector.extract_strided_slice %get3A_30 {offsets = [0, 3, 0], sizes = [16, 1, 50], strides = [1, 1, 1]} : vector<16x8x50xf32> to vector<16x1x50xf32>
    %squeeze3A_284 = vector.shape_cast %slice3A_283 : vector<16x1x50xf32> to vector<16x50xf32>
    %mul3A_285 = arith.mulf %squeeze3A_284, %dot_general3A_282 : vector<16x50xf32>
    %convert_element_type3A_286 = arith.truncf %mul3A_285 : vector<16x50xf32> to vector<16x50xbf16>
    %dot_general3A_287 = arith.constant dense<0.000000e+00> : vector<16x50xf32>
    %dot_general3A_288 = tpu.matmul %convert_element_type3A_232, %convert_element_type3A, %dot_general3A_287 {dimension_numbers = #tpu.dot_dimension_numbers<[1], [0], [0], [1], [0, 0, 1, 1], [], []>, transpose_lhs_hint = false} : vector<16x50xbf16>, vector<50x50xbf16>, vector<16x50xf32> -> vector<16x50xf32>
    %slice3A_289 = vector.extract_strided_slice %get3A_36 {offsets = [0, 3, 0], sizes = [16, 1, 50], strides = [1, 1, 1]} : vector<16x8x50xf32> to vector<16x1x50xf32>
    %squeeze3A_290 = vector.shape_cast %slice3A_289 : vector<16x1x50xf32> to vector<16x50xf32>
    %mul3A_291 = arith.mulf %squeeze3A_290, %dot_general3A_288 : vector<16x50xf32>
    %convert_element_type3A_292 = arith.truncf %mul3A_291 : vector<16x50xf32> to vector<16x50xbf16>
    %dot_general3A_293 = arith.constant dense<0.000000e+00> : vector<16x50xf32>
    %dot_general3A_294 = tpu.matmul %convert_element_type3A_238, %convert_element_type3A, %dot_general3A_293 {dimension_numbers = #tpu.dot_dimension_numbers<[1], [0], [0], [1], [0, 0, 1, 1], [], []>, transpose_lhs_hint = false} : vector<16x50xbf16>, vector<50x50xbf16>, vector<16x50xf32> -> vector<16x50xf32>
    %slice3A_295 = vector.extract_strided_slice %get3A_42 {offsets = [0, 3, 0], sizes = [16, 1, 50], strides = [1, 1, 1]} : vector<16x8x50xf32> to vector<16x1x50xf32>
    %squeeze3A_296 = vector.shape_cast %slice3A_295 : vector<16x1x50xf32> to vector<16x50xf32>
    %mul3A_297 = arith.mulf %squeeze3A_296, %dot_general3A_294 : vector<16x50xf32>
    %convert_element_type3A_298 = arith.truncf %mul3A_297 : vector<16x50xf32> to vector<16x50xbf16>
    %dot_general3A_299 = arith.constant dense<0.000000e+00> : vector<16x50xf32>
    %dot_general3A_300 = tpu.matmul %convert_element_type3A_244, %convert_element_type3A, %dot_general3A_299 {dimension_numbers = #tpu.dot_dimension_numbers<[1], [0], [0], [1], [0, 0, 1, 1], [], []>, transpose_lhs_hint = false} : vector<16x50xbf16>, vector<50x50xbf16>, vector<16x50xf32> -> vector<16x50xf32>
    %slice3A_301 = vector.extract_strided_slice %get3A_48 {offsets = [0, 3, 0], sizes = [16, 1, 50], strides = [1, 1, 1]} : vector<16x8x50xf32> to vector<16x1x50xf32>
    %squeeze3A_302 = vector.shape_cast %slice3A_301 : vector<16x1x50xf32> to vector<16x50xf32>
    %mul3A_303 = arith.mulf %squeeze3A_302, %dot_general3A_300 : vector<16x50xf32>
    %convert_element_type3A_304 = arith.truncf %mul3A_303 : vector<16x50xf32> to vector<16x50xbf16>
    %dot_general3A_305 = arith.constant dense<0.000000e+00> : vector<16x50xf32>
    %dot_general3A_306 = tpu.matmul %convert_element_type3A_250, %convert_element_type3A, %dot_general3A_305 {dimension_numbers = #tpu.dot_dimension_numbers<[1], [0], [0], [1], [0, 0, 1, 1], [], []>, transpose_lhs_hint = false} : vector<16x50xbf16>, vector<50x50xbf16>, vector<16x50xf32> -> vector<16x50xf32>
    %slice3A_307 = vector.extract_strided_slice %get3A_54 {offsets = [0, 3, 0], sizes = [16, 1, 50], strides = [1, 1, 1]} : vector<16x8x50xf32> to vector<16x1x50xf32>
    %squeeze3A_308 = vector.shape_cast %slice3A_307 : vector<16x1x50xf32> to vector<16x50xf32>
    %mul3A_309 = arith.mulf %squeeze3A_308, %dot_general3A_306 : vector<16x50xf32>
    %convert_element_type3A_310 = arith.truncf %mul3A_309 : vector<16x50xf32> to vector<16x50xbf16>
    %dot_general3A_311 = arith.constant dense<0.000000e+00> : vector<16x50xf32>
    %dot_general3A_312 = tpu.matmul %convert_element_type3A_256, %convert_element_type3A, %dot_general3A_311 {dimension_numbers = #tpu.dot_dimension_numbers<[1], [0], [0], [1], [0, 0, 1, 1], [], []>, transpose_lhs_hint = false} : vector<16x50xbf16>, vector<50x50xbf16>, vector<16x50xf32> -> vector<16x50xf32>
    %slice3A_313 = vector.extract_strided_slice %get3A_60 {offsets = [0, 3, 0], sizes = [16, 1, 50], strides = [1, 1, 1]} : vector<16x8x50xf32> to vector<16x1x50xf32>
    %squeeze3A_314 = vector.shape_cast %slice3A_313 : vector<16x1x50xf32> to vector<16x50xf32>
    %mul3A_315 = arith.mulf %squeeze3A_314, %dot_general3A_312 : vector<16x50xf32>
    %convert_element_type3A_316 = arith.truncf %mul3A_315 : vector<16x50xf32> to vector<16x50xbf16>
    %dot_general3A_317 = arith.constant dense<0.000000e+00> : vector<16x50xf32>
    %dot_general3A_318 = tpu.matmul %convert_element_type3A_262, %convert_element_type3A, %dot_general3A_317 {dimension_numbers = #tpu.dot_dimension_numbers<[1], [0], [0], [1], [0, 0, 1, 1], [], []>, transpose_lhs_hint = false} : vector<16x50xbf16>, vector<50x50xbf16>, vector<16x50xf32> -> vector<16x50xf32>
    %slice3A_319 = vector.extract_strided_slice %get3A_66 {offsets = [0, 3, 0], sizes = [16, 1, 50], strides = [1, 1, 1]} : vector<16x8x50xf32> to vector<16x1x50xf32>
    %squeeze3A_320 = vector.shape_cast %slice3A_319 : vector<16x1x50xf32> to vector<16x50xf32>
    %mul3A_321 = arith.mulf %squeeze3A_320, %dot_general3A_318 : vector<16x50xf32>
    %convert_element_type3A_322 = arith.truncf %mul3A_321 : vector<16x50xf32> to vector<16x50xbf16>
    %dot_general3A_323 = arith.constant dense<0.000000e+00> : vector<16x50xf32>
    %dot_general3A_324 = tpu.matmul %convert_element_type3A_268, %convert_element_type3A, %dot_general3A_323 {dimension_numbers = #tpu.dot_dimension_numbers<[1], [0], [0], [1], [0, 0, 1, 1], [], []>, transpose_lhs_hint = false} : vector<16x50xbf16>, vector<50x50xbf16>, vector<16x50xf32> -> vector<16x50xf32>
    %slice3A_325 = vector.extract_strided_slice %get3A_72 {offsets = [0, 3, 0], sizes = [16, 1, 50], strides = [1, 1, 1]} : vector<16x8x50xf32> to vector<16x1x50xf32>
    %squeeze3A_326 = vector.shape_cast %slice3A_325 : vector<16x1x50xf32> to vector<16x50xf32>
    %mul3A_327 = arith.mulf %squeeze3A_326, %dot_general3A_324 : vector<16x50xf32>
    %convert_element_type3A_328 = arith.truncf %mul3A_327 : vector<16x50xf32> to vector<16x50xbf16>
    %dot_general3A_329 = arith.constant dense<0.000000e+00> : vector<16x50xf32>
    %dot_general3A_330 = tpu.matmul %convert_element_type3A_274, %convert_element_type3A, %dot_general3A_329 {dimension_numbers = #tpu.dot_dimension_numbers<[1], [0], [0], [1], [0, 0, 1, 1], [], []>, transpose_lhs_hint = false} : vector<16x50xbf16>, vector<50x50xbf16>, vector<16x50xf32> -> vector<16x50xf32>
    %slice3A_331 = vector.extract_strided_slice %get3A_78 {offsets = [0, 3, 0], sizes = [16, 1, 50], strides = [1, 1, 1]} : vector<16x8x50xf32> to vector<16x1x50xf32>
    %squeeze3A_332 = vector.shape_cast %slice3A_331 : vector<16x1x50xf32> to vector<16x50xf32>
    %mul3A_333 = arith.mulf %squeeze3A_332, %dot_general3A_330 : vector<16x50xf32>
    %convert_element_type3A_334 = arith.truncf %mul3A_333 : vector<16x50xf32> to vector<16x50xbf16>
    %dot_general3A_335 = arith.constant dense<0.000000e+00> : vector<16x50xf32>
    %dot_general3A_336 = tpu.matmul %convert_element_type3A_280, %convert_element_type3A, %dot_general3A_335 {dimension_numbers = #tpu.dot_dimension_numbers<[1], [0], [0], [1], [0, 0, 1, 1], [], []>, transpose_lhs_hint = false} : vector<16x50xbf16>, vector<50x50xbf16>, vector<16x50xf32> -> vector<16x50xf32>
    %slice3A_337 = vector.extract_strided_slice %get3A_84 {offsets = [0, 3, 0], sizes = [16, 1, 50], strides = [1, 1, 1]} : vector<16x8x50xf32> to vector<16x1x50xf32>
    %squeeze3A_338 = vector.shape_cast %slice3A_337 : vector<16x1x50xf32> to vector<16x50xf32>
    %mul3A_339 = arith.mulf %squeeze3A_338, %dot_general3A_336 : vector<16x50xf32>
    %convert_element_type3A_340 = arith.truncf %mul3A_339 : vector<16x50xf32> to vector<16x50xbf16>
    %dot_general3A_341 = arith.constant dense<0.000000e+00> : vector<16x50xf32>
    %dot_general3A_342 = tpu.matmul %convert_element_type3A_286, %convert_element_type3A, %dot_general3A_341 {dimension_numbers = #tpu.dot_dimension_numbers<[1], [0], [0], [1], [0, 0, 1, 1], [], []>, transpose_lhs_hint = false} : vector<16x50xbf16>, vector<50x50xbf16>, vector<16x50xf32> -> vector<16x50xf32>
    %slice3A_343 = vector.extract_strided_slice %get3A_30 {offsets = [0, 4, 0], sizes = [16, 1, 50], strides = [1, 1, 1]} : vector<16x8x50xf32> to vector<16x1x50xf32>
    %squeeze3A_344 = vector.shape_cast %slice3A_343 : vector<16x1x50xf32> to vector<16x50xf32>
    %mul3A_345 = arith.mulf %squeeze3A_344, %dot_general3A_342 : vector<16x50xf32>
    %convert_element_type3A_346 = arith.truncf %mul3A_345 : vector<16x50xf32> to vector<16x50xbf16>
    %dot_general3A_347 = arith.constant dense<0.000000e+00> : vector<16x50xf32>
    %dot_general3A_348 = tpu.matmul %convert_element_type3A_292, %convert_element_type3A, %dot_general3A_347 {dimension_numbers = #tpu.dot_dimension_numbers<[1], [0], [0], [1], [0, 0, 1, 1], [], []>, transpose_lhs_hint = false} : vector<16x50xbf16>, vector<50x50xbf16>, vector<16x50xf32> -> vector<16x50xf32>
    %slice3A_349 = vector.extract_strided_slice %get3A_36 {offsets = [0, 4, 0], sizes = [16, 1, 50], strides = [1, 1, 1]} : vector<16x8x50xf32> to vector<16x1x50xf32>
    %squeeze3A_350 = vector.shape_cast %slice3A_349 : vector<16x1x50xf32> to vector<16x50xf32>
    %mul3A_351 = arith.mulf %squeeze3A_350, %dot_general3A_348 : vector<16x50xf32>
    %convert_element_type3A_352 = arith.truncf %mul3A_351 : vector<16x50xf32> to vector<16x50xbf16>
    %dot_general3A_353 = arith.constant dense<0.000000e+00> : vector<16x50xf32>
    %dot_general3A_354 = tpu.matmul %convert_element_type3A_298, %convert_element_type3A, %dot_general3A_353 {dimension_numbers = #tpu.dot_dimension_numbers<[1], [0], [0], [1], [0, 0, 1, 1], [], []>, transpose_lhs_hint = false} : vector<16x50xbf16>, vector<50x50xbf16>, vector<16x50xf32> -> vector<16x50xf32>
    %slice3A_355 = vector.extract_strided_slice %get3A_42 {offsets = [0, 4, 0], sizes = [16, 1, 50], strides = [1, 1, 1]} : vector<16x8x50xf32> to vector<16x1x50xf32>
    %squeeze3A_356 = vector.shape_cast %slice3A_355 : vector<16x1x50xf32> to vector<16x50xf32>
    %mul3A_357 = arith.mulf %squeeze3A_356, %dot_general3A_354 : vector<16x50xf32>
    %convert_element_type3A_358 = arith.truncf %mul3A_357 : vector<16x50xf32> to vector<16x50xbf16>
    %dot_general3A_359 = arith.constant dense<0.000000e+00> : vector<16x50xf32>
    %dot_general3A_360 = tpu.matmul %convert_element_type3A_304, %convert_element_type3A, %dot_general3A_359 {dimension_numbers = #tpu.dot_dimension_numbers<[1], [0], [0], [1], [0, 0, 1, 1], [], []>, transpose_lhs_hint = false} : vector<16x50xbf16>, vector<50x50xbf16>, vector<16x50xf32> -> vector<16x50xf32>
    %slice3A_361 = vector.extract_strided_slice %get3A_48 {offsets = [0, 4, 0], sizes = [16, 1, 50], strides = [1, 1, 1]} : vector<16x8x50xf32> to vector<16x1x50xf32>
    %squeeze3A_362 = vector.shape_cast %slice3A_361 : vector<16x1x50xf32> to vector<16x50xf32>
    %mul3A_363 = arith.mulf %squeeze3A_362, %dot_general3A_360 : vector<16x50xf32>
    %convert_element_type3A_364 = arith.truncf %mul3A_363 : vector<16x50xf32> to vector<16x50xbf16>
    %dot_general3A_365 = arith.constant dense<0.000000e+00> : vector<16x50xf32>
    %dot_general3A_366 = tpu.matmul %convert_element_type3A_310, %convert_element_type3A, %dot_general3A_365 {dimension_numbers = #tpu.dot_dimension_numbers<[1], [0], [0], [1], [0, 0, 1, 1], [], []>, transpose_lhs_hint = false} : vector<16x50xbf16>, vector<50x50xbf16>, vector<16x50xf32> -> vector<16x50xf32>
    %slice3A_367 = vector.extract_strided_slice %get3A_54 {offsets = [0, 4, 0], sizes = [16, 1, 50], strides = [1, 1, 1]} : vector<16x8x50xf32> to vector<16x1x50xf32>
    %squeeze3A_368 = vector.shape_cast %slice3A_367 : vector<16x1x50xf32> to vector<16x50xf32>
    %mul3A_369 = arith.mulf %squeeze3A_368, %dot_general3A_366 : vector<16x50xf32>
    %convert_element_type3A_370 = arith.truncf %mul3A_369 : vector<16x50xf32> to vector<16x50xbf16>
    %dot_general3A_371 = arith.constant dense<0.000000e+00> : vector<16x50xf32>
    %dot_general3A_372 = tpu.matmul %convert_element_type3A_316, %convert_element_type3A, %dot_general3A_371 {dimension_numbers = #tpu.dot_dimension_numbers<[1], [0], [0], [1], [0, 0, 1, 1], [], []>, transpose_lhs_hint = false} : vector<16x50xbf16>, vector<50x50xbf16>, vector<16x50xf32> -> vector<16x50xf32>
    %slice3A_373 = vector.extract_strided_slice %get3A_60 {offsets = [0, 4, 0], sizes = [16, 1, 50], strides = [1, 1, 1]} : vector<16x8x50xf32> to vector<16x1x50xf32>
    %squeeze3A_374 = vector.shape_cast %slice3A_373 : vector<16x1x50xf32> to vector<16x50xf32>
    %mul3A_375 = arith.mulf %squeeze3A_374, %dot_general3A_372 : vector<16x50xf32>
    %convert_element_type3A_376 = arith.truncf %mul3A_375 : vector<16x50xf32> to vector<16x50xbf16>
    %dot_general3A_377 = arith.constant dense<0.000000e+00> : vector<16x50xf32>
    %dot_general3A_378 = tpu.matmul %convert_element_type3A_322, %convert_element_type3A, %dot_general3A_377 {dimension_numbers = #tpu.dot_dimension_numbers<[1], [0], [0], [1], [0, 0, 1, 1], [], []>, transpose_lhs_hint = false} : vector<16x50xbf16>, vector<50x50xbf16>, vector<16x50xf32> -> vector<16x50xf32>
    %slice3A_379 = vector.extract_strided_slice %get3A_66 {offsets = [0, 4, 0], sizes = [16, 1, 50], strides = [1, 1, 1]} : vector<16x8x50xf32> to vector<16x1x50xf32>
    %squeeze3A_380 = vector.shape_cast %slice3A_379 : vector<16x1x50xf32> to vector<16x50xf32>
    %mul3A_381 = arith.mulf %squeeze3A_380, %dot_general3A_378 : vector<16x50xf32>
    %convert_element_type3A_382 = arith.truncf %mul3A_381 : vector<16x50xf32> to vector<16x50xbf16>
    %dot_general3A_383 = arith.constant dense<0.000000e+00> : vector<16x50xf32>
    %dot_general3A_384 = tpu.matmul %convert_element_type3A_328, %convert_element_type3A, %dot_general3A_383 {dimension_numbers = #tpu.dot_dimension_numbers<[1], [0], [0], [1], [0, 0, 1, 1], [], []>, transpose_lhs_hint = false} : vector<16x50xbf16>, vector<50x50xbf16>, vector<16x50xf32> -> vector<16x50xf32>
    %slice3A_385 = vector.extract_strided_slice %get3A_72 {offsets = [0, 4, 0], sizes = [16, 1, 50], strides = [1, 1, 1]} : vector<16x8x50xf32> to vector<16x1x50xf32>
    %squeeze3A_386 = vector.shape_cast %slice3A_385 : vector<16x1x50xf32> to vector<16x50xf32>
    %mul3A_387 = arith.mulf %squeeze3A_386, %dot_general3A_384 : vector<16x50xf32>
    %convert_element_type3A_388 = arith.truncf %mul3A_387 : vector<16x50xf32> to vector<16x50xbf16>
    %dot_general3A_389 = arith.constant dense<0.000000e+00> : vector<16x50xf32>
    %dot_general3A_390 = tpu.matmul %convert_element_type3A_334, %convert_element_type3A, %dot_general3A_389 {dimension_numbers = #tpu.dot_dimension_numbers<[1], [0], [0], [1], [0, 0, 1, 1], [], []>, transpose_lhs_hint = false} : vector<16x50xbf16>, vector<50x50xbf16>, vector<16x50xf32> -> vector<16x50xf32>
    %slice3A_391 = vector.extract_strided_slice %get3A_78 {offsets = [0, 4, 0], sizes = [16, 1, 50], strides = [1, 1, 1]} : vector<16x8x50xf32> to vector<16x1x50xf32>
    %squeeze3A_392 = vector.shape_cast %slice3A_391 : vector<16x1x50xf32> to vector<16x50xf32>
    %mul3A_393 = arith.mulf %squeeze3A_392, %dot_general3A_390 : vector<16x50xf32>
    %convert_element_type3A_394 = arith.truncf %mul3A_393 : vector<16x50xf32> to vector<16x50xbf16>
    %dot_general3A_395 = arith.constant dense<0.000000e+00> : vector<16x50xf32>
    %dot_general3A_396 = tpu.matmul %convert_element_type3A_340, %convert_element_type3A, %dot_general3A_395 {dimension_numbers = #tpu.dot_dimension_numbers<[1], [0], [0], [1], [0, 0, 1, 1], [], []>, transpose_lhs_hint = false} : vector<16x50xbf16>, vector<50x50xbf16>, vector<16x50xf32> -> vector<16x50xf32>
    %slice3A_397 = vector.extract_strided_slice %get3A_84 {offsets = [0, 4, 0], sizes = [16, 1, 50], strides = [1, 1, 1]} : vector<16x8x50xf32> to vector<16x1x50xf32>
    %squeeze3A_398 = vector.shape_cast %slice3A_397 : vector<16x1x50xf32> to vector<16x50xf32>
    %mul3A_399 = arith.mulf %squeeze3A_398, %dot_general3A_396 : vector<16x50xf32>
    %convert_element_type3A_400 = arith.truncf %mul3A_399 : vector<16x50xf32> to vector<16x50xbf16>
    %dot_general3A_401 = arith.constant dense<0.000000e+00> : vector<16x50xf32>
    %dot_general3A_402 = tpu.matmul %convert_element_type3A_346, %convert_element_type3A, %dot_general3A_401 {dimension_numbers = #tpu.dot_dimension_numbers<[1], [0], [0], [1], [0, 0, 1, 1], [], []>, transpose_lhs_hint = false} : vector<16x50xbf16>, vector<50x50xbf16>, vector<16x50xf32> -> vector<16x50xf32>
    %slice3A_403 = vector.extract_strided_slice %get3A_30 {offsets = [0, 5, 0], sizes = [16, 1, 50], strides = [1, 1, 1]} : vector<16x8x50xf32> to vector<16x1x50xf32>
    %squeeze3A_404 = vector.shape_cast %slice3A_403 : vector<16x1x50xf32> to vector<16x50xf32>
    %mul3A_405 = arith.mulf %squeeze3A_404, %dot_general3A_402 : vector<16x50xf32>
    %convert_element_type3A_406 = arith.truncf %mul3A_405 : vector<16x50xf32> to vector<16x50xbf16>
    %dot_general3A_407 = arith.constant dense<0.000000e+00> : vector<16x50xf32>
    %dot_general3A_408 = tpu.matmul %convert_element_type3A_352, %convert_element_type3A, %dot_general3A_407 {dimension_numbers = #tpu.dot_dimension_numbers<[1], [0], [0], [1], [0, 0, 1, 1], [], []>, transpose_lhs_hint = false} : vector<16x50xbf16>, vector<50x50xbf16>, vector<16x50xf32> -> vector<16x50xf32>
    %slice3A_409 = vector.extract_strided_slice %get3A_36 {offsets = [0, 5, 0], sizes = [16, 1, 50], strides = [1, 1, 1]} : vector<16x8x50xf32> to vector<16x1x50xf32>
    %squeeze3A_410 = vector.shape_cast %slice3A_409 : vector<16x1x50xf32> to vector<16x50xf32>
    %mul3A_411 = arith.mulf %squeeze3A_410, %dot_general3A_408 : vector<16x50xf32>
    %convert_element_type3A_412 = arith.truncf %mul3A_411 : vector<16x50xf32> to vector<16x50xbf16>
    %dot_general3A_413 = arith.constant dense<0.000000e+00> : vector<16x50xf32>
    %dot_general3A_414 = tpu.matmul %convert_element_type3A_358, %convert_element_type3A, %dot_general3A_413 {dimension_numbers = #tpu.dot_dimension_numbers<[1], [0], [0], [1], [0, 0, 1, 1], [], []>, transpose_lhs_hint = false} : vector<16x50xbf16>, vector<50x50xbf16>, vector<16x50xf32> -> vector<16x50xf32>
    %slice3A_415 = vector.extract_strided_slice %get3A_42 {offsets = [0, 5, 0], sizes = [16, 1, 50], strides = [1, 1, 1]} : vector<16x8x50xf32> to vector<16x1x50xf32>
    %squeeze3A_416 = vector.shape_cast %slice3A_415 : vector<16x1x50xf32> to vector<16x50xf32>
    %mul3A_417 = arith.mulf %squeeze3A_416, %dot_general3A_414 : vector<16x50xf32>
    %convert_element_type3A_418 = arith.truncf %mul3A_417 : vector<16x50xf32> to vector<16x50xbf16>
    %dot_general3A_419 = arith.constant dense<0.000000e+00> : vector<16x50xf32>
    %dot_general3A_420 = tpu.matmul %convert_element_type3A_364, %convert_element_type3A, %dot_general3A_419 {dimension_numbers = #tpu.dot_dimension_numbers<[1], [0], [0], [1], [0, 0, 1, 1], [], []>, transpose_lhs_hint = false} : vector<16x50xbf16>, vector<50x50xbf16>, vector<16x50xf32> -> vector<16x50xf32>
    %slice3A_421 = vector.extract_strided_slice %get3A_48 {offsets = [0, 5, 0], sizes = [16, 1, 50], strides = [1, 1, 1]} : vector<16x8x50xf32> to vector<16x1x50xf32>
    %squeeze3A_422 = vector.shape_cast %slice3A_421 : vector<16x1x50xf32> to vector<16x50xf32>
    %mul3A_423 = arith.mulf %squeeze3A_422, %dot_general3A_420 : vector<16x50xf32>
    %convert_element_type3A_424 = arith.truncf %mul3A_423 : vector<16x50xf32> to vector<16x50xbf16>
    %dot_general3A_425 = arith.constant dense<0.000000e+00> : vector<16x50xf32>
    %dot_general3A_426 = tpu.matmul %convert_element_type3A_370, %convert_element_type3A, %dot_general3A_425 {dimension_numbers = #tpu.dot_dimension_numbers<[1], [0], [0], [1], [0, 0, 1, 1], [], []>, transpose_lhs_hint = false} : vector<16x50xbf16>, vector<50x50xbf16>, vector<16x50xf32> -> vector<16x50xf32>
    %slice3A_427 = vector.extract_strided_slice %get3A_54 {offsets = [0, 5, 0], sizes = [16, 1, 50], strides = [1, 1, 1]} : vector<16x8x50xf32> to vector<16x1x50xf32>
    %squeeze3A_428 = vector.shape_cast %slice3A_427 : vector<16x1x50xf32> to vector<16x50xf32>
    %mul3A_429 = arith.mulf %squeeze3A_428, %dot_general3A_426 : vector<16x50xf32>
    %convert_element_type3A_430 = arith.truncf %mul3A_429 : vector<16x50xf32> to vector<16x50xbf16>
    %dot_general3A_431 = arith.constant dense<0.000000e+00> : vector<16x50xf32>
    %dot_general3A_432 = tpu.matmul %convert_element_type3A_376, %convert_element_type3A, %dot_general3A_431 {dimension_numbers = #tpu.dot_dimension_numbers<[1], [0], [0], [1], [0, 0, 1, 1], [], []>, transpose_lhs_hint = false} : vector<16x50xbf16>, vector<50x50xbf16>, vector<16x50xf32> -> vector<16x50xf32>
    %slice3A_433 = vector.extract_strided_slice %get3A_60 {offsets = [0, 5, 0], sizes = [16, 1, 50], strides = [1, 1, 1]} : vector<16x8x50xf32> to vector<16x1x50xf32>
    %squeeze3A_434 = vector.shape_cast %slice3A_433 : vector<16x1x50xf32> to vector<16x50xf32>
    %mul3A_435 = arith.mulf %squeeze3A_434, %dot_general3A_432 : vector<16x50xf32>
    %convert_element_type3A_436 = arith.truncf %mul3A_435 : vector<16x50xf32> to vector<16x50xbf16>
    %dot_general3A_437 = arith.constant dense<0.000000e+00> : vector<16x50xf32>
    %dot_general3A_438 = tpu.matmul %convert_element_type3A_382, %convert_element_type3A, %dot_general3A_437 {dimension_numbers = #tpu.dot_dimension_numbers<[1], [0], [0], [1], [0, 0, 1, 1], [], []>, transpose_lhs_hint = false} : vector<16x50xbf16>, vector<50x50xbf16>, vector<16x50xf32> -> vector<16x50xf32>
    %slice3A_439 = vector.extract_strided_slice %get3A_66 {offsets = [0, 5, 0], sizes = [16, 1, 50], strides = [1, 1, 1]} : vector<16x8x50xf32> to vector<16x1x50xf32>
    %squeeze3A_440 = vector.shape_cast %slice3A_439 : vector<16x1x50xf32> to vector<16x50xf32>
    %mul3A_441 = arith.mulf %squeeze3A_440, %dot_general3A_438 : vector<16x50xf32>
    %convert_element_type3A_442 = arith.truncf %mul3A_441 : vector<16x50xf32> to vector<16x50xbf16>
    %dot_general3A_443 = arith.constant dense<0.000000e+00> : vector<16x50xf32>
    %dot_general3A_444 = tpu.matmul %convert_element_type3A_388, %convert_element_type3A, %dot_general3A_443 {dimension_numbers = #tpu.dot_dimension_numbers<[1], [0], [0], [1], [0, 0, 1, 1], [], []>, transpose_lhs_hint = false} : vector<16x50xbf16>, vector<50x50xbf16>, vector<16x50xf32> -> vector<16x50xf32>
    %slice3A_445 = vector.extract_strided_slice %get3A_72 {offsets = [0, 5, 0], sizes = [16, 1, 50], strides = [1, 1, 1]} : vector<16x8x50xf32> to vector<16x1x50xf32>
    %squeeze3A_446 = vector.shape_cast %slice3A_445 : vector<16x1x50xf32> to vector<16x50xf32>
    %mul3A_447 = arith.mulf %squeeze3A_446, %dot_general3A_444 : vector<16x50xf32>
    %convert_element_type3A_448 = arith.truncf %mul3A_447 : vector<16x50xf32> to vector<16x50xbf16>
    %dot_general3A_449 = arith.constant dense<0.000000e+00> : vector<16x50xf32>
    %dot_general3A_450 = tpu.matmul %convert_element_type3A_394, %convert_element_type3A, %dot_general3A_449 {dimension_numbers = #tpu.dot_dimension_numbers<[1], [0], [0], [1], [0, 0, 1, 1], [], []>, transpose_lhs_hint = false} : vector<16x50xbf16>, vector<50x50xbf16>, vector<16x50xf32> -> vector<16x50xf32>
    %slice3A_451 = vector.extract_strided_slice %get3A_78 {offsets = [0, 5, 0], sizes = [16, 1, 50], strides = [1, 1, 1]} : vector<16x8x50xf32> to vector<16x1x50xf32>
    %squeeze3A_452 = vector.shape_cast %slice3A_451 : vector<16x1x50xf32> to vector<16x50xf32>
    %mul3A_453 = arith.mulf %squeeze3A_452, %dot_general3A_450 : vector<16x50xf32>
    %convert_element_type3A_454 = arith.truncf %mul3A_453 : vector<16x50xf32> to vector<16x50xbf16>
    %dot_general3A_455 = arith.constant dense<0.000000e+00> : vector<16x50xf32>
    %dot_general3A_456 = tpu.matmul %convert_element_type3A_400, %convert_element_type3A, %dot_general3A_455 {dimension_numbers = #tpu.dot_dimension_numbers<[1], [0], [0], [1], [0, 0, 1, 1], [], []>, transpose_lhs_hint = false} : vector<16x50xbf16>, vector<50x50xbf16>, vector<16x50xf32> -> vector<16x50xf32>
    %slice3A_457 = vector.extract_strided_slice %get3A_84 {offsets = [0, 5, 0], sizes = [16, 1, 50], strides = [1, 1, 1]} : vector<16x8x50xf32> to vector<16x1x50xf32>
    %squeeze3A_458 = vector.shape_cast %slice3A_457 : vector<16x1x50xf32> to vector<16x50xf32>
    %mul3A_459 = arith.mulf %squeeze3A_458, %dot_general3A_456 : vector<16x50xf32>
    %convert_element_type3A_460 = arith.truncf %mul3A_459 : vector<16x50xf32> to vector<16x50xbf16>
    %dot_general3A_461 = arith.constant dense<0.000000e+00> : vector<16x50xf32>
    %dot_general3A_462 = tpu.matmul %convert_element_type3A_406, %convert_element_type3A, %dot_general3A_461 {dimension_numbers = #tpu.dot_dimension_numbers<[1], [0], [0], [1], [0, 0, 1, 1], [], []>, transpose_lhs_hint = false} : vector<16x50xbf16>, vector<50x50xbf16>, vector<16x50xf32> -> vector<16x50xf32>
    %slice3A_463 = vector.extract_strided_slice %get3A_30 {offsets = [0, 6, 0], sizes = [16, 1, 50], strides = [1, 1, 1]} : vector<16x8x50xf32> to vector<16x1x50xf32>
    %squeeze3A_464 = vector.shape_cast %slice3A_463 : vector<16x1x50xf32> to vector<16x50xf32>
    %mul3A_465 = arith.mulf %squeeze3A_464, %dot_general3A_462 : vector<16x50xf32>
    %convert_element_type3A_466 = arith.truncf %mul3A_465 : vector<16x50xf32> to vector<16x50xbf16>
    %dot_general3A_467 = arith.constant dense<0.000000e+00> : vector<16x50xf32>
    %dot_general3A_468 = tpu.matmul %convert_element_type3A_412, %convert_element_type3A, %dot_general3A_467 {dimension_numbers = #tpu.dot_dimension_numbers<[1], [0], [0], [1], [0, 0, 1, 1], [], []>, transpose_lhs_hint = false} : vector<16x50xbf16>, vector<50x50xbf16>, vector<16x50xf32> -> vector<16x50xf32>
    %slice3A_469 = vector.extract_strided_slice %get3A_36 {offsets = [0, 6, 0], sizes = [16, 1, 50], strides = [1, 1, 1]} : vector<16x8x50xf32> to vector<16x1x50xf32>
    %squeeze3A_470 = vector.shape_cast %slice3A_469 : vector<16x1x50xf32> to vector<16x50xf32>
    %mul3A_471 = arith.mulf %squeeze3A_470, %dot_general3A_468 : vector<16x50xf32>
    %convert_element_type3A_472 = arith.truncf %mul3A_471 : vector<16x50xf32> to vector<16x50xbf16>
    %dot_general3A_473 = arith.constant dense<0.000000e+00> : vector<16x50xf32>
    %dot_general3A_474 = tpu.matmul %convert_element_type3A_418, %convert_element_type3A, %dot_general3A_473 {dimension_numbers = #tpu.dot_dimension_numbers<[1], [0], [0], [1], [0, 0, 1, 1], [], []>, transpose_lhs_hint = false} : vector<16x50xbf16>, vector<50x50xbf16>, vector<16x50xf32> -> vector<16x50xf32>
    %slice3A_475 = vector.extract_strided_slice %get3A_42 {offsets = [0, 6, 0], sizes = [16, 1, 50], strides = [1, 1, 1]} : vector<16x8x50xf32> to vector<16x1x50xf32>
    %squeeze3A_476 = vector.shape_cast %slice3A_475 : vector<16x1x50xf32> to vector<16x50xf32>
    %mul3A_477 = arith.mulf %squeeze3A_476, %dot_general3A_474 : vector<16x50xf32>
    %convert_element_type3A_478 = arith.truncf %mul3A_477 : vector<16x50xf32> to vector<16x50xbf16>
    %dot_general3A_479 = arith.constant dense<0.000000e+00> : vector<16x50xf32>
    %dot_general3A_480 = tpu.matmul %convert_element_type3A_424, %convert_element_type3A, %dot_general3A_479 {dimension_numbers = #tpu.dot_dimension_numbers<[1], [0], [0], [1], [0, 0, 1, 1], [], []>, transpose_lhs_hint = false} : vector<16x50xbf16>, vector<50x50xbf16>, vector<16x50xf32> -> vector<16x50xf32>
    %slice3A_481 = vector.extract_strided_slice %get3A_48 {offsets = [0, 6, 0], sizes = [16, 1, 50], strides = [1, 1, 1]} : vector<16x8x50xf32> to vector<16x1x50xf32>
    %squeeze3A_482 = vector.shape_cast %slice3A_481 : vector<16x1x50xf32> to vector<16x50xf32>
    %mul3A_483 = arith.mulf %squeeze3A_482, %dot_general3A_480 : vector<16x50xf32>
    %convert_element_type3A_484 = arith.truncf %mul3A_483 : vector<16x50xf32> to vector<16x50xbf16>
    %dot_general3A_485 = arith.constant dense<0.000000e+00> : vector<16x50xf32>
    %dot_general3A_486 = tpu.matmul %convert_element_type3A_430, %convert_element_type3A, %dot_general3A_485 {dimension_numbers = #tpu.dot_dimension_numbers<[1], [0], [0], [1], [0, 0, 1, 1], [], []>, transpose_lhs_hint = false} : vector<16x50xbf16>, vector<50x50xbf16>, vector<16x50xf32> -> vector<16x50xf32>
    %slice3A_487 = vector.extract_strided_slice %get3A_54 {offsets = [0, 6, 0], sizes = [16, 1, 50], strides = [1, 1, 1]} : vector<16x8x50xf32> to vector<16x1x50xf32>
    %squeeze3A_488 = vector.shape_cast %slice3A_487 : vector<16x1x50xf32> to vector<16x50xf32>
    %mul3A_489 = arith.mulf %squeeze3A_488, %dot_general3A_486 : vector<16x50xf32>
    %convert_element_type3A_490 = arith.truncf %mul3A_489 : vector<16x50xf32> to vector<16x50xbf16>
    %dot_general3A_491 = arith.constant dense<0.000000e+00> : vector<16x50xf32>
    %dot_general3A_492 = tpu.matmul %convert_element_type3A_436, %convert_element_type3A, %dot_general3A_491 {dimension_numbers = #tpu.dot_dimension_numbers<[1], [0], [0], [1], [0, 0, 1, 1], [], []>, transpose_lhs_hint = false} : vector<16x50xbf16>, vector<50x50xbf16>, vector<16x50xf32> -> vector<16x50xf32>
    %slice3A_493 = vector.extract_strided_slice %get3A_60 {offsets = [0, 6, 0], sizes = [16, 1, 50], strides = [1, 1, 1]} : vector<16x8x50xf32> to vector<16x1x50xf32>
    %squeeze3A_494 = vector.shape_cast %slice3A_493 : vector<16x1x50xf32> to vector<16x50xf32>
    %mul3A_495 = arith.mulf %squeeze3A_494, %dot_general3A_492 : vector<16x50xf32>
    %convert_element_type3A_496 = arith.truncf %mul3A_495 : vector<16x50xf32> to vector<16x50xbf16>
    %dot_general3A_497 = arith.constant dense<0.000000e+00> : vector<16x50xf32>
    %dot_general3A_498 = tpu.matmul %convert_element_type3A_442, %convert_element_type3A, %dot_general3A_497 {dimension_numbers = #tpu.dot_dimension_numbers<[1], [0], [0], [1], [0, 0, 1, 1], [], []>, transpose_lhs_hint = false} : vector<16x50xbf16>, vector<50x50xbf16>, vector<16x50xf32> -> vector<16x50xf32>
    %slice3A_499 = vector.extract_strided_slice %get3A_66 {offsets = [0, 6, 0], sizes = [16, 1, 50], strides = [1, 1, 1]} : vector<16x8x50xf32> to vector<16x1x50xf32>
    %squeeze3A_500 = vector.shape_cast %slice3A_499 : vector<16x1x50xf32> to vector<16x50xf32>
    %mul3A_501 = arith.mulf %squeeze3A_500, %dot_general3A_498 : vector<16x50xf32>
    %convert_element_type3A_502 = arith.truncf %mul3A_501 : vector<16x50xf32> to vector<16x50xbf16>
    %dot_general3A_503 = arith.constant dense<0.000000e+00> : vector<16x50xf32>
    %dot_general3A_504 = tpu.matmul %convert_element_type3A_448, %convert_element_type3A, %dot_general3A_503 {dimension_numbers = #tpu.dot_dimension_numbers<[1], [0], [0], [1], [0, 0, 1, 1], [], []>, transpose_lhs_hint = false} : vector<16x50xbf16>, vector<50x50xbf16>, vector<16x50xf32> -> vector<16x50xf32>
    %slice3A_505 = vector.extract_strided_slice %get3A_72 {offsets = [0, 6, 0], sizes = [16, 1, 50], strides = [1, 1, 1]} : vector<16x8x50xf32> to vector<16x1x50xf32>
    %squeeze3A_506 = vector.shape_cast %slice3A_505 : vector<16x1x50xf32> to vector<16x50xf32>
    %mul3A_507 = arith.mulf %squeeze3A_506, %dot_general3A_504 : vector<16x50xf32>
    %convert_element_type3A_508 = arith.truncf %mul3A_507 : vector<16x50xf32> to vector<16x50xbf16>
    %dot_general3A_509 = arith.constant dense<0.000000e+00> : vector<16x50xf32>
    %dot_general3A_510 = tpu.matmul %convert_element_type3A_454, %convert_element_type3A, %dot_general3A_509 {dimension_numbers = #tpu.dot_dimension_numbers<[1], [0], [0], [1], [0, 0, 1, 1], [], []>, transpose_lhs_hint = false} : vector<16x50xbf16>, vector<50x50xbf16>, vector<16x50xf32> -> vector<16x50xf32>
    %slice3A_511 = vector.extract_strided_slice %get3A_78 {offsets = [0, 6, 0], sizes = [16, 1, 50], strides = [1, 1, 1]} : vector<16x8x50xf32> to vector<16x1x50xf32>
    %squeeze3A_512 = vector.shape_cast %slice3A_511 : vector<16x1x50xf32> to vector<16x50xf32>
    %mul3A_513 = arith.mulf %squeeze3A_512, %dot_general3A_510 : vector<16x50xf32>
    %convert_element_type3A_514 = arith.truncf %mul3A_513 : vector<16x50xf32> to vector<16x50xbf16>
    %dot_general3A_515 = arith.constant dense<0.000000e+00> : vector<16x50xf32>
    %dot_general3A_516 = tpu.matmul %convert_element_type3A_460, %convert_element_type3A, %dot_general3A_515 {dimension_numbers = #tpu.dot_dimension_numbers<[1], [0], [0], [1], [0, 0, 1, 1], [], []>, transpose_lhs_hint = false} : vector<16x50xbf16>, vector<50x50xbf16>, vector<16x50xf32> -> vector<16x50xf32>
    %slice3A_517 = vector.extract_strided_slice %get3A_84 {offsets = [0, 6, 0], sizes = [16, 1, 50], strides = [1, 1, 1]} : vector<16x8x50xf32> to vector<16x1x50xf32>
    %squeeze3A_518 = vector.shape_cast %slice3A_517 : vector<16x1x50xf32> to vector<16x50xf32>
    %mul3A_519 = arith.mulf %squeeze3A_518, %dot_general3A_516 : vector<16x50xf32>
    %convert_element_type3A_520 = arith.truncf %mul3A_519 : vector<16x50xf32> to vector<16x50xbf16>
    %dot_general3A_521 = arith.constant dense<0.000000e+00> : vector<16x50xf32>
    %dot_general3A_522 = tpu.matmul %convert_element_type3A_466, %convert_element_type3A, %dot_general3A_521 {dimension_numbers = #tpu.dot_dimension_numbers<[1], [0], [0], [1], [0, 0, 1, 1], [], []>, transpose_lhs_hint = false} : vector<16x50xbf16>, vector<50x50xbf16>, vector<16x50xf32> -> vector<16x50xf32>
    %slice3A_523 = vector.extract_strided_slice %get3A_30 {offsets = [0, 7, 0], sizes = [16, 1, 50], strides = [1, 1, 1]} : vector<16x8x50xf32> to vector<16x1x50xf32>
    %squeeze3A_524 = vector.shape_cast %slice3A_523 : vector<16x1x50xf32> to vector<16x50xf32>
    %mul3A_525 = arith.mulf %squeeze3A_524, %dot_general3A_522 : vector<16x50xf32>
    %reduce_max3A = arith.constant dense<0xFF800000> : vector<16xf32>
    %reduce_max3A_526 = vector.multi_reduction <maximumf>, %mul3A_525, %reduce_max3A [1] : vector<16x50xf32> to vector<16xf32>
    %broadcast_in_dim3A_527 = vector.shape_cast %reduce_max3A_526 : vector<16xf32> to vector<16x1xf32>
    %convert_element_type3A_528 = arith.truncf %mul3A_525 : vector<16x50xf32> to vector<16x50xbf16>
    %dot_general3A_529 = arith.constant dense<0.000000e+00> : vector<16x50xf32>
    %dot_general3A_530 = tpu.matmul %convert_element_type3A_472, %convert_element_type3A, %dot_general3A_529 {dimension_numbers = #tpu.dot_dimension_numbers<[1], [0], [0], [1], [0, 0, 1, 1], [], []>, transpose_lhs_hint = false} : vector<16x50xbf16>, vector<50x50xbf16>, vector<16x50xf32> -> vector<16x50xf32>
    %slice3A_531 = vector.extract_strided_slice %get3A_36 {offsets = [0, 7, 0], sizes = [16, 1, 50], strides = [1, 1, 1]} : vector<16x8x50xf32> to vector<16x1x50xf32>
    %squeeze3A_532 = vector.shape_cast %slice3A_531 : vector<16x1x50xf32> to vector<16x50xf32>
    %mul3A_533 = arith.mulf %squeeze3A_532, %dot_general3A_530 : vector<16x50xf32>
    %reduce_max3A_534 = arith.constant dense<0xFF800000> : vector<16xf32>
    %reduce_max3A_535 = vector.multi_reduction <maximumf>, %mul3A_533, %reduce_max3A_534 [1] : vector<16x50xf32> to vector<16xf32>
    %broadcast_in_dim3A_536 = vector.shape_cast %reduce_max3A_535 : vector<16xf32> to vector<16x1xf32>
    %convert_element_type3A_537 = arith.truncf %mul3A_533 : vector<16x50xf32> to vector<16x50xbf16>
    %dot_general3A_538 = arith.constant dense<0.000000e+00> : vector<16x50xf32>
    %dot_general3A_539 = tpu.matmul %convert_element_type3A_478, %convert_element_type3A, %dot_general3A_538 {dimension_numbers = #tpu.dot_dimension_numbers<[1], [0], [0], [1], [0, 0, 1, 1], [], []>, transpose_lhs_hint = false} : vector<16x50xbf16>, vector<50x50xbf16>, vector<16x50xf32> -> vector<16x50xf32>
    %slice3A_540 = vector.extract_strided_slice %get3A_42 {offsets = [0, 7, 0], sizes = [16, 1, 50], strides = [1, 1, 1]} : vector<16x8x50xf32> to vector<16x1x50xf32>
    %squeeze3A_541 = vector.shape_cast %slice3A_540 : vector<16x1x50xf32> to vector<16x50xf32>
    %mul3A_542 = arith.mulf %squeeze3A_541, %dot_general3A_539 : vector<16x50xf32>
    %reduce_max3A_543 = arith.constant dense<0xFF800000> : vector<16xf32>
    %reduce_max3A_544 = vector.multi_reduction <maximumf>, %mul3A_542, %reduce_max3A_543 [1] : vector<16x50xf32> to vector<16xf32>
    %broadcast_in_dim3A_545 = vector.shape_cast %reduce_max3A_544 : vector<16xf32> to vector<16x1xf32>
    %convert_element_type3A_546 = arith.truncf %mul3A_542 : vector<16x50xf32> to vector<16x50xbf16>
    %dot_general3A_547 = arith.constant dense<0.000000e+00> : vector<16x50xf32>
    %dot_general3A_548 = tpu.matmul %convert_element_type3A_484, %convert_element_type3A, %dot_general3A_547 {dimension_numbers = #tpu.dot_dimension_numbers<[1], [0], [0], [1], [0, 0, 1, 1], [], []>, transpose_lhs_hint = false} : vector<16x50xbf16>, vector<50x50xbf16>, vector<16x50xf32> -> vector<16x50xf32>
    %slice3A_549 = vector.extract_strided_slice %get3A_48 {offsets = [0, 7, 0], sizes = [16, 1, 50], strides = [1, 1, 1]} : vector<16x8x50xf32> to vector<16x1x50xf32>
    %squeeze3A_550 = vector.shape_cast %slice3A_549 : vector<16x1x50xf32> to vector<16x50xf32>
    %mul3A_551 = arith.mulf %squeeze3A_550, %dot_general3A_548 : vector<16x50xf32>
    %reduce_max3A_552 = arith.constant dense<0xFF800000> : vector<16xf32>
    %reduce_max3A_553 = vector.multi_reduction <maximumf>, %mul3A_551, %reduce_max3A_552 [1] : vector<16x50xf32> to vector<16xf32>
    %broadcast_in_dim3A_554 = vector.shape_cast %reduce_max3A_553 : vector<16xf32> to vector<16x1xf32>
    %convert_element_type3A_555 = arith.truncf %mul3A_551 : vector<16x50xf32> to vector<16x50xbf16>
    %dot_general3A_556 = arith.constant dense<0.000000e+00> : vector<16x50xf32>
    %dot_general3A_557 = tpu.matmul %convert_element_type3A_490, %convert_element_type3A, %dot_general3A_556 {dimension_numbers = #tpu.dot_dimension_numbers<[1], [0], [0], [1], [0, 0, 1, 1], [], []>, transpose_lhs_hint = false} : vector<16x50xbf16>, vector<50x50xbf16>, vector<16x50xf32> -> vector<16x50xf32>
    %slice3A_558 = vector.extract_strided_slice %get3A_54 {offsets = [0, 7, 0], sizes = [16, 1, 50], strides = [1, 1, 1]} : vector<16x8x50xf32> to vector<16x1x50xf32>
    %squeeze3A_559 = vector.shape_cast %slice3A_558 : vector<16x1x50xf32> to vector<16x50xf32>
    %mul3A_560 = arith.mulf %squeeze3A_559, %dot_general3A_557 : vector<16x50xf32>
    %reduce_max3A_561 = arith.constant dense<0xFF800000> : vector<16xf32>
    %reduce_max3A_562 = vector.multi_reduction <maximumf>, %mul3A_560, %reduce_max3A_561 [1] : vector<16x50xf32> to vector<16xf32>
    %broadcast_in_dim3A_563 = vector.shape_cast %reduce_max3A_562 : vector<16xf32> to vector<16x1xf32>
    %convert_element_type3A_564 = arith.truncf %mul3A_560 : vector<16x50xf32> to vector<16x50xbf16>
    %dot_general3A_565 = arith.constant dense<0.000000e+00> : vector<16x50xf32>
    %dot_general3A_566 = tpu.matmul %convert_element_type3A_496, %convert_element_type3A, %dot_general3A_565 {dimension_numbers = #tpu.dot_dimension_numbers<[1], [0], [0], [1], [0, 0, 1, 1], [], []>, transpose_lhs_hint = false} : vector<16x50xbf16>, vector<50x50xbf16>, vector<16x50xf32> -> vector<16x50xf32>
    %slice3A_567 = vector.extract_strided_slice %get3A_60 {offsets = [0, 7, 0], sizes = [16, 1, 50], strides = [1, 1, 1]} : vector<16x8x50xf32> to vector<16x1x50xf32>
    %squeeze3A_568 = vector.shape_cast %slice3A_567 : vector<16x1x50xf32> to vector<16x50xf32>
    %mul3A_569 = arith.mulf %squeeze3A_568, %dot_general3A_566 : vector<16x50xf32>
    %reduce_max3A_570 = arith.constant dense<0xFF800000> : vector<16xf32>
    %reduce_max3A_571 = vector.multi_reduction <maximumf>, %mul3A_569, %reduce_max3A_570 [1] : vector<16x50xf32> to vector<16xf32>
    %broadcast_in_dim3A_572 = vector.shape_cast %reduce_max3A_571 : vector<16xf32> to vector<16x1xf32>
    %convert_element_type3A_573 = arith.truncf %mul3A_569 : vector<16x50xf32> to vector<16x50xbf16>
    %dot_general3A_574 = arith.constant dense<0.000000e+00> : vector<16x50xf32>
    %dot_general3A_575 = tpu.matmul %convert_element_type3A_502, %convert_element_type3A, %dot_general3A_574 {dimension_numbers = #tpu.dot_dimension_numbers<[1], [0], [0], [1], [0, 0, 1, 1], [], []>, transpose_lhs_hint = false} : vector<16x50xbf16>, vector<50x50xbf16>, vector<16x50xf32> -> vector<16x50xf32>
    %slice3A_576 = vector.extract_strided_slice %get3A_66 {offsets = [0, 7, 0], sizes = [16, 1, 50], strides = [1, 1, 1]} : vector<16x8x50xf32> to vector<16x1x50xf32>
    %squeeze3A_577 = vector.shape_cast %slice3A_576 : vector<16x1x50xf32> to vector<16x50xf32>
    %mul3A_578 = arith.mulf %squeeze3A_577, %dot_general3A_575 : vector<16x50xf32>
    %reduce_max3A_579 = arith.constant dense<0xFF800000> : vector<16xf32>
    %reduce_max3A_580 = vector.multi_reduction <maximumf>, %mul3A_578, %reduce_max3A_579 [1] : vector<16x50xf32> to vector<16xf32>
    %broadcast_in_dim3A_581 = vector.shape_cast %reduce_max3A_580 : vector<16xf32> to vector<16x1xf32>
    %convert_element_type3A_582 = arith.truncf %mul3A_578 : vector<16x50xf32> to vector<16x50xbf16>
    %dot_general3A_583 = arith.constant dense<0.000000e+00> : vector<16x50xf32>
    %dot_general3A_584 = tpu.matmul %convert_element_type3A_508, %convert_element_type3A, %dot_general3A_583 {dimension_numbers = #tpu.dot_dimension_numbers<[1], [0], [0], [1], [0, 0, 1, 1], [], []>, transpose_lhs_hint = false} : vector<16x50xbf16>, vector<50x50xbf16>, vector<16x50xf32> -> vector<16x50xf32>
    %slice3A_585 = vector.extract_strided_slice %get3A_72 {offsets = [0, 7, 0], sizes = [16, 1, 50], strides = [1, 1, 1]} : vector<16x8x50xf32> to vector<16x1x50xf32>
    %squeeze3A_586 = vector.shape_cast %slice3A_585 : vector<16x1x50xf32> to vector<16x50xf32>
    %mul3A_587 = arith.mulf %squeeze3A_586, %dot_general3A_584 : vector<16x50xf32>
    %reduce_max3A_588 = arith.constant dense<0xFF800000> : vector<16xf32>
    %reduce_max3A_589 = vector.multi_reduction <maximumf>, %mul3A_587, %reduce_max3A_588 [1] : vector<16x50xf32> to vector<16xf32>
    %broadcast_in_dim3A_590 = vector.shape_cast %reduce_max3A_589 : vector<16xf32> to vector<16x1xf32>
    %convert_element_type3A_591 = arith.truncf %mul3A_587 : vector<16x50xf32> to vector<16x50xbf16>
    %dot_general3A_592 = arith.constant dense<0.000000e+00> : vector<16x50xf32>
    %dot_general3A_593 = tpu.matmul %convert_element_type3A_514, %convert_element_type3A, %dot_general3A_592 {dimension_numbers = #tpu.dot_dimension_numbers<[1], [0], [0], [1], [0, 0, 1, 1], [], []>, transpose_lhs_hint = false} : vector<16x50xbf16>, vector<50x50xbf16>, vector<16x50xf32> -> vector<16x50xf32>
    %slice3A_594 = vector.extract_strided_slice %get3A_78 {offsets = [0, 7, 0], sizes = [16, 1, 50], strides = [1, 1, 1]} : vector<16x8x50xf32> to vector<16x1x50xf32>
    %squeeze3A_595 = vector.shape_cast %slice3A_594 : vector<16x1x50xf32> to vector<16x50xf32>
    %mul3A_596 = arith.mulf %squeeze3A_595, %dot_general3A_593 : vector<16x50xf32>
    %reduce_max3A_597 = arith.constant dense<0xFF800000> : vector<16xf32>
    %reduce_max3A_598 = vector.multi_reduction <maximumf>, %mul3A_596, %reduce_max3A_597 [1] : vector<16x50xf32> to vector<16xf32>
    %broadcast_in_dim3A_599 = vector.shape_cast %reduce_max3A_598 : vector<16xf32> to vector<16x1xf32>
    %convert_element_type3A_600 = arith.truncf %mul3A_596 : vector<16x50xf32> to vector<16x50xbf16>
    %dot_general3A_601 = arith.constant dense<0.000000e+00> : vector<16x50xf32>
    %dot_general3A_602 = tpu.matmul %convert_element_type3A_520, %convert_element_type3A, %dot_general3A_601 {dimension_numbers = #tpu.dot_dimension_numbers<[1], [0], [0], [1], [0, 0, 1, 1], [], []>, transpose_lhs_hint = false} : vector<16x50xbf16>, vector<50x50xbf16>, vector<16x50xf32> -> vector<16x50xf32>
    %slice3A_603 = vector.extract_strided_slice %get3A_84 {offsets = [0, 7, 0], sizes = [16, 1, 50], strides = [1, 1, 1]} : vector<16x8x50xf32> to vector<16x1x50xf32>
    %squeeze3A_604 = vector.shape_cast %slice3A_603 : vector<16x1x50xf32> to vector<16x50xf32>
    %mul3A_605 = arith.mulf %squeeze3A_604, %dot_general3A_602 : vector<16x50xf32>
    %reduce_max3A_606 = arith.constant dense<0xFF800000> : vector<16xf32>
    %reduce_max3A_607 = vector.multi_reduction <maximumf>, %mul3A_605, %reduce_max3A_606 [1] : vector<16x50xf32> to vector<16xf32>
    %broadcast_in_dim3A_608 = vector.shape_cast %reduce_max3A_607 : vector<16xf32> to vector<16x1xf32>
    %convert_element_type3A_609 = arith.truncf %mul3A_605 : vector<16x50xf32> to vector<16x50xbf16>
    %log3A = math.log %broadcast_in_dim3A_527 : vector<16x1xf32>
    %add3A_610 = arith.addf %scan3A_23#20, %log3A : vector<16x1xf32>
    %div3A = arith.constant 1.000000e+00 : f32
    %div3A_611 = vector.broadcast %div3A : f32 to vector<16x1xf32>
    %div3A_612 = arith.divf %div3A_611, %broadcast_in_dim3A_527 : vector<16x1xf32>
    %div3A_613 = arith.constant 1.000000e+00 : f32
    %div3A_614 = vector.broadcast %div3A_613 : f32 to vector<16x1xf32>
    %div3A_615 = arith.divf %div3A_614, %broadcast_in_dim3A_536 : vector<16x1xf32>
    %div3A_616 = arith.constant 1.000000e+00 : f32
    %div3A_617 = vector.broadcast %div3A_616 : f32 to vector<16x1xf32>
    %div3A_618 = arith.divf %div3A_617, %broadcast_in_dim3A_545 : vector<16x1xf32>
    %div3A_619 = arith.constant 1.000000e+00 : f32
    %div3A_620 = vector.broadcast %div3A_619 : f32 to vector<16x1xf32>
    %div3A_621 = arith.divf %div3A_620, %broadcast_in_dim3A_554 : vector<16x1xf32>
    %div3A_622 = arith.constant 1.000000e+00 : f32
    %div3A_623 = vector.broadcast %div3A_622 : f32 to vector<16x1xf32>
    %div3A_624 = arith.divf %div3A_623, %broadcast_in_dim3A_563 : vector<16x1xf32>
    %div3A_625 = arith.constant 1.000000e+00 : f32
    %div3A_626 = vector.broadcast %div3A_625 : f32 to vector<16x1xf32>
    %div3A_627 = arith.divf %div3A_626, %broadcast_in_dim3A_572 : vector<16x1xf32>
    %div3A_628 = arith.constant 1.000000e+00 : f32
    %div3A_629 = vector.broadcast %div3A_628 : f32 to vector<16x1xf32>
    %div3A_630 = arith.divf %div3A_629, %broadcast_in_dim3A_581 : vector<16x1xf32>
    %div3A_631 = arith.constant 1.000000e+00 : f32
    %div3A_632 = vector.broadcast %div3A_631 : f32 to vector<16x1xf32>
    %div3A_633 = arith.divf %div3A_632, %broadcast_in_dim3A_590 : vector<16x1xf32>
    %div3A_634 = arith.constant 1.000000e+00 : f32
    %div3A_635 = vector.broadcast %div3A_634 : f32 to vector<16x1xf32>
    %div3A_636 = arith.divf %div3A_635, %broadcast_in_dim3A_599 : vector<16x1xf32>
    %div3A_637 = arith.constant 1.000000e+00 : f32
    %div3A_638 = vector.broadcast %div3A_637 : f32 to vector<16x1xf32>
    %div3A_639 = arith.divf %div3A_638, %broadcast_in_dim3A_608 : vector<16x1xf32>
    %scan3A_640 = arith.constant 4 : i32
    %scan3A_641 = arith.constant 6 : i32
    %scan3A_642 = arith.addi %scan3A_640, %scan3A_641 : i32
    %scan3A_643 = arith.constant 1 : i32
    %scan3A_644:30 = scf.for %scan3A_742 = %scan3A_640 to %scan3A_642 step %scan3A_643 iter_args(%scan3A_743 = %convert_element_type3A_528, %scan3A_744 = %convert_element_type3A_537, %scan3A_745 = %convert_element_type3A_546, %scan3A_746 = %convert_element_type3A_555, %scan3A_747 = %convert_element_type3A_564, %scan3A_748 = %convert_element_type3A_573, %scan3A_749 = %convert_element_type3A_582, %scan3A_750 = %convert_element_type3A_591, %scan3A_751 = %convert_element_type3A_600, %scan3A_752 = %convert_element_type3A_609, %scan3A_753 = %div3A_612, %scan3A_754 = %div3A_615, %scan3A_755 = %div3A_618, %scan3A_756 = %div3A_621, %scan3A_757 = %div3A_624, %scan3A_758 = %div3A_627, %scan3A_759 = %div3A_630, %scan3A_760 = %div3A_633, %scan3A_761 = %div3A_636, %scan3A_762 = %div3A_639, %scan3A_763 = %add3A_610, %scan3A_764 = %broadcast_in_dim3A_19, %scan3A_765 = %broadcast_in_dim3A_19, %scan3A_766 = %broadcast_in_dim3A_19, %scan3A_767 = %broadcast_in_dim3A_19, %scan3A_768 = %broadcast_in_dim3A_19, %scan3A_769 = %broadcast_in_dim3A_19, %scan3A_770 = %broadcast_in_dim3A_19, %scan3A_771 = %broadcast_in_dim3A_19, %scan3A_772 = %broadcast_in_dim3A_19) -> (vector<16x50xbf16>, vector<16x50xbf16>, vector<16x50xbf16>, vector<16x50xbf16>, vector<16x50xbf16>, vector<16x50xbf16>, vector<16x50xbf16>, vector<16x50xbf16>, vector<16x50xbf16>, vector<16x50xbf16>, vector<16x1xf32>, vector<16x1xf32>, vector<16x1xf32>, vector<16x1xf32>, vector<16x1xf32>, vector<16x1xf32>, vector<16x1xf32>, vector<16x1xf32>, vector<16x1xf32>, vector<16x1xf32>, vector<16x1xf32>, vector<16x1xf32>, vector<16x1xf32>, vector<16x1xf32>, vector<16x1xf32>, vector<16x1xf32>, vector<16x1xf32>, vector<16x1xf32>, vector<16x1xf32>, vector<16x1xf32>)  : i32 {
      %mul3A_773 = arith.constant 8 : i32
      %mul3A_774 = arith.muli %scan3A_742, %mul3A_773 : i32
      %multiple_of3A_775 = tpu.assume_multiple %mul3A_774, 8 : i32
      %add3A_776 = arith.constant 0 : i32
      %add3A_777 = arith.addi %add3A_776, %multiple_of3A_775 : i32
      %get3A_778 = arith.constant 0 : index
      %get3A_779 = arith.index_cast %add3A_777 : i32 to index
      %get3A_780 = arith.constant 0 : index
      %get3A_781 = vector.load %arg3[%get3A_778, %get3A_779, %get3A_780] : memref<16x512x50xf32, #tpu.memory_space<vmem>>, vector<16x8x50xf32>
      %add3A_782 = arith.constant 48 : i32
      %add3A_783 = arith.addi %add3A_782, %multiple_of3A_775 : i32
      %get3A_784 = arith.constant 0 : index
      %get3A_785 = arith.index_cast %add3A_783 : i32 to index
      %get3A_786 = arith.constant 0 : index
      %get3A_787 = vector.load %arg3[%get3A_784, %get3A_785, %get3A_786] : memref<16x512x50xf32, #tpu.memory_space<vmem>>, vector<16x8x50xf32>
      %add3A_788 = arith.constant 96 : i32
      %add3A_789 = arith.addi %add3A_788, %multiple_of3A_775 : i32
      %get3A_790 = arith.constant 0 : index
      %get3A_791 = arith.index_cast %add3A_789 : i32 to index
      %get3A_792 = arith.constant 0 : index
      %get3A_793 = vector.load %arg3[%get3A_790, %get3A_791, %get3A_792] : memref<16x512x50xf32, #tpu.memory_space<vmem>>, vector<16x8x50xf32>
      %add3A_794 = arith.constant 144 : i32
      %add3A_795 = arith.addi %add3A_794, %multiple_of3A_775 : i32
      %get3A_796 = arith.constant 0 : index
      %get3A_797 = arith.index_cast %add3A_795 : i32 to index
      %get3A_798 = arith.constant 0 : index
      %get3A_799 = vector.load %arg3[%get3A_796, %get3A_797, %get3A_798] : memref<16x512x50xf32, #tpu.memory_space<vmem>>, vector<16x8x50xf32>
      %add3A_800 = arith.constant 192 : i32
      %add3A_801 = arith.addi %add3A_800, %multiple_of3A_775 : i32
      %get3A_802 = arith.constant 0 : index
      %get3A_803 = arith.index_cast %add3A_801 : i32 to index
      %get3A_804 = arith.constant 0 : index
      %get3A_805 = vector.load %arg3[%get3A_802, %get3A_803, %get3A_804] : memref<16x512x50xf32, #tpu.memory_space<vmem>>, vector<16x8x50xf32>
      %add3A_806 = arith.constant 240 : i32
      %add3A_807 = arith.addi %add3A_806, %multiple_of3A_775 : i32
      %get3A_808 = arith.constant 0 : index
      %get3A_809 = arith.index_cast %add3A_807 : i32 to index
      %get3A_810 = arith.constant 0 : index
      %get3A_811 = vector.load %arg3[%get3A_808, %get3A_809, %get3A_810] : memref<16x512x50xf32, #tpu.memory_space<vmem>>, vector<16x8x50xf32>
      %add3A_812 = arith.constant 288 : i32
      %add3A_813 = arith.addi %add3A_812, %multiple_of3A_775 : i32
      %get3A_814 = arith.constant 0 : index
      %get3A_815 = arith.index_cast %add3A_813 : i32 to index
      %get3A_816 = arith.constant 0 : index
      %get3A_817 = vector.load %arg3[%get3A_814, %get3A_815, %get3A_816] : memref<16x512x50xf32, #tpu.memory_space<vmem>>, vector<16x8x50xf32>
      %add3A_818 = arith.constant 336 : i32
      %add3A_819 = arith.addi %add3A_818, %multiple_of3A_775 : i32
      %get3A_820 = arith.constant 0 : index
      %get3A_821 = arith.index_cast %add3A_819 : i32 to index
      %get3A_822 = arith.constant 0 : index
      %get3A_823 = vector.load %arg3[%get3A_820, %get3A_821, %get3A_822] : memref<16x512x50xf32, #tpu.memory_space<vmem>>, vector<16x8x50xf32>
      %add3A_824 = arith.constant 384 : i32
      %add3A_825 = arith.addi %add3A_824, %multiple_of3A_775 : i32
      %get3A_826 = arith.constant 0 : index
      %get3A_827 = arith.index_cast %add3A_825 : i32 to index
      %get3A_828 = arith.constant 0 : index
      %get3A_829 = vector.load %arg3[%get3A_826, %get3A_827, %get3A_828] : memref<16x512x50xf32, #tpu.memory_space<vmem>>, vector<16x8x50xf32>
      %add3A_830 = arith.constant 432 : i32
      %add3A_831 = arith.addi %add3A_830, %multiple_of3A_775 : i32
      %get3A_832 = arith.constant 0 : index
      %get3A_833 = arith.index_cast %add3A_831 : i32 to index
      %get3A_834 = arith.constant 0 : index
      %get3A_835 = vector.load %arg3[%get3A_832, %get3A_833, %get3A_834] : memref<16x512x50xf32, #tpu.memory_space<vmem>>, vector<16x8x50xf32>
      %dot_general3A_836 = arith.constant dense<0.000000e+00> : vector<16x50xf32>
      %dot_general3A_837 = tpu.matmul %scan3A_743, %convert_element_type3A, %dot_general3A_836 {dimension_numbers = #tpu.dot_dimension_numbers<[1], [0], [0], [1], [0, 0, 1, 1], [], []>, transpose_lhs_hint = false} : vector<16x50xbf16>, vector<50x50xbf16>, vector<16x50xf32> -> vector<16x50xf32>
      %slice3A_838 = vector.extract_strided_slice %get3A_781 {offsets = [0, 0, 0], sizes = [16, 1, 50], strides = [1, 1, 1]} : vector<16x8x50xf32> to vector<16x1x50xf32>
      %squeeze3A_839 = vector.shape_cast %slice3A_838 : vector<16x1x50xf32> to vector<16x50xf32>
      %mul3A_840 = arith.mulf %squeeze3A_839, %dot_general3A_837 : vector<16x50xf32>
      %mul3A_841 = vector.broadcast %scan3A_753 : vector<16x1xf32> to vector<16x50xf32>
      %mul3A_842 = arith.mulf %mul3A_840, %mul3A_841 : vector<16x50xf32>
      %convert_element_type3A_843 = arith.truncf %mul3A_842 : vector<16x50xf32> to vector<16x50xbf16>
      %dot_general3A_844 = arith.constant dense<0.000000e+00> : vector<16x50xf32>
      %dot_general3A_845 = tpu.matmul %scan3A_744, %convert_element_type3A, %dot_general3A_844 {dimension_numbers = #tpu.dot_dimension_numbers<[1], [0], [0], [1], [0, 0, 1, 1], [], []>, transpose_lhs_hint = false} : vector<16x50xbf16>, vector<50x50xbf16>, vector<16x50xf32> -> vector<16x50xf32>
      %slice3A_846 = vector.extract_strided_slice %get3A_787 {offsets = [0, 0, 0], sizes = [16, 1, 50], strides = [1, 1, 1]} : vector<16x8x50xf32> to vector<16x1x50xf32>
      %squeeze3A_847 = vector.shape_cast %slice3A_846 : vector<16x1x50xf32> to vector<16x50xf32>
      %mul3A_848 = arith.mulf %squeeze3A_847, %dot_general3A_845 : vector<16x50xf32>
      %mul3A_849 = vector.broadcast %scan3A_754 : vector<16x1xf32> to vector<16x50xf32>
      %mul3A_850 = arith.mulf %mul3A_848, %mul3A_849 : vector<16x50xf32>
      %convert_element_type3A_851 = arith.truncf %mul3A_850 : vector<16x50xf32> to vector<16x50xbf16>
      %dot_general3A_852 = arith.constant dense<0.000000e+00> : vector<16x50xf32>
      %dot_general3A_853 = tpu.matmul %scan3A_745, %convert_element_type3A, %dot_general3A_852 {dimension_numbers = #tpu.dot_dimension_numbers<[1], [0], [0], [1], [0, 0, 1, 1], [], []>, transpose_lhs_hint = false} : vector<16x50xbf16>, vector<50x50xbf16>, vector<16x50xf32> -> vector<16x50xf32>
      %slice3A_854 = vector.extract_strided_slice %get3A_793 {offsets = [0, 0, 0], sizes = [16, 1, 50], strides = [1, 1, 1]} : vector<16x8x50xf32> to vector<16x1x50xf32>
      %squeeze3A_855 = vector.shape_cast %slice3A_854 : vector<16x1x50xf32> to vector<16x50xf32>
      %mul3A_856 = arith.mulf %squeeze3A_855, %dot_general3A_853 : vector<16x50xf32>
      %mul3A_857 = vector.broadcast %scan3A_755 : vector<16x1xf32> to vector<16x50xf32>
      %mul3A_858 = arith.mulf %mul3A_856, %mul3A_857 : vector<16x50xf32>
      %convert_element_type3A_859 = arith.truncf %mul3A_858 : vector<16x50xf32> to vector<16x50xbf16>
      %dot_general3A_860 = arith.constant dense<0.000000e+00> : vector<16x50xf32>
      %dot_general3A_861 = tpu.matmul %scan3A_746, %convert_element_type3A, %dot_general3A_860 {dimension_numbers = #tpu.dot_dimension_numbers<[1], [0], [0], [1], [0, 0, 1, 1], [], []>, transpose_lhs_hint = false} : vector<16x50xbf16>, vector<50x50xbf16>, vector<16x50xf32> -> vector<16x50xf32>
      %slice3A_862 = vector.extract_strided_slice %get3A_799 {offsets = [0, 0, 0], sizes = [16, 1, 50], strides = [1, 1, 1]} : vector<16x8x50xf32> to vector<16x1x50xf32>
      %squeeze3A_863 = vector.shape_cast %slice3A_862 : vector<16x1x50xf32> to vector<16x50xf32>
      %mul3A_864 = arith.mulf %squeeze3A_863, %dot_general3A_861 : vector<16x50xf32>
      %mul3A_865 = vector.broadcast %scan3A_756 : vector<16x1xf32> to vector<16x50xf32>
      %mul3A_866 = arith.mulf %mul3A_864, %mul3A_865 : vector<16x50xf32>
      %convert_element_type3A_867 = arith.truncf %mul3A_866 : vector<16x50xf32> to vector<16x50xbf16>
      %dot_general3A_868 = arith.constant dense<0.000000e+00> : vector<16x50xf32>
      %dot_general3A_869 = tpu.matmul %scan3A_747, %convert_element_type3A, %dot_general3A_868 {dimension_numbers = #tpu.dot_dimension_numbers<[1], [0], [0], [1], [0, 0, 1, 1], [], []>, transpose_lhs_hint = false} : vector<16x50xbf16>, vector<50x50xbf16>, vector<16x50xf32> -> vector<16x50xf32>
      %slice3A_870 = vector.extract_strided_slice %get3A_805 {offsets = [0, 0, 0], sizes = [16, 1, 50], strides = [1, 1, 1]} : vector<16x8x50xf32> to vector<16x1x50xf32>
      %squeeze3A_871 = vector.shape_cast %slice3A_870 : vector<16x1x50xf32> to vector<16x50xf32>
      %mul3A_872 = arith.mulf %squeeze3A_871, %dot_general3A_869 : vector<16x50xf32>
      %mul3A_873 = vector.broadcast %scan3A_757 : vector<16x1xf32> to vector<16x50xf32>
      %mul3A_874 = arith.mulf %mul3A_872, %mul3A_873 : vector<16x50xf32>
      %convert_element_type3A_875 = arith.truncf %mul3A_874 : vector<16x50xf32> to vector<16x50xbf16>
      %dot_general3A_876 = arith.constant dense<0.000000e+00> : vector<16x50xf32>
      %dot_general3A_877 = tpu.matmul %scan3A_748, %convert_element_type3A, %dot_general3A_876 {dimension_numbers = #tpu.dot_dimension_numbers<[1], [0], [0], [1], [0, 0, 1, 1], [], []>, transpose_lhs_hint = false} : vector<16x50xbf16>, vector<50x50xbf16>, vector<16x50xf32> -> vector<16x50xf32>
      %slice3A_878 = vector.extract_strided_slice %get3A_811 {offsets = [0, 0, 0], sizes = [16, 1, 50], strides = [1, 1, 1]} : vector<16x8x50xf32> to vector<16x1x50xf32>
      %squeeze3A_879 = vector.shape_cast %slice3A_878 : vector<16x1x50xf32> to vector<16x50xf32>
      %mul3A_880 = arith.mulf %squeeze3A_879, %dot_general3A_877 : vector<16x50xf32>
      %mul3A_881 = vector.broadcast %scan3A_758 : vector<16x1xf32> to vector<16x50xf32>
      %mul3A_882 = arith.mulf %mul3A_880, %mul3A_881 : vector<16x50xf32>
      %convert_element_type3A_883 = arith.truncf %mul3A_882 : vector<16x50xf32> to vector<16x50xbf16>
      %dot_general3A_884 = arith.constant dense<0.000000e+00> : vector<16x50xf32>
      %dot_general3A_885 = tpu.matmul %scan3A_749, %convert_element_type3A, %dot_general3A_884 {dimension_numbers = #tpu.dot_dimension_numbers<[1], [0], [0], [1], [0, 0, 1, 1], [], []>, transpose_lhs_hint = false} : vector<16x50xbf16>, vector<50x50xbf16>, vector<16x50xf32> -> vector<16x50xf32>
      %slice3A_886 = vector.extract_strided_slice %get3A_817 {offsets = [0, 0, 0], sizes = [16, 1, 50], strides = [1, 1, 1]} : vector<16x8x50xf32> to vector<16x1x50xf32>
      %squeeze3A_887 = vector.shape_cast %slice3A_886 : vector<16x1x50xf32> to vector<16x50xf32>
      %mul3A_888 = arith.mulf %squeeze3A_887, %dot_general3A_885 : vector<16x50xf32>
      %mul3A_889 = vector.broadcast %scan3A_759 : vector<16x1xf32> to vector<16x50xf32>
      %mul3A_890 = arith.mulf %mul3A_888, %mul3A_889 : vector<16x50xf32>
      %convert_element_type3A_891 = arith.truncf %mul3A_890 : vector<16x50xf32> to vector<16x50xbf16>
      %dot_general3A_892 = arith.constant dense<0.000000e+00> : vector<16x50xf32>
      %dot_general3A_893 = tpu.matmul %scan3A_750, %convert_element_type3A, %dot_general3A_892 {dimension_numbers = #tpu.dot_dimension_numbers<[1], [0], [0], [1], [0, 0, 1, 1], [], []>, transpose_lhs_hint = false} : vector<16x50xbf16>, vector<50x50xbf16>, vector<16x50xf32> -> vector<16x50xf32>
      %slice3A_894 = vector.extract_strided_slice %get3A_823 {offsets = [0, 0, 0], sizes = [16, 1, 50], strides = [1, 1, 1]} : vector<16x8x50xf32> to vector<16x1x50xf32>
      %squeeze3A_895 = vector.shape_cast %slice3A_894 : vector<16x1x50xf32> to vector<16x50xf32>
      %mul3A_896 = arith.mulf %squeeze3A_895, %dot_general3A_893 : vector<16x50xf32>
      %mul3A_897 = vector.broadcast %scan3A_760 : vector<16x1xf32> to vector<16x50xf32>
      %mul3A_898 = arith.mulf %mul3A_896, %mul3A_897 : vector<16x50xf32>
      %convert_element_type3A_899 = arith.truncf %mul3A_898 : vector<16x50xf32> to vector<16x50xbf16>
      %dot_general3A_900 = arith.constant dense<0.000000e+00> : vector<16x50xf32>
      %dot_general3A_901 = tpu.matmul %scan3A_751, %convert_element_type3A, %dot_general3A_900 {dimension_numbers = #tpu.dot_dimension_numbers<[1], [0], [0], [1], [0, 0, 1, 1], [], []>, transpose_lhs_hint = false} : vector<16x50xbf16>, vector<50x50xbf16>, vector<16x50xf32> -> vector<16x50xf32>
      %slice3A_902 = vector.extract_strided_slice %get3A_829 {offsets = [0, 0, 0], sizes = [16, 1, 50], strides = [1, 1, 1]} : vector<16x8x50xf32> to vector<16x1x50xf32>
      %squeeze3A_903 = vector.shape_cast %slice3A_902 : vector<16x1x50xf32> to vector<16x50xf32>
      %mul3A_904 = arith.mulf %squeeze3A_903, %dot_general3A_901 : vector<16x50xf32>
      %mul3A_905 = vector.broadcast %scan3A_761 : vector<16x1xf32> to vector<16x50xf32>
      %mul3A_906 = arith.mulf %mul3A_904, %mul3A_905 : vector<16x50xf32>
      %convert_element_type3A_907 = arith.truncf %mul3A_906 : vector<16x50xf32> to vector<16x50xbf16>
      %dot_general3A_908 = arith.constant dense<0.000000e+00> : vector<16x50xf32>
      %dot_general3A_909 = tpu.matmul %scan3A_752, %convert_element_type3A, %dot_general3A_908 {dimension_numbers = #tpu.dot_dimension_numbers<[1], [0], [0], [1], [0, 0, 1, 1], [], []>, transpose_lhs_hint = false} : vector<16x50xbf16>, vector<50x50xbf16>, vector<16x50xf32> -> vector<16x50xf32>
      %slice3A_910 = vector.extract_strided_slice %get3A_835 {offsets = [0, 0, 0], sizes = [16, 1, 50], strides = [1, 1, 1]} : vector<16x8x50xf32> to vector<16x1x50xf32>
      %squeeze3A_911 = vector.shape_cast %slice3A_910 : vector<16x1x50xf32> to vector<16x50xf32>
      %mul3A_912 = arith.mulf %squeeze3A_911, %dot_general3A_909 : vector<16x50xf32>
      %mul3A_913 = vector.broadcast %scan3A_762 : vector<16x1xf32> to vector<16x50xf32>
      %mul3A_914 = arith.mulf %mul3A_912, %mul3A_913 : vector<16x50xf32>
      %convert_element_type3A_915 = arith.truncf %mul3A_914 : vector<16x50xf32> to vector<16x50xbf16>
      %dot_general3A_916 = arith.constant dense<0.000000e+00> : vector<16x50xf32>
      %dot_general3A_917 = tpu.matmul %convert_element_type3A_843, %convert_element_type3A, %dot_general3A_916 {dimension_numbers = #tpu.dot_dimension_numbers<[1], [0], [0], [1], [0, 0, 1, 1], [], []>, transpose_lhs_hint = false} : vector<16x50xbf16>, vector<50x50xbf16>, vector<16x50xf32> -> vector<16x50xf32>
      %slice3A_918 = vector.extract_strided_slice %get3A_781 {offsets = [0, 1, 0], sizes = [16, 1, 50], strides = [1, 1, 1]} : vector<16x8x50xf32> to vector<16x1x50xf32>
      %squeeze3A_919 = vector.shape_cast %slice3A_918 : vector<16x1x50xf32> to vector<16x50xf32>
      %mul3A_920 = arith.mulf %squeeze3A_919, %dot_general3A_917 : vector<16x50xf32>
      %convert_element_type3A_921 = arith.truncf %mul3A_920 : vector<16x50xf32> to vector<16x50xbf16>
      %dot_general3A_922 = arith.constant dense<0.000000e+00> : vector<16x50xf32>
      %dot_general3A_923 = tpu.matmul %convert_element_type3A_851, %convert_element_type3A, %dot_general3A_922 {dimension_numbers = #tpu.dot_dimension_numbers<[1], [0], [0], [1], [0, 0, 1, 1], [], []>, transpose_lhs_hint = false} : vector<16x50xbf16>, vector<50x50xbf16>, vector<16x50xf32> -> vector<16x50xf32>
      %slice3A_924 = vector.extract_strided_slice %get3A_787 {offsets = [0, 1, 0], sizes = [16, 1, 50], strides = [1, 1, 1]} : vector<16x8x50xf32> to vector<16x1x50xf32>
      %squeeze3A_925 = vector.shape_cast %slice3A_924 : vector<16x1x50xf32> to vector<16x50xf32>
      %mul3A_926 = arith.mulf %squeeze3A_925, %dot_general3A_923 : vector<16x50xf32>
      %convert_element_type3A_927 = arith.truncf %mul3A_926 : vector<16x50xf32> to vector<16x50xbf16>
      %dot_general3A_928 = arith.constant dense<0.000000e+00> : vector<16x50xf32>
      %dot_general3A_929 = tpu.matmul %convert_element_type3A_859, %convert_element_type3A, %dot_general3A_928 {dimension_numbers = #tpu.dot_dimension_numbers<[1], [0], [0], [1], [0, 0, 1, 1], [], []>, transpose_lhs_hint = false} : vector<16x50xbf16>, vector<50x50xbf16>, vector<16x50xf32> -> vector<16x50xf32>
      %slice3A_930 = vector.extract_strided_slice %get3A_793 {offsets = [0, 1, 0], sizes = [16, 1, 50], strides = [1, 1, 1]} : vector<16x8x50xf32> to vector<16x1x50xf32>
      %squeeze3A_931 = vector.shape_cast %slice3A_930 : vector<16x1x50xf32> to vector<16x50xf32>
      %mul3A_932 = arith.mulf %squeeze3A_931, %dot_general3A_929 : vector<16x50xf32>
      %convert_element_type3A_933 = arith.truncf %mul3A_932 : vector<16x50xf32> to vector<16x50xbf16>
      %dot_general3A_934 = arith.constant dense<0.000000e+00> : vector<16x50xf32>
      %dot_general3A_935 = tpu.matmul %convert_element_type3A_867, %convert_element_type3A, %dot_general3A_934 {dimension_numbers = #tpu.dot_dimension_numbers<[1], [0], [0], [1], [0, 0, 1, 1], [], []>, transpose_lhs_hint = false} : vector<16x50xbf16>, vector<50x50xbf16>, vector<16x50xf32> -> vector<16x50xf32>
      %slice3A_936 = vector.extract_strided_slice %get3A_799 {offsets = [0, 1, 0], sizes = [16, 1, 50], strides = [1, 1, 1]} : vector<16x8x50xf32> to vector<16x1x50xf32>
      %squeeze3A_937 = vector.shape_cast %slice3A_936 : vector<16x1x50xf32> to vector<16x50xf32>
      %mul3A_938 = arith.mulf %squeeze3A_937, %dot_general3A_935 : vector<16x50xf32>
      %convert_element_type3A_939 = arith.truncf %mul3A_938 : vector<16x50xf32> to vector<16x50xbf16>
      %dot_general3A_940 = arith.constant dense<0.000000e+00> : vector<16x50xf32>
      %dot_general3A_941 = tpu.matmul %convert_element_type3A_875, %convert_element_type3A, %dot_general3A_940 {dimension_numbers = #tpu.dot_dimension_numbers<[1], [0], [0], [1], [0, 0, 1, 1], [], []>, transpose_lhs_hint = false} : vector<16x50xbf16>, vector<50x50xbf16>, vector<16x50xf32> -> vector<16x50xf32>
      %slice3A_942 = vector.extract_strided_slice %get3A_805 {offsets = [0, 1, 0], sizes = [16, 1, 50], strides = [1, 1, 1]} : vector<16x8x50xf32> to vector<16x1x50xf32>
      %squeeze3A_943 = vector.shape_cast %slice3A_942 : vector<16x1x50xf32> to vector<16x50xf32>
      %mul3A_944 = arith.mulf %squeeze3A_943, %dot_general3A_941 : vector<16x50xf32>
      %convert_element_type3A_945 = arith.truncf %mul3A_944 : vector<16x50xf32> to vector<16x50xbf16>
      %dot_general3A_946 = arith.constant dense<0.000000e+00> : vector<16x50xf32>
      %dot_general3A_947 = tpu.matmul %convert_element_type3A_883, %convert_element_type3A, %dot_general3A_946 {dimension_numbers = #tpu.dot_dimension_numbers<[1], [0], [0], [1], [0, 0, 1, 1], [], []>, transpose_lhs_hint = false} : vector<16x50xbf16>, vector<50x50xbf16>, vector<16x50xf32> -> vector<16x50xf32>
      %slice3A_948 = vector.extract_strided_slice %get3A_811 {offsets = [0, 1, 0], sizes = [16, 1, 50], strides = [1, 1, 1]} : vector<16x8x50xf32> to vector<16x1x50xf32>
      %squeeze3A_949 = vector.shape_cast %slice3A_948 : vector<16x1x50xf32> to vector<16x50xf32>
      %mul3A_950 = arith.mulf %squeeze3A_949, %dot_general3A_947 : vector<16x50xf32>
      %convert_element_type3A_951 = arith.truncf %mul3A_950 : vector<16x50xf32> to vector<16x50xbf16>
      %dot_general3A_952 = arith.constant dense<0.000000e+00> : vector<16x50xf32>
      %dot_general3A_953 = tpu.matmul %convert_element_type3A_891, %convert_element_type3A, %dot_general3A_952 {dimension_numbers = #tpu.dot_dimension_numbers<[1], [0], [0], [1], [0, 0, 1, 1], [], []>, transpose_lhs_hint = false} : vector<16x50xbf16>, vector<50x50xbf16>, vector<16x50xf32> -> vector<16x50xf32>
      %slice3A_954 = vector.extract_strided_slice %get3A_817 {offsets = [0, 1, 0], sizes = [16, 1, 50], strides = [1, 1, 1]} : vector<16x8x50xf32> to vector<16x1x50xf32>
      %squeeze3A_955 = vector.shape_cast %slice3A_954 : vector<16x1x50xf32> to vector<16x50xf32>
      %mul3A_956 = arith.mulf %squeeze3A_955, %dot_general3A_953 : vector<16x50xf32>
      %convert_element_type3A_957 = arith.truncf %mul3A_956 : vector<16x50xf32> to vector<16x50xbf16>
      %dot_general3A_958 = arith.constant dense<0.000000e+00> : vector<16x50xf32>
      %dot_general3A_959 = tpu.matmul %convert_element_type3A_899, %convert_element_type3A, %dot_general3A_958 {dimension_numbers = #tpu.dot_dimension_numbers<[1], [0], [0], [1], [0, 0, 1, 1], [], []>, transpose_lhs_hint = false} : vector<16x50xbf16>, vector<50x50xbf16>, vector<16x50xf32> -> vector<16x50xf32>
      %slice3A_960 = vector.extract_strided_slice %get3A_823 {offsets = [0, 1, 0], sizes = [16, 1, 50], strides = [1, 1, 1]} : vector<16x8x50xf32> to vector<16x1x50xf32>
      %squeeze3A_961 = vector.shape_cast %slice3A_960 : vector<16x1x50xf32> to vector<16x50xf32>
      %mul3A_962 = arith.mulf %squeeze3A_961, %dot_general3A_959 : vector<16x50xf32>
      %convert_element_type3A_963 = arith.truncf %mul3A_962 : vector<16x50xf32> to vector<16x50xbf16>
      %dot_general3A_964 = arith.constant dense<0.000000e+00> : vector<16x50xf32>
      %dot_general3A_965 = tpu.matmul %convert_element_type3A_907, %convert_element_type3A, %dot_general3A_964 {dimension_numbers = #tpu.dot_dimension_numbers<[1], [0], [0], [1], [0, 0, 1, 1], [], []>, transpose_lhs_hint = false} : vector<16x50xbf16>, vector<50x50xbf16>, vector<16x50xf32> -> vector<16x50xf32>
      %slice3A_966 = vector.extract_strided_slice %get3A_829 {offsets = [0, 1, 0], sizes = [16, 1, 50], strides = [1, 1, 1]} : vector<16x8x50xf32> to vector<16x1x50xf32>
      %squeeze3A_967 = vector.shape_cast %slice3A_966 : vector<16x1x50xf32> to vector<16x50xf32>
      %mul3A_968 = arith.mulf %squeeze3A_967, %dot_general3A_965 : vector<16x50xf32>
      %convert_element_type3A_969 = arith.truncf %mul3A_968 : vector<16x50xf32> to vector<16x50xbf16>
      %dot_general3A_970 = arith.constant dense<0.000000e+00> : vector<16x50xf32>
      %dot_general3A_971 = tpu.matmul %convert_element_type3A_915, %convert_element_type3A, %dot_general3A_970 {dimension_numbers = #tpu.dot_dimension_numbers<[1], [0], [0], [1], [0, 0, 1, 1], [], []>, transpose_lhs_hint = false} : vector<16x50xbf16>, vector<50x50xbf16>, vector<16x50xf32> -> vector<16x50xf32>
      %slice3A_972 = vector.extract_strided_slice %get3A_835 {offsets = [0, 1, 0], sizes = [16, 1, 50], strides = [1, 1, 1]} : vector<16x8x50xf32> to vector<16x1x50xf32>
      %squeeze3A_973 = vector.shape_cast %slice3A_972 : vector<16x1x50xf32> to vector<16x50xf32>
      %mul3A_974 = arith.mulf %squeeze3A_973, %dot_general3A_971 : vector<16x50xf32>
      %convert_element_type3A_975 = arith.truncf %mul3A_974 : vector<16x50xf32> to vector<16x50xbf16>
      %dot_general3A_976 = arith.constant dense<0.000000e+00> : vector<16x50xf32>
      %dot_general3A_977 = tpu.matmul %convert_element_type3A_921, %convert_element_type3A, %dot_general3A_976 {dimension_numbers = #tpu.dot_dimension_numbers<[1], [0], [0], [1], [0, 0, 1, 1], [], []>, transpose_lhs_hint = false} : vector<16x50xbf16>, vector<50x50xbf16>, vector<16x50xf32> -> vector<16x50xf32>
      %slice3A_978 = vector.extract_strided_slice %get3A_781 {offsets = [0, 2, 0], sizes = [16, 1, 50], strides = [1, 1, 1]} : vector<16x8x50xf32> to vector<16x1x50xf32>
      %squeeze3A_979 = vector.shape_cast %slice3A_978 : vector<16x1x50xf32> to vector<16x50xf32>
      %mul3A_980 = arith.mulf %squeeze3A_979, %dot_general3A_977 : vector<16x50xf32>
      %convert_element_type3A_981 = arith.truncf %mul3A_980 : vector<16x50xf32> to vector<16x50xbf16>
      %dot_general3A_982 = arith.constant dense<0.000000e+00> : vector<16x50xf32>
      %dot_general3A_983 = tpu.matmul %convert_element_type3A_927, %convert_element_type3A, %dot_general3A_982 {dimension_numbers = #tpu.dot_dimension_numbers<[1], [0], [0], [1], [0, 0, 1, 1], [], []>, transpose_lhs_hint = false} : vector<16x50xbf16>, vector<50x50xbf16>, vector<16x50xf32> -> vector<16x50xf32>
      %slice3A_984 = vector.extract_strided_slice %get3A_787 {offsets = [0, 2, 0], sizes = [16, 1, 50], strides = [1, 1, 1]} : vector<16x8x50xf32> to vector<16x1x50xf32>
      %squeeze3A_985 = vector.shape_cast %slice3A_984 : vector<16x1x50xf32> to vector<16x50xf32>
      %mul3A_986 = arith.mulf %squeeze3A_985, %dot_general3A_983 : vector<16x50xf32>
      %convert_element_type3A_987 = arith.truncf %mul3A_986 : vector<16x50xf32> to vector<16x50xbf16>
      %dot_general3A_988 = arith.constant dense<0.000000e+00> : vector<16x50xf32>
      %dot_general3A_989 = tpu.matmul %convert_element_type3A_933, %convert_element_type3A, %dot_general3A_988 {dimension_numbers = #tpu.dot_dimension_numbers<[1], [0], [0], [1], [0, 0, 1, 1], [], []>, transpose_lhs_hint = false} : vector<16x50xbf16>, vector<50x50xbf16>, vector<16x50xf32> -> vector<16x50xf32>
      %slice3A_990 = vector.extract_strided_slice %get3A_793 {offsets = [0, 2, 0], sizes = [16, 1, 50], strides = [1, 1, 1]} : vector<16x8x50xf32> to vector<16x1x50xf32>
      %squeeze3A_991 = vector.shape_cast %slice3A_990 : vector<16x1x50xf32> to vector<16x50xf32>
      %mul3A_992 = arith.mulf %squeeze3A_991, %dot_general3A_989 : vector<16x50xf32>
      %convert_element_type3A_993 = arith.truncf %mul3A_992 : vector<16x50xf32> to vector<16x50xbf16>
      %dot_general3A_994 = arith.constant dense<0.000000e+00> : vector<16x50xf32>
      %dot_general3A_995 = tpu.matmul %convert_element_type3A_939, %convert_element_type3A, %dot_general3A_994 {dimension_numbers = #tpu.dot_dimension_numbers<[1], [0], [0], [1], [0, 0, 1, 1], [], []>, transpose_lhs_hint = false} : vector<16x50xbf16>, vector<50x50xbf16>, vector<16x50xf32> -> vector<16x50xf32>
      %slice3A_996 = vector.extract_strided_slice %get3A_799 {offsets = [0, 2, 0], sizes = [16, 1, 50], strides = [1, 1, 1]} : vector<16x8x50xf32> to vector<16x1x50xf32>
      %squeeze3A_997 = vector.shape_cast %slice3A_996 : vector<16x1x50xf32> to vector<16x50xf32>
      %mul3A_998 = arith.mulf %squeeze3A_997, %dot_general3A_995 : vector<16x50xf32>
      %convert_element_type3A_999 = arith.truncf %mul3A_998 : vector<16x50xf32> to vector<16x50xbf16>
      %dot_general3A_1000 = arith.constant dense<0.000000e+00> : vector<16x50xf32>
      %dot_general3A_1001 = tpu.matmul %convert_element_type3A_945, %convert_element_type3A, %dot_general3A_1000 {dimension_numbers = #tpu.dot_dimension_numbers<[1], [0], [0], [1], [0, 0, 1, 1], [], []>, transpose_lhs_hint = false} : vector<16x50xbf16>, vector<50x50xbf16>, vector<16x50xf32> -> vector<16x50xf32>
      %slice3A_1002 = vector.extract_strided_slice %get3A_805 {offsets = [0, 2, 0], sizes = [16, 1, 50], strides = [1, 1, 1]} : vector<16x8x50xf32> to vector<16x1x50xf32>
      %squeeze3A_1003 = vector.shape_cast %slice3A_1002 : vector<16x1x50xf32> to vector<16x50xf32>
      %mul3A_1004 = arith.mulf %squeeze3A_1003, %dot_general3A_1001 : vector<16x50xf32>
      %convert_element_type3A_1005 = arith.truncf %mul3A_1004 : vector<16x50xf32> to vector<16x50xbf16>
      %dot_general3A_1006 = arith.constant dense<0.000000e+00> : vector<16x50xf32>
      %dot_general3A_1007 = tpu.matmul %convert_element_type3A_951, %convert_element_type3A, %dot_general3A_1006 {dimension_numbers = #tpu.dot_dimension_numbers<[1], [0], [0], [1], [0, 0, 1, 1], [], []>, transpose_lhs_hint = false} : vector<16x50xbf16>, vector<50x50xbf16>, vector<16x50xf32> -> vector<16x50xf32>
      %slice3A_1008 = vector.extract_strided_slice %get3A_811 {offsets = [0, 2, 0], sizes = [16, 1, 50], strides = [1, 1, 1]} : vector<16x8x50xf32> to vector<16x1x50xf32>
      %squeeze3A_1009 = vector.shape_cast %slice3A_1008 : vector<16x1x50xf32> to vector<16x50xf32>
      %mul3A_1010 = arith.mulf %squeeze3A_1009, %dot_general3A_1007 : vector<16x50xf32>
      %convert_element_type3A_1011 = arith.truncf %mul3A_1010 : vector<16x50xf32> to vector<16x50xbf16>
      %dot_general3A_1012 = arith.constant dense<0.000000e+00> : vector<16x50xf32>
      %dot_general3A_1013 = tpu.matmul %convert_element_type3A_957, %convert_element_type3A, %dot_general3A_1012 {dimension_numbers = #tpu.dot_dimension_numbers<[1], [0], [0], [1], [0, 0, 1, 1], [], []>, transpose_lhs_hint = false} : vector<16x50xbf16>, vector<50x50xbf16>, vector<16x50xf32> -> vector<16x50xf32>
      %slice3A_1014 = vector.extract_strided_slice %get3A_817 {offsets = [0, 2, 0], sizes = [16, 1, 50], strides = [1, 1, 1]} : vector<16x8x50xf32> to vector<16x1x50xf32>
      %squeeze3A_1015 = vector.shape_cast %slice3A_1014 : vector<16x1x50xf32> to vector<16x50xf32>
      %mul3A_1016 = arith.mulf %squeeze3A_1015, %dot_general3A_1013 : vector<16x50xf32>
      %convert_element_type3A_1017 = arith.truncf %mul3A_1016 : vector<16x50xf32> to vector<16x50xbf16>
      %dot_general3A_1018 = arith.constant dense<0.000000e+00> : vector<16x50xf32>
      %dot_general3A_1019 = tpu.matmul %convert_element_type3A_963, %convert_element_type3A, %dot_general3A_1018 {dimension_numbers = #tpu.dot_dimension_numbers<[1], [0], [0], [1], [0, 0, 1, 1], [], []>, transpose_lhs_hint = false} : vector<16x50xbf16>, vector<50x50xbf16>, vector<16x50xf32> -> vector<16x50xf32>
      %slice3A_1020 = vector.extract_strided_slice %get3A_823 {offsets = [0, 2, 0], sizes = [16, 1, 50], strides = [1, 1, 1]} : vector<16x8x50xf32> to vector<16x1x50xf32>
      %squeeze3A_1021 = vector.shape_cast %slice3A_1020 : vector<16x1x50xf32> to vector<16x50xf32>
      %mul3A_1022 = arith.mulf %squeeze3A_1021, %dot_general3A_1019 : vector<16x50xf32>
      %convert_element_type3A_1023 = arith.truncf %mul3A_1022 : vector<16x50xf32> to vector<16x50xbf16>
      %dot_general3A_1024 = arith.constant dense<0.000000e+00> : vector<16x50xf32>
      %dot_general3A_1025 = tpu.matmul %convert_element_type3A_969, %convert_element_type3A, %dot_general3A_1024 {dimension_numbers = #tpu.dot_dimension_numbers<[1], [0], [0], [1], [0, 0, 1, 1], [], []>, transpose_lhs_hint = false} : vector<16x50xbf16>, vector<50x50xbf16>, vector<16x50xf32> -> vector<16x50xf32>
      %slice3A_1026 = vector.extract_strided_slice %get3A_829 {offsets = [0, 2, 0], sizes = [16, 1, 50], strides = [1, 1, 1]} : vector<16x8x50xf32> to vector<16x1x50xf32>
      %squeeze3A_1027 = vector.shape_cast %slice3A_1026 : vector<16x1x50xf32> to vector<16x50xf32>
      %mul3A_1028 = arith.mulf %squeeze3A_1027, %dot_general3A_1025 : vector<16x50xf32>
      %convert_element_type3A_1029 = arith.truncf %mul3A_1028 : vector<16x50xf32> to vector<16x50xbf16>
      %dot_general3A_1030 = arith.constant dense<0.000000e+00> : vector<16x50xf32>
      %dot_general3A_1031 = tpu.matmul %convert_element_type3A_975, %convert_element_type3A, %dot_general3A_1030 {dimension_numbers = #tpu.dot_dimension_numbers<[1], [0], [0], [1], [0, 0, 1, 1], [], []>, transpose_lhs_hint = false} : vector<16x50xbf16>, vector<50x50xbf16>, vector<16x50xf32> -> vector<16x50xf32>
      %slice3A_1032 = vector.extract_strided_slice %get3A_835 {offsets = [0, 2, 0], sizes = [16, 1, 50], strides = [1, 1, 1]} : vector<16x8x50xf32> to vector<16x1x50xf32>
      %squeeze3A_1033 = vector.shape_cast %slice3A_1032 : vector<16x1x50xf32> to vector<16x50xf32>
      %mul3A_1034 = arith.mulf %squeeze3A_1033, %dot_general3A_1031 : vector<16x50xf32>
      %convert_element_type3A_1035 = arith.truncf %mul3A_1034 : vector<16x50xf32> to vector<16x50xbf16>
      %dot_general3A_1036 = arith.constant dense<0.000000e+00> : vector<16x50xf32>
      %dot_general3A_1037 = tpu.matmul %convert_element_type3A_981, %convert_element_type3A, %dot_general3A_1036 {dimension_numbers = #tpu.dot_dimension_numbers<[1], [0], [0], [1], [0, 0, 1, 1], [], []>, transpose_lhs_hint = false} : vector<16x50xbf16>, vector<50x50xbf16>, vector<16x50xf32> -> vector<16x50xf32>
      %slice3A_1038 = vector.extract_strided_slice %get3A_781 {offsets = [0, 3, 0], sizes = [16, 1, 50], strides = [1, 1, 1]} : vector<16x8x50xf32> to vector<16x1x50xf32>
      %squeeze3A_1039 = vector.shape_cast %slice3A_1038 : vector<16x1x50xf32> to vector<16x50xf32>
      %mul3A_1040 = arith.mulf %squeeze3A_1039, %dot_general3A_1037 : vector<16x50xf32>
      %convert_element_type3A_1041 = arith.truncf %mul3A_1040 : vector<16x50xf32> to vector<16x50xbf16>
      %dot_general3A_1042 = arith.constant dense<0.000000e+00> : vector<16x50xf32>
      %dot_general3A_1043 = tpu.matmul %convert_element_type3A_987, %convert_element_type3A, %dot_general3A_1042 {dimension_numbers = #tpu.dot_dimension_numbers<[1], [0], [0], [1], [0, 0, 1, 1], [], []>, transpose_lhs_hint = false} : vector<16x50xbf16>, vector<50x50xbf16>, vector<16x50xf32> -> vector<16x50xf32>
      %slice3A_1044 = vector.extract_strided_slice %get3A_787 {offsets = [0, 3, 0], sizes = [16, 1, 50], strides = [1, 1, 1]} : vector<16x8x50xf32> to vector<16x1x50xf32>
      %squeeze3A_1045 = vector.shape_cast %slice3A_1044 : vector<16x1x50xf32> to vector<16x50xf32>
      %mul3A_1046 = arith.mulf %squeeze3A_1045, %dot_general3A_1043 : vector<16x50xf32>
      %convert_element_type3A_1047 = arith.truncf %mul3A_1046 : vector<16x50xf32> to vector<16x50xbf16>
      %dot_general3A_1048 = arith.constant dense<0.000000e+00> : vector<16x50xf32>
      %dot_general3A_1049 = tpu.matmul %convert_element_type3A_993, %convert_element_type3A, %dot_general3A_1048 {dimension_numbers = #tpu.dot_dimension_numbers<[1], [0], [0], [1], [0, 0, 1, 1], [], []>, transpose_lhs_hint = false} : vector<16x50xbf16>, vector<50x50xbf16>, vector<16x50xf32> -> vector<16x50xf32>
      %slice3A_1050 = vector.extract_strided_slice %get3A_793 {offsets = [0, 3, 0], sizes = [16, 1, 50], strides = [1, 1, 1]} : vector<16x8x50xf32> to vector<16x1x50xf32>
      %squeeze3A_1051 = vector.shape_cast %slice3A_1050 : vector<16x1x50xf32> to vector<16x50xf32>
      %mul3A_1052 = arith.mulf %squeeze3A_1051, %dot_general3A_1049 : vector<16x50xf32>
      %convert_element_type3A_1053 = arith.truncf %mul3A_1052 : vector<16x50xf32> to vector<16x50xbf16>
      %dot_general3A_1054 = arith.constant dense<0.000000e+00> : vector<16x50xf32>
      %dot_general3A_1055 = tpu.matmul %convert_element_type3A_999, %convert_element_type3A, %dot_general3A_1054 {dimension_numbers = #tpu.dot_dimension_numbers<[1], [0], [0], [1], [0, 0, 1, 1], [], []>, transpose_lhs_hint = false} : vector<16x50xbf16>, vector<50x50xbf16>, vector<16x50xf32> -> vector<16x50xf32>
      %slice3A_1056 = vector.extract_strided_slice %get3A_799 {offsets = [0, 3, 0], sizes = [16, 1, 50], strides = [1, 1, 1]} : vector<16x8x50xf32> to vector<16x1x50xf32>
      %squeeze3A_1057 = vector.shape_cast %slice3A_1056 : vector<16x1x50xf32> to vector<16x50xf32>
      %mul3A_1058 = arith.mulf %squeeze3A_1057, %dot_general3A_1055 : vector<16x50xf32>
      %convert_element_type3A_1059 = arith.truncf %mul3A_1058 : vector<16x50xf32> to vector<16x50xbf16>
      %dot_general3A_1060 = arith.constant dense<0.000000e+00> : vector<16x50xf32>
      %dot_general3A_1061 = tpu.matmul %convert_element_type3A_1005, %convert_element_type3A, %dot_general3A_1060 {dimension_numbers = #tpu.dot_dimension_numbers<[1], [0], [0], [1], [0, 0, 1, 1], [], []>, transpose_lhs_hint = false} : vector<16x50xbf16>, vector<50x50xbf16>, vector<16x50xf32> -> vector<16x50xf32>
      %slice3A_1062 = vector.extract_strided_slice %get3A_805 {offsets = [0, 3, 0], sizes = [16, 1, 50], strides = [1, 1, 1]} : vector<16x8x50xf32> to vector<16x1x50xf32>
      %squeeze3A_1063 = vector.shape_cast %slice3A_1062 : vector<16x1x50xf32> to vector<16x50xf32>
      %mul3A_1064 = arith.mulf %squeeze3A_1063, %dot_general3A_1061 : vector<16x50xf32>
      %convert_element_type3A_1065 = arith.truncf %mul3A_1064 : vector<16x50xf32> to vector<16x50xbf16>
      %dot_general3A_1066 = arith.constant dense<0.000000e+00> : vector<16x50xf32>
      %dot_general3A_1067 = tpu.matmul %convert_element_type3A_1011, %convert_element_type3A, %dot_general3A_1066 {dimension_numbers = #tpu.dot_dimension_numbers<[1], [0], [0], [1], [0, 0, 1, 1], [], []>, transpose_lhs_hint = false} : vector<16x50xbf16>, vector<50x50xbf16>, vector<16x50xf32> -> vector<16x50xf32>
      %slice3A_1068 = vector.extract_strided_slice %get3A_811 {offsets = [0, 3, 0], sizes = [16, 1, 50], strides = [1, 1, 1]} : vector<16x8x50xf32> to vector<16x1x50xf32>
      %squeeze3A_1069 = vector.shape_cast %slice3A_1068 : vector<16x1x50xf32> to vector<16x50xf32>
      %mul3A_1070 = arith.mulf %squeeze3A_1069, %dot_general3A_1067 : vector<16x50xf32>
      %convert_element_type3A_1071 = arith.truncf %mul3A_1070 : vector<16x50xf32> to vector<16x50xbf16>
      %dot_general3A_1072 = arith.constant dense<0.000000e+00> : vector<16x50xf32>
      %dot_general3A_1073 = tpu.matmul %convert_element_type3A_1017, %convert_element_type3A, %dot_general3A_1072 {dimension_numbers = #tpu.dot_dimension_numbers<[1], [0], [0], [1], [0, 0, 1, 1], [], []>, transpose_lhs_hint = false} : vector<16x50xbf16>, vector<50x50xbf16>, vector<16x50xf32> -> vector<16x50xf32>
      %slice3A_1074 = vector.extract_strided_slice %get3A_817 {offsets = [0, 3, 0], sizes = [16, 1, 50], strides = [1, 1, 1]} : vector<16x8x50xf32> to vector<16x1x50xf32>
      %squeeze3A_1075 = vector.shape_cast %slice3A_1074 : vector<16x1x50xf32> to vector<16x50xf32>
      %mul3A_1076 = arith.mulf %squeeze3A_1075, %dot_general3A_1073 : vector<16x50xf32>
      %convert_element_type3A_1077 = arith.truncf %mul3A_1076 : vector<16x50xf32> to vector<16x50xbf16>
      %dot_general3A_1078 = arith.constant dense<0.000000e+00> : vector<16x50xf32>
      %dot_general3A_1079 = tpu.matmul %convert_element_type3A_1023, %convert_element_type3A, %dot_general3A_1078 {dimension_numbers = #tpu.dot_dimension_numbers<[1], [0], [0], [1], [0, 0, 1, 1], [], []>, transpose_lhs_hint = false} : vector<16x50xbf16>, vector<50x50xbf16>, vector<16x50xf32> -> vector<16x50xf32>
      %slice3A_1080 = vector.extract_strided_slice %get3A_823 {offsets = [0, 3, 0], sizes = [16, 1, 50], strides = [1, 1, 1]} : vector<16x8x50xf32> to vector<16x1x50xf32>
      %squeeze3A_1081 = vector.shape_cast %slice3A_1080 : vector<16x1x50xf32> to vector<16x50xf32>
      %mul3A_1082 = arith.mulf %squeeze3A_1081, %dot_general3A_1079 : vector<16x50xf32>
      %convert_element_type3A_1083 = arith.truncf %mul3A_1082 : vector<16x50xf32> to vector<16x50xbf16>
      %dot_general3A_1084 = arith.constant dense<0.000000e+00> : vector<16x50xf32>
      %dot_general3A_1085 = tpu.matmul %convert_element_type3A_1029, %convert_element_type3A, %dot_general3A_1084 {dimension_numbers = #tpu.dot_dimension_numbers<[1], [0], [0], [1], [0, 0, 1, 1], [], []>, transpose_lhs_hint = false} : vector<16x50xbf16>, vector<50x50xbf16>, vector<16x50xf32> -> vector<16x50xf32>
      %slice3A_1086 = vector.extract_strided_slice %get3A_829 {offsets = [0, 3, 0], sizes = [16, 1, 50], strides = [1, 1, 1]} : vector<16x8x50xf32> to vector<16x1x50xf32>
      %squeeze3A_1087 = vector.shape_cast %slice3A_1086 : vector<16x1x50xf32> to vector<16x50xf32>
      %mul3A_1088 = arith.mulf %squeeze3A_1087, %dot_general3A_1085 : vector<16x50xf32>
      %convert_element_type3A_1089 = arith.truncf %mul3A_1088 : vector<16x50xf32> to vector<16x50xbf16>
      %dot_general3A_1090 = arith.constant dense<0.000000e+00> : vector<16x50xf32>
      %dot_general3A_1091 = tpu.matmul %convert_element_type3A_1035, %convert_element_type3A, %dot_general3A_1090 {dimension_numbers = #tpu.dot_dimension_numbers<[1], [0], [0], [1], [0, 0, 1, 1], [], []>, transpose_lhs_hint = false} : vector<16x50xbf16>, vector<50x50xbf16>, vector<16x50xf32> -> vector<16x50xf32>
      %slice3A_1092 = vector.extract_strided_slice %get3A_835 {offsets = [0, 3, 0], sizes = [16, 1, 50], strides = [1, 1, 1]} : vector<16x8x50xf32> to vector<16x1x50xf32>
      %squeeze3A_1093 = vector.shape_cast %slice3A_1092 : vector<16x1x50xf32> to vector<16x50xf32>
      %mul3A_1094 = arith.mulf %squeeze3A_1093, %dot_general3A_1091 : vector<16x50xf32>
      %convert_element_type3A_1095 = arith.truncf %mul3A_1094 : vector<16x50xf32> to vector<16x50xbf16>
      %dot_general3A_1096 = arith.constant dense<0.000000e+00> : vector<16x50xf32>
      %dot_general3A_1097 = tpu.matmul %convert_element_type3A_1041, %convert_element_type3A, %dot_general3A_1096 {dimension_numbers = #tpu.dot_dimension_numbers<[1], [0], [0], [1], [0, 0, 1, 1], [], []>, transpose_lhs_hint = false} : vector<16x50xbf16>, vector<50x50xbf16>, vector<16x50xf32> -> vector<16x50xf32>
      %slice3A_1098 = vector.extract_strided_slice %get3A_781 {offsets = [0, 4, 0], sizes = [16, 1, 50], strides = [1, 1, 1]} : vector<16x8x50xf32> to vector<16x1x50xf32>
      %squeeze3A_1099 = vector.shape_cast %slice3A_1098 : vector<16x1x50xf32> to vector<16x50xf32>
      %mul3A_1100 = arith.mulf %squeeze3A_1099, %dot_general3A_1097 : vector<16x50xf32>
      %convert_element_type3A_1101 = arith.truncf %mul3A_1100 : vector<16x50xf32> to vector<16x50xbf16>
      %dot_general3A_1102 = arith.constant dense<0.000000e+00> : vector<16x50xf32>
      %dot_general3A_1103 = tpu.matmul %convert_element_type3A_1047, %convert_element_type3A, %dot_general3A_1102 {dimension_numbers = #tpu.dot_dimension_numbers<[1], [0], [0], [1], [0, 0, 1, 1], [], []>, transpose_lhs_hint = false} : vector<16x50xbf16>, vector<50x50xbf16>, vector<16x50xf32> -> vector<16x50xf32>
      %slice3A_1104 = vector.extract_strided_slice %get3A_787 {offsets = [0, 4, 0], sizes = [16, 1, 50], strides = [1, 1, 1]} : vector<16x8x50xf32> to vector<16x1x50xf32>
      %squeeze3A_1105 = vector.shape_cast %slice3A_1104 : vector<16x1x50xf32> to vector<16x50xf32>
      %mul3A_1106 = arith.mulf %squeeze3A_1105, %dot_general3A_1103 : vector<16x50xf32>
      %convert_element_type3A_1107 = arith.truncf %mul3A_1106 : vector<16x50xf32> to vector<16x50xbf16>
      %dot_general3A_1108 = arith.constant dense<0.000000e+00> : vector<16x50xf32>
      %dot_general3A_1109 = tpu.matmul %convert_element_type3A_1053, %convert_element_type3A, %dot_general3A_1108 {dimension_numbers = #tpu.dot_dimension_numbers<[1], [0], [0], [1], [0, 0, 1, 1], [], []>, transpose_lhs_hint = false} : vector<16x50xbf16>, vector<50x50xbf16>, vector<16x50xf32> -> vector<16x50xf32>
      %slice3A_1110 = vector.extract_strided_slice %get3A_793 {offsets = [0, 4, 0], sizes = [16, 1, 50], strides = [1, 1, 1]} : vector<16x8x50xf32> to vector<16x1x50xf32>
      %squeeze3A_1111 = vector.shape_cast %slice3A_1110 : vector<16x1x50xf32> to vector<16x50xf32>
      %mul3A_1112 = arith.mulf %squeeze3A_1111, %dot_general3A_1109 : vector<16x50xf32>
      %convert_element_type3A_1113 = arith.truncf %mul3A_1112 : vector<16x50xf32> to vector<16x50xbf16>
      %dot_general3A_1114 = arith.constant dense<0.000000e+00> : vector<16x50xf32>
      %dot_general3A_1115 = tpu.matmul %convert_element_type3A_1059, %convert_element_type3A, %dot_general3A_1114 {dimension_numbers = #tpu.dot_dimension_numbers<[1], [0], [0], [1], [0, 0, 1, 1], [], []>, transpose_lhs_hint = false} : vector<16x50xbf16>, vector<50x50xbf16>, vector<16x50xf32> -> vector<16x50xf32>
      %slice3A_1116 = vector.extract_strided_slice %get3A_799 {offsets = [0, 4, 0], sizes = [16, 1, 50], strides = [1, 1, 1]} : vector<16x8x50xf32> to vector<16x1x50xf32>
      %squeeze3A_1117 = vector.shape_cast %slice3A_1116 : vector<16x1x50xf32> to vector<16x50xf32>
      %mul3A_1118 = arith.mulf %squeeze3A_1117, %dot_general3A_1115 : vector<16x50xf32>
      %convert_element_type3A_1119 = arith.truncf %mul3A_1118 : vector<16x50xf32> to vector<16x50xbf16>
      %dot_general3A_1120 = arith.constant dense<0.000000e+00> : vector<16x50xf32>
      %dot_general3A_1121 = tpu.matmul %convert_element_type3A_1065, %convert_element_type3A, %dot_general3A_1120 {dimension_numbers = #tpu.dot_dimension_numbers<[1], [0], [0], [1], [0, 0, 1, 1], [], []>, transpose_lhs_hint = false} : vector<16x50xbf16>, vector<50x50xbf16>, vector<16x50xf32> -> vector<16x50xf32>
      %slice3A_1122 = vector.extract_strided_slice %get3A_805 {offsets = [0, 4, 0], sizes = [16, 1, 50], strides = [1, 1, 1]} : vector<16x8x50xf32> to vector<16x1x50xf32>
      %squeeze3A_1123 = vector.shape_cast %slice3A_1122 : vector<16x1x50xf32> to vector<16x50xf32>
      %mul3A_1124 = arith.mulf %squeeze3A_1123, %dot_general3A_1121 : vector<16x50xf32>
      %convert_element_type3A_1125 = arith.truncf %mul3A_1124 : vector<16x50xf32> to vector<16x50xbf16>
      %dot_general3A_1126 = arith.constant dense<0.000000e+00> : vector<16x50xf32>
      %dot_general3A_1127 = tpu.matmul %convert_element_type3A_1071, %convert_element_type3A, %dot_general3A_1126 {dimension_numbers = #tpu.dot_dimension_numbers<[1], [0], [0], [1], [0, 0, 1, 1], [], []>, transpose_lhs_hint = false} : vector<16x50xbf16>, vector<50x50xbf16>, vector<16x50xf32> -> vector<16x50xf32>
      %slice3A_1128 = vector.extract_strided_slice %get3A_811 {offsets = [0, 4, 0], sizes = [16, 1, 50], strides = [1, 1, 1]} : vector<16x8x50xf32> to vector<16x1x50xf32>
      %squeeze3A_1129 = vector.shape_cast %slice3A_1128 : vector<16x1x50xf32> to vector<16x50xf32>
      %mul3A_1130 = arith.mulf %squeeze3A_1129, %dot_general3A_1127 : vector<16x50xf32>
      %convert_element_type3A_1131 = arith.truncf %mul3A_1130 : vector<16x50xf32> to vector<16x50xbf16>
      %dot_general3A_1132 = arith.constant dense<0.000000e+00> : vector<16x50xf32>
      %dot_general3A_1133 = tpu.matmul %convert_element_type3A_1077, %convert_element_type3A, %dot_general3A_1132 {dimension_numbers = #tpu.dot_dimension_numbers<[1], [0], [0], [1], [0, 0, 1, 1], [], []>, transpose_lhs_hint = false} : vector<16x50xbf16>, vector<50x50xbf16>, vector<16x50xf32> -> vector<16x50xf32>
      %slice3A_1134 = vector.extract_strided_slice %get3A_817 {offsets = [0, 4, 0], sizes = [16, 1, 50], strides = [1, 1, 1]} : vector<16x8x50xf32> to vector<16x1x50xf32>
      %squeeze3A_1135 = vector.shape_cast %slice3A_1134 : vector<16x1x50xf32> to vector<16x50xf32>
      %mul3A_1136 = arith.mulf %squeeze3A_1135, %dot_general3A_1133 : vector<16x50xf32>
      %convert_element_type3A_1137 = arith.truncf %mul3A_1136 : vector<16x50xf32> to vector<16x50xbf16>
      %dot_general3A_1138 = arith.constant dense<0.000000e+00> : vector<16x50xf32>
      %dot_general3A_1139 = tpu.matmul %convert_element_type3A_1083, %convert_element_type3A, %dot_general3A_1138 {dimension_numbers = #tpu.dot_dimension_numbers<[1], [0], [0], [1], [0, 0, 1, 1], [], []>, transpose_lhs_hint = false} : vector<16x50xbf16>, vector<50x50xbf16>, vector<16x50xf32> -> vector<16x50xf32>
      %slice3A_1140 = vector.extract_strided_slice %get3A_823 {offsets = [0, 4, 0], sizes = [16, 1, 50], strides = [1, 1, 1]} : vector<16x8x50xf32> to vector<16x1x50xf32>
      %squeeze3A_1141 = vector.shape_cast %slice3A_1140 : vector<16x1x50xf32> to vector<16x50xf32>
      %mul3A_1142 = arith.mulf %squeeze3A_1141, %dot_general3A_1139 : vector<16x50xf32>
      %convert_element_type3A_1143 = arith.truncf %mul3A_1142 : vector<16x50xf32> to vector<16x50xbf16>
      %dot_general3A_1144 = arith.constant dense<0.000000e+00> : vector<16x50xf32>
      %dot_general3A_1145 = tpu.matmul %convert_element_type3A_1089, %convert_element_type3A, %dot_general3A_1144 {dimension_numbers = #tpu.dot_dimension_numbers<[1], [0], [0], [1], [0, 0, 1, 1], [], []>, transpose_lhs_hint = false} : vector<16x50xbf16>, vector<50x50xbf16>, vector<16x50xf32> -> vector<16x50xf32>
      %slice3A_1146 = vector.extract_strided_slice %get3A_829 {offsets = [0, 4, 0], sizes = [16, 1, 50], strides = [1, 1, 1]} : vector<16x8x50xf32> to vector<16x1x50xf32>
      %squeeze3A_1147 = vector.shape_cast %slice3A_1146 : vector<16x1x50xf32> to vector<16x50xf32>
      %mul3A_1148 = arith.mulf %squeeze3A_1147, %dot_general3A_1145 : vector<16x50xf32>
      %convert_element_type3A_1149 = arith.truncf %mul3A_1148 : vector<16x50xf32> to vector<16x50xbf16>
      %dot_general3A_1150 = arith.constant dense<0.000000e+00> : vector<16x50xf32>
      %dot_general3A_1151 = tpu.matmul %convert_element_type3A_1095, %convert_element_type3A, %dot_general3A_1150 {dimension_numbers = #tpu.dot_dimension_numbers<[1], [0], [0], [1], [0, 0, 1, 1], [], []>, transpose_lhs_hint = false} : vector<16x50xbf16>, vector<50x50xbf16>, vector<16x50xf32> -> vector<16x50xf32>
      %slice3A_1152 = vector.extract_strided_slice %get3A_835 {offsets = [0, 4, 0], sizes = [16, 1, 50], strides = [1, 1, 1]} : vector<16x8x50xf32> to vector<16x1x50xf32>
      %squeeze3A_1153 = vector.shape_cast %slice3A_1152 : vector<16x1x50xf32> to vector<16x50xf32>
      %mul3A_1154 = arith.mulf %squeeze3A_1153, %dot_general3A_1151 : vector<16x50xf32>
      %convert_element_type3A_1155 = arith.truncf %mul3A_1154 : vector<16x50xf32> to vector<16x50xbf16>
      %dot_general3A_1156 = arith.constant dense<0.000000e+00> : vector<16x50xf32>
      %dot_general3A_1157 = tpu.matmul %convert_element_type3A_1101, %convert_element_type3A, %dot_general3A_1156 {dimension_numbers = #tpu.dot_dimension_numbers<[1], [0], [0], [1], [0, 0, 1, 1], [], []>, transpose_lhs_hint = false} : vector<16x50xbf16>, vector<50x50xbf16>, vector<16x50xf32> -> vector<16x50xf32>
      %slice3A_1158 = vector.extract_strided_slice %get3A_781 {offsets = [0, 5, 0], sizes = [16, 1, 50], strides = [1, 1, 1]} : vector<16x8x50xf32> to vector<16x1x50xf32>
      %squeeze3A_1159 = vector.shape_cast %slice3A_1158 : vector<16x1x50xf32> to vector<16x50xf32>
      %mul3A_1160 = arith.mulf %squeeze3A_1159, %dot_general3A_1157 : vector<16x50xf32>
      %reduce_max3A_1161 = arith.constant dense<0xFF800000> : vector<16xf32>
      %reduce_max3A_1162 = vector.multi_reduction <maximumf>, %mul3A_1160, %reduce_max3A_1161 [1] : vector<16x50xf32> to vector<16xf32>
      %broadcast_in_dim3A_1163 = vector.shape_cast %reduce_max3A_1162 : vector<16xf32> to vector<16x1xf32>
      %convert_element_type3A_1164 = arith.truncf %mul3A_1160 : vector<16x50xf32> to vector<16x50xbf16>
      %dot_general3A_1165 = arith.constant dense<0.000000e+00> : vector<16x50xf32>
      %dot_general3A_1166 = tpu.matmul %convert_element_type3A_1107, %convert_element_type3A, %dot_general3A_1165 {dimension_numbers = #tpu.dot_dimension_numbers<[1], [0], [0], [1], [0, 0, 1, 1], [], []>, transpose_lhs_hint = false} : vector<16x50xbf16>, vector<50x50xbf16>, vector<16x50xf32> -> vector<16x50xf32>
      %slice3A_1167 = vector.extract_strided_slice %get3A_787 {offsets = [0, 5, 0], sizes = [16, 1, 50], strides = [1, 1, 1]} : vector<16x8x50xf32> to vector<16x1x50xf32>
      %squeeze3A_1168 = vector.shape_cast %slice3A_1167 : vector<16x1x50xf32> to vector<16x50xf32>
      %mul3A_1169 = arith.mulf %squeeze3A_1168, %dot_general3A_1166 : vector<16x50xf32>
      %reduce_max3A_1170 = arith.constant dense<0xFF800000> : vector<16xf32>
      %reduce_max3A_1171 = vector.multi_reduction <maximumf>, %mul3A_1169, %reduce_max3A_1170 [1] : vector<16x50xf32> to vector<16xf32>
      %broadcast_in_dim3A_1172 = vector.shape_cast %reduce_max3A_1171 : vector<16xf32> to vector<16x1xf32>
      %convert_element_type3A_1173 = arith.truncf %mul3A_1169 : vector<16x50xf32> to vector<16x50xbf16>
      %dot_general3A_1174 = arith.constant dense<0.000000e+00> : vector<16x50xf32>
      %dot_general3A_1175 = tpu.matmul %convert_element_type3A_1113, %convert_element_type3A, %dot_general3A_1174 {dimension_numbers = #tpu.dot_dimension_numbers<[1], [0], [0], [1], [0, 0, 1, 1], [], []>, transpose_lhs_hint = false} : vector<16x50xbf16>, vector<50x50xbf16>, vector<16x50xf32> -> vector<16x50xf32>
      %slice3A_1176 = vector.extract_strided_slice %get3A_793 {offsets = [0, 5, 0], sizes = [16, 1, 50], strides = [1, 1, 1]} : vector<16x8x50xf32> to vector<16x1x50xf32>
      %squeeze3A_1177 = vector.shape_cast %slice3A_1176 : vector<16x1x50xf32> to vector<16x50xf32>
      %mul3A_1178 = arith.mulf %squeeze3A_1177, %dot_general3A_1175 : vector<16x50xf32>
      %reduce_max3A_1179 = arith.constant dense<0xFF800000> : vector<16xf32>
      %reduce_max3A_1180 = vector.multi_reduction <maximumf>, %mul3A_1178, %reduce_max3A_1179 [1] : vector<16x50xf32> to vector<16xf32>
      %broadcast_in_dim3A_1181 = vector.shape_cast %reduce_max3A_1180 : vector<16xf32> to vector<16x1xf32>
      %convert_element_type3A_1182 = arith.truncf %mul3A_1178 : vector<16x50xf32> to vector<16x50xbf16>
      %dot_general3A_1183 = arith.constant dense<0.000000e+00> : vector<16x50xf32>
      %dot_general3A_1184 = tpu.matmul %convert_element_type3A_1119, %convert_element_type3A, %dot_general3A_1183 {dimension_numbers = #tpu.dot_dimension_numbers<[1], [0], [0], [1], [0, 0, 1, 1], [], []>, transpose_lhs_hint = false} : vector<16x50xbf16>, vector<50x50xbf16>, vector<16x50xf32> -> vector<16x50xf32>
      %slice3A_1185 = vector.extract_strided_slice %get3A_799 {offsets = [0, 5, 0], sizes = [16, 1, 50], strides = [1, 1, 1]} : vector<16x8x50xf32> to vector<16x1x50xf32>
      %squeeze3A_1186 = vector.shape_cast %slice3A_1185 : vector<16x1x50xf32> to vector<16x50xf32>
      %mul3A_1187 = arith.mulf %squeeze3A_1186, %dot_general3A_1184 : vector<16x50xf32>
      %reduce_max3A_1188 = arith.constant dense<0xFF800000> : vector<16xf32>
      %reduce_max3A_1189 = vector.multi_reduction <maximumf>, %mul3A_1187, %reduce_max3A_1188 [1] : vector<16x50xf32> to vector<16xf32>
      %broadcast_in_dim3A_1190 = vector.shape_cast %reduce_max3A_1189 : vector<16xf32> to vector<16x1xf32>
      %convert_element_type3A_1191 = arith.truncf %mul3A_1187 : vector<16x50xf32> to vector<16x50xbf16>
      %dot_general3A_1192 = arith.constant dense<0.000000e+00> : vector<16x50xf32>
      %dot_general3A_1193 = tpu.matmul %convert_element_type3A_1125, %convert_element_type3A, %dot_general3A_1192 {dimension_numbers = #tpu.dot_dimension_numbers<[1], [0], [0], [1], [0, 0, 1, 1], [], []>, transpose_lhs_hint = false} : vector<16x50xbf16>, vector<50x50xbf16>, vector<16x50xf32> -> vector<16x50xf32>
      %slice3A_1194 = vector.extract_strided_slice %get3A_805 {offsets = [0, 5, 0], sizes = [16, 1, 50], strides = [1, 1, 1]} : vector<16x8x50xf32> to vector<16x1x50xf32>
      %squeeze3A_1195 = vector.shape_cast %slice3A_1194 : vector<16x1x50xf32> to vector<16x50xf32>
      %mul3A_1196 = arith.mulf %squeeze3A_1195, %dot_general3A_1193 : vector<16x50xf32>
      %reduce_max3A_1197 = arith.constant dense<0xFF800000> : vector<16xf32>
      %reduce_max3A_1198 = vector.multi_reduction <maximumf>, %mul3A_1196, %reduce_max3A_1197 [1] : vector<16x50xf32> to vector<16xf32>
      %broadcast_in_dim3A_1199 = vector.shape_cast %reduce_max3A_1198 : vector<16xf32> to vector<16x1xf32>
      %convert_element_type3A_1200 = arith.truncf %mul3A_1196 : vector<16x50xf32> to vector<16x50xbf16>
      %dot_general3A_1201 = arith.constant dense<0.000000e+00> : vector<16x50xf32>
      %dot_general3A_1202 = tpu.matmul %convert_element_type3A_1131, %convert_element_type3A, %dot_general3A_1201 {dimension_numbers = #tpu.dot_dimension_numbers<[1], [0], [0], [1], [0, 0, 1, 1], [], []>, transpose_lhs_hint = false} : vector<16x50xbf16>, vector<50x50xbf16>, vector<16x50xf32> -> vector<16x50xf32>
      %slice3A_1203 = vector.extract_strided_slice %get3A_811 {offsets = [0, 5, 0], sizes = [16, 1, 50], strides = [1, 1, 1]} : vector<16x8x50xf32> to vector<16x1x50xf32>
      %squeeze3A_1204 = vector.shape_cast %slice3A_1203 : vector<16x1x50xf32> to vector<16x50xf32>
      %mul3A_1205 = arith.mulf %squeeze3A_1204, %dot_general3A_1202 : vector<16x50xf32>
      %reduce_max3A_1206 = arith.constant dense<0xFF800000> : vector<16xf32>
      %reduce_max3A_1207 = vector.multi_reduction <maximumf>, %mul3A_1205, %reduce_max3A_1206 [1] : vector<16x50xf32> to vector<16xf32>
      %broadcast_in_dim3A_1208 = vector.shape_cast %reduce_max3A_1207 : vector<16xf32> to vector<16x1xf32>
      %convert_element_type3A_1209 = arith.truncf %mul3A_1205 : vector<16x50xf32> to vector<16x50xbf16>
      %dot_general3A_1210 = arith.constant dense<0.000000e+00> : vector<16x50xf32>
      %dot_general3A_1211 = tpu.matmul %convert_element_type3A_1137, %convert_element_type3A, %dot_general3A_1210 {dimension_numbers = #tpu.dot_dimension_numbers<[1], [0], [0], [1], [0, 0, 1, 1], [], []>, transpose_lhs_hint = false} : vector<16x50xbf16>, vector<50x50xbf16>, vector<16x50xf32> -> vector<16x50xf32>
      %slice3A_1212 = vector.extract_strided_slice %get3A_817 {offsets = [0, 5, 0], sizes = [16, 1, 50], strides = [1, 1, 1]} : vector<16x8x50xf32> to vector<16x1x50xf32>
      %squeeze3A_1213 = vector.shape_cast %slice3A_1212 : vector<16x1x50xf32> to vector<16x50xf32>
      %mul3A_1214 = arith.mulf %squeeze3A_1213, %dot_general3A_1211 : vector<16x50xf32>
      %reduce_max3A_1215 = arith.constant dense<0xFF800000> : vector<16xf32>
      %reduce_max3A_1216 = vector.multi_reduction <maximumf>, %mul3A_1214, %reduce_max3A_1215 [1] : vector<16x50xf32> to vector<16xf32>
      %broadcast_in_dim3A_1217 = vector.shape_cast %reduce_max3A_1216 : vector<16xf32> to vector<16x1xf32>
      %convert_element_type3A_1218 = arith.truncf %mul3A_1214 : vector<16x50xf32> to vector<16x50xbf16>
      %dot_general3A_1219 = arith.constant dense<0.000000e+00> : vector<16x50xf32>
      %dot_general3A_1220 = tpu.matmul %convert_element_type3A_1143, %convert_element_type3A, %dot_general3A_1219 {dimension_numbers = #tpu.dot_dimension_numbers<[1], [0], [0], [1], [0, 0, 1, 1], [], []>, transpose_lhs_hint = false} : vector<16x50xbf16>, vector<50x50xbf16>, vector<16x50xf32> -> vector<16x50xf32>
      %slice3A_1221 = vector.extract_strided_slice %get3A_823 {offsets = [0, 5, 0], sizes = [16, 1, 50], strides = [1, 1, 1]} : vector<16x8x50xf32> to vector<16x1x50xf32>
      %squeeze3A_1222 = vector.shape_cast %slice3A_1221 : vector<16x1x50xf32> to vector<16x50xf32>
      %mul3A_1223 = arith.mulf %squeeze3A_1222, %dot_general3A_1220 : vector<16x50xf32>
      %reduce_max3A_1224 = arith.constant dense<0xFF800000> : vector<16xf32>
      %reduce_max3A_1225 = vector.multi_reduction <maximumf>, %mul3A_1223, %reduce_max3A_1224 [1] : vector<16x50xf32> to vector<16xf32>
      %broadcast_in_dim3A_1226 = vector.shape_cast %reduce_max3A_1225 : vector<16xf32> to vector<16x1xf32>
      %convert_element_type3A_1227 = arith.truncf %mul3A_1223 : vector<16x50xf32> to vector<16x50xbf16>
      %dot_general3A_1228 = arith.constant dense<0.000000e+00> : vector<16x50xf32>
      %dot_general3A_1229 = tpu.matmul %convert_element_type3A_1149, %convert_element_type3A, %dot_general3A_1228 {dimension_numbers = #tpu.dot_dimension_numbers<[1], [0], [0], [1], [0, 0, 1, 1], [], []>, transpose_lhs_hint = false} : vector<16x50xbf16>, vector<50x50xbf16>, vector<16x50xf32> -> vector<16x50xf32>
      %slice3A_1230 = vector.extract_strided_slice %get3A_829 {offsets = [0, 5, 0], sizes = [16, 1, 50], strides = [1, 1, 1]} : vector<16x8x50xf32> to vector<16x1x50xf32>
      %squeeze3A_1231 = vector.shape_cast %slice3A_1230 : vector<16x1x50xf32> to vector<16x50xf32>
      %mul3A_1232 = arith.mulf %squeeze3A_1231, %dot_general3A_1229 : vector<16x50xf32>
      %reduce_max3A_1233 = arith.constant dense<0xFF800000> : vector<16xf32>
      %reduce_max3A_1234 = vector.multi_reduction <maximumf>, %mul3A_1232, %reduce_max3A_1233 [1] : vector<16x50xf32> to vector<16xf32>
      %broadcast_in_dim3A_1235 = vector.shape_cast %reduce_max3A_1234 : vector<16xf32> to vector<16x1xf32>
      %convert_element_type3A_1236 = arith.truncf %mul3A_1232 : vector<16x50xf32> to vector<16x50xbf16>
      %dot_general3A_1237 = arith.constant dense<0.000000e+00> : vector<16x50xf32>
      %dot_general3A_1238 = tpu.matmul %convert_element_type3A_1155, %convert_element_type3A, %dot_general3A_1237 {dimension_numbers = #tpu.dot_dimension_numbers<[1], [0], [0], [1], [0, 0, 1, 1], [], []>, transpose_lhs_hint = false} : vector<16x50xbf16>, vector<50x50xbf16>, vector<16x50xf32> -> vector<16x50xf32>
      %slice3A_1239 = vector.extract_strided_slice %get3A_835 {offsets = [0, 5, 0], sizes = [16, 1, 50], strides = [1, 1, 1]} : vector<16x8x50xf32> to vector<16x1x50xf32>
      %squeeze3A_1240 = vector.shape_cast %slice3A_1239 : vector<16x1x50xf32> to vector<16x50xf32>
      %mul3A_1241 = arith.mulf %squeeze3A_1240, %dot_general3A_1238 : vector<16x50xf32>
      %reduce_max3A_1242 = arith.constant dense<0xFF800000> : vector<16xf32>
      %reduce_max3A_1243 = vector.multi_reduction <maximumf>, %mul3A_1241, %reduce_max3A_1242 [1] : vector<16x50xf32> to vector<16xf32>
      %broadcast_in_dim3A_1244 = vector.shape_cast %reduce_max3A_1243 : vector<16xf32> to vector<16x1xf32>
      %convert_element_type3A_1245 = arith.truncf %mul3A_1241 : vector<16x50xf32> to vector<16x50xbf16>
      %dot_general3A_1246 = arith.constant dense<0.000000e+00> : vector<16x50xf32>
      %dot_general3A_1247 = tpu.matmul %convert_element_type3A_1164, %convert_element_type3A, %dot_general3A_1246 {dimension_numbers = #tpu.dot_dimension_numbers<[1], [0], [0], [1], [0, 0, 1, 1], [], []>, transpose_lhs_hint = false} : vector<16x50xbf16>, vector<50x50xbf16>, vector<16x50xf32> -> vector<16x50xf32>
      %slice3A_1248 = vector.extract_strided_slice %get3A_781 {offsets = [0, 6, 0], sizes = [16, 1, 50], strides = [1, 1, 1]} : vector<16x8x50xf32> to vector<16x1x50xf32>
      %squeeze3A_1249 = vector.shape_cast %slice3A_1248 : vector<16x1x50xf32> to vector<16x50xf32>
      %mul3A_1250 = arith.mulf %squeeze3A_1249, %dot_general3A_1247 : vector<16x50xf32>
      %convert_element_type3A_1251 = arith.truncf %mul3A_1250 : vector<16x50xf32> to vector<16x50xbf16>
      %dot_general3A_1252 = arith.constant dense<0.000000e+00> : vector<16x50xf32>
      %dot_general3A_1253 = tpu.matmul %convert_element_type3A_1173, %convert_element_type3A, %dot_general3A_1252 {dimension_numbers = #tpu.dot_dimension_numbers<[1], [0], [0], [1], [0, 0, 1, 1], [], []>, transpose_lhs_hint = false} : vector<16x50xbf16>, vector<50x50xbf16>, vector<16x50xf32> -> vector<16x50xf32>
      %slice3A_1254 = vector.extract_strided_slice %get3A_787 {offsets = [0, 6, 0], sizes = [16, 1, 50], strides = [1, 1, 1]} : vector<16x8x50xf32> to vector<16x1x50xf32>
      %squeeze3A_1255 = vector.shape_cast %slice3A_1254 : vector<16x1x50xf32> to vector<16x50xf32>
      %mul3A_1256 = arith.mulf %squeeze3A_1255, %dot_general3A_1253 : vector<16x50xf32>
      %convert_element_type3A_1257 = arith.truncf %mul3A_1256 : vector<16x50xf32> to vector<16x50xbf16>
      %dot_general3A_1258 = arith.constant dense<0.000000e+00> : vector<16x50xf32>
      %dot_general3A_1259 = tpu.matmul %convert_element_type3A_1182, %convert_element_type3A, %dot_general3A_1258 {dimension_numbers = #tpu.dot_dimension_numbers<[1], [0], [0], [1], [0, 0, 1, 1], [], []>, transpose_lhs_hint = false} : vector<16x50xbf16>, vector<50x50xbf16>, vector<16x50xf32> -> vector<16x50xf32>
      %slice3A_1260 = vector.extract_strided_slice %get3A_793 {offsets = [0, 6, 0], sizes = [16, 1, 50], strides = [1, 1, 1]} : vector<16x8x50xf32> to vector<16x1x50xf32>
      %squeeze3A_1261 = vector.shape_cast %slice3A_1260 : vector<16x1x50xf32> to vector<16x50xf32>
      %mul3A_1262 = arith.mulf %squeeze3A_1261, %dot_general3A_1259 : vector<16x50xf32>
      %convert_element_type3A_1263 = arith.truncf %mul3A_1262 : vector<16x50xf32> to vector<16x50xbf16>
      %dot_general3A_1264 = arith.constant dense<0.000000e+00> : vector<16x50xf32>
      %dot_general3A_1265 = tpu.matmul %convert_element_type3A_1191, %convert_element_type3A, %dot_general3A_1264 {dimension_numbers = #tpu.dot_dimension_numbers<[1], [0], [0], [1], [0, 0, 1, 1], [], []>, transpose_lhs_hint = false} : vector<16x50xbf16>, vector<50x50xbf16>, vector<16x50xf32> -> vector<16x50xf32>
      %slice3A_1266 = vector.extract_strided_slice %get3A_799 {offsets = [0, 6, 0], sizes = [16, 1, 50], strides = [1, 1, 1]} : vector<16x8x50xf32> to vector<16x1x50xf32>
      %squeeze3A_1267 = vector.shape_cast %slice3A_1266 : vector<16x1x50xf32> to vector<16x50xf32>
      %mul3A_1268 = arith.mulf %squeeze3A_1267, %dot_general3A_1265 : vector<16x50xf32>
      %convert_element_type3A_1269 = arith.truncf %mul3A_1268 : vector<16x50xf32> to vector<16x50xbf16>
      %dot_general3A_1270 = arith.constant dense<0.000000e+00> : vector<16x50xf32>
      %dot_general3A_1271 = tpu.matmul %convert_element_type3A_1200, %convert_element_type3A, %dot_general3A_1270 {dimension_numbers = #tpu.dot_dimension_numbers<[1], [0], [0], [1], [0, 0, 1, 1], [], []>, transpose_lhs_hint = false} : vector<16x50xbf16>, vector<50x50xbf16>, vector<16x50xf32> -> vector<16x50xf32>
      %slice3A_1272 = vector.extract_strided_slice %get3A_805 {offsets = [0, 6, 0], sizes = [16, 1, 50], strides = [1, 1, 1]} : vector<16x8x50xf32> to vector<16x1x50xf32>
      %squeeze3A_1273 = vector.shape_cast %slice3A_1272 : vector<16x1x50xf32> to vector<16x50xf32>
      %mul3A_1274 = arith.mulf %squeeze3A_1273, %dot_general3A_1271 : vector<16x50xf32>
      %convert_element_type3A_1275 = arith.truncf %mul3A_1274 : vector<16x50xf32> to vector<16x50xbf16>
      %dot_general3A_1276 = arith.constant dense<0.000000e+00> : vector<16x50xf32>
      %dot_general3A_1277 = tpu.matmul %convert_element_type3A_1209, %convert_element_type3A, %dot_general3A_1276 {dimension_numbers = #tpu.dot_dimension_numbers<[1], [0], [0], [1], [0, 0, 1, 1], [], []>, transpose_lhs_hint = false} : vector<16x50xbf16>, vector<50x50xbf16>, vector<16x50xf32> -> vector<16x50xf32>
      %slice3A_1278 = vector.extract_strided_slice %get3A_811 {offsets = [0, 6, 0], sizes = [16, 1, 50], strides = [1, 1, 1]} : vector<16x8x50xf32> to vector<16x1x50xf32>
      %squeeze3A_1279 = vector.shape_cast %slice3A_1278 : vector<16x1x50xf32> to vector<16x50xf32>
      %mul3A_1280 = arith.mulf %squeeze3A_1279, %dot_general3A_1277 : vector<16x50xf32>
      %convert_element_type3A_1281 = arith.truncf %mul3A_1280 : vector<16x50xf32> to vector<16x50xbf16>
      %dot_general3A_1282 = arith.constant dense<0.000000e+00> : vector<16x50xf32>
      %dot_general3A_1283 = tpu.matmul %convert_element_type3A_1218, %convert_element_type3A, %dot_general3A_1282 {dimension_numbers = #tpu.dot_dimension_numbers<[1], [0], [0], [1], [0, 0, 1, 1], [], []>, transpose_lhs_hint = false} : vector<16x50xbf16>, vector<50x50xbf16>, vector<16x50xf32> -> vector<16x50xf32>
      %slice3A_1284 = vector.extract_strided_slice %get3A_817 {offsets = [0, 6, 0], sizes = [16, 1, 50], strides = [1, 1, 1]} : vector<16x8x50xf32> to vector<16x1x50xf32>
      %squeeze3A_1285 = vector.shape_cast %slice3A_1284 : vector<16x1x50xf32> to vector<16x50xf32>
      %mul3A_1286 = arith.mulf %squeeze3A_1285, %dot_general3A_1283 : vector<16x50xf32>
      %convert_element_type3A_1287 = arith.truncf %mul3A_1286 : vector<16x50xf32> to vector<16x50xbf16>
      %dot_general3A_1288 = arith.constant dense<0.000000e+00> : vector<16x50xf32>
      %dot_general3A_1289 = tpu.matmul %convert_element_type3A_1227, %convert_element_type3A, %dot_general3A_1288 {dimension_numbers = #tpu.dot_dimension_numbers<[1], [0], [0], [1], [0, 0, 1, 1], [], []>, transpose_lhs_hint = false} : vector<16x50xbf16>, vector<50x50xbf16>, vector<16x50xf32> -> vector<16x50xf32>
      %slice3A_1290 = vector.extract_strided_slice %get3A_823 {offsets = [0, 6, 0], sizes = [16, 1, 50], strides = [1, 1, 1]} : vector<16x8x50xf32> to vector<16x1x50xf32>
      %squeeze3A_1291 = vector.shape_cast %slice3A_1290 : vector<16x1x50xf32> to vector<16x50xf32>
      %mul3A_1292 = arith.mulf %squeeze3A_1291, %dot_general3A_1289 : vector<16x50xf32>
      %convert_element_type3A_1293 = arith.truncf %mul3A_1292 : vector<16x50xf32> to vector<16x50xbf16>
      %dot_general3A_1294 = arith.constant dense<0.000000e+00> : vector<16x50xf32>
      %dot_general3A_1295 = tpu.matmul %convert_element_type3A_1236, %convert_element_type3A, %dot_general3A_1294 {dimension_numbers = #tpu.dot_dimension_numbers<[1], [0], [0], [1], [0, 0, 1, 1], [], []>, transpose_lhs_hint = false} : vector<16x50xbf16>, vector<50x50xbf16>, vector<16x50xf32> -> vector<16x50xf32>
      %slice3A_1296 = vector.extract_strided_slice %get3A_829 {offsets = [0, 6, 0], sizes = [16, 1, 50], strides = [1, 1, 1]} : vector<16x8x50xf32> to vector<16x1x50xf32>
      %squeeze3A_1297 = vector.shape_cast %slice3A_1296 : vector<16x1x50xf32> to vector<16x50xf32>
      %mul3A_1298 = arith.mulf %squeeze3A_1297, %dot_general3A_1295 : vector<16x50xf32>
      %convert_element_type3A_1299 = arith.truncf %mul3A_1298 : vector<16x50xf32> to vector<16x50xbf16>
      %dot_general3A_1300 = arith.constant dense<0.000000e+00> : vector<16x50xf32>
      %dot_general3A_1301 = tpu.matmul %convert_element_type3A_1245, %convert_element_type3A, %dot_general3A_1300 {dimension_numbers = #tpu.dot_dimension_numbers<[1], [0], [0], [1], [0, 0, 1, 1], [], []>, transpose_lhs_hint = false} : vector<16x50xbf16>, vector<50x50xbf16>, vector<16x50xf32> -> vector<16x50xf32>
      %slice3A_1302 = vector.extract_strided_slice %get3A_835 {offsets = [0, 6, 0], sizes = [16, 1, 50], strides = [1, 1, 1]} : vector<16x8x50xf32> to vector<16x1x50xf32>
      %squeeze3A_1303 = vector.shape_cast %slice3A_1302 : vector<16x1x50xf32> to vector<16x50xf32>
      %mul3A_1304 = arith.mulf %squeeze3A_1303, %dot_general3A_1301 : vector<16x50xf32>
      %convert_element_type3A_1305 = arith.truncf %mul3A_1304 : vector<16x50xf32> to vector<16x50xbf16>
      %dot_general3A_1306 = arith.constant dense<0.000000e+00> : vector<16x50xf32>
      %dot_general3A_1307 = tpu.matmul %convert_element_type3A_1251, %convert_element_type3A, %dot_general3A_1306 {dimension_numbers = #tpu.dot_dimension_numbers<[1], [0], [0], [1], [0, 0, 1, 1], [], []>, transpose_lhs_hint = false} : vector<16x50xbf16>, vector<50x50xbf16>, vector<16x50xf32> -> vector<16x50xf32>
      %slice3A_1308 = vector.extract_strided_slice %get3A_781 {offsets = [0, 7, 0], sizes = [16, 1, 50], strides = [1, 1, 1]} : vector<16x8x50xf32> to vector<16x1x50xf32>
      %squeeze3A_1309 = vector.shape_cast %slice3A_1308 : vector<16x1x50xf32> to vector<16x50xf32>
      %mul3A_1310 = arith.mulf %squeeze3A_1309, %dot_general3A_1307 : vector<16x50xf32>
      %convert_element_type3A_1311 = arith.truncf %mul3A_1310 : vector<16x50xf32> to vector<16x50xbf16>
      %dot_general3A_1312 = arith.constant dense<0.000000e+00> : vector<16x50xf32>
      %dot_general3A_1313 = tpu.matmul %convert_element_type3A_1257, %convert_element_type3A, %dot_general3A_1312 {dimension_numbers = #tpu.dot_dimension_numbers<[1], [0], [0], [1], [0, 0, 1, 1], [], []>, transpose_lhs_hint = false} : vector<16x50xbf16>, vector<50x50xbf16>, vector<16x50xf32> -> vector<16x50xf32>
      %slice3A_1314 = vector.extract_strided_slice %get3A_787 {offsets = [0, 7, 0], sizes = [16, 1, 50], strides = [1, 1, 1]} : vector<16x8x50xf32> to vector<16x1x50xf32>
      %squeeze3A_1315 = vector.shape_cast %slice3A_1314 : vector<16x1x50xf32> to vector<16x50xf32>
      %mul3A_1316 = arith.mulf %squeeze3A_1315, %dot_general3A_1313 : vector<16x50xf32>
      %convert_element_type3A_1317 = arith.truncf %mul3A_1316 : vector<16x50xf32> to vector<16x50xbf16>
      %dot_general3A_1318 = arith.constant dense<0.000000e+00> : vector<16x50xf32>
      %dot_general3A_1319 = tpu.matmul %convert_element_type3A_1263, %convert_element_type3A, %dot_general3A_1318 {dimension_numbers = #tpu.dot_dimension_numbers<[1], [0], [0], [1], [0, 0, 1, 1], [], []>, transpose_lhs_hint = false} : vector<16x50xbf16>, vector<50x50xbf16>, vector<16x50xf32> -> vector<16x50xf32>
      %slice3A_1320 = vector.extract_strided_slice %get3A_793 {offsets = [0, 7, 0], sizes = [16, 1, 50], strides = [1, 1, 1]} : vector<16x8x50xf32> to vector<16x1x50xf32>
      %squeeze3A_1321 = vector.shape_cast %slice3A_1320 : vector<16x1x50xf32> to vector<16x50xf32>
      %mul3A_1322 = arith.mulf %squeeze3A_1321, %dot_general3A_1319 : vector<16x50xf32>
      %convert_element_type3A_1323 = arith.truncf %mul3A_1322 : vector<16x50xf32> to vector<16x50xbf16>
      %dot_general3A_1324 = arith.constant dense<0.000000e+00> : vector<16x50xf32>
      %dot_general3A_1325 = tpu.matmul %convert_element_type3A_1269, %convert_element_type3A, %dot_general3A_1324 {dimension_numbers = #tpu.dot_dimension_numbers<[1], [0], [0], [1], [0, 0, 1, 1], [], []>, transpose_lhs_hint = false} : vector<16x50xbf16>, vector<50x50xbf16>, vector<16x50xf32> -> vector<16x50xf32>
      %slice3A_1326 = vector.extract_strided_slice %get3A_799 {offsets = [0, 7, 0], sizes = [16, 1, 50], strides = [1, 1, 1]} : vector<16x8x50xf32> to vector<16x1x50xf32>
      %squeeze3A_1327 = vector.shape_cast %slice3A_1326 : vector<16x1x50xf32> to vector<16x50xf32>
      %mul3A_1328 = arith.mulf %squeeze3A_1327, %dot_general3A_1325 : vector<16x50xf32>
      %convert_element_type3A_1329 = arith.truncf %mul3A_1328 : vector<16x50xf32> to vector<16x50xbf16>
      %dot_general3A_1330 = arith.constant dense<0.000000e+00> : vector<16x50xf32>
      %dot_general3A_1331 = tpu.matmul %convert_element_type3A_1275, %convert_element_type3A, %dot_general3A_1330 {dimension_numbers = #tpu.dot_dimension_numbers<[1], [0], [0], [1], [0, 0, 1, 1], [], []>, transpose_lhs_hint = false} : vector<16x50xbf16>, vector<50x50xbf16>, vector<16x50xf32> -> vector<16x50xf32>
      %slice3A_1332 = vector.extract_strided_slice %get3A_805 {offsets = [0, 7, 0], sizes = [16, 1, 50], strides = [1, 1, 1]} : vector<16x8x50xf32> to vector<16x1x50xf32>
      %squeeze3A_1333 = vector.shape_cast %slice3A_1332 : vector<16x1x50xf32> to vector<16x50xf32>
      %mul3A_1334 = arith.mulf %squeeze3A_1333, %dot_general3A_1331 : vector<16x50xf32>
      %convert_element_type3A_1335 = arith.truncf %mul3A_1334 : vector<16x50xf32> to vector<16x50xbf16>
      %dot_general3A_1336 = arith.constant dense<0.000000e+00> : vector<16x50xf32>
      %dot_general3A_1337 = tpu.matmul %convert_element_type3A_1281, %convert_element_type3A, %dot_general3A_1336 {dimension_numbers = #tpu.dot_dimension_numbers<[1], [0], [0], [1], [0, 0, 1, 1], [], []>, transpose_lhs_hint = false} : vector<16x50xbf16>, vector<50x50xbf16>, vector<16x50xf32> -> vector<16x50xf32>
      %slice3A_1338 = vector.extract_strided_slice %get3A_811 {offsets = [0, 7, 0], sizes = [16, 1, 50], strides = [1, 1, 1]} : vector<16x8x50xf32> to vector<16x1x50xf32>
      %squeeze3A_1339 = vector.shape_cast %slice3A_1338 : vector<16x1x50xf32> to vector<16x50xf32>
      %mul3A_1340 = arith.mulf %squeeze3A_1339, %dot_general3A_1337 : vector<16x50xf32>
      %convert_element_type3A_1341 = arith.truncf %mul3A_1340 : vector<16x50xf32> to vector<16x50xbf16>
      %dot_general3A_1342 = arith.constant dense<0.000000e+00> : vector<16x50xf32>
      %dot_general3A_1343 = tpu.matmul %convert_element_type3A_1287, %convert_element_type3A, %dot_general3A_1342 {dimension_numbers = #tpu.dot_dimension_numbers<[1], [0], [0], [1], [0, 0, 1, 1], [], []>, transpose_lhs_hint = false} : vector<16x50xbf16>, vector<50x50xbf16>, vector<16x50xf32> -> vector<16x50xf32>
      %slice3A_1344 = vector.extract_strided_slice %get3A_817 {offsets = [0, 7, 0], sizes = [16, 1, 50], strides = [1, 1, 1]} : vector<16x8x50xf32> to vector<16x1x50xf32>
      %squeeze3A_1345 = vector.shape_cast %slice3A_1344 : vector<16x1x50xf32> to vector<16x50xf32>
      %mul3A_1346 = arith.mulf %squeeze3A_1345, %dot_general3A_1343 : vector<16x50xf32>
      %convert_element_type3A_1347 = arith.truncf %mul3A_1346 : vector<16x50xf32> to vector<16x50xbf16>
      %dot_general3A_1348 = arith.constant dense<0.000000e+00> : vector<16x50xf32>
      %dot_general3A_1349 = tpu.matmul %convert_element_type3A_1293, %convert_element_type3A, %dot_general3A_1348 {dimension_numbers = #tpu.dot_dimension_numbers<[1], [0], [0], [1], [0, 0, 1, 1], [], []>, transpose_lhs_hint = false} : vector<16x50xbf16>, vector<50x50xbf16>, vector<16x50xf32> -> vector<16x50xf32>
      %slice3A_1350 = vector.extract_strided_slice %get3A_823 {offsets = [0, 7, 0], sizes = [16, 1, 50], strides = [1, 1, 1]} : vector<16x8x50xf32> to vector<16x1x50xf32>
      %squeeze3A_1351 = vector.shape_cast %slice3A_1350 : vector<16x1x50xf32> to vector<16x50xf32>
      %mul3A_1352 = arith.mulf %squeeze3A_1351, %dot_general3A_1349 : vector<16x50xf32>
      %convert_element_type3A_1353 = arith.truncf %mul3A_1352 : vector<16x50xf32> to vector<16x50xbf16>
      %dot_general3A_1354 = arith.constant dense<0.000000e+00> : vector<16x50xf32>
      %dot_general3A_1355 = tpu.matmul %convert_element_type3A_1299, %convert_element_type3A, %dot_general3A_1354 {dimension_numbers = #tpu.dot_dimension_numbers<[1], [0], [0], [1], [0, 0, 1, 1], [], []>, transpose_lhs_hint = false} : vector<16x50xbf16>, vector<50x50xbf16>, vector<16x50xf32> -> vector<16x50xf32>
      %slice3A_1356 = vector.extract_strided_slice %get3A_829 {offsets = [0, 7, 0], sizes = [16, 1, 50], strides = [1, 1, 1]} : vector<16x8x50xf32> to vector<16x1x50xf32>
      %squeeze3A_1357 = vector.shape_cast %slice3A_1356 : vector<16x1x50xf32> to vector<16x50xf32>
      %mul3A_1358 = arith.mulf %squeeze3A_1357, %dot_general3A_1355 : vector<16x50xf32>
      %convert_element_type3A_1359 = arith.truncf %mul3A_1358 : vector<16x50xf32> to vector<16x50xbf16>
      %dot_general3A_1360 = arith.constant dense<0.000000e+00> : vector<16x50xf32>
      %dot_general3A_1361 = tpu.matmul %convert_element_type3A_1305, %convert_element_type3A, %dot_general3A_1360 {dimension_numbers = #tpu.dot_dimension_numbers<[1], [0], [0], [1], [0, 0, 1, 1], [], []>, transpose_lhs_hint = false} : vector<16x50xbf16>, vector<50x50xbf16>, vector<16x50xf32> -> vector<16x50xf32>
      %slice3A_1362 = vector.extract_strided_slice %get3A_835 {offsets = [0, 7, 0], sizes = [16, 1, 50], strides = [1, 1, 1]} : vector<16x8x50xf32> to vector<16x1x50xf32>
      %squeeze3A_1363 = vector.shape_cast %slice3A_1362 : vector<16x1x50xf32> to vector<16x50xf32>
      %mul3A_1364 = arith.mulf %squeeze3A_1363, %dot_general3A_1361 : vector<16x50xf32>
      %convert_element_type3A_1365 = arith.truncf %mul3A_1364 : vector<16x50xf32> to vector<16x50xbf16>
      %log3A_1366 = math.log %broadcast_in_dim3A_1163 : vector<16x1xf32>
      %log3A_1367 = math.log %broadcast_in_dim3A_1172 : vector<16x1xf32>
      %log3A_1368 = math.log %broadcast_in_dim3A_1181 : vector<16x1xf32>
      %log3A_1369 = math.log %broadcast_in_dim3A_1190 : vector<16x1xf32>
      %log3A_1370 = math.log %broadcast_in_dim3A_1199 : vector<16x1xf32>
      %log3A_1371 = math.log %broadcast_in_dim3A_1208 : vector<16x1xf32>
      %log3A_1372 = math.log %broadcast_in_dim3A_1217 : vector<16x1xf32>
      %log3A_1373 = math.log %broadcast_in_dim3A_1226 : vector<16x1xf32>
      %log3A_1374 = math.log %broadcast_in_dim3A_1235 : vector<16x1xf32>
      %log3A_1375 = math.log %broadcast_in_dim3A_1244 : vector<16x1xf32>
      %add3A_1376 = arith.addf %scan3A_763, %log3A_1366 : vector<16x1xf32>
      %add3A_1377 = arith.addf %scan3A_764, %log3A_1367 : vector<16x1xf32>
      %add3A_1378 = arith.addf %scan3A_765, %log3A_1368 : vector<16x1xf32>
      %add3A_1379 = arith.addf %scan3A_766, %log3A_1369 : vector<16x1xf32>
      %add3A_1380 = arith.addf %scan3A_767, %log3A_1370 : vector<16x1xf32>
      %add3A_1381 = arith.addf %scan3A_768, %log3A_1371 : vector<16x1xf32>
      %add3A_1382 = arith.addf %scan3A_769, %log3A_1372 : vector<16x1xf32>
      %add3A_1383 = arith.addf %scan3A_770, %log3A_1373 : vector<16x1xf32>
      %add3A_1384 = arith.addf %scan3A_771, %log3A_1374 : vector<16x1xf32>
      %add3A_1385 = arith.addf %scan3A_772, %log3A_1375 : vector<16x1xf32>
      %div3A_1386 = arith.constant 1.000000e+00 : f32
      %div3A_1387 = vector.broadcast %div3A_1386 : f32 to vector<16x1xf32>
      %div3A_1388 = arith.divf %div3A_1387, %broadcast_in_dim3A_1163 : vector<16x1xf32>
      %div3A_1389 = arith.constant 1.000000e+00 : f32
      %div3A_1390 = vector.broadcast %div3A_1389 : f32 to vector<16x1xf32>
      %div3A_1391 = arith.divf %div3A_1390, %broadcast_in_dim3A_1172 : vector<16x1xf32>
      %div3A_1392 = arith.constant 1.000000e+00 : f32
      %div3A_1393 = vector.broadcast %div3A_1392 : f32 to vector<16x1xf32>
      %div3A_1394 = arith.divf %div3A_1393, %broadcast_in_dim3A_1181 : vector<16x1xf32>
      %div3A_1395 = arith.constant 1.000000e+00 : f32
      %div3A_1396 = vector.broadcast %div3A_1395 : f32 to vector<16x1xf32>
      %div3A_1397 = arith.divf %div3A_1396, %broadcast_in_dim3A_1190 : vector<16x1xf32>
      %div3A_1398 = arith.constant 1.000000e+00 : f32
      %div3A_1399 = vector.broadcast %div3A_1398 : f32 to vector<16x1xf32>
      %div3A_1400 = arith.divf %div3A_1399, %broadcast_in_dim3A_1199 : vector<16x1xf32>
      %div3A_1401 = arith.constant 1.000000e+00 : f32
      %div3A_1402 = vector.broadcast %div3A_1401 : f32 to vector<16x1xf32>
      %div3A_1403 = arith.divf %div3A_1402, %broadcast_in_dim3A_1208 : vector<16x1xf32>
      %div3A_1404 = arith.constant 1.000000e+00 : f32
      %div3A_1405 = vector.broadcast %div3A_1404 : f32 to vector<16x1xf32>
      %div3A_1406 = arith.divf %div3A_1405, %broadcast_in_dim3A_1217 : vector<16x1xf32>
      %div3A_1407 = arith.constant 1.000000e+00 : f32
      %div3A_1408 = vector.broadcast %div3A_1407 : f32 to vector<16x1xf32>
      %div3A_1409 = arith.divf %div3A_1408, %broadcast_in_dim3A_1226 : vector<16x1xf32>
      %div3A_1410 = arith.constant 1.000000e+00 : f32
      %div3A_1411 = vector.broadcast %div3A_1410 : f32 to vector<16x1xf32>
      %div3A_1412 = arith.divf %div3A_1411, %broadcast_in_dim3A_1235 : vector<16x1xf32>
      %div3A_1413 = arith.constant 1.000000e+00 : f32
      %div3A_1414 = vector.broadcast %div3A_1413 : f32 to vector<16x1xf32>
      %div3A_1415 = arith.divf %div3A_1414, %broadcast_in_dim3A_1244 : vector<16x1xf32>
      scf.yield %convert_element_type3A_1311, %convert_element_type3A_1317, %convert_element_type3A_1323, %convert_element_type3A_1329, %convert_element_type3A_1335, %convert_element_type3A_1341, %convert_element_type3A_1347, %convert_element_type3A_1353, %convert_element_type3A_1359, %convert_element_type3A_1365, %div3A_1388, %div3A_1391, %div3A_1394, %div3A_1397, %div3A_1400, %div3A_1403, %div3A_1406, %div3A_1409, %div3A_1412, %div3A_1415, %add3A_1376, %add3A_1377, %add3A_1378, %add3A_1379, %add3A_1380, %add3A_1381, %add3A_1382, %add3A_1383, %add3A_1384, %add3A_1385 : vector<16x50xbf16>, vector<16x50xbf16>, vector<16x50xbf16>, vector<16x50xbf16>, vector<16x50xbf16>, vector<16x50xbf16>, vector<16x50xbf16>, vector<16x50xbf16>, vector<16x50xbf16>, vector<16x50xbf16>, vector<16x1xf32>, vector<16x1xf32>, vector<16x1xf32>, vector<16x1xf32>, vector<16x1xf32>, vector<16x1xf32>, vector<16x1xf32>, vector<16x1xf32>, vector<16x1xf32>, vector<16x1xf32>, vector<16x1xf32>, vector<16x1xf32>, vector<16x1xf32>, vector<16x1xf32>, vector<16x1xf32>, vector<16x1xf32>, vector<16x1xf32>, vector<16x1xf32>, vector<16x1xf32>, vector<16x1xf32>
    }
    %scan3A_645 = arith.constant 6 : i32
    %add3A_646 = arith.addf %scan3A_644#20, %scan3A_644#21 : vector<16x1xf32>
    %add3A_647 = arith.addf %add3A_646, %scan3A_644#22 : vector<16x1xf32>
    %add3A_648 = arith.addf %add3A_647, %scan3A_644#23 : vector<16x1xf32>
    %add3A_649 = arith.addf %add3A_648, %scan3A_644#24 : vector<16x1xf32>
    %add3A_650 = arith.addf %add3A_649, %scan3A_644#25 : vector<16x1xf32>
    %add3A_651 = arith.addf %add3A_650, %scan3A_644#26 : vector<16x1xf32>
    %add3A_652 = arith.addf %add3A_651, %scan3A_644#27 : vector<16x1xf32>
    %add3A_653 = arith.addf %add3A_652, %scan3A_644#28 : vector<16x1xf32>
    %add3A_654 = arith.addf %add3A_653, %scan3A_644#29 : vector<16x1xf32>
    %convert_element_type3A_655 = arith.extf %scan3A_644#0 : vector<16x50xbf16> to vector<16x50xf32>
    %mul3A_656 = vector.broadcast %scan3A_644#10 : vector<16x1xf32> to vector<16x50xf32>
    %mul3A_657 = arith.mulf %convert_element_type3A_655, %mul3A_656 : vector<16x50xf32>
    %reduce_max3A_658 = arith.constant dense<0xFF800000> : vector<16xf32>
    %reduce_max3A_659 = vector.multi_reduction <maximumf>, %mul3A_657, %reduce_max3A_658 [1] : vector<16x50xf32> to vector<16xf32>
    %broadcast_in_dim3A_660 = vector.shape_cast %reduce_max3A_659 : vector<16xf32> to vector<16x1xf32>
    %log3A_661 = math.log %broadcast_in_dim3A_660 : vector<16x1xf32>
    %add3A_662 = arith.addf %add3A_654, %log3A_661 : vector<16x1xf32>
    %convert_element_type3A_663 = arith.extf %scan3A_644#1 : vector<16x50xbf16> to vector<16x50xf32>
    %mul3A_664 = vector.broadcast %scan3A_644#11 : vector<16x1xf32> to vector<16x50xf32>
    %mul3A_665 = arith.mulf %convert_element_type3A_663, %mul3A_664 : vector<16x50xf32>
    %reduce_max3A_666 = arith.constant dense<0xFF800000> : vector<16xf32>
    %reduce_max3A_667 = vector.multi_reduction <maximumf>, %mul3A_665, %reduce_max3A_666 [1] : vector<16x50xf32> to vector<16xf32>
    %broadcast_in_dim3A_668 = vector.shape_cast %reduce_max3A_667 : vector<16xf32> to vector<16x1xf32>
    %log3A_669 = math.log %broadcast_in_dim3A_668 : vector<16x1xf32>
    %add3A_670 = arith.addf %add3A_662, %log3A_669 : vector<16x1xf32>
    %convert_element_type3A_671 = arith.extf %scan3A_644#2 : vector<16x50xbf16> to vector<16x50xf32>
    %mul3A_672 = vector.broadcast %scan3A_644#12 : vector<16x1xf32> to vector<16x50xf32>
    %mul3A_673 = arith.mulf %convert_element_type3A_671, %mul3A_672 : vector<16x50xf32>
    %reduce_max3A_674 = arith.constant dense<0xFF800000> : vector<16xf32>
    %reduce_max3A_675 = vector.multi_reduction <maximumf>, %mul3A_673, %reduce_max3A_674 [1] : vector<16x50xf32> to vector<16xf32>
    %broadcast_in_dim3A_676 = vector.shape_cast %reduce_max3A_675 : vector<16xf32> to vector<16x1xf32>
    %log3A_677 = math.log %broadcast_in_dim3A_676 : vector<16x1xf32>
    %add3A_678 = arith.addf %add3A_670, %log3A_677 : vector<16x1xf32>
    %convert_element_type3A_679 = arith.extf %scan3A_644#3 : vector<16x50xbf16> to vector<16x50xf32>
    %mul3A_680 = vector.broadcast %scan3A_644#13 : vector<16x1xf32> to vector<16x50xf32>
    %mul3A_681 = arith.mulf %convert_element_type3A_679, %mul3A_680 : vector<16x50xf32>
    %reduce_max3A_682 = arith.constant dense<0xFF800000> : vector<16xf32>
    %reduce_max3A_683 = vector.multi_reduction <maximumf>, %mul3A_681, %reduce_max3A_682 [1] : vector<16x50xf32> to vector<16xf32>
    %broadcast_in_dim3A_684 = vector.shape_cast %reduce_max3A_683 : vector<16xf32> to vector<16x1xf32>
    %log3A_685 = math.log %broadcast_in_dim3A_684 : vector<16x1xf32>
    %add3A_686 = arith.addf %add3A_678, %log3A_685 : vector<16x1xf32>
    %convert_element_type3A_687 = arith.extf %scan3A_644#4 : vector<16x50xbf16> to vector<16x50xf32>
    %mul3A_688 = vector.broadcast %scan3A_644#14 : vector<16x1xf32> to vector<16x50xf32>
    %mul3A_689 = arith.mulf %convert_element_type3A_687, %mul3A_688 : vector<16x50xf32>
    %reduce_max3A_690 = arith.constant dense<0xFF800000> : vector<16xf32>
    %reduce_max3A_691 = vector.multi_reduction <maximumf>, %mul3A_689, %reduce_max3A_690 [1] : vector<16x50xf32> to vector<16xf32>
    %broadcast_in_dim3A_692 = vector.shape_cast %reduce_max3A_691 : vector<16xf32> to vector<16x1xf32>
    %log3A_693 = math.log %broadcast_in_dim3A_692 : vector<16x1xf32>
    %add3A_694 = arith.addf %add3A_686, %log3A_693 : vector<16x1xf32>
    %convert_element_type3A_695 = arith.extf %scan3A_644#5 : vector<16x50xbf16> to vector<16x50xf32>
    %mul3A_696 = vector.broadcast %scan3A_644#15 : vector<16x1xf32> to vector<16x50xf32>
    %mul3A_697 = arith.mulf %convert_element_type3A_695, %mul3A_696 : vector<16x50xf32>
    %reduce_max3A_698 = arith.constant dense<0xFF800000> : vector<16xf32>
    %reduce_max3A_699 = vector.multi_reduction <maximumf>, %mul3A_697, %reduce_max3A_698 [1] : vector<16x50xf32> to vector<16xf32>
    %broadcast_in_dim3A_700 = vector.shape_cast %reduce_max3A_699 : vector<16xf32> to vector<16x1xf32>
    %log3A_701 = math.log %broadcast_in_dim3A_700 : vector<16x1xf32>
    %add3A_702 = arith.addf %add3A_694, %log3A_701 : vector<16x1xf32>
    %convert_element_type3A_703 = arith.extf %scan3A_644#6 : vector<16x50xbf16> to vector<16x50xf32>
    %mul3A_704 = vector.broadcast %scan3A_644#16 : vector<16x1xf32> to vector<16x50xf32>
    %mul3A_705 = arith.mulf %convert_element_type3A_703, %mul3A_704 : vector<16x50xf32>
    %reduce_max3A_706 = arith.constant dense<0xFF800000> : vector<16xf32>
    %reduce_max3A_707 = vector.multi_reduction <maximumf>, %mul3A_705, %reduce_max3A_706 [1] : vector<16x50xf32> to vector<16xf32>
    %broadcast_in_dim3A_708 = vector.shape_cast %reduce_max3A_707 : vector<16xf32> to vector<16x1xf32>
    %log3A_709 = math.log %broadcast_in_dim3A_708 : vector<16x1xf32>
    %add3A_710 = arith.addf %add3A_702, %log3A_709 : vector<16x1xf32>
    %convert_element_type3A_711 = arith.extf %scan3A_644#7 : vector<16x50xbf16> to vector<16x50xf32>
    %mul3A_712 = vector.broadcast %scan3A_644#17 : vector<16x1xf32> to vector<16x50xf32>
    %mul3A_713 = arith.mulf %convert_element_type3A_711, %mul3A_712 : vector<16x50xf32>
    %reduce_max3A_714 = arith.constant dense<0xFF800000> : vector<16xf32>
    %reduce_max3A_715 = vector.multi_reduction <maximumf>, %mul3A_713, %reduce_max3A_714 [1] : vector<16x50xf32> to vector<16xf32>
    %broadcast_in_dim3A_716 = vector.shape_cast %reduce_max3A_715 : vector<16xf32> to vector<16x1xf32>
    %log3A_717 = math.log %broadcast_in_dim3A_716 : vector<16x1xf32>
    %add3A_718 = arith.addf %add3A_710, %log3A_717 : vector<16x1xf32>
    %convert_element_type3A_719 = arith.extf %scan3A_644#8 : vector<16x50xbf16> to vector<16x50xf32>
    %mul3A_720 = vector.broadcast %scan3A_644#18 : vector<16x1xf32> to vector<16x50xf32>
    %mul3A_721 = arith.mulf %convert_element_type3A_719, %mul3A_720 : vector<16x50xf32>
    %reduce_max3A_722 = arith.constant dense<0xFF800000> : vector<16xf32>
    %reduce_max3A_723 = vector.multi_reduction <maximumf>, %mul3A_721, %reduce_max3A_722 [1] : vector<16x50xf32> to vector<16xf32>
    %broadcast_in_dim3A_724 = vector.shape_cast %reduce_max3A_723 : vector<16xf32> to vector<16x1xf32>
    %log3A_725 = math.log %broadcast_in_dim3A_724 : vector<16x1xf32>
    %add3A_726 = arith.addf %add3A_718, %log3A_725 : vector<16x1xf32>
    %convert_element_type3A_727 = arith.extf %scan3A_644#9 : vector<16x50xbf16> to vector<16x50xf32>
    %mul3A_728 = vector.broadcast %scan3A_644#19 : vector<16x1xf32> to vector<16x50xf32>
    %mul3A_729 = arith.mulf %convert_element_type3A_727, %mul3A_728 : vector<16x50xf32>
    %slice3A_730 = vector.extract_strided_slice %exp3A {offsets = [0, 49], sizes = [50, 1], strides = [1, 1]} : vector<50x50xf32> to vector<50x1xf32>
    %dot_general3A_731 = arith.constant dense<0.000000e+00> : vector<16x1xf32>
    %dot_general3A_732 = tpu.matmul %mul3A_729, %slice3A_730, %dot_general3A_731 {dimension_numbers = #tpu.dot_dimension_numbers<[1], [0], [0], [1], [0, 0, 1, 1], [], []>, transpose_lhs_hint = false} : vector<16x50xf32>, vector<50x1xf32>, vector<16x1xf32> -> vector<16x1xf32>
    %log3A_733 = math.log %dot_general3A_732 : vector<16x1xf32>
    %add3A_734 = arith.addf %add3A_726, %log3A_733 : vector<16x1xf32>
    %reduce_sum3A = vector.shape_cast %add3A_734 : vector<16x1xf32> to vector<1x16x1xf32>
    %reduce_sum3A_735 = arith.constant dense<0.000000e+00> : vector<1xf32>
    %reduce_sum3A_736 = vector.multi_reduction <add>, %reduce_sum3A, %reduce_sum3A_735 [1, 2] : vector<1x16x1xf32> to vector<1xf32>
    %reduce_sum3A_737 = vector.shape_cast %reduce_sum3A_736 : vector<1xf32> to vector<1x1x1xf32>
    %reduce_sum3A_738 = vector.extract %reduce_sum3A_737[0, 0, 0] : f32 from vector<1x1x1xf32>
    %swap3A_739 = arith.constant 0 : index
    %swap3A_740 = arith.constant 0 : index
    %swap3A_741 = memref.load %arg2[%swap3A_739, %swap3A_740] : memref<1x1xf32, #tpu.memory_space<smem>>
    memref.store %reduce_sum3A_738, %arg2[%swap3A_739, %swap3A_740] : memref<1x1xf32, #tpu.memory_space<smem>>
    return
  }
}

</mosaic_0001>

<sc_bundles>
// kernel: kernel.4.cloned.1.call-start
scs
__scs_entry_jumppad:
0x0: {  	(pc) =	sbr.rel $0x88, $3  }
0x1: {  	(tag) =	ssettag $0x0;
	lr =	simm.s32 $0x1  }
0x2: {  	[smem:$0x3F9E] =	sst lr;
	_ =	strace $0xD0000000  }
0x3: {  	_ = 	snop  }
0x4: {  	_ = 	snop  }
0x5: {  	_ = 	snop  }
0x6: {  	_ = 	snop  }
0x7: {  	_ = 	snop  }
__scs_overlays_trampoline_lowered:
0x8: {  	[smem:$0x3FAD] =	sst s0  }
0x9: {  	[smem:$0x3FAE] =	sst s1  }
0xa: {  	[smem:$0x3FAF] =	sst s2  }
0xb: {  	[smem:$0x3FB0] =	sst s3  }
0xc: {  	[smem:$0x3FB1] =	sst s4  }
0xd: {  	[smem:$0x3FB2] =	sst s5  }
0xe: {  	[smem:$0x3FB3] =	sst s6  }
0xf: {  	[smem:$0x3FB4] =	sst s7  }
0x10: {  	[smem:$0x3FB5] =	sst s8  }
0x11: {  	[smem:$0x3FB6] =	sst s9;
	s0 =	simm.s32 @!p0 $0x0  }
0x12: {  	s1 =	sld [smem:$0x3F9C];
	s0 =	simm.s32 @p0 $0x1  }
0x13: {  	[smem:$0x3FB7] =	sst s0;
	s0 =	simm.s32 @!p1 $0x0  }
0x14: {  	s2 =	sld [smem:$0x3F9B];
	s0 =	simm.s32 @p1 $0x1  }
0x15: {  	[smem:$0x3FB8] =	sst s0;
	s0 =	simm.s32 @!p2 $0x0  }
0x16: {  	s3 =	sld [smem:$0x3FDB];
	s0 =	simm.s32 @p2 $0x1  }
0x17: {  	s4 =	simm.s32 $0x1BF5;
	[smem:$0x3FBA] =	sst s0  }
0x18: {  	s0 =	sld [smem:$0x3F9D];
	_ =	swait.ge [sflag:s4], $0x0  }
0x19: {  	s7 =	sld [smem:$0x3F9E]  }
0x1a: {  	s8 =	sadd.s32 $0xFFFFE003, lr  }
0x1b: {  	s9 =	sadd.s32 $0xFFFFFEF7, lr;
	s5 =	simm.s32 $0xFFFFFFFF;
	p2 =	slt.u32 s8, $0xFFFFF086  }
0x1c: {  	p1 =	slt.u32 s9, $0xF7A;
	s5 =	simm.s32 @!p2 $0x0  }
0x1d: {  	s5 =	simm.s32 @p1 $0x1;
	p0 =	seq.s32 s7, s2  }
0x1e: {  	s7 =	smul.u32 @!p0 $0xF7A, s2;
	p2 =	seq.s32 @!p0 s5, $0x0  }
0x1f: {  	s9 =	smul.u32 $0xF7A, s1;
	s8 =	simm.s32 @!p0 $0x1BF5;
	p2 =	por !p2, p0  }
0x20: {  	[sflag:s8] =	ssyncset.s32 @!p0 $0xFFFFF086;
	s6 =	sadd.s32 @!p0 s3, s7;
	s7 =	simm.s32 @!p0 $0x108  }
0x21: {  	s3 =	sadd.s32 s3, s9;
	s6 =	sadd.s32 @!p0 $0x88, s6;
	s7 =	simm.s32 @p2 $0x1082  }
0x22: {  	[simem:s7], [sflag:s8] =	dma.local @!p0 [hbm:s6], $0xF7A  }
0x23: {  	s9 =	sor.u32 $0xD0000000, s2;
	s6 =	simm.s32 $0x108;
	_ =	swait.ge @!p0 [sflag:s8], $0x0  }
0x24: {  	s3 =	sadd.s32 $0x88, s3;
	s6 =	simm.s32 @!p1 $0x1082;
	[sflag:s4] =	ssyncset.s32 $0xFFFFF086  }
0x25: {  	[simem:s6], [sflag:s4] =	dma.local [hbm:s3], $0xF7A  }
0x26: {  	[smem:$0x3F9E] =	sst s1;
	(tag) =	ssettag s2;
	_ =	strace s9  }
0x27: {  	s1 =	sld [smem:$0x3FAE]  }
0x28: {  	s2 =	sld [smem:$0x3FAF]  }
0x29: {  	s4 =	sld [smem:$0x3FB1]  }
0x2a: {  	p0 =	seq.s32 s5, $0x0;
	s5 =	sld [smem:$0x3FB2]  }
0x2b: {  	s6 =	sld [smem:$0x3FB3]  }
0x2c: {  	s7 =	sld [smem:$0x3FB4]  }
0x2d: {  	s3 =	simm.s32 $0x108;
	s8 =	sld [smem:$0x3FB5]  }
0x2e: {  	s3 =	simm.s32 @!p0 $0x1082;
	s9 =	sld [smem:$0x3FB6]  }
0x2f: {  	lr =	sadd.s32 s0, s3;
	s0 =	sld [smem:$0x3FAD]  }
0x30: {  	s3 =	sld [smem:$0x3FB0]  }
0x31: {  	[smem:$0x3FB9] =	sst s10  }
0x32: {  	s10 =	sld [smem:$0x3FB7];
	_ =	sdelay $0x3  }
0x33: {  	p0 =	seq.s32 s10, $0x1;
	s10 =	sld [smem:$0x3FB9];
	_ =	sdelay $0x3  }
0x34: {  	[smem:$0x3FB9] =	sst s10  }
0x35: {  	s10 =	sld [smem:$0x3FB8];
	_ =	sdelay $0x3  }
0x36: {  	p1 =	seq.s32 s10, $0x1;
	s10 =	sld [smem:$0x3FB9];
	_ =	sdelay $0x3  }
0x37: {  	[smem:$0x3FB9] =	sst s10  }
0x38: {  	s10 =	sld [smem:$0x3FBA]  }
0x39: {  	_ = 	snop;
	(pc) =	sbr.ind lr, $3  }
0x3a: {  	_ = 	snop  }
0x3b: {  	_ = 	snop  }
0x3c: {  	p2 =	seq.s32 s10, $0x1;
	s10 =	sld [smem:$0x3FB9]  }
0x3d: {  	_ =	shalt  }
0x3e: {  	_ =	shalt  }
0x3f: {  	_ =	shalt  }
0x40: {  	_ =	shalt  }
0x41: {  	_ =	shalt  }
0x42: {  	_ =	shalt  }
0x43: {  	_ =	shalt  }
0x44: {  	_ =	shalt  }
0x45: {  	_ =	shalt  }
0x46: {  	_ =	shalt  }
0x47: {  	_ =	shalt  }
0x48: {  	_ =	shalt  }
0x49: {  	_ =	shalt  }
0x4a: {  	_ =	shalt  }
0x4b: {  	_ =	shalt  }
0x4c: {  	_ =	shalt  }
0x4d: {  	_ =	shalt  }
0x4e: {  	_ =	shalt  }
0x4f: {  	_ =	shalt  }
0x50: {  	_ =	shalt  }
0x51: {  	_ =	shalt  }
0x52: {  	_ =	shalt  }
0x53: {  	_ =	shalt  }
0x54: {  	_ =	shalt  }
0x55: {  	_ =	shalt  }
0x56: {  	_ =	shalt  }
0x57: {  	_ =	shalt  }
0x58: {  	_ =	shalt  }
0x59: {  	_ =	shalt  }
0x5a: {  	_ =	shalt  }
0x5b: {  	_ =	shalt  }
0x5c: {  	_ =	shalt  }
0x5d: {  	_ =	shalt  }
0x5e: {  	_ =	shalt  }
0x5f: {  	_ =	shalt  }
0x60: {  	_ =	shalt  }
0x61: {  	_ =	shalt  }
0x62: {  	_ =	shalt  }
0x63: {  	_ =	shalt  }
0x64: {  	_ =	shalt  }
0x65: {  	_ =	shalt  }
0x66: {  	_ =	shalt  }
0x67: {  	_ =	shalt  }
0x68: {  	_ =	shalt  }
0x69: {  	_ =	shalt  }
0x6a: {  	_ =	shalt  }
0x6b: {  	_ =	shalt  }
0x6c: {  	_ =	shalt  }
0x6d: {  	_ =	shalt  }
0x6e: {  	_ =	shalt  }
0x6f: {  	_ =	shalt  }
0x70: {  	_ =	shalt  }
0x71: {  	_ =	shalt  }
0x72: {  	_ =	shalt  }
0x73: {  	_ =	shalt  }
0x74: {  	_ =	shalt  }
0x75: {  	_ =	shalt  }
0x76: {  	_ =	shalt  }
0x77: {  	_ =	shalt  }
0x78: {  	_ =	shalt  }
0x79: {  	_ =	shalt  }
0x7a: {  	_ =	shalt  }
0x7b: {  	_ =	shalt  }
0x7c: {  	_ =	shalt  }
0x7d: {  	_ =	shalt  }
0x7e: {  	_ =	shalt  }
0x7f: {  	_ =	shalt  }
0x80: {  	_ =	shalt  }
0x81: {  	_ =	shalt  }
0x82: {  	_ =	shalt  }
0x83: {  	_ =	shalt  }
0x84: {  	_ =	shalt  }
0x85: {  	_ =	shalt  }
0x86: {  	_ =	shalt  }
0x87: {  	_ =	shalt  }
.Lfunc_end0:
.L_simem_size_0:
called_computation_lowered:
.L_overlay_start_0:
0x88: {  	s2 =	sld [smem:$0x3FD9]  }
0x89: {  	s3 =	sld [smem:$0x3FFE];
	_ =	sdelay $0x1  }
0x8a: {  	s1 =	srdreg.scid  }
0x8b: {  	s0 =	sand.u32 $0x1, s1  }
0x8c: {  	s17 =	sshll.u32 s0, $0xA;
	s2 =	sadd.s32 s3, s2  }
0x8d: {  	s2 =	sadd.s32 s2, s17  }
0x8e: {  	[smem:$0x3FC5] =	sst s2  }
0x8f: {  	_ = 	snop  }
0x90: {  	s2 =	sld [smem:$0x3FC8]  }
0x91: {  	s18 =	sld [smem:$0x3FC7];
	(tm) =	ssettm $0x1  }
0x92: {  	s4 =	sld [smem:$0x3FFB];
	_ =	sdelay $0x3  }
0x93: {  	_ =	strace s4  }
0x94: {  	s4 =	sld [smem:$0x3FFC];
	_ =	sdelay $0x3  }
0x95: {  	_ =	strace s4  }
0x96: {  	s4 =	sld [smem:$0x3FFD];
	_ =	sdelay $0x3  }
0x97: {  	_ =	strace s4  }
0x98: {  	_ =	strace $0x8FFFFFFF  }
0x99: {  	s19 =	sld [smem:$0x3FDB];
	_ =	sdelay $0x1  }
0x9a: {  	s5 =	simm.s32 $_scs_section_size  }
0x9b: {  	s6 =	simm.s32 $_size__tile_overlayer_lowered;
	s7 =	simm.s32 $_tile_overlayer_lowered  }
0x9c: {  	s22 =	simm.s32 $0x1BFF;
	s21 =	sshll.u32 s7, $0x1;
	s4 =	sadd.s32 s5, s19  }
0x9d: {  	s8 =	simm.s32 $0x0;
	s20 =	sshll.u32 s6, $0x1;
	s6 =	sadd.s32 s21, s4  }
0x9e: {  	[timem:s8], [sflag:s22] =	dma.local [hbm:s6], s20  }
0x9f: {  	_ =	swait.ge [sflag:s22], s20  }
0xa0: {  	s5 =	ssub.s32 $0x0, s20;
	[sflag:s22] =	ssyncset.done $0x0  }
0xa1: {  	[sflag:s22] =	ssyncadd.s32 s5;
	_ =	sdelay $0x1  }
0xa2: {  	s23 =	simm.s32 $0x1B8B  }
0xa3: {  	_ =	swait.ge [sflag:s23], $0x1  }
0xa4: {  	[sflag:s23] =	ssyncset.done $0x0  }
0xa5: {  	s25 =	simm.s32 $0x1B8E;
	s24 =	sld [smem:$0x3FFE];
	[sflag:s23] =	ssyncadd.s32 $0xFFFFFFFF  }
0xa6: {  	s26 =	simm.s32 $execute0_lowered;
	[smem:$0x3FD2] =	sst s25  }
0xa7: {  	s6 =	sshll.u32 s26, $0x1;
	_ =	strace $0x80000046;
	[dreg:$0x1] =	wrdreg $0xFFFFFFFF  }
0xa8: {  	s28 =	simm.s32 $_size_execute0_lowered;
	s4 =	sadd.s32 s4, s6;
	[dreg:$0x0] =	wrdreg $0x0  }
0xa9: {  	s6 =	sshll.u32 s28, $0x1;
	[dreg:$0x2] =	wrdreg s4  }
0xaa: {  	[dreg:$0x3] =	wrdreg s6  }
0xab: {  	[dreg:$0x4] =	wrdreg $0xC0  }
0xac: {  	_ =	task [dreg:s8], $0x5FFFF  }
0xad: {  	[dreg:$0x1] =	wrdreg $0xFFFFFFFF  }
0xae: {  	[dreg:$0x0] =	wrdreg $0x60  }
0xaf: {  	[dreg:$0x2] =	wrdreg s24  }
0xb0: {  	[dreg:$0x3] =	wrdreg s2  }
0xb1: {  	[dreg:$0x4] =	wrdreg s18  }
0xb2: {  	[dreg:$0x5] =	wrdreg $0x9  }
0xb3: {  	_ =	task.clear_ibuf [dreg:s8], $0x6FFFF;
	_ =	strace $0x90000046  }
0xb4: {  	s29 =	simm.s32 $0x9;
	_ =	strace $0x80000048  }
0xb5: {  	_ =	swait.ge [sflag:s29], $0x1  }
0xb6: {  	[sflag:s29] =	ssyncadd.s32 $0xFFFFFFFF  }
0xb7: {  	_ =	strace $0x90000048  }
0xb8: {  	_ =	sfence  }
0xb9: {  	s30 =	sld [smem:$0x0];
	_ =	sdelay $0x2  }
0xba: {  	s31 =	sshll.u32 s1, $0xD;
	s1 =	sshrl.u32 s1, $0x2  }
0xbb: {  	s3 =	sand.u32 $0x4000, s31;
	s1 =	sadd.s32 s1, s30  }
0xbc: {  	s0 =	sor.u32 s3, s0;
	s1 =	sshll.u32 s1, $0x11  }
0xbd: {  	s0 =	sor.u32 s1, s0  }
0xbe: {  	s0 =	sadd.s32 $0x8F2B, s0  }
0xbf: {  	[sflag:s0] =	ssyncadd.remote.s32 $0x1  }
0xc0: {  	_ =	sfence.sel $0xFFFF  }
0xc1: {  	[dreg:$0x0] =	wrdreg $0xFFFFFFFF;
	(pc) =	sbr.abs _section_cstart, $3  }
0xc2: {  	[dreg:$0x1] =	wrdreg $0xFFFFFFFF  }
0xc3: {  	_ =	task.clear_ibuf [dreg:s8], $0x2FFFF;
	_ =	strace $0x9FFFFFFF  }
0xc4: {  	(tm) =	ssettm $0x7FFFFFFF  }
0xc5: {  	_ =	shalt  }
tec
execute0_lowered:
.L_overlay_start_1:
0x0: {  	(tag) =	ssettag $0x1  }
0x1: {  	s1 =	srdreg.scid;
	s0 =	stileid.u32  }
0x2: {  	s12 =	sand.u32 $0x1, s1;
	s28 =	sshll.u32 s0, $0x1  }
0x3: {  	s13 =	sor.u32 s12, s28  }
0x4: {  	p0 =	seq.s32 s12, $0x1;
	p1 =	seq.s32 s13, $0x0  }
0x5: {  	s11 =	rddreg [dreg:$0x0];
	p1 =	por !p1, !p0  }
0x6: {  	s6 =	rddreg [dreg:$0x1];
	s3 =	simm.s32 $0x1;
	p1 =	por !p1, !p1  }
0x7: {  	s2 =	rddreg [dreg:$0x2];
	s3 =	simm.s32 @!p1 $0x0  }
0x8: {  	s1 =	rddreg [dreg:$0x3];
	s4 =	ssub.s32 s0, s3  }
0x9: {  	s7 =	sshll.u32 s12, $0xF;
	s3 =	simm.s32 $0x0;
	s5 =	sshll.u32 s4, $0x10  }
0xa: {  	[smem:$0x7FF] =	sst s3;
	s5 =	sor.u32 s7, s5  }
0xb: {  	s29 =	sshll.u32 s4, $0x9;
	s4 =	sshll.u32 s4, $0x7;
	s5 =	sshrl.u32 s5, $0x3  }
0xc: {  	v43 =	vlaneseq.u32;
	_ =	strace $0x80000047;
	s7 =	sand.u32 $0xFFFFF000, s29;
	s5 =	sadd.s32 s5, s11  }
0xd: {  	v0 =	vadd.s32 $0xFFFFFFFF, v43;
	v2 =	vor.u32 $0x10, v43;
	v3 =	vadd.s32 $0xF, v43;
	s8 =	sand.u32 $0x380, s4;
	s4 =	simm.s32 $0x1;
	s5 =	sadd.s32 $0x400, s5  }
0xe: {  	v4 =	vor.u32 $0x20, v43;
	v5 =	vadd.s32 $0x1F, v43;
	v6 =	vor.u32 $0x30, v43;
	[tilespmem:s3], [sflag:$0x1] =	stream.linear.gather [hbm4b:s5+s3], $0x8000, $0x38;
	[tilespmem:$0x9E80] =	vst v63  }
0xf: {  	s9 =	simm.s32 $0x8000;
	v7 =	vadd.s32 $0x2F, v43;
	v8 =	vor.u32 $0x40, v43;
	v9 =	vadd.s32 $0x3F, v43;
	s7 =	sor.u32 s8, s7;
	_ =	swait.ge [sflag:s4], $0x8000  }
0x10: {  	v10 =	vor.u32 $0x50, v43;
	v11 =	vadd.s32 $0x4F, v43;
	v12 =	vor.u32 $0x60, v43;
	s8 =	simm.s32 $0x400;
	s7 =	sshrl.u32 s7, $0x3;
	[sflag:s4] =	ssyncset.done $0x0  }
0x11: {  	v13 =	vadd.s32 $0x5F, v43;
	v14 =	vor.u32 $0x70, v43;
	v15 =	vadd.s32 $0x6F, v43;
	s6 =	sadd.s32 s6, s7;
	s7 =	simm.s32 $0x80;
	[sflag:s4] =	ssyncadd.s32 $0xFFFF8000  }
0x12: {  	v16 =	vor.u32 $0x80, v43;
	v17 =	vor.u32 $0x180, v43;
	v18 =	vadd.s32 $0x7F, v43;
	[tilespmem:s9], [sflag:$0x1] =	stream.strided.gather [hbm4b:s6+s7], $0x200, s8, s7, $0x38;
	[tilespmem:$0x9E80] =	vst v63  }
0x13: {  	v19 =	vor.u32 $0x190, v43;
	v20 =	vadd.s32 $0x8F, v43;
	v21 =	vor.u32 $0x1A0, v43;
	s14 =	sshll.u32 s12, $0x8;
	_ =	swait.ge [sflag:s4], $0x200  }
0x14: {  	v25 =	vor.u32 $0xB0, v43;
	v26 =	vadd.s32 $0x9F, v43;
	v1 =	vadd.s32 s14, v0;
	[sflag:s4] =	ssyncset.done $0x0  }
0x15: {  	s10 =	simm.s32 $0x8200;
	v34 =	vor.u32 $0xC0, v43;
	v0 =	vor.u32 s14, v43;
	vm0 =	vgt.s32 v1, $0x0;
	[sflag:s4] =	ssyncadd.s32 $0xFFFFFE00  }
0x16: {  	v38 =	vor.u32 $0x1C0, v43;
	v62 =	vadd.s32 $0xBF, v43;
	v1 =	vnsel vm0, $0x0, v1;
	[tilespmem:s10], [sflag:$0x1] =	stream.linear.gather [hbm4b:s2+s3], $0x1900, $0x38;
	[tilespmem:$0x9E80] =	vst v63  }
0x17: {  	v48 =	vor.u32 $0xD0, v43;
	v52 =	vor.u32 $0x1D0, v43;
	v22 =	vmov s14;
	_ =	swait.ge [sflag:s4], $0x1900  }
0x18: {  	v2 =	vor.u32 s14, v2;
	v3 =	vor.u32 s14, v3;
	v4 =	vor.u32 s14, v4;
	[sflag:s4] =	ssyncset.done $0x0  }
0x19: {  	v5 =	vor.u32 s14, v5;
	v6 =	vor.u32 s14, v6;
	v16 =	vor.u32 s14, v16;
	[sflag:s4] =	ssyncadd.s32 $0xFFFFE700  }
0x1a: {  	v16 =	vand.u32 v17, v16;
	v17 =	vor.u32 s14, v18;
	v18 =	vor.u32 $0x90, v43;
	v23 =	vld.idx.msk [tilespmem:v0+s9+$0x0], $0xffff  }
0x1b: {  	v7 =	vor.u32 s14, v7;
	v8 =	vor.u32 s14, v8;
	v18 =	vor.u32 s14, v18;
	v24 =	vld.idx.msk [tilespmem:v1+s9+$0x0], $0xffff  }
0x1c: {  	v18 =	vand.u32 v19, v18;
	v19 =	vor.u32 s14, v20;
	v20 =	vor.u32 $0xA0, v43  }
0x1d: {  	v9 =	vor.u32 s14, v9;
	v10 =	vor.u32 s14, v10;
	v20 =	vor.u32 s14, v20  }
0x1e: {  	v11 =	vor.u32 s14, v11;
	v25 =	vor.u32 s14, v25;
	v20 =	vand.u32 v21, v20;
	v27 =	vld.idx.msk [tilespmem:v2+s9+$0x0], $0xffff  }
0x1f: {  	v21 =	vmul.u32 $0x80, v43;
	v30 =	vld.idx.msk [tilespmem:v3+s9+$0x0], $0xffff;
	v28 =	vand.u32 $0xFFFFFF80, v23;
	v29 =	vand.u32 $0x7F, v23  }
0x20: {  	vm0 =	veq.s32 v22, v43;
	v35 =	vld.idx.msk [tilespmem:v6+s9+$0x0], $0xffff;
	v23 =	vshll.u32 v24, $0x7;
	v22 =	vor.u32 v29, v28  }
0x21: {  	v36 =	vld.idx.msk [tilespmem:v7+s9+$0x0], $0xffff;
	v24 =	vor.u32 $0x1B0, v43;
	v32 =	vsel vm0, $0x1800, v23;
	v31 =	vadd.s32 v21, v22  }
0x22: {  	v23 =	vand.u32 v24, v25;
	v22 =	vor.u32 s14, v26;
	v26 =	vld.idx.msk [tilespmem:v4+s9+$0x0], $0xffff;
	v24 =	vadd.s32 v28, v32  }
0x23: {  	v39 =	vld.idx.msk [tilespmem:v8+s9+$0x0], $0xffff;
	v60 =	vand.u32 $0xFFFFFF80, v27;
	v27 =	vand.u32 $0x7F, v27;
	v29 =	vor.u32 v29, v24  }
0x24: {  	v12 =	vor.u32 s14, v12;
	v33 =	vor.u32 v27, v60;
	v28 =	vld.idx.msk [tilespmem:v5+s9+$0x0], $0xffff;
	v24 =	vor.u32 $0x800, v21  }
0x25: {  	v13 =	vor.u32 s14, v13;
	v40 =	vld.idx.msk [tilespmem:v9+s9+$0x0], $0xffff;
	v30 =	vshll.u32 v30, $0x7;
	v33 =	vadd.s32 v24, v33  }
0x26: {  	v14 =	vor.u32 s14, v14;
	v15 =	vor.u32 s14, v15;
	v30 =	vadd.s32 v60, v30;
	v31 =	vld.idx.msk [tilespmem:v31+s3+$0x0], $0xffff  }
0x27: {  	v44 =	vld.idx.msk [tilespmem:v10+s9+$0x0], $0xffff;
	v30 =	vor.u32 v27, v30;
	v27 =	vand.u32 $0xFFFFFF80, v26;
	v61 =	vand.u32 $0x7F, v26  }
0x28: {  	v34 =	vor.u32 s14, v34;
	v26 =	vor.u32 $0x1000, v21;
	v29 =	vld.idx.msk [tilespmem:v29+s10+$0x0], $0xffff;
	v37 =	vor.u32 v61, v27  }
0x29: {  	v50 =	vld.idx.msk [tilespmem:v11+s9+$0x0], $0xffff;
	v63 =	vand.u32 $0xFFFFFF80, v35;
	v28 =	vshll.u32 v28, $0x7;
	v37 =	vadd.s32 v26, v37  }
0x2a: {  	v35 =	vand.u32 $0x7F, v35;
	v36 =	vshll.u32 v36, $0x7;
	v28 =	vadd.s32 v27, v28;
	v33 =	vld.idx.msk [tilespmem:v33+s3+$0x0], $0xffff  }
0x2b: {  	v45 =	vld.idx.msk [tilespmem:v12+s9+$0x0], $0xffff;
	v51 =	vand.u32 $0x7F, v39;
	v32 =	vor.u32 v61, v28;
	v31 =	vadd.f32 $0.0e+00, v31  }
0x2c: {  	v40 =	vshll.u32 v40, $0x7;
	v41 =	vld.idx.msk [tilespmem:v30+s10+$0x0], $0xffff;
	v30 =	vor.u32 v35, v63;
	v28 =	vor.u32 $0x1800, v21  }
0x2d: {  	v46 =	vand.u32 $0xFFFFFF80, v44;
	v42 =	vadd.s32 v28, v30;
	v30 =	vadd.f32 v29, v31  }
0x2e: {  	v44 =	vand.u32 $0x7F, v44;
	v55 =	vshll.u32 v50, $0x7;
	v31 =	vadd.s32 v63, v36;
	v49 =	vld.idx.msk [tilespmem:v37+s3+$0x0], $0xffff  }
0x2f: {  	v57 =	vld.idx.msk [tilespmem:v14+s9+$0x0], $0xffff;
	v35 =	vor.u32 v35, v31;
	v31 =	vand.u32 $0xFFFFFF80, v39;
	v33 =	vadd.f32 v33, v30  }
0x30: {  	v60 =	vand.u32 $0xFFFFFF80, v45;
	v32 =	vld.idx.msk [tilespmem:v32+s10+$0x0], $0xffff;
	v30 =	vor.u32 $0x2000, v21;
	v39 =	vor.u32 v51, v31  }
0x31: {  	v54 =	vld.idx.msk [tilespmem:v13+s9+$0x0], $0xffff;
	v45 =	vand.u32 $0x7F, v45;
	v39 =	vadd.s32 v30, v39;
	v33 =	vadd.f32 v41, v33  }
0x32: {  	v56 =	vor.u32 v44, v46;
	v47 =	vor.u32 v45, v60;
	v53 =	vld.idx.msk [tilespmem:v42+s3+$0x0], $0xffff;
	v31 =	vadd.s32 v31, v40  }
0x33: {  	v59 =	vld.idx.msk [tilespmem:v15+s9+$0x0], $0xffff;
	v27 =	vand.u32 v38, v34;
	v38 =	vor.u32 v51, v31;
	v33 =	vadd.f32 v49, v33  }
0x34: {  	v34 =	vor.u32 s14, v48;
	v48 =	vand.u32 $0xFFFFFF80, v57;
	v31 =	vor.u32 $0x2800, v21;
	v35 =	vld.idx.msk [tilespmem:v35+s10+$0x0], $0xffff  }
0x35: {  	v50 =	vld.idx.msk [tilespmem:v18+s9+$0x0], $0xffff;
	v36 =	vadd.s32 v46, v55;
	v37 =	vadd.s32 v31, v56;
	v33 =	vadd.f32 v32, v33  }
0x36: {  	v29 =	vor.u32 s14, v62;
	v36 =	vor.u32 v44, v36;
	v42 =	vshll.u32 v54, $0x7;
	v39 =	vld.idx.msk [tilespmem:v39+s3+$0x0], $0xffff  }
0x37: {  	v62 =	vld.idx.msk [tilespmem:v16+s9+$0x0], $0xffff;
	v46 =	vand.u32 $0x7F, v57;
	v42 =	vadd.s32 v60, v42;
	v41 =	vadd.f32 v53, v33  }
0x38: {  	v40 =	vshll.u32 v59, $0x7;
	v42 =	vor.u32 v45, v42;
	v38 =	vld.idx.msk [tilespmem:v38+s10+$0x0], $0xffff;
	v33 =	vor.u32 $0x3000, v21  }
0x39: {  	v59 =	vld.idx.msk [tilespmem:v19+s9+$0x0], $0xffff;
	v40 =	vadd.s32 v48, v40;
	v61 =	vadd.s32 v33, v47;
	v35 =	vadd.f32 v35, v41  }
0x3a: {  	v58 =	vadd.s32 $0xCF, v43;
	v25 =	vadd.s32 $0xAF, v43;
	v40 =	vor.u32 v46, v40;
	v37 =	vld.idx.msk [tilespmem:v37+s3+$0x0], $0xffff  }
0x3b: {  	v25 =	vor.u32 s14, v25;
	v63 =	vor.u32 $0xE0, v43;
	v49 =	vld.idx.msk [tilespmem:v36+s10+$0x0], $0xffff;
	v39 =	vadd.f32 v39, v35  }
0x3c: {  	v32 =	vand.u32 v52, v34;
	v52 =	vld.idx.msk [tilespmem:v17+s9+$0x0], $0xffff;
	v53 =	vor.u32 v46, v48;
	v35 =	vor.u32 $0x3800, v21  }
0x3d: {  	v56 =	vor.u32 s14, v63;
	v42 =	vld.idx.msk [tilespmem:v42+s10+$0x0], $0xffff;
	v54 =	vadd.s32 v35, v53;
	v55 =	vadd.f32 v38, v39  }
0x3e: {  	v60 =	vand.u32 $0xFFFFFF80, v62;
	v34 =	vor.u32 s14, v58;
	v47 =	vand.u32 $0x7F, v62;
	v58 =	vld.idx.msk [tilespmem:v61+s3+$0x0], $0xffff  }
0x3f: {  	v36 =	vor.u32 $0x4000, v21;
	v63 =	vld.idx.msk [tilespmem:v40+s10+$0x0], $0xffff;
	v51 =	vor.u32 v47, v60;
	v37 =	vadd.f32 v37, v55  }
0x40: {  	v57 =	vor.u32 $0x1E0, v43;
	v44 =	vshll.u32 v59, $0x7;
	v46 =	vadd.s32 v36, v51;
	v51 =	vld.idx.msk [tilespmem:v20+s9+$0x0], $0xffff  }
0x41: {  	v40 =	vor.u32 $0x5000, v21;
	v45 =	vshll.u32 v52, $0x7;
	v52 =	vld.idx.msk [tilespmem:v22+s9+$0x0], $0xffff;
	v49 =	vadd.f32 v49, v37  }
0x42: {  	v62 =	vand.u32 $0xFFFFFF80, v50;
	v45 =	vadd.s32 v60, v45;
	v37 =	vand.u32 v57, v56;
	v56 =	vld.idx.msk [tilespmem:v54+s3+$0x0], $0xffff  }
0x43: {  	v50 =	vand.u32 $0x7F, v50;
	v45 =	vor.u32 v47, v45;
	v41 =	vadd.f32 v58, v49  }
0x44: {  	v44 =	vadd.s32 v62, v44;
	v53 =	vld.idx.msk [tilespmem:v23+s9+$0x0], $0xffff;
	v38 =	vor.u32 $0x4800, v21;
	v57 =	vor.u32 v50, v62  }
0x45: {  	v61 =	vadd.s32 $0xDF, v43;
	v55 =	vld.idx.msk [tilespmem:v27+s9+$0x0], $0xffff;
	v58 =	vadd.s32 v38, v57;
	v59 =	vadd.f32 v42, v41  }
0x46: {  	v39 =	vor.u32 s14, v61;
	v61 =	vand.u32 $0xFFFFFF80, v51;
	v42 =	vor.u32 v50, v44;
	v44 =	vld.idx.msk [tilespmem:v46+s3+$0x0], $0xffff  }
0x47: {  	v51 =	vand.u32 $0x7F, v51;
	v52 =	vshll.u32 v52, $0x7;
	v46 =	vld.idx.msk [tilespmem:v25+s9+$0x0], $0xffff;
	v47 =	vadd.f32 v56, v59  }
0x48: {  	v60 =	vor.u32 $0xF0, v43;
	v45 =	vld.idx.msk [tilespmem:v45+s10+$0x0], $0xffff;
	v54 =	vor.u32 v51, v61;
	v62 =	vadd.s32 v61, v52  }
0x49: {  	v54 =	vadd.s32 v40, v54;
	v49 =	vor.u32 v51, v62;
	v47 =	vadd.f32 v63, v47  }
0x4a: {  	v50 =	vor.u32 s14, v60;
	v41 =	vor.u32 $0x5800, v21;
	v56 =	vand.u32 $0xFFFFFF80, v53;
	v48 =	vld.idx.msk [tilespmem:v58+s3+$0x0], $0xffff  }
0x4b: {  	v60 =	vld.idx.msk [tilespmem:v29+s9+$0x0], $0xffff;
	v53 =	vand.u32 $0x7F, v53;
	v59 =	vand.u32 $0x7F, v55;
	v44 =	vadd.f32 v44, v47  }
0x4c: {  	v61 =	vor.u32 v53, v56;
	v63 =	vor.u32 $0x1F0, v43;
	v46 =	vshll.u32 v46, $0x7;
	v47 =	vld.idx.msk [tilespmem:v42+s10+$0x0], $0xffff  }
0x4d: {  	v57 =	vld.idx.msk [tilespmem:v32+s9+$0x0], $0xffff;
	v62 =	vadd.s32 v41, v61;
	v46 =	vadd.s32 v56, v46;
	v44 =	vadd.f32 v45, v44  }
0x4e: {  	v58 =	vand.u32 $0xFFFFFF80, v55;
	v42 =	vand.u32 v63, v50;
	v50 =	vor.u32 v53, v46;
	v46 =	vld.idx.msk [tilespmem:v54+s3+$0x0], $0xffff  }
0x4f: {  	v52 =	vld.idx.msk [tilespmem:v34+s9+$0x0], $0xffff;
	v61 =	vor.u32 v59, v58;
	v44 =	vadd.f32 v48, v44  }
0x50: {  	v49 =	vld.idx.msk [tilespmem:v49+s10+$0x0], $0xffff;
	v60 =	vshll.u32 v60, $0x7;
	v63 =	vadd.s32 $0xEF, v43;
	v43 =	vor.u32 $0x6000, v21  }
0x51: {  	v51 =	vadd.s32 v43, v61;
	v53 =	vld.idx.msk [tilespmem:v37+s9+$0x0], $0xffff;
	v48 =	vadd.s32 v58, v60;
	v47 =	vadd.f32 v47, v44  }
0x52: {  	v62 =	vld.idx.msk [tilespmem:v62+s3+$0x0], $0xffff;
	v60 =	vand.u32 $0xFFFFFF80, v57;
	v48 =	vor.u32 v59, v48  }
0x53: {  	v57 =	vand.u32 $0x7F, v57;
	v44 =	vor.u32 s14, v63;
	v63 =	vld.idx.msk [tilespmem:v39+s9+$0x0], $0xffff;
	v47 =	vadd.f32 v46, v47  }
0x54: {  	v45 =	vor.u32 $0x6800, v21;
	v58 =	vor.u32 v57, v60;
	v50 =	vld.idx.msk [tilespmem:v50+s10+$0x0], $0xffff;
	v46 =	vimm.s32 $0x1FF  }
0x55: {  	v52 =	vshll.u32 v52, $0x7;
	v56 =	vadd.s32 v45, v58;
	v58 =	vld.idx.msk [tilespmem:v42+s9+$0x0], $0xffff;
	v47 =	vadd.f32 v49, v47  }
0x56: {  	v52 =	vadd.s32 v60, v52;
	v51 =	vld.idx.msk [tilespmem:v51+s3+$0x0], $0xffff;
	v61 =	vand.u32 $0xFFFFFF80, v53  }
0x57: {  	v53 =	vand.u32 $0x7F, v53;
	v49 =	vor.u32 v57, v52;
	v59 =	vld.idx.msk [tilespmem:v48+s10+$0x0], $0xffff;
	v54 =	vadd.f32 v62, v47  }
0x58: {  	v52 =	vld.idx.msk [tilespmem:v44+s9+$0x0], $0xffff;
	v55 =	vshll.u32 v63, $0x7;
	v47 =	vor.u32 $0x7000, v21;
	v62 =	vor.u32 v53, v61  }
0x59: {  	v55 =	vadd.s32 v61, v55;
	v57 =	vadd.s32 v47, v62;
	v60 =	vld.idx.msk [tilespmem:v46+s9+$0x0], $0xffff;
	v63 =	vadd.f32 v50, v54  }
0x5a: {  	v50 =	vor.u32 v53, v55;
	v53 =	vld.idx.msk [tilespmem:v56+s3+$0x0], $0xffff  }
0x5b: {  	v61 =	vand.u32 $0xFFFFFF80, v58;
	v62 =	vand.u32 $0x7F, v58;
	v51 =	vadd.f32 v51, v63  }
0x5c: {  	v48 =	vor.u32 $0x7800, v21;
	v49 =	vld.idx.msk [tilespmem:v49+s10+$0x0], $0xffff;
	v63 =	vor.u32 v62, v61  }
0x5d: {  	v52 =	vshll.u32 v52, $0x7;
	v56 =	vadd.s32 v48, v63;
	v51 =	vadd.f32 v59, v51  }
0x5e: {  	v52 =	vadd.s32 v61, v52;
	v59 =	vld.idx.msk [tilespmem:v57+s3+$0x0], $0xffff  }
0x5f: {  	v52 =	vor.u32 v62, v52;
	v60 =	vshll.u32 v60, $0x7;
	v51 =	vadd.f32 v53, v51  }
0x60: {  	v50 =	vld.idx.msk [tilespmem:v50+s10+$0x0], $0xffff;
	v61 =	vor.u32 $0x31, v60  }
0x61: {  	v49 =	vadd.f32 v49, v51  }
0x62: {  	v62 =	vld.idx.msk [tilespmem:v56+s3+$0x0], $0xffff  }
0x63: {  	v49 =	vadd.f32 v59, v49  }
0x64: {  	v52 =	vld.idx.msk [tilespmem:v52+s10+$0x0], $0xffff  }
0x65: {  	v53 =	vld.idx.msk [tilespmem:v61+s10+$0x0], $0xffff;
	v49 =	vadd.f32 v50, v49;
	_ =	sdelay $0x1  }
0x66: {  	vm1 =	vmxor vm1, vm1;
	s12 =	ssub.s32 $0x2, s12;
	v49 =	vadd.f32 v62, v49  }
0x67: {  	vm2 =	vmmov $0x1;
	vm1 =	vmneg @p0 vm1;
	s30 =	sshrl.u32 s12, $0x1  }
0x68: {  	vm1 =	vmand vm1, vm2;
	s12 =	ssub.s32 s12, s30;
	v49 =	vadd.f32 v52, v49  }
0x69: {  	s31 =	smax.u32 s12, $0x1;
	v63 =	vnsel vm1, $0x0, v53  }
0x6a: {  	s13 =	sshll.u32 s13, $0x4;
	p0 =	sne.s32 s31, $0x1;
	v49 =	vadd.f32 v63, v49  }
.Ltmp0:
0x6b: {  	s11 =	sadd.s32 s13, s11;
	(pc) =	sbr.rel @!p0 .LBB2_2-.Ltmp0, $4  }
0x6c: {  	s12 =	simm.s32 $0x9E00;
	s11 =	sadd.s32 $0x20400, s11;
	[tilespmem:$0x9E00] =	vst v49  }
0x6d: {  	[hbm4b:s11+s3] =	stream.linear.scatter [tilespmem:s12], [sflag:$0x1], $0x80, $0x38;
	[tilespmem:$0x9E80] =	vst v63  }
0x6e: {  	_ =	swait.ge [sflag:s4], $0x80  }
0x6f: {  	s13 =	sadd.s32 $0xFFFFFFFF, s31;
	[sflag:s4] =	ssyncset.done $0x0  }
.LBB2_1:
0x70: {  	p0 =	sne.s32 s13, $0x1;
	s13 =	sadd.s32 $0xFFFFFFFF, s13;
	[sflag:s4] =	ssyncadd.s32 $0xFFFFFF80  }
0x71: {  	[tilespmem:s3], [sflag:$0x1] =	stream.linear.gather [hbm4b:s5+s3], $0x8000, $0x38;
	[tilespmem:$0x9E80] =	vst v63  }
0x72: {  	_ =	swait.ge [sflag:s4], $0x8000  }
0x73: {  	[sflag:s4] =	ssyncset.done $0x0  }
0x74: {  	[sflag:s4] =	ssyncadd.s32 $0xFFFF8000  }
0x75: {  	[tilespmem:s9], [sflag:$0x1] =	stream.strided.gather [hbm4b:s6+s7], $0x200, s8, s7, $0x38;
	[tilespmem:$0x9E80] =	vst v63  }
0x76: {  	_ =	swait.ge [sflag:s4], $0x200  }
0x77: {  	[sflag:s4] =	ssyncset.done $0x0  }
0x78: {  	[sflag:s4] =	ssyncadd.s32 $0xFFFFFE00  }
0x79: {  	[tilespmem:s10], [sflag:$0x1] =	stream.linear.gather [hbm4b:s2+s3], $0x1900, $0x38;
	[tilespmem:$0x9E80] =	vst v63  }
0x7a: {  	_ =	swait.ge [sflag:s4], $0x1900  }
0x7b: {  	[sflag:s4] =	ssyncset.done $0x0  }
0x7c: {  	[sflag:s4] =	ssyncadd.s32 $0xFFFFE700  }
0x7d: {  	v49 =	vld.idx.msk [tilespmem:v0+s9+$0x0], $0xffff  }
0x7e: {  	v50 =	vld.idx.msk [tilespmem:v1+s9+$0x0], $0xffff;
	_ =	sdelay $0x1  }
0x7f: {  	v51 =	vld.idx.msk [tilespmem:v3+s9+$0x0], $0xffff  }
0x80: {  	v52 =	vld.idx.msk [tilespmem:v2+s9+$0x0], $0xffff;
	_ =	sdelay $0x1  }
0x81: {  	v53 =	vand.u32 $0xFFFFFF80, v49;
	v49 =	vand.u32 $0x7F, v49  }
0x82: {  	v54 =	vor.u32 v49, v53;
	v50 =	vshll.u32 v50, $0x7;
	v55 =	vld.idx.msk [tilespmem:v5+s9+$0x0], $0xffff  }
0x83: {  	v54 =	vadd.s32 v21, v54;
	v50 =	vsel vm0, $0x1800, v50;
	v56 =	vld.idx.msk [tilespmem:v4+s9+$0x0], $0xffff  }
0x84: {  	v50 =	vadd.s32 v53, v50;
	v51 =	vshll.u32 v51, $0x7  }
0x85: {  	v49 =	vor.u32 v49, v50;
	v50 =	vand.u32 $0xFFFFFF80, v52;
	v52 =	vand.u32 $0x7F, v52  }
0x86: {  	v53 =	vor.u32 v52, v50;
	v50 =	vadd.s32 v50, v51;
	v51 =	vld.idx.msk [tilespmem:v11+s9+$0x0], $0xffff  }
0x87: {  	v53 =	vadd.s32 v24, v53;
	v50 =	vor.u32 v52, v50;
	v52 =	vld.idx.msk [tilespmem:v6+s9+$0x0], $0xffff  }
0x88: {  	v54 =	vld.idx.msk [tilespmem:v54+s3+$0x0], $0xffff  }
0x89: {  	v55 =	vshll.u32 v55, $0x7;
	v57 =	vand.u32 $0xFFFFFF80, v56;
	v56 =	vand.u32 $0x7F, v56;
	v58 =	vld.idx.msk [tilespmem:v7+s9+$0x0], $0xffff  }
0x8a: {  	v59 =	vor.u32 v56, v57;
	v55 =	vadd.s32 v57, v55;
	v49 =	vld.idx.msk [tilespmem:v49+s10+$0x0], $0xffff  }
0x8b: {  	v57 =	vadd.s32 v26, v59;
	v55 =	vor.u32 v56, v55;
	v56 =	vld.idx.msk [tilespmem:v8+s9+$0x0], $0xffff  }
0x8c: {  	v51 =	vshll.u32 v51, $0x7;
	v53 =	vld.idx.msk [tilespmem:v53+s3+$0x0], $0xffff  }
0x8d: {  	v59 =	vand.u32 $0xFFFFFF80, v52;
	v52 =	vand.u32 $0x7F, v52;
	v60 =	vld.idx.msk [tilespmem:v9+s9+$0x0], $0xffff  }
0x8e: {  	v54 =	vadd.f32 $0.0e+00, v54;
	v61 =	vor.u32 v52, v59;
	v50 =	vld.idx.msk [tilespmem:v50+s10+$0x0], $0xffff  }
0x8f: {  	v61 =	vadd.s32 v28, v61;
	v58 =	vshll.u32 v58, $0x7;
	v62 =	vld.idx.msk [tilespmem:v10+s9+$0x0], $0xffff  }
0x90: {  	v49 =	vadd.f32 v49, v54;
	v54 =	vld.idx.msk [tilespmem:v57+s3+$0x0], $0xffff;
	v57 =	vadd.s32 v59, v58  }
0x91: {  	v52 =	vor.u32 v52, v57;
	v57 =	vand.u32 $0xFFFFFF80, v56;
	v56 =	vand.u32 $0x7F, v56;
	v58 =	vld.idx.msk [tilespmem:v13+s9+$0x0], $0xffff  }
0x92: {  	v49 =	vadd.f32 v53, v49;
	v53 =	vld.idx.msk [tilespmem:v55+s10+$0x0], $0xffff;
	v55 =	vor.u32 v56, v57  }
0x93: {  	v59 =	vshll.u32 v60, $0x7;
	v55 =	vadd.s32 v30, v55;
	v60 =	vld.idx.msk [tilespmem:v12+s9+$0x0], $0xffff  }
0x94: {  	v49 =	vadd.f32 v50, v49;
	v57 =	vadd.s32 v57, v59;
	v50 =	vld.idx.msk [tilespmem:v61+s3+$0x0], $0xffff  }
0x95: {  	v56 =	vor.u32 v56, v57;
	v57 =	vand.u32 $0xFFFFFF80, v62;
	v59 =	vand.u32 $0x7F, v62;
	v61 =	vld.idx.msk [tilespmem:v15+s9+$0x0], $0xffff  }
0x96: {  	v49 =	vadd.f32 v54, v49;
	v54 =	vor.u32 v59, v57;
	v51 =	vadd.s32 v57, v51;
	v52 =	vld.idx.msk [tilespmem:v52+s10+$0x0], $0xffff  }
0x97: {  	v54 =	vadd.s32 v31, v54;
	v51 =	vor.u32 v59, v51;
	v57 =	vld.idx.msk [tilespmem:v14+s9+$0x0], $0xffff  }
0x98: {  	v49 =	vadd.f32 v53, v49;
	v53 =	vld.idx.msk [tilespmem:v55+s3+$0x0], $0xffff  }
0x99: {  	v58 =	vshll.u32 v58, $0x7;
	v55 =	vand.u32 $0xFFFFFF80, v60;
	v59 =	vand.u32 $0x7F, v60;
	v60 =	vld.idx.msk [tilespmem:v17+s9+$0x0], $0xffff  }
0x9a: {  	v49 =	vadd.f32 v50, v49;
	v50 =	vld.idx.msk [tilespmem:v56+s10+$0x0], $0xffff;
	v56 =	vor.u32 v59, v55;
	v55 =	vadd.s32 v55, v58  }
0x9b: {  	v56 =	vadd.s32 v33, v56;
	v55 =	vor.u32 v59, v55;
	v58 =	vld.idx.msk [tilespmem:v16+s9+$0x0], $0xffff  }
0x9c: {  	v49 =	vadd.f32 v52, v49;
	v52 =	vld.idx.msk [tilespmem:v54+s3+$0x0], $0xffff  }
0x9d: {  	v59 =	vshll.u32 v61, $0x7;
	v54 =	vand.u32 $0xFFFFFF80, v57;
	v57 =	vand.u32 $0x7F, v57;
	v61 =	vld.idx.msk [tilespmem:v19+s9+$0x0], $0xffff  }
0x9e: {  	v49 =	vadd.f32 v53, v49;
	v53 =	vor.u32 v57, v54;
	v54 =	vadd.s32 v54, v59;
	v51 =	vld.idx.msk [tilespmem:v51+s10+$0x0], $0xffff  }
0x9f: {  	v53 =	vadd.s32 v35, v53;
	v54 =	vor.u32 v57, v54;
	v57 =	vld.idx.msk [tilespmem:v18+s9+$0x0], $0xffff  }
0xa0: {  	v49 =	vadd.f32 v50, v49;
	v50 =	vld.idx.msk [tilespmem:v56+s3+$0x0], $0xffff  }
0xa1: {  	v59 =	vshll.u32 v60, $0x7;
	v56 =	vand.u32 $0xFFFFFF80, v58;
	v58 =	vand.u32 $0x7F, v58;
	v60 =	vld.idx.msk [tilespmem:v25+s9+$0x0], $0xffff  }
0xa2: {  	v49 =	vadd.f32 v52, v49;
	v52 =	vld.idx.msk [tilespmem:v55+s10+$0x0], $0xffff;
	v55 =	vor.u32 v58, v56;
	v56 =	vadd.s32 v56, v59  }
0xa3: {  	v55 =	vadd.s32 v36, v55;
	v56 =	vor.u32 v58, v56;
	v58 =	vld.idx.msk [tilespmem:v20+s9+$0x0], $0xffff  }
0xa4: {  	v49 =	vadd.f32 v51, v49;
	v51 =	vld.idx.msk [tilespmem:v53+s3+$0x0], $0xffff  }
0xa5: {  	v59 =	vshll.u32 v61, $0x7;
	v53 =	vand.u32 $0xFFFFFF80, v57;
	v57 =	vand.u32 $0x7F, v57;
	v61 =	vld.idx.msk [tilespmem:v22+s9+$0x0], $0xffff  }
0xa6: {  	v49 =	vadd.f32 v50, v49;
	v50 =	vld.idx.msk [tilespmem:v54+s10+$0x0], $0xffff;
	v54 =	vor.u32 v57, v53;
	v53 =	vadd.s32 v53, v59  }
0xa7: {  	v54 =	vadd.s32 v38, v54;
	v53 =	vor.u32 v57, v53;
	v57 =	vld.idx.msk [tilespmem:v23+s9+$0x0], $0xffff  }
0xa8: {  	v49 =	vadd.f32 v52, v49;
	v52 =	vld.idx.msk [tilespmem:v55+s3+$0x0], $0xffff  }
0xa9: {  	v55 =	vand.u32 $0xFFFFFF80, v58;
	v58 =	vand.u32 $0x7F, v58;
	v59 =	vld.idx.msk [tilespmem:v29+s9+$0x0], $0xffff  }
0xaa: {  	v49 =	vadd.f32 v51, v49;
	v51 =	vld.idx.msk [tilespmem:v56+s10+$0x0], $0xffff;
	v56 =	vor.u32 v58, v55  }
0xab: {  	v61 =	vshll.u32 v61, $0x7;
	v56 =	vadd.s32 v40, v56;
	v62 =	vld.idx.msk [tilespmem:v27+s9+$0x0], $0xffff  }
0xac: {  	v49 =	vadd.f32 v50, v49;
	v50 =	vld.idx.msk [tilespmem:v54+s3+$0x0], $0xffff;
	v54 =	vadd.s32 v55, v61;
	v55 =	vshll.u32 v60, $0x7  }
0xad: {  	v54 =	vor.u32 v58, v54;
	v58 =	vand.u32 $0xFFFFFF80, v57;
	v57 =	vand.u32 $0x7F, v57;
	v60 =	vld.idx.msk [tilespmem:v34+s9+$0x0], $0xffff  }
0xae: {  	v49 =	vadd.f32 v52, v49;
	v52 =	vld.idx.msk [tilespmem:v53+s10+$0x0], $0xffff;
	v53 =	vor.u32 v57, v58;
	v55 =	vadd.s32 v58, v55  }
0xaf: {  	v53 =	vadd.s32 v41, v53;
	v55 =	vor.u32 v57, v55;
	v57 =	vld.idx.msk [tilespmem:v32+s9+$0x0], $0xffff  }
0xb0: {  	v49 =	vadd.f32 v51, v49;
	v51 =	vld.idx.msk [tilespmem:v56+s3+$0x0], $0xffff  }
0xb1: {  	v59 =	vshll.u32 v59, $0x7;
	v56 =	vand.u32 $0xFFFFFF80, v62;
	v58 =	vand.u32 $0x7F, v62;
	v61 =	vld.idx.msk [tilespmem:v39+s9+$0x0], $0xffff  }
0xb2: {  	v49 =	vadd.f32 v50, v49;
	v50 =	vld.idx.msk [tilespmem:v54+s10+$0x0], $0xffff;
	v54 =	vor.u32 v58, v56;
	v56 =	vadd.s32 v56, v59  }
0xb3: {  	v54 =	vadd.s32 v43, v54;
	v56 =	vor.u32 v58, v56;
	v58 =	vld.idx.msk [tilespmem:v37+s9+$0x0], $0xffff  }
0xb4: {  	v49 =	vadd.f32 v52, v49;
	v52 =	vld.idx.msk [tilespmem:v53+s3+$0x0], $0xffff  }
0xb5: {  	v59 =	vshll.u32 v60, $0x7;
	v53 =	vand.u32 $0xFFFFFF80, v57;
	v57 =	vand.u32 $0x7F, v57;
	v60 =	vld.idx.msk [tilespmem:v44+s9+$0x0], $0xffff  }
0xb6: {  	v49 =	vadd.f32 v51, v49;
	v51 =	vld.idx.msk [tilespmem:v55+s10+$0x0], $0xffff;
	v55 =	vor.u32 v57, v53;
	v53 =	vadd.s32 v53, v59  }
0xb7: {  	v55 =	vadd.s32 v45, v55;
	v53 =	vor.u32 v57, v53;
	v57 =	vld.idx.msk [tilespmem:v42+s9+$0x0], $0xffff  }
0xb8: {  	v49 =	vadd.f32 v50, v49;
	v50 =	vld.idx.msk [tilespmem:v54+s3+$0x0], $0xffff  }
0xb9: {  	v59 =	vshll.u32 v61, $0x7;
	v54 =	vand.u32 $0xFFFFFF80, v58;
	v58 =	vand.u32 $0x7F, v58  }
0xba: {  	v49 =	vadd.f32 v52, v49;
	v52 =	vld.idx.msk [tilespmem:v56+s10+$0x0], $0xffff;
	v56 =	vor.u32 v58, v54;
	v54 =	vadd.s32 v54, v59  }
0xbb: {  	v56 =	vadd.s32 v47, v56;
	v54 =	vor.u32 v58, v54;
	v58 =	vld.idx.msk [tilespmem:v46+s9+$0x0], $0xffff  }
0xbc: {  	v49 =	vadd.f32 v51, v49;
	v51 =	vld.idx.msk [tilespmem:v55+s3+$0x0], $0xffff  }
0xbd: {  	v59 =	vshll.u32 v60, $0x7;
	v55 =	vand.u32 $0xFFFFFF80, v57;
	v57 =	vand.u32 $0x7F, v57  }
0xbe: {  	v49 =	vadd.f32 v50, v49;
	v50 =	vld.idx.msk [tilespmem:v53+s10+$0x0], $0xffff;
	v53 =	vor.u32 v57, v55;
	v55 =	vadd.s32 v55, v59  }
0xbf: {  	v53 =	vadd.s32 v48, v53;
	v55 =	vor.u32 v57, v55  }
0xc0: {  	v49 =	vadd.f32 v52, v49;
	v52 =	vld.idx.msk [tilespmem:v56+s3+$0x0], $0xffff  }
0xc1: {  	v56 =	vshll.u32 v58, $0x7  }
0xc2: {  	v49 =	vadd.f32 v51, v49;
	v51 =	vld.idx.msk [tilespmem:v54+s10+$0x0], $0xffff;
	v54 =	vor.u32 $0x31, v56;
	_ =	sdelay $0x1  }
0xc3: {  	v49 =	vadd.f32 v50, v49;
	v50 =	vld.idx.msk [tilespmem:v53+s3+$0x0], $0xffff;
	_ =	sdelay $0x1  }
0xc4: {  	v49 =	vadd.f32 v52, v49;
	v52 =	vld.idx.msk [tilespmem:v55+s10+$0x0], $0xffff  }
0xc5: {  	v53 =	vld.idx.msk [tilespmem:v54+s10+$0x0], $0xffff  }
0xc6: {  	v49 =	vadd.f32 v51, v49;
	_ =	sdelay $0x1  }
0xc7: {  	v49 =	vadd.f32 v50, v49;
	_ =	sdelay $0x1  }
0xc8: {  	v49 =	vadd.f32 v52, v49  }
0xc9: {  	v50 =	vnsel vm1, $0x0, v53  }
0xca: {  	v49 =	vadd.f32 v50, v49  }
.Ltmp1:
0xcb: {  	(pc) =	sbr.rel @p0 .LBB2_1-.Ltmp1, $4  }
0xcc: {  	[tilespmem:$0x9E00] =	vst v49  }
0xcd: {  	[hbm4b:s11+s3] =	stream.linear.scatter [tilespmem:s12], [sflag:$0x1], $0x80, $0x38;
	[tilespmem:$0x9E80] =	vst v63  }
0xce: {  	_ =	swait.ge [sflag:s4], $0x80  }
0xcf: {  	[sflag:s4] =	ssyncset.done $0x0  }
.LBB2_2:
0xd0: {  	[sflag:s4] =	ssyncadd.s32 $0xFFFFFF80  }
0xd1: {  	_ =	sfence.sel $0x180000  }
0xd2: {  	[bflag:$0x0] =	sbarrier.arrive $0xFFFF  }
0xd3: {  	p0 =	sne.s32 s0, $0x0;
	_ =	strace $0x90000047  }
0xd4: {  	s0 =	sadd.s32 @!p0 $0x100000, s1;
	[bflag:$0x2] =	sbarrier.arrive $0xFFFF  }
0xd5: {  	[sflag:s0] =	ssyncadd.tile.s32 @!p0 $0x1;
	_ =	shalt  }
.Lfunc_end2:
_tile_overlayer_lowered:
.L_overlay_start_2:
0xd6: {  	(tag) =	ssettag $0x2  }
0xd7: {  	s0 =	rddreg [dreg:$0x0];
	s2 =	stileid.u32  }
0xd8: {  	s1 =	rddreg [dreg:$0x1];
	p0 =	sne.s32 s2, $0x0  }
0xd9: {  	s3 =	rddreg [dreg:$0x2];
	[bflag:$0x3] =	sbarrier.arrive $0xFFFF;
	s2 =	simm.s32 @!p0 $0x1C01  }
0xda: {  	[timem:s3], [sflag:s2] =	dma.local @!p0 [hbm:s0], s1  }
0xdb: {  	s0 =	simm.s32 @!p0 $0x1  }
0xdc: {  	_ =	swait.ge @!p0 [sflag:s0], s1  }
0xdd: {  	s1 =	ssub.s32 @!p0 $0x0, s1;
	[sflag:s0] =	ssyncset.done @!p0 $0x0  }
0xde: {  	[sflag:s0] =	ssyncadd.s32 @!p0 s1  }
0xdf: {  	[bflag:$0x3] =	sbarrier.arrive $0xFFFF  }
0xe0: {  	_ =	shalt  }

</sc_bundles>
